<compile_context>
chip_gen: v7x
topology: tpu7x:2x2x1
jax: 0.10.2.dev20260603
libtpu: 0.0.44.dev20260713+nightly
codegen_flags: <defaults>
</compile_context>

<pallas_src>
import jax
import jax.numpy as jnp
from jax import lax
from jax.experimental import pallas as pl
from jax.experimental.pallas import tpu as pltpu, tpu_sc as plsc

T = 4096
D = 128
LANES = 16
NS = 16
CHUNK = T // NS
CHUNK_E = CHUNK * D
KD = D // LANES
GROUP = 16
TAIL_W = D + LANES

_mesh = plsc.VectorSubcoreMesh(core_axis_name="c", subcore_axis_name="s",
                               num_cores=1)
_cparams = pltpu.CompilerParams(needs_layout_passes=False)


def _cu_scalars(cu_vec):
    lane = lax.iota(jnp.int32, LANES)
    cu_f = cu_vec.astype(jnp.float32)
    c1 = jnp.sum(jnp.where(lane == 1, cu_f, 0.0)).astype(jnp.int32)
    c2 = jnp.sum(jnp.where(lane == 2, cu_f, 0.0)).astype(jnp.int32)
    c3 = jnp.sum(jnp.where(lane == 3, cu_f, 0.0)).astype(jnp.int32)
    return c1, c2, c3


def _seg_of(p, c1, c2, c3):
    return ((p >= c1).astype(jnp.int32) + (p >= c2).astype(jnp.int32)
            + (p >= c3).astype(jnp.int32))


def _body(ctx_hbm, cu_hbm, th_hbm, out_hbm, tails_hbm,
          ctx_v, e_v, th_v, cu_v, tl_v, ta_v):
    w = lax.axis_index("s")
    pltpu.sync_copy(ctx_hbm.at[pl.ds(w * CHUNK_E, CHUNK_E)], ctx_v)
    pltpu.sync_copy(th_hbm, th_v)
    pltpu.sync_copy(cu_hbm, cu_v)
    c1, c2, c3 = _cu_scalars(cu_v[:])
    th = [th_v[pl.ds(LANES * k, LANES)] for k in range(KD)]
    row0 = w * CHUNK
    b1, b2, b3 = c1 - row0, c2 - row0, c3 - row0
    zero = jnp.zeros((LANES,), jnp.float32)

    def pA(g, carry):
        den = carry[0]
        nums = carry[1:]
        for j in range(GROUP):
            rg = g * GROUP + j
            off = rg * D
            cks = [ctx_v[pl.ds(off + LANES * k, LANES)] for k in range(KD)]
            acc = cks[0] * th[0]
            for k in range(1, KD):
                acc = acc + cks[k] * th[k]
            e = jnp.exp(jnp.full((LANES,), jnp.sum(acc), jnp.float32))
            e_v[pl.ds(rg * LANES, LANES)] = e
            is_start = (rg == b1) | (rg == b2) | (rg == b3)
            kv = jnp.full((LANES,), jnp.where(is_start, 0.0, 1.0), jnp.float32)
            den = den * kv + e
            nums = tuple(n * kv + e * ck for n, ck in zip(nums, cks))
        return (den,) + nums

    res = lax.fori_loop(0, CHUNK // GROUP, pA, (zero,) * (KD + 1))
    for k in range(KD):
        tl_v[pl.ds(LANES * k, LANES)] = res[1 + k]
    tl_v[pl.ds(D, LANES)] = res[0]
    pltpu.sync_copy(tl_v, tails_hbm.at[pl.ds(w * TAIL_W, TAIL_W)])
    plsc.subcore_barrier()
    pltpu.sync_copy(tails_hbm, ta_v)

    s0 = _seg_of(row0, c1, c2, c3)
    cden = zero
    cnum = [zero] * KD
    for wp in range(NS - 1):
        segl = _seg_of(wp * CHUNK + CHUNK - 1, c1, c2, c3)
        take = (wp < w) & (segl == s0)
        base = wp * TAIL_W
        for k in range(KD):
            v = ta_v[pl.ds(base + LANES * k, LANES)]
            cnum[k] = cnum[k] + jnp.where(take, v, zero)
        vd = ta_v[pl.ds(base + D, LANES)]
        cden = cden + jnp.where(take, vd, zero)

    def pB(g, carry):
        den = carry[0]
        nums = carry[1:]
        for j in range(GROUP):
            rg = g * GROUP + j
            off = rg * D
            e = e_v[pl.ds(rg * LANES, LANES)]
            cks = [ctx_v[pl.ds(off + LANES * k, LANES)] for k in range(KD)]
            is_start = (rg == b1) | (rg == b2) | (rg == b3)
            kv = jnp.full((LANES,), jnp.where(is_start, 0.0, 1.0), jnp.float32)
            den = den * kv + e
            nums = tuple(n * kv + e * ck for n, ck in zip(nums, cks))
            inv = 1.0 / den
            for k in range(KD):
                ctx_v[pl.ds(off + LANES * k, LANES)] = nums[k] * inv
        return (den,) + nums

    lax.fori_loop(0, CHUNK // GROUP, pB, (cden,) + tuple(cnum))
    pltpu.sync_copy(ctx_v, out_hbm.at[pl.ds(w * CHUNK_E, CHUNK_E)])


_run = pl.kernel(
    _body,
    out_type=(jax.ShapeDtypeStruct((T * D,), jnp.float32),
              jax.ShapeDtypeStruct((NS * TAIL_W,), jnp.float32)),
    mesh=_mesh,
    compiler_params=_cparams,
    scratch_types=[
        pltpu.VMEM((CHUNK_E,), jnp.float32),
        pltpu.VMEM((CHUNK * LANES,), jnp.float32),
        pltpu.VMEM((D,), jnp.float32),
        pltpu.VMEM((LANES,), jnp.int32),
        pltpu.VMEM((TAIL_W,), jnp.float32),
        pltpu.VMEM((NS * TAIL_W,), jnp.float32),
    ],
)


@jax.jit
def kernel(context, cu_seqlens, context_theta):
    ctx_flat = context.reshape(-1)
    th_flat = context_theta.reshape(-1)
    cu_pad = jnp.concatenate(
        [cu_seqlens.astype(jnp.int32),
         jnp.zeros((LANES - cu_seqlens.shape[0],), jnp.int32)])
    out_flat, _ = _run(ctx_flat, cu_pad, th_flat)
    return out_flat.reshape(T, D)

# --- scband reference (transcript-rebuilt; emitter-appended) ---
"""Pipeline reference for scband-attention-simple-35115652612128 (READ-ONLY COPY).

The authoritative reference and input builder live on the scoring server;
editing this copy changes nothing except your own understanding.
"""

import jax, jax.numpy as jnp
import numpy as np

T = 4096
D = 128
B = 4

def setup_inputs(seed: int = 0) -> dict:
    key = jax.random.key(seed)
    k1, k2, k3 = jax.random.split(key, 3)
    context = jax.random.normal(k1, (T, D), dtype=jnp.float32)
    inner = jnp.sort(jax.random.randint(k2, (B - 1,), 0, T)).astype(jnp.int32)
    cu_seqlens = jnp.concatenate([jnp.array([0], dtype=jnp.int32), inner, jnp.array([T], dtype=jnp.int32)])
    # learned parameter: context_theta ~ U(-0.001, 0.001), shape [context_state_dim, 1]
    context_theta = jax.random.uniform(k3, (D, 1), minval=-0.001, maxval=0.001, dtype=jnp.float32)
    return {"context": context, "cu_seqlens": cu_seqlens, "context_theta": context_theta}

def reference(context, cu_seqlens, context_theta):
    # Faithful vectorized form of Attention_simple.context_forward:
    # for token i in a sequence starting at `start`, output[i] is the
    # softmax(prefix_scores)-weighted sum over context[start : i+1].
    # (The original special-cases the first token, but prefix attention of
    #  length 1 reduces exactly to context[start], so the math is identical.)
    pos = jnp.arange(T)
    seg = jnp.searchsorted(cu_seqlens, pos, side='right') - 1  # segment id per token
    scores = (context @ context_theta)[:, 0]  # [T]
    mask = (seg[None, :] == seg[:, None]) & (pos[None, :] <= pos[:, None])  # causal within segment
    logits = jnp.where(mask, scores[None, :], -jnp.inf)
    alpha = jax.nn.softmax(logits, axis=1)  # softmax over the ragged prefix (dim 0 in torch code)
    out = alpha @ context  # [T, D]
    return out

if __name__ == "__main__":
    import jax
    _d = setup_inputs()
    print(jax.jit(kernel)(*tuple(_d.values())))

</pallas_src>

<mosaic_0001>
#map = affine_map<(d0, d1) -> (0)>
module attributes {stable_mosaic.version = 14 : i64} {
  func.func @_body(%arg0: i32, %arg1: i32, %arg2: memref<524288xf32, #tpu.memory_space<hbm>>, %arg3: memref<16xi32, #tpu.memory_space<hbm>>, %arg4: memref<128xf32, #tpu.memory_space<hbm>>, %arg5: memref<524288xf32, #tpu.memory_space<hbm>>, %arg6: memref<2304xf32, #tpu.memory_space<hbm>>, %arg7: memref<32768xf32, #tpu.memory_space<vmem>>, %arg8: memref<4096xf32, #tpu.memory_space<vmem>>, %arg9: memref<128xf32, #tpu.memory_space<vmem>>, %arg10: memref<16xi32, #tpu.memory_space<vmem>>, %arg11: memref<144xf32, #tpu.memory_space<vmem>>, %arg12: memref<2304xf32, #tpu.memory_space<vmem>>) attributes {dimension_semantics = [#tpu.dimension_semantics<core_parallel>, #tpu.dimension_semantics<subcore_parallel>], iteration_bounds = array<i64: 1, 16>, scalar_prefetch = 0 : i64, scratch_operands = 6 : i64, tpu.core_type = #tpu.core_type<sc_vector_subcore>, window_params = [{transform_indices = #map}, {transform_indices = #map}, {transform_indices = #map}, {transform_indices = #map}, {transform_indices = #map}]} {
    %mul3A = arith.constant 32768 : i32
    %mul3A_0 = arith.muli %arg1, %mul3A : i32
    "tpu.region"() ({
      %run_scoped3A = tpu.sem_alloc : memref<!tpu.dma_semaphore, #tpu.memory_space<semaphore_mem>>
      %dma_start3A = tpu.memref_slice %arg2[%mul3A_0] : memref<524288xf32, #tpu.memory_space<hbm>> -> memref<32768xf32, #tpu.memory_space<hbm>>
      %dma_start3A_852 = tpu.memref_slice %arg2[%mul3A_0] : memref<524288xf32, #tpu.memory_space<hbm>> -> memref<32768xf32, #tpu.memory_space<hbm>>
      tpu.enqueue_dma source(%dma_start3A_852 : memref<32768xf32, #tpu.memory_space<hbm>>) target(%arg7 : memref<32768xf32, #tpu.memory_space<vmem>>) target_semaphore(%run_scoped3A : memref<!tpu.dma_semaphore, #tpu.memory_space<semaphore_mem>>)
      %dma_wait3A = tpu.memref_slice %arg2[%mul3A_0] : memref<524288xf32, #tpu.memory_space<hbm>> -> memref<32768xf32, #tpu.memory_space<hbm>>
      %dma_wait3A_853 = tpu.memref_slice %arg2[%mul3A_0] : memref<524288xf32, #tpu.memory_space<hbm>> -> memref<32768xf32, #tpu.memory_space<hbm>>
      tpu.wait_dma2 semaphore(%run_scoped3A : memref<!tpu.dma_semaphore, #tpu.memory_space<semaphore_mem>>) src(%dma_wait3A_853 : memref<32768xf32, #tpu.memory_space<hbm>>) dst(%arg7 : memref<32768xf32, #tpu.memory_space<vmem>>)
      tpu.yield
    }) : () -> ()
    "tpu.region"() ({
      %run_scoped3A = tpu.sem_alloc : memref<!tpu.dma_semaphore, #tpu.memory_space<semaphore_mem>>
      tpu.enqueue_dma source(%arg4 : memref<128xf32, #tpu.memory_space<hbm>>) target(%arg9 : memref<128xf32, #tpu.memory_space<vmem>>) target_semaphore(%run_scoped3A : memref<!tpu.dma_semaphore, #tpu.memory_space<semaphore_mem>>)
      tpu.wait_dma2 semaphore(%run_scoped3A : memref<!tpu.dma_semaphore, #tpu.memory_space<semaphore_mem>>) src(%arg4 : memref<128xf32, #tpu.memory_space<hbm>>) dst(%arg9 : memref<128xf32, #tpu.memory_space<vmem>>)
      tpu.yield
    }) : () -> ()
    "tpu.region"() ({
      %run_scoped3A = tpu.sem_alloc : memref<!tpu.dma_semaphore, #tpu.memory_space<semaphore_mem>>
      tpu.enqueue_dma source(%arg3 : memref<16xi32, #tpu.memory_space<hbm>>) target(%arg10 : memref<16xi32, #tpu.memory_space<vmem>>) target_semaphore(%run_scoped3A : memref<!tpu.dma_semaphore, #tpu.memory_space<semaphore_mem>>)
      tpu.wait_dma2 semaphore(%run_scoped3A : memref<!tpu.dma_semaphore, #tpu.memory_space<semaphore_mem>>) src(%arg3 : memref<16xi32, #tpu.memory_space<hbm>>) dst(%arg10 : memref<16xi32, #tpu.memory_space<vmem>>)
      tpu.yield
    }) : () -> ()
    %get3A = arith.constant 0 : index
    %get3A_1 = tpu.vector_load %arg10[%get3A] {strides = array<i32>} : memref<16xi32, #tpu.memory_space<vmem>>, vector<16xi32>,
    %iota3A = tpu.iota {dimensions = array<i32: 0>} : vector<16xi32>
    %convert_element_type3A = arith.sitofp %get3A_1 : vector<16xi32> to vector<16xf32>
    %eq3A = arith.constant 1 : i32
    %eq3A_2 = vector.broadcast %eq3A : i32 to vector<16xi32>
    %eq3A_3 = arith.cmpi eq, %iota3A, %eq3A_2 : vector<16xi32>
    %jit3A = arith.constant 0.000000e+00 : f32
    %broadcast_in_dim3A = vector.broadcast %jit3A : f32 to vector<16xf32>
    %select_n3A = arith.select %eq3A_3, %convert_element_type3A, %broadcast_in_dim3A : vector<16xi1>, vector<16xf32>
    %reduce_sum3A = arith.constant true
    %reduce_sum3A_4 = vector.broadcast %reduce_sum3A : i1 to vector<16xi1>
    %reduce_sum3A_5 = tpu.scan <sum>, %select_n3A masked %reduce_sum3A_4 : vector<16xf32>, vector<16xi1> -> vector<16xf32>
    %reduce_sum3A_6 = vector.extract %reduce_sum3A_5[15] : f32 from vector<16xf32>
    %convert_element_type3A_7 = arith.fptosi %reduce_sum3A_6 : f32 to i32
    %eq3A_8 = arith.constant 2 : i32
    %eq3A_9 = vector.broadcast %eq3A_8 : i32 to vector<16xi32>
    %eq3A_10 = arith.cmpi eq, %iota3A, %eq3A_9 : vector<16xi32>
    %jit3A_11 = arith.constant 0.000000e+00 : f32
    %broadcast_in_dim3A_12 = vector.broadcast %jit3A_11 : f32 to vector<16xf32>
    %select_n3A_13 = arith.select %eq3A_10, %convert_element_type3A, %broadcast_in_dim3A_12 : vector<16xi1>, vector<16xf32>
    %reduce_sum3A_14 = arith.constant true
    %reduce_sum3A_15 = vector.broadcast %reduce_sum3A_14 : i1 to vector<16xi1>
    %reduce_sum3A_16 = tpu.scan <sum>, %select_n3A_13 masked %reduce_sum3A_15 : vector<16xf32>, vector<16xi1> -> vector<16xf32>
    %reduce_sum3A_17 = vector.extract %reduce_sum3A_16[15] : f32 from vector<16xf32>
    %convert_element_type3A_18 = arith.fptosi %reduce_sum3A_17 : f32 to i32
    %eq3A_19 = arith.constant 3 : i32
    %eq3A_20 = vector.broadcast %eq3A_19 : i32 to vector<16xi32>
    %eq3A_21 = arith.cmpi eq, %iota3A, %eq3A_20 : vector<16xi32>
    %jit3A_22 = arith.constant 0.000000e+00 : f32
    %broadcast_in_dim3A_23 = vector.broadcast %jit3A_22 : f32 to vector<16xf32>
    %select_n3A_24 = arith.select %eq3A_21, %convert_element_type3A, %broadcast_in_dim3A_23 : vector<16xi1>, vector<16xf32>
    %reduce_sum3A_25 = arith.constant true
    %reduce_sum3A_26 = vector.broadcast %reduce_sum3A_25 : i1 to vector<16xi1>
    %reduce_sum3A_27 = tpu.scan <sum>, %select_n3A_24 masked %reduce_sum3A_26 : vector<16xf32>, vector<16xi1> -> vector<16xf32>
    %reduce_sum3A_28 = vector.extract %reduce_sum3A_27[15] : f32 from vector<16xf32>
    %convert_element_type3A_29 = arith.fptosi %reduce_sum3A_28 : f32 to i32
    %get3A_30 = arith.constant 0 : index
    %get3A_31 = tpu.vector_load %arg9[%get3A_30] {strides = array<i32>} : memref<128xf32, #tpu.memory_space<vmem>>, vector<16xf32>,
    %get3A_32 = arith.constant 16 : index
    %get3A_33 = tpu.vector_load %arg9[%get3A_32] {strides = array<i32>} : memref<128xf32, #tpu.memory_space<vmem>>, vector<16xf32>,
    %get3A_34 = arith.constant 32 : index
    %get3A_35 = tpu.vector_load %arg9[%get3A_34] {strides = array<i32>} : memref<128xf32, #tpu.memory_space<vmem>>, vector<16xf32>,
    %get3A_36 = arith.constant 48 : index
    %get3A_37 = tpu.vector_load %arg9[%get3A_36] {strides = array<i32>} : memref<128xf32, #tpu.memory_space<vmem>>, vector<16xf32>,
    %get3A_38 = arith.constant 64 : index
    %get3A_39 = tpu.vector_load %arg9[%get3A_38] {strides = array<i32>} : memref<128xf32, #tpu.memory_space<vmem>>, vector<16xf32>,
    %get3A_40 = arith.constant 80 : index
    %get3A_41 = tpu.vector_load %arg9[%get3A_40] {strides = array<i32>} : memref<128xf32, #tpu.memory_space<vmem>>, vector<16xf32>,
    %get3A_42 = arith.constant 96 : index
    %get3A_43 = tpu.vector_load %arg9[%get3A_42] {strides = array<i32>} : memref<128xf32, #tpu.memory_space<vmem>>, vector<16xf32>,
    %get3A_44 = arith.constant 112 : index
    %get3A_45 = tpu.vector_load %arg9[%get3A_44] {strides = array<i32>} : memref<128xf32, #tpu.memory_space<vmem>>, vector<16xf32>,
    %mul3A_46 = arith.constant 256 : i32
    %mul3A_47 = arith.muli %arg1, %mul3A_46 : i32
    %sub3A = arith.subi %convert_element_type3A_7, %mul3A_47 : i32
    %sub3A_48 = arith.subi %convert_element_type3A_18, %mul3A_47 : i32
    %sub3A_49 = arith.subi %convert_element_type3A_29, %mul3A_47 : i32
    %broadcast_in_dim3A_50 = arith.constant 0.000000e+00 : f32
    %broadcast_in_dim3A_51 = vector.broadcast %broadcast_in_dim3A_50 : f32 to vector<16xf32>
    %scan3A = arith.constant 0 : i32
    %scan3A_52 = arith.constant 16 : i32
    %scan3A_53 = arith.addi %scan3A, %scan3A_52 : i32
    %scan3A_54 = arith.constant 1 : i32
    %scan3A_55:9 = scf.for %scan3A_852 = %scan3A to %scan3A_53 step %scan3A_54 iter_args(%scan3A_853 = %broadcast_in_dim3A_51, %scan3A_854 = %broadcast_in_dim3A_51, %scan3A_855 = %broadcast_in_dim3A_51, %scan3A_856 = %broadcast_in_dim3A_51, %scan3A_857 = %broadcast_in_dim3A_51, %scan3A_858 = %broadcast_in_dim3A_51, %scan3A_859 = %broadcast_in_dim3A_51, %scan3A_860 = %broadcast_in_dim3A_51, %scan3A_861 = %broadcast_in_dim3A_51) -> (vector<16xf32>, vector<16xf32>, vector<16xf32>, vector<16xf32>, vector<16xf32>, vector<16xf32>, vector<16xf32>, vector<16xf32>, vector<16xf32>)  : i32 {
      %mul3A_862 = arith.constant 16 : i32
      %mul3A_863 = arith.muli %scan3A_852, %mul3A_862 : i32
      %add3A_864 = arith.constant 0 : i32
      %add3A_865 = arith.addi %mul3A_863, %add3A_864 : i32
      %mul3A_866 = arith.constant 128 : i32
      %mul3A_867 = arith.muli %add3A_865, %mul3A_866 : i32
      %add3A_868 = arith.constant 0 : i32
      %add3A_869 = arith.addi %mul3A_867, %add3A_868 : i32
      %get3A_870 = arith.index_cast %add3A_869 : i32 to index
      %get3A_871 = tpu.vector_load %arg7[%get3A_870] {strides = array<i32>} : memref<32768xf32, #tpu.memory_space<vmem>>, vector<16xf32>,
      %add3A_872 = arith.constant 16 : i32
      %add3A_873 = arith.addi %mul3A_867, %add3A_872 : i32
      %get3A_874 = arith.index_cast %add3A_873 : i32 to index
      %get3A_875 = tpu.vector_load %arg7[%get3A_874] {strides = array<i32>} : memref<32768xf32, #tpu.memory_space<vmem>>, vector<16xf32>,
      %add3A_876 = arith.constant 32 : i32
      %add3A_877 = arith.addi %mul3A_867, %add3A_876 : i32
      %get3A_878 = arith.index_cast %add3A_877 : i32 to index
      %get3A_879 = tpu.vector_load %arg7[%get3A_878] {strides = array<i32>} : memref<32768xf32, #tpu.memory_space<vmem>>, vector<16xf32>,
      %add3A_880 = arith.constant 48 : i32
      %add3A_881 = arith.addi %mul3A_867, %add3A_880 : i32
      %get3A_882 = arith.index_cast %add3A_881 : i32 to index
      %get3A_883 = tpu.vector_load %arg7[%get3A_882] {strides = array<i32>} : memref<32768xf32, #tpu.memory_space<vmem>>, vector<16xf32>,
      %add3A_884 = arith.constant 64 : i32
      %add3A_885 = arith.addi %mul3A_867, %add3A_884 : i32
      %get3A_886 = arith.index_cast %add3A_885 : i32 to index
      %get3A_887 = tpu.vector_load %arg7[%get3A_886] {strides = array<i32>} : memref<32768xf32, #tpu.memory_space<vmem>>, vector<16xf32>,
      %add3A_888 = arith.constant 80 : i32
      %add3A_889 = arith.addi %mul3A_867, %add3A_888 : i32
      %get3A_890 = arith.index_cast %add3A_889 : i32 to index
      %get3A_891 = tpu.vector_load %arg7[%get3A_890] {strides = array<i32>} : memref<32768xf32, #tpu.memory_space<vmem>>, vector<16xf32>,
      %add3A_892 = arith.constant 96 : i32
      %add3A_893 = arith.addi %mul3A_867, %add3A_892 : i32
      %get3A_894 = arith.index_cast %add3A_893 : i32 to index
      %get3A_895 = tpu.vector_load %arg7[%get3A_894] {strides = array<i32>} : memref<32768xf32, #tpu.memory_space<vmem>>, vector<16xf32>,
      %add3A_896 = arith.constant 112 : i32
      %add3A_897 = arith.addi %mul3A_867, %add3A_896 : i32
      %get3A_898 = arith.index_cast %add3A_897 : i32 to index
      %get3A_899 = tpu.vector_load %arg7[%get3A_898] {strides = array<i32>} : memref<32768xf32, #tpu.memory_space<vmem>>, vector<16xf32>,
      %mul3A_900 = arith.mulf %get3A_871, %get3A_31 : vector<16xf32>
      %mul3A_901 = arith.mulf %get3A_875, %get3A_33 : vector<16xf32>
      %add3A_902 = arith.addf %mul3A_900, %mul3A_901 : vector<16xf32>
      %mul3A_903 = arith.mulf %get3A_879, %get3A_35 : vector<16xf32>
      %add3A_904 = arith.addf %add3A_902, %mul3A_903 : vector<16xf32>
      %mul3A_905 = arith.mulf %get3A_883, %get3A_37 : vector<16xf32>
      %add3A_906 = arith.addf %add3A_904, %mul3A_905 : vector<16xf32>
      %mul3A_907 = arith.mulf %get3A_887, %get3A_39 : vector<16xf32>
      %add3A_908 = arith.addf %add3A_906, %mul3A_907 : vector<16xf32>
      %mul3A_909 = arith.mulf %get3A_891, %get3A_41 : vector<16xf32>
      %add3A_910 = arith.addf %add3A_908, %mul3A_909 : vector<16xf32>
      %mul3A_911 = arith.mulf %get3A_895, %get3A_43 : vector<16xf32>
      %add3A_912 = arith.addf %add3A_910, %mul3A_911 : vector<16xf32>
      %mul3A_913 = arith.mulf %get3A_899, %get3A_45 : vector<16xf32>
      %add3A_914 = arith.addf %add3A_912, %mul3A_913 : vector<16xf32>
      %reduce_sum3A_915 = arith.constant true
      %reduce_sum3A_916 = vector.broadcast %reduce_sum3A_915 : i1 to vector<16xi1>
      %reduce_sum3A_917 = tpu.scan <sum>, %add3A_914 masked %reduce_sum3A_916 : vector<16xf32>, vector<16xi1> -> vector<16xf32>
      %reduce_sum3A_918 = vector.extract %reduce_sum3A_917[15] : f32 from vector<16xf32>
      %broadcast_in_dim3A_919 = vector.broadcast %reduce_sum3A_918 : f32 to vector<16xf32>
      %exp3A = math.exp %broadcast_in_dim3A_919 : vector<16xf32>
      %mul3A_920 = arith.constant 16 : i32
      %mul3A_921 = arith.muli %add3A_865, %mul3A_920 : i32
      %swap3A_922 = arith.index_cast %mul3A_921 : i32 to index
      %swap3A_923 = tpu.vector_load %arg8[%swap3A_922] {strides = array<i32>} : memref<4096xf32, #tpu.memory_space<vmem>>, vector<16xf32>,
      tpu.vector_store %arg8[%swap3A_922], %exp3A {strides = array<i32>} : memref<4096xf32, #tpu.memory_space<vmem>>, vector<16xf32>,
      %eq3A_924 = arith.cmpi eq, %add3A_865, %sub3A : i32
      %eq3A_925 = arith.cmpi eq, %add3A_865, %sub3A_48 : i32
      %or3A = arith.ori %eq3A_924, %eq3A_925 : i1
      %eq3A_926 = arith.cmpi eq, %add3A_865, %sub3A_49 : i32
      %or3A_927 = arith.ori %or3A, %eq3A_926 : i1
      %jit3A_928 = arith.constant 0.000000e+00 : f32
      %jit3A_929 = arith.constant 1.000000e+00 : f32
      %select_n3A_930 = arith.select %or3A_927, %jit3A_928, %jit3A_929 : f32
      %broadcast_in_dim3A_931 = vector.broadcast %select_n3A_930 : f32 to vector<16xf32>
      %mul3A_932 = arith.mulf %scan3A_853, %broadcast_in_dim3A_931 : vector<16xf32>
      %add3A_933 = arith.addf %mul3A_932, %exp3A : vector<16xf32>
      %mul3A_934 = arith.mulf %scan3A_854, %broadcast_in_dim3A_931 : vector<16xf32>
      %mul3A_935 = arith.mulf %exp3A, %get3A_871 : vector<16xf32>
      %add3A_936 = arith.addf %mul3A_934, %mul3A_935 : vector<16xf32>
      %mul3A_937 = arith.mulf %scan3A_855, %broadcast_in_dim3A_931 : vector<16xf32>
      %mul3A_938 = arith.mulf %exp3A, %get3A_875 : vector<16xf32>
      %add3A_939 = arith.addf %mul3A_937, %mul3A_938 : vector<16xf32>
      %mul3A_940 = arith.mulf %scan3A_856, %broadcast_in_dim3A_931 : vector<16xf32>
      %mul3A_941 = arith.mulf %exp3A, %get3A_879 : vector<16xf32>
      %add3A_942 = arith.addf %mul3A_940, %mul3A_941 : vector<16xf32>
      %mul3A_943 = arith.mulf %scan3A_857, %broadcast_in_dim3A_931 : vector<16xf32>
      %mul3A_944 = arith.mulf %exp3A, %get3A_883 : vector<16xf32>
      %add3A_945 = arith.addf %mul3A_943, %mul3A_944 : vector<16xf32>
      %mul3A_946 = arith.mulf %scan3A_858, %broadcast_in_dim3A_931 : vector<16xf32>
      %mul3A_947 = arith.mulf %exp3A, %get3A_887 : vector<16xf32>
      %add3A_948 = arith.addf %mul3A_946, %mul3A_947 : vector<16xf32>
      %mul3A_949 = arith.mulf %scan3A_859, %broadcast_in_dim3A_931 : vector<16xf32>
      %mul3A_950 = arith.mulf %exp3A, %get3A_891 : vector<16xf32>
      %add3A_951 = arith.addf %mul3A_949, %mul3A_950 : vector<16xf32>
      %mul3A_952 = arith.mulf %scan3A_860, %broadcast_in_dim3A_931 : vector<16xf32>
      %mul3A_953 = arith.mulf %exp3A, %get3A_895 : vector<16xf32>
      %add3A_954 = arith.addf %mul3A_952, %mul3A_953 : vector<16xf32>
      %mul3A_955 = arith.mulf %scan3A_861, %broadcast_in_dim3A_931 : vector<16xf32>
      %mul3A_956 = arith.mulf %exp3A, %get3A_899 : vector<16xf32>
      %add3A_957 = arith.addf %mul3A_955, %mul3A_956 : vector<16xf32>
      %mul3A_958 = arith.constant 16 : i32
      %mul3A_959 = arith.muli %scan3A_852, %mul3A_958 : i32
      %add3A_960 = arith.constant 1 : i32
      %add3A_961 = arith.addi %mul3A_959, %add3A_960 : i32
      %mul3A_962 = arith.constant 128 : i32
      %mul3A_963 = arith.muli %add3A_961, %mul3A_962 : i32
      %add3A_964 = arith.constant 0 : i32
      %add3A_965 = arith.addi %mul3A_963, %add3A_964 : i32
      %get3A_966 = arith.index_cast %add3A_965 : i32 to index
      %get3A_967 = tpu.vector_load %arg7[%get3A_966] {strides = array<i32>} : memref<32768xf32, #tpu.memory_space<vmem>>, vector<16xf32>,
      %add3A_968 = arith.constant 16 : i32
      %add3A_969 = arith.addi %mul3A_963, %add3A_968 : i32
      %get3A_970 = arith.index_cast %add3A_969 : i32 to index
      %get3A_971 = tpu.vector_load %arg7[%get3A_970] {strides = array<i32>} : memref<32768xf32, #tpu.memory_space<vmem>>, vector<16xf32>,
      %add3A_972 = arith.constant 32 : i32
      %add3A_973 = arith.addi %mul3A_963, %add3A_972 : i32
      %get3A_974 = arith.index_cast %add3A_973 : i32 to index
      %get3A_975 = tpu.vector_load %arg7[%get3A_974] {strides = array<i32>} : memref<32768xf32, #tpu.memory_space<vmem>>, vector<16xf32>,
      %add3A_976 = arith.constant 48 : i32
      %add3A_977 = arith.addi %mul3A_963, %add3A_976 : i32
      %get3A_978 = arith.index_cast %add3A_977 : i32 to index
      %get3A_979 = tpu.vector_load %arg7[%get3A_978] {strides = array<i32>} : memref<32768xf32, #tpu.memory_space<vmem>>, vector<16xf32>,
      %add3A_980 = arith.constant 64 : i32
      %add3A_981 = arith.addi %mul3A_963, %add3A_980 : i32
      %get3A_982 = arith.index_cast %add3A_981 : i32 to index
      %get3A_983 = tpu.vector_load %arg7[%get3A_982] {strides = array<i32>} : memref<32768xf32, #tpu.memory_space<vmem>>, vector<16xf32>,
      %add3A_984 = arith.constant 80 : i32
      %add3A_985 = arith.addi %mul3A_963, %add3A_984 : i32
      %get3A_986 = arith.index_cast %add3A_985 : i32 to index
      %get3A_987 = tpu.vector_load %arg7[%get3A_986] {strides = array<i32>} : memref<32768xf32, #tpu.memory_space<vmem>>, vector<16xf32>,
      %add3A_988 = arith.constant 96 : i32
      %add3A_989 = arith.addi %mul3A_963, %add3A_988 : i32
      %get3A_990 = arith.index_cast %add3A_989 : i32 to index
      %get3A_991 = tpu.vector_load %arg7[%get3A_990] {strides = array<i32>} : memref<32768xf32, #tpu.memory_space<vmem>>, vector<16xf32>,
      %add3A_992 = arith.constant 112 : i32
      %add3A_993 = arith.addi %mul3A_963, %add3A_992 : i32
      %get3A_994 = arith.index_cast %add3A_993 : i32 to index
      %get3A_995 = tpu.vector_load %arg7[%get3A_994] {strides = array<i32>} : memref<32768xf32, #tpu.memory_space<vmem>>, vector<16xf32>,
      %mul3A_996 = arith.mulf %get3A_967, %get3A_31 : vector<16xf32>
      %mul3A_997 = arith.mulf %get3A_971, %get3A_33 : vector<16xf32>
      %add3A_998 = arith.addf %mul3A_996, %mul3A_997 : vector<16xf32>
      %mul3A_999 = arith.mulf %get3A_975, %get3A_35 : vector<16xf32>
      %add3A_1000 = arith.addf %add3A_998, %mul3A_999 : vector<16xf32>
      %mul3A_1001 = arith.mulf %get3A_979, %get3A_37 : vector<16xf32>
      %add3A_1002 = arith.addf %add3A_1000, %mul3A_1001 : vector<16xf32>
      %mul3A_1003 = arith.mulf %get3A_983, %get3A_39 : vector<16xf32>
      %add3A_1004 = arith.addf %add3A_1002, %mul3A_1003 : vector<16xf32>
      %mul3A_1005 = arith.mulf %get3A_987, %get3A_41 : vector<16xf32>
      %add3A_1006 = arith.addf %add3A_1004, %mul3A_1005 : vector<16xf32>
      %mul3A_1007 = arith.mulf %get3A_991, %get3A_43 : vector<16xf32>
      %add3A_1008 = arith.addf %add3A_1006, %mul3A_1007 : vector<16xf32>
      %mul3A_1009 = arith.mulf %get3A_995, %get3A_45 : vector<16xf32>
      %add3A_1010 = arith.addf %add3A_1008, %mul3A_1009 : vector<16xf32>
      %reduce_sum3A_1011 = arith.constant true
      %reduce_sum3A_1012 = vector.broadcast %reduce_sum3A_1011 : i1 to vector<16xi1>
      %reduce_sum3A_1013 = tpu.scan <sum>, %add3A_1010 masked %reduce_sum3A_1012 : vector<16xf32>, vector<16xi1> -> vector<16xf32>
      %reduce_sum3A_1014 = vector.extract %reduce_sum3A_1013[15] : f32 from vector<16xf32>
      %broadcast_in_dim3A_1015 = vector.broadcast %reduce_sum3A_1014 : f32 to vector<16xf32>
      %exp3A_1016 = math.exp %broadcast_in_dim3A_1015 : vector<16xf32>
      %mul3A_1017 = arith.constant 16 : i32
      %mul3A_1018 = arith.muli %add3A_961, %mul3A_1017 : i32
      %swap3A_1019 = arith.index_cast %mul3A_1018 : i32 to index
      %swap3A_1020 = tpu.vector_load %arg8[%swap3A_1019] {strides = array<i32>} : memref<4096xf32, #tpu.memory_space<vmem>>, vector<16xf32>,
      tpu.vector_store %arg8[%swap3A_1019], %exp3A_1016 {strides = array<i32>} : memref<4096xf32, #tpu.memory_space<vmem>>, vector<16xf32>,
      %eq3A_1021 = arith.cmpi eq, %add3A_961, %sub3A : i32
      %eq3A_1022 = arith.cmpi eq, %add3A_961, %sub3A_48 : i32
      %or3A_1023 = arith.ori %eq3A_1021, %eq3A_1022 : i1
      %eq3A_1024 = arith.cmpi eq, %add3A_961, %sub3A_49 : i32
      %or3A_1025 = arith.ori %or3A_1023, %eq3A_1024 : i1
      %jit3A_1026 = arith.constant 0.000000e+00 : f32
      %jit3A_1027 = arith.constant 1.000000e+00 : f32
      %select_n3A_1028 = arith.select %or3A_1025, %jit3A_1026, %jit3A_1027 : f32
      %broadcast_in_dim3A_1029 = vector.broadcast %select_n3A_1028 : f32 to vector<16xf32>
      %mul3A_1030 = arith.mulf %add3A_933, %broadcast_in_dim3A_1029 : vector<16xf32>
      %add3A_1031 = arith.addf %mul3A_1030, %exp3A_1016 : vector<16xf32>
      %mul3A_1032 = arith.mulf %add3A_936, %broadcast_in_dim3A_1029 : vector<16xf32>
      %mul3A_1033 = arith.mulf %exp3A_1016, %get3A_967 : vector<16xf32>
      %add3A_1034 = arith.addf %mul3A_1032, %mul3A_1033 : vector<16xf32>
      %mul3A_1035 = arith.mulf %add3A_939, %broadcast_in_dim3A_1029 : vector<16xf32>
      %mul3A_1036 = arith.mulf %exp3A_1016, %get3A_971 : vector<16xf32>
      %add3A_1037 = arith.addf %mul3A_1035, %mul3A_1036 : vector<16xf32>
      %mul3A_1038 = arith.mulf %add3A_942, %broadcast_in_dim3A_1029 : vector<16xf32>
      %mul3A_1039 = arith.mulf %exp3A_1016, %get3A_975 : vector<16xf32>
      %add3A_1040 = arith.addf %mul3A_1038, %mul3A_1039 : vector<16xf32>
      %mul3A_1041 = arith.mulf %add3A_945, %broadcast_in_dim3A_1029 : vector<16xf32>
      %mul3A_1042 = arith.mulf %exp3A_1016, %get3A_979 : vector<16xf32>
      %add3A_1043 = arith.addf %mul3A_1041, %mul3A_1042 : vector<16xf32>
      %mul3A_1044 = arith.mulf %add3A_948, %broadcast_in_dim3A_1029 : vector<16xf32>
      %mul3A_1045 = arith.mulf %exp3A_1016, %get3A_983 : vector<16xf32>
      %add3A_1046 = arith.addf %mul3A_1044, %mul3A_1045 : vector<16xf32>
      %mul3A_1047 = arith.mulf %add3A_951, %broadcast_in_dim3A_1029 : vector<16xf32>
      %mul3A_1048 = arith.mulf %exp3A_1016, %get3A_987 : vector<16xf32>
      %add3A_1049 = arith.addf %mul3A_1047, %mul3A_1048 : vector<16xf32>
      %mul3A_1050 = arith.mulf %add3A_954, %broadcast_in_dim3A_1029 : vector<16xf32>
      %mul3A_1051 = arith.mulf %exp3A_1016, %get3A_991 : vector<16xf32>
      %add3A_1052 = arith.addf %mul3A_1050, %mul3A_1051 : vector<16xf32>
      %mul3A_1053 = arith.mulf %add3A_957, %broadcast_in_dim3A_1029 : vector<16xf32>
      %mul3A_1054 = arith.mulf %exp3A_1016, %get3A_995 : vector<16xf32>
      %add3A_1055 = arith.addf %mul3A_1053, %mul3A_1054 : vector<16xf32>
      %mul3A_1056 = arith.constant 16 : i32
      %mul3A_1057 = arith.muli %scan3A_852, %mul3A_1056 : i32
      %add3A_1058 = arith.constant 2 : i32
      %add3A_1059 = arith.addi %mul3A_1057, %add3A_1058 : i32
      %mul3A_1060 = arith.constant 128 : i32
      %mul3A_1061 = arith.muli %add3A_1059, %mul3A_1060 : i32
      %add3A_1062 = arith.constant 0 : i32
      %add3A_1063 = arith.addi %mul3A_1061, %add3A_1062 : i32
      %get3A_1064 = arith.index_cast %add3A_1063 : i32 to index
      %get3A_1065 = tpu.vector_load %arg7[%get3A_1064] {strides = array<i32>} : memref<32768xf32, #tpu.memory_space<vmem>>, vector<16xf32>,
      %add3A_1066 = arith.constant 16 : i32
      %add3A_1067 = arith.addi %mul3A_1061, %add3A_1066 : i32
      %get3A_1068 = arith.index_cast %add3A_1067 : i32 to index
      %get3A_1069 = tpu.vector_load %arg7[%get3A_1068] {strides = array<i32>} : memref<32768xf32, #tpu.memory_space<vmem>>, vector<16xf32>,
      %add3A_1070 = arith.constant 32 : i32
      %add3A_1071 = arith.addi %mul3A_1061, %add3A_1070 : i32
      %get3A_1072 = arith.index_cast %add3A_1071 : i32 to index
      %get3A_1073 = tpu.vector_load %arg7[%get3A_1072] {strides = array<i32>} : memref<32768xf32, #tpu.memory_space<vmem>>, vector<16xf32>,
      %add3A_1074 = arith.constant 48 : i32
      %add3A_1075 = arith.addi %mul3A_1061, %add3A_1074 : i32
      %get3A_1076 = arith.index_cast %add3A_1075 : i32 to index
      %get3A_1077 = tpu.vector_load %arg7[%get3A_1076] {strides = array<i32>} : memref<32768xf32, #tpu.memory_space<vmem>>, vector<16xf32>,
      %add3A_1078 = arith.constant 64 : i32
      %add3A_1079 = arith.addi %mul3A_1061, %add3A_1078 : i32
      %get3A_1080 = arith.index_cast %add3A_1079 : i32 to index
      %get3A_1081 = tpu.vector_load %arg7[%get3A_1080] {strides = array<i32>} : memref<32768xf32, #tpu.memory_space<vmem>>, vector<16xf32>,
      %add3A_1082 = arith.constant 80 : i32
      %add3A_1083 = arith.addi %mul3A_1061, %add3A_1082 : i32
      %get3A_1084 = arith.index_cast %add3A_1083 : i32 to index
      %get3A_1085 = tpu.vector_load %arg7[%get3A_1084] {strides = array<i32>} : memref<32768xf32, #tpu.memory_space<vmem>>, vector<16xf32>,
      %add3A_1086 = arith.constant 96 : i32
      %add3A_1087 = arith.addi %mul3A_1061, %add3A_1086 : i32
      %get3A_1088 = arith.index_cast %add3A_1087 : i32 to index
      %get3A_1089 = tpu.vector_load %arg7[%get3A_1088] {strides = array<i32>} : memref<32768xf32, #tpu.memory_space<vmem>>, vector<16xf32>,
      %add3A_1090 = arith.constant 112 : i32
      %add3A_1091 = arith.addi %mul3A_1061, %add3A_1090 : i32
      %get3A_1092 = arith.index_cast %add3A_1091 : i32 to index
      %get3A_1093 = tpu.vector_load %arg7[%get3A_1092] {strides = array<i32>} : memref<32768xf32, #tpu.memory_space<vmem>>, vector<16xf32>,
      %mul3A_1094 = arith.mulf %get3A_1065, %get3A_31 : vector<16xf32>
      %mul3A_1095 = arith.mulf %get3A_1069, %get3A_33 : vector<16xf32>
      %add3A_1096 = arith.addf %mul3A_1094, %mul3A_1095 : vector<16xf32>
      %mul3A_1097 = arith.mulf %get3A_1073, %get3A_35 : vector<16xf32>
      %add3A_1098 = arith.addf %add3A_1096, %mul3A_1097 : vector<16xf32>
      %mul3A_1099 = arith.mulf %get3A_1077, %get3A_37 : vector<16xf32>
      %add3A_1100 = arith.addf %add3A_1098, %mul3A_1099 : vector<16xf32>
      %mul3A_1101 = arith.mulf %get3A_1081, %get3A_39 : vector<16xf32>
      %add3A_1102 = arith.addf %add3A_1100, %mul3A_1101 : vector<16xf32>
      %mul3A_1103 = arith.mulf %get3A_1085, %get3A_41 : vector<16xf32>
      %add3A_1104 = arith.addf %add3A_1102, %mul3A_1103 : vector<16xf32>
      %mul3A_1105 = arith.mulf %get3A_1089, %get3A_43 : vector<16xf32>
      %add3A_1106 = arith.addf %add3A_1104, %mul3A_1105 : vector<16xf32>
      %mul3A_1107 = arith.mulf %get3A_1093, %get3A_45 : vector<16xf32>
      %add3A_1108 = arith.addf %add3A_1106, %mul3A_1107 : vector<16xf32>
      %reduce_sum3A_1109 = arith.constant true
      %reduce_sum3A_1110 = vector.broadcast %reduce_sum3A_1109 : i1 to vector<16xi1>
      %reduce_sum3A_1111 = tpu.scan <sum>, %add3A_1108 masked %reduce_sum3A_1110 : vector<16xf32>, vector<16xi1> -> vector<16xf32>
      %reduce_sum3A_1112 = vector.extract %reduce_sum3A_1111[15] : f32 from vector<16xf32>
      %broadcast_in_dim3A_1113 = vector.broadcast %reduce_sum3A_1112 : f32 to vector<16xf32>
      %exp3A_1114 = math.exp %broadcast_in_dim3A_1113 : vector<16xf32>
      %mul3A_1115 = arith.constant 16 : i32
      %mul3A_1116 = arith.muli %add3A_1059, %mul3A_1115 : i32
      %swap3A_1117 = arith.index_cast %mul3A_1116 : i32 to index
      %swap3A_1118 = tpu.vector_load %arg8[%swap3A_1117] {strides = array<i32>} : memref<4096xf32, #tpu.memory_space<vmem>>, vector<16xf32>,
      tpu.vector_store %arg8[%swap3A_1117], %exp3A_1114 {strides = array<i32>} : memref<4096xf32, #tpu.memory_space<vmem>>, vector<16xf32>,
      %eq3A_1119 = arith.cmpi eq, %add3A_1059, %sub3A : i32
      %eq3A_1120 = arith.cmpi eq, %add3A_1059, %sub3A_48 : i32
      %or3A_1121 = arith.ori %eq3A_1119, %eq3A_1120 : i1
      %eq3A_1122 = arith.cmpi eq, %add3A_1059, %sub3A_49 : i32
      %or3A_1123 = arith.ori %or3A_1121, %eq3A_1122 : i1
      %jit3A_1124 = arith.constant 0.000000e+00 : f32
      %jit3A_1125 = arith.constant 1.000000e+00 : f32
      %select_n3A_1126 = arith.select %or3A_1123, %jit3A_1124, %jit3A_1125 : f32
      %broadcast_in_dim3A_1127 = vector.broadcast %select_n3A_1126 : f32 to vector<16xf32>
      %mul3A_1128 = arith.mulf %add3A_1031, %broadcast_in_dim3A_1127 : vector<16xf32>
      %add3A_1129 = arith.addf %mul3A_1128, %exp3A_1114 : vector<16xf32>
      %mul3A_1130 = arith.mulf %add3A_1034, %broadcast_in_dim3A_1127 : vector<16xf32>
      %mul3A_1131 = arith.mulf %exp3A_1114, %get3A_1065 : vector<16xf32>
      %add3A_1132 = arith.addf %mul3A_1130, %mul3A_1131 : vector<16xf32>
      %mul3A_1133 = arith.mulf %add3A_1037, %broadcast_in_dim3A_1127 : vector<16xf32>
      %mul3A_1134 = arith.mulf %exp3A_1114, %get3A_1069 : vector<16xf32>
      %add3A_1135 = arith.addf %mul3A_1133, %mul3A_1134 : vector<16xf32>
      %mul3A_1136 = arith.mulf %add3A_1040, %broadcast_in_dim3A_1127 : vector<16xf32>
      %mul3A_1137 = arith.mulf %exp3A_1114, %get3A_1073 : vector<16xf32>
      %add3A_1138 = arith.addf %mul3A_1136, %mul3A_1137 : vector<16xf32>
      %mul3A_1139 = arith.mulf %add3A_1043, %broadcast_in_dim3A_1127 : vector<16xf32>
      %mul3A_1140 = arith.mulf %exp3A_1114, %get3A_1077 : vector<16xf32>
      %add3A_1141 = arith.addf %mul3A_1139, %mul3A_1140 : vector<16xf32>
      %mul3A_1142 = arith.mulf %add3A_1046, %broadcast_in_dim3A_1127 : vector<16xf32>
      %mul3A_1143 = arith.mulf %exp3A_1114, %get3A_1081 : vector<16xf32>
      %add3A_1144 = arith.addf %mul3A_1142, %mul3A_1143 : vector<16xf32>
      %mul3A_1145 = arith.mulf %add3A_1049, %broadcast_in_dim3A_1127 : vector<16xf32>
      %mul3A_1146 = arith.mulf %exp3A_1114, %get3A_1085 : vector<16xf32>
      %add3A_1147 = arith.addf %mul3A_1145, %mul3A_1146 : vector<16xf32>
      %mul3A_1148 = arith.mulf %add3A_1052, %broadcast_in_dim3A_1127 : vector<16xf32>
      %mul3A_1149 = arith.mulf %exp3A_1114, %get3A_1089 : vector<16xf32>
      %add3A_1150 = arith.addf %mul3A_1148, %mul3A_1149 : vector<16xf32>
      %mul3A_1151 = arith.mulf %add3A_1055, %broadcast_in_dim3A_1127 : vector<16xf32>
      %mul3A_1152 = arith.mulf %exp3A_1114, %get3A_1093 : vector<16xf32>
      %add3A_1153 = arith.addf %mul3A_1151, %mul3A_1152 : vector<16xf32>
      %mul3A_1154 = arith.constant 16 : i32
      %mul3A_1155 = arith.muli %scan3A_852, %mul3A_1154 : i32
      %add3A_1156 = arith.constant 3 : i32
      %add3A_1157 = arith.addi %mul3A_1155, %add3A_1156 : i32
      %mul3A_1158 = arith.constant 128 : i32
      %mul3A_1159 = arith.muli %add3A_1157, %mul3A_1158 : i32
      %add3A_1160 = arith.constant 0 : i32
      %add3A_1161 = arith.addi %mul3A_1159, %add3A_1160 : i32
      %get3A_1162 = arith.index_cast %add3A_1161 : i32 to index
      %get3A_1163 = tpu.vector_load %arg7[%get3A_1162] {strides = array<i32>} : memref<32768xf32, #tpu.memory_space<vmem>>, vector<16xf32>,
      %add3A_1164 = arith.constant 16 : i32
      %add3A_1165 = arith.addi %mul3A_1159, %add3A_1164 : i32
      %get3A_1166 = arith.index_cast %add3A_1165 : i32 to index
      %get3A_1167 = tpu.vector_load %arg7[%get3A_1166] {strides = array<i32>} : memref<32768xf32, #tpu.memory_space<vmem>>, vector<16xf32>,
      %add3A_1168 = arith.constant 32 : i32
      %add3A_1169 = arith.addi %mul3A_1159, %add3A_1168 : i32
      %get3A_1170 = arith.index_cast %add3A_1169 : i32 to index
      %get3A_1171 = tpu.vector_load %arg7[%get3A_1170] {strides = array<i32>} : memref<32768xf32, #tpu.memory_space<vmem>>, vector<16xf32>,
      %add3A_1172 = arith.constant 48 : i32
      %add3A_1173 = arith.addi %mul3A_1159, %add3A_1172 : i32
      %get3A_1174 = arith.index_cast %add3A_1173 : i32 to index
      %get3A_1175 = tpu.vector_load %arg7[%get3A_1174] {strides = array<i32>} : memref<32768xf32, #tpu.memory_space<vmem>>, vector<16xf32>,
      %add3A_1176 = arith.constant 64 : i32
      %add3A_1177 = arith.addi %mul3A_1159, %add3A_1176 : i32
      %get3A_1178 = arith.index_cast %add3A_1177 : i32 to index
      %get3A_1179 = tpu.vector_load %arg7[%get3A_1178] {strides = array<i32>} : memref<32768xf32, #tpu.memory_space<vmem>>, vector<16xf32>,
      %add3A_1180 = arith.constant 80 : i32
      %add3A_1181 = arith.addi %mul3A_1159, %add3A_1180 : i32
      %get3A_1182 = arith.index_cast %add3A_1181 : i32 to index
      %get3A_1183 = tpu.vector_load %arg7[%get3A_1182] {strides = array<i32>} : memref<32768xf32, #tpu.memory_space<vmem>>, vector<16xf32>,
      %add3A_1184 = arith.constant 96 : i32
      %add3A_1185 = arith.addi %mul3A_1159, %add3A_1184 : i32
      %get3A_1186 = arith.index_cast %add3A_1185 : i32 to index
      %get3A_1187 = tpu.vector_load %arg7[%get3A_1186] {strides = array<i32>} : memref<32768xf32, #tpu.memory_space<vmem>>, vector<16xf32>,
      %add3A_1188 = arith.constant 112 : i32
      %add3A_1189 = arith.addi %mul3A_1159, %add3A_1188 : i32
      %get3A_1190 = arith.index_cast %add3A_1189 : i32 to index
      %get3A_1191 = tpu.vector_load %arg7[%get3A_1190] {strides = array<i32>} : memref<32768xf32, #tpu.memory_space<vmem>>, vector<16xf32>,
      %mul3A_1192 = arith.mulf %get3A_1163, %get3A_31 : vector<16xf32>
      %mul3A_1193 = arith.mulf %get3A_1167, %get3A_33 : vector<16xf32>
      %add3A_1194 = arith.addf %mul3A_1192, %mul3A_1193 : vector<16xf32>
      %mul3A_1195 = arith.mulf %get3A_1171, %get3A_35 : vector<16xf32>
      %add3A_1196 = arith.addf %add3A_1194, %mul3A_1195 : vector<16xf32>
      %mul3A_1197 = arith.mulf %get3A_1175, %get3A_37 : vector<16xf32>
      %add3A_1198 = arith.addf %add3A_1196, %mul3A_1197 : vector<16xf32>
      %mul3A_1199 = arith.mulf %get3A_1179, %get3A_39 : vector<16xf32>
      %add3A_1200 = arith.addf %add3A_1198, %mul3A_1199 : vector<16xf32>
      %mul3A_1201 = arith.mulf %get3A_1183, %get3A_41 : vector<16xf32>
      %add3A_1202 = arith.addf %add3A_1200, %mul3A_1201 : vector<16xf32>
      %mul3A_1203 = arith.mulf %get3A_1187, %get3A_43 : vector<16xf32>
      %add3A_1204 = arith.addf %add3A_1202, %mul3A_1203 : vector<16xf32>
      %mul3A_1205 = arith.mulf %get3A_1191, %get3A_45 : vector<16xf32>
      %add3A_1206 = arith.addf %add3A_1204, %mul3A_1205 : vector<16xf32>
      %reduce_sum3A_1207 = arith.constant true
      %reduce_sum3A_1208 = vector.broadcast %reduce_sum3A_1207 : i1 to vector<16xi1>
      %reduce_sum3A_1209 = tpu.scan <sum>, %add3A_1206 masked %reduce_sum3A_1208 : vector<16xf32>, vector<16xi1> -> vector<16xf32>
      %reduce_sum3A_1210 = vector.extract %reduce_sum3A_1209[15] : f32 from vector<16xf32>
      %broadcast_in_dim3A_1211 = vector.broadcast %reduce_sum3A_1210 : f32 to vector<16xf32>
      %exp3A_1212 = math.exp %broadcast_in_dim3A_1211 : vector<16xf32>
      %mul3A_1213 = arith.constant 16 : i32
      %mul3A_1214 = arith.muli %add3A_1157, %mul3A_1213 : i32
      %swap3A_1215 = arith.index_cast %mul3A_1214 : i32 to index
      %swap3A_1216 = tpu.vector_load %arg8[%swap3A_1215] {strides = array<i32>} : memref<4096xf32, #tpu.memory_space<vmem>>, vector<16xf32>,
      tpu.vector_store %arg8[%swap3A_1215], %exp3A_1212 {strides = array<i32>} : memref<4096xf32, #tpu.memory_space<vmem>>, vector<16xf32>,
      %eq3A_1217 = arith.cmpi eq, %add3A_1157, %sub3A : i32
      %eq3A_1218 = arith.cmpi eq, %add3A_1157, %sub3A_48 : i32
      %or3A_1219 = arith.ori %eq3A_1217, %eq3A_1218 : i1
      %eq3A_1220 = arith.cmpi eq, %add3A_1157, %sub3A_49 : i32
      %or3A_1221 = arith.ori %or3A_1219, %eq3A_1220 : i1
      %jit3A_1222 = arith.constant 0.000000e+00 : f32
      %jit3A_1223 = arith.constant 1.000000e+00 : f32
      %select_n3A_1224 = arith.select %or3A_1221, %jit3A_1222, %jit3A_1223 : f32
      %broadcast_in_dim3A_1225 = vector.broadcast %select_n3A_1224 : f32 to vector<16xf32>
      %mul3A_1226 = arith.mulf %add3A_1129, %broadcast_in_dim3A_1225 : vector<16xf32>
      %add3A_1227 = arith.addf %mul3A_1226, %exp3A_1212 : vector<16xf32>
      %mul3A_1228 = arith.mulf %add3A_1132, %broadcast_in_dim3A_1225 : vector<16xf32>
      %mul3A_1229 = arith.mulf %exp3A_1212, %get3A_1163 : vector<16xf32>
      %add3A_1230 = arith.addf %mul3A_1228, %mul3A_1229 : vector<16xf32>
      %mul3A_1231 = arith.mulf %add3A_1135, %broadcast_in_dim3A_1225 : vector<16xf32>
      %mul3A_1232 = arith.mulf %exp3A_1212, %get3A_1167 : vector<16xf32>
      %add3A_1233 = arith.addf %mul3A_1231, %mul3A_1232 : vector<16xf32>
      %mul3A_1234 = arith.mulf %add3A_1138, %broadcast_in_dim3A_1225 : vector<16xf32>
      %mul3A_1235 = arith.mulf %exp3A_1212, %get3A_1171 : vector<16xf32>
      %add3A_1236 = arith.addf %mul3A_1234, %mul3A_1235 : vector<16xf32>
      %mul3A_1237 = arith.mulf %add3A_1141, %broadcast_in_dim3A_1225 : vector<16xf32>
      %mul3A_1238 = arith.mulf %exp3A_1212, %get3A_1175 : vector<16xf32>
      %add3A_1239 = arith.addf %mul3A_1237, %mul3A_1238 : vector<16xf32>
      %mul3A_1240 = arith.mulf %add3A_1144, %broadcast_in_dim3A_1225 : vector<16xf32>
      %mul3A_1241 = arith.mulf %exp3A_1212, %get3A_1179 : vector<16xf32>
      %add3A_1242 = arith.addf %mul3A_1240, %mul3A_1241 : vector<16xf32>
      %mul3A_1243 = arith.mulf %add3A_1147, %broadcast_in_dim3A_1225 : vector<16xf32>
      %mul3A_1244 = arith.mulf %exp3A_1212, %get3A_1183 : vector<16xf32>
      %add3A_1245 = arith.addf %mul3A_1243, %mul3A_1244 : vector<16xf32>
      %mul3A_1246 = arith.mulf %add3A_1150, %broadcast_in_dim3A_1225 : vector<16xf32>
      %mul3A_1247 = arith.mulf %exp3A_1212, %get3A_1187 : vector<16xf32>
      %add3A_1248 = arith.addf %mul3A_1246, %mul3A_1247 : vector<16xf32>
      %mul3A_1249 = arith.mulf %add3A_1153, %broadcast_in_dim3A_1225 : vector<16xf32>
      %mul3A_1250 = arith.mulf %exp3A_1212, %get3A_1191 : vector<16xf32>
      %add3A_1251 = arith.addf %mul3A_1249, %mul3A_1250 : vector<16xf32>
      %mul3A_1252 = arith.constant 16 : i32
      %mul3A_1253 = arith.muli %scan3A_852, %mul3A_1252 : i32
      %add3A_1254 = arith.constant 4 : i32
      %add3A_1255 = arith.addi %mul3A_1253, %add3A_1254 : i32
      %mul3A_1256 = arith.constant 128 : i32
      %mul3A_1257 = arith.muli %add3A_1255, %mul3A_1256 : i32
      %add3A_1258 = arith.constant 0 : i32
      %add3A_1259 = arith.addi %mul3A_1257, %add3A_1258 : i32
      %get3A_1260 = arith.index_cast %add3A_1259 : i32 to index
      %get3A_1261 = tpu.vector_load %arg7[%get3A_1260] {strides = array<i32>} : memref<32768xf32, #tpu.memory_space<vmem>>, vector<16xf32>,
      %add3A_1262 = arith.constant 16 : i32
      %add3A_1263 = arith.addi %mul3A_1257, %add3A_1262 : i32
      %get3A_1264 = arith.index_cast %add3A_1263 : i32 to index
      %get3A_1265 = tpu.vector_load %arg7[%get3A_1264] {strides = array<i32>} : memref<32768xf32, #tpu.memory_space<vmem>>, vector<16xf32>,
      %add3A_1266 = arith.constant 32 : i32
      %add3A_1267 = arith.addi %mul3A_1257, %add3A_1266 : i32
      %get3A_1268 = arith.index_cast %add3A_1267 : i32 to index
      %get3A_1269 = tpu.vector_load %arg7[%get3A_1268] {strides = array<i32>} : memref<32768xf32, #tpu.memory_space<vmem>>, vector<16xf32>,
      %add3A_1270 = arith.constant 48 : i32
      %add3A_1271 = arith.addi %mul3A_1257, %add3A_1270 : i32
      %get3A_1272 = arith.index_cast %add3A_1271 : i32 to index
      %get3A_1273 = tpu.vector_load %arg7[%get3A_1272] {strides = array<i32>} : memref<32768xf32, #tpu.memory_space<vmem>>, vector<16xf32>,
      %add3A_1274 = arith.constant 64 : i32
      %add3A_1275 = arith.addi %mul3A_1257, %add3A_1274 : i32
      %get3A_1276 = arith.index_cast %add3A_1275 : i32 to index
      %get3A_1277 = tpu.vector_load %arg7[%get3A_1276] {strides = array<i32>} : memref<32768xf32, #tpu.memory_space<vmem>>, vector<16xf32>,
      %add3A_1278 = arith.constant 80 : i32
      %add3A_1279 = arith.addi %mul3A_1257, %add3A_1278 : i32
      %get3A_1280 = arith.index_cast %add3A_1279 : i32 to index
      %get3A_1281 = tpu.vector_load %arg7[%get3A_1280] {strides = array<i32>} : memref<32768xf32, #tpu.memory_space<vmem>>, vector<16xf32>,
      %add3A_1282 = arith.constant 96 : i32
      %add3A_1283 = arith.addi %mul3A_1257, %add3A_1282 : i32
      %get3A_1284 = arith.index_cast %add3A_1283 : i32 to index
      %get3A_1285 = tpu.vector_load %arg7[%get3A_1284] {strides = array<i32>} : memref<32768xf32, #tpu.memory_space<vmem>>, vector<16xf32>,
      %add3A_1286 = arith.constant 112 : i32
      %add3A_1287 = arith.addi %mul3A_1257, %add3A_1286 : i32
      %get3A_1288 = arith.index_cast %add3A_1287 : i32 to index
      %get3A_1289 = tpu.vector_load %arg7[%get3A_1288] {strides = array<i32>} : memref<32768xf32, #tpu.memory_space<vmem>>, vector<16xf32>,
      %mul3A_1290 = arith.mulf %get3A_1261, %get3A_31 : vector<16xf32>
      %mul3A_1291 = arith.mulf %get3A_1265, %get3A_33 : vector<16xf32>
      %add3A_1292 = arith.addf %mul3A_1290, %mul3A_1291 : vector<16xf32>
      %mul3A_1293 = arith.mulf %get3A_1269, %get3A_35 : vector<16xf32>
      %add3A_1294 = arith.addf %add3A_1292, %mul3A_1293 : vector<16xf32>
      %mul3A_1295 = arith.mulf %get3A_1273, %get3A_37 : vector<16xf32>
      %add3A_1296 = arith.addf %add3A_1294, %mul3A_1295 : vector<16xf32>
      %mul3A_1297 = arith.mulf %get3A_1277, %get3A_39 : vector<16xf32>
      %add3A_1298 = arith.addf %add3A_1296, %mul3A_1297 : vector<16xf32>
      %mul3A_1299 = arith.mulf %get3A_1281, %get3A_41 : vector<16xf32>
      %add3A_1300 = arith.addf %add3A_1298, %mul3A_1299 : vector<16xf32>
      %mul3A_1301 = arith.mulf %get3A_1285, %get3A_43 : vector<16xf32>
      %add3A_1302 = arith.addf %add3A_1300, %mul3A_1301 : vector<16xf32>
      %mul3A_1303 = arith.mulf %get3A_1289, %get3A_45 : vector<16xf32>
      %add3A_1304 = arith.addf %add3A_1302, %mul3A_1303 : vector<16xf32>
      %reduce_sum3A_1305 = arith.constant true
      %reduce_sum3A_1306 = vector.broadcast %reduce_sum3A_1305 : i1 to vector<16xi1>
      %reduce_sum3A_1307 = tpu.scan <sum>, %add3A_1304 masked %reduce_sum3A_1306 : vector<16xf32>, vector<16xi1> -> vector<16xf32>
      %reduce_sum3A_1308 = vector.extract %reduce_sum3A_1307[15] : f32 from vector<16xf32>
      %broadcast_in_dim3A_1309 = vector.broadcast %reduce_sum3A_1308 : f32 to vector<16xf32>
      %exp3A_1310 = math.exp %broadcast_in_dim3A_1309 : vector<16xf32>
      %mul3A_1311 = arith.constant 16 : i32
      %mul3A_1312 = arith.muli %add3A_1255, %mul3A_1311 : i32
      %swap3A_1313 = arith.index_cast %mul3A_1312 : i32 to index
      %swap3A_1314 = tpu.vector_load %arg8[%swap3A_1313] {strides = array<i32>} : memref<4096xf32, #tpu.memory_space<vmem>>, vector<16xf32>,
      tpu.vector_store %arg8[%swap3A_1313], %exp3A_1310 {strides = array<i32>} : memref<4096xf32, #tpu.memory_space<vmem>>, vector<16xf32>,
      %eq3A_1315 = arith.cmpi eq, %add3A_1255, %sub3A : i32
      %eq3A_1316 = arith.cmpi eq, %add3A_1255, %sub3A_48 : i32
      %or3A_1317 = arith.ori %eq3A_1315, %eq3A_1316 : i1
      %eq3A_1318 = arith.cmpi eq, %add3A_1255, %sub3A_49 : i32
      %or3A_1319 = arith.ori %or3A_1317, %eq3A_1318 : i1
      %jit3A_1320 = arith.constant 0.000000e+00 : f32
      %jit3A_1321 = arith.constant 1.000000e+00 : f32
      %select_n3A_1322 = arith.select %or3A_1319, %jit3A_1320, %jit3A_1321 : f32
      %broadcast_in_dim3A_1323 = vector.broadcast %select_n3A_1322 : f32 to vector<16xf32>
      %mul3A_1324 = arith.mulf %add3A_1227, %broadcast_in_dim3A_1323 : vector<16xf32>
      %add3A_1325 = arith.addf %mul3A_1324, %exp3A_1310 : vector<16xf32>
      %mul3A_1326 = arith.mulf %add3A_1230, %broadcast_in_dim3A_1323 : vector<16xf32>
      %mul3A_1327 = arith.mulf %exp3A_1310, %get3A_1261 : vector<16xf32>
      %add3A_1328 = arith.addf %mul3A_1326, %mul3A_1327 : vector<16xf32>
      %mul3A_1329 = arith.mulf %add3A_1233, %broadcast_in_dim3A_1323 : vector<16xf32>
      %mul3A_1330 = arith.mulf %exp3A_1310, %get3A_1265 : vector<16xf32>
      %add3A_1331 = arith.addf %mul3A_1329, %mul3A_1330 : vector<16xf32>
      %mul3A_1332 = arith.mulf %add3A_1236, %broadcast_in_dim3A_1323 : vector<16xf32>
      %mul3A_1333 = arith.mulf %exp3A_1310, %get3A_1269 : vector<16xf32>
      %add3A_1334 = arith.addf %mul3A_1332, %mul3A_1333 : vector<16xf32>
      %mul3A_1335 = arith.mulf %add3A_1239, %broadcast_in_dim3A_1323 : vector<16xf32>
      %mul3A_1336 = arith.mulf %exp3A_1310, %get3A_1273 : vector<16xf32>
      %add3A_1337 = arith.addf %mul3A_1335, %mul3A_1336 : vector<16xf32>
      %mul3A_1338 = arith.mulf %add3A_1242, %broadcast_in_dim3A_1323 : vector<16xf32>
      %mul3A_1339 = arith.mulf %exp3A_1310, %get3A_1277 : vector<16xf32>
      %add3A_1340 = arith.addf %mul3A_1338, %mul3A_1339 : vector<16xf32>
      %mul3A_1341 = arith.mulf %add3A_1245, %broadcast_in_dim3A_1323 : vector<16xf32>
      %mul3A_1342 = arith.mulf %exp3A_1310, %get3A_1281 : vector<16xf32>
      %add3A_1343 = arith.addf %mul3A_1341, %mul3A_1342 : vector<16xf32>
      %mul3A_1344 = arith.mulf %add3A_1248, %broadcast_in_dim3A_1323 : vector<16xf32>
      %mul3A_1345 = arith.mulf %exp3A_1310, %get3A_1285 : vector<16xf32>
      %add3A_1346 = arith.addf %mul3A_1344, %mul3A_1345 : vector<16xf32>
      %mul3A_1347 = arith.mulf %add3A_1251, %broadcast_in_dim3A_1323 : vector<16xf32>
      %mul3A_1348 = arith.mulf %exp3A_1310, %get3A_1289 : vector<16xf32>
      %add3A_1349 = arith.addf %mul3A_1347, %mul3A_1348 : vector<16xf32>
      %mul3A_1350 = arith.constant 16 : i32
      %mul3A_1351 = arith.muli %scan3A_852, %mul3A_1350 : i32
      %add3A_1352 = arith.constant 5 : i32
      %add3A_1353 = arith.addi %mul3A_1351, %add3A_1352 : i32
      %mul3A_1354 = arith.constant 128 : i32
      %mul3A_1355 = arith.muli %add3A_1353, %mul3A_1354 : i32
      %add3A_1356 = arith.constant 0 : i32
      %add3A_1357 = arith.addi %mul3A_1355, %add3A_1356 : i32
      %get3A_1358 = arith.index_cast %add3A_1357 : i32 to index
      %get3A_1359 = tpu.vector_load %arg7[%get3A_1358] {strides = array<i32>} : memref<32768xf32, #tpu.memory_space<vmem>>, vector<16xf32>,
      %add3A_1360 = arith.constant 16 : i32
      %add3A_1361 = arith.addi %mul3A_1355, %add3A_1360 : i32
      %get3A_1362 = arith.index_cast %add3A_1361 : i32 to index
      %get3A_1363 = tpu.vector_load %arg7[%get3A_1362] {strides = array<i32>} : memref<32768xf32, #tpu.memory_space<vmem>>, vector<16xf32>,
      %add3A_1364 = arith.constant 32 : i32
      %add3A_1365 = arith.addi %mul3A_1355, %add3A_1364 : i32
      %get3A_1366 = arith.index_cast %add3A_1365 : i32 to index
      %get3A_1367 = tpu.vector_load %arg7[%get3A_1366] {strides = array<i32>} : memref<32768xf32, #tpu.memory_space<vmem>>, vector<16xf32>,
      %add3A_1368 = arith.constant 48 : i32
      %add3A_1369 = arith.addi %mul3A_1355, %add3A_1368 : i32
      %get3A_1370 = arith.index_cast %add3A_1369 : i32 to index
      %get3A_1371 = tpu.vector_load %arg7[%get3A_1370] {strides = array<i32>} : memref<32768xf32, #tpu.memory_space<vmem>>, vector<16xf32>,
      %add3A_1372 = arith.constant 64 : i32
      %add3A_1373 = arith.addi %mul3A_1355, %add3A_1372 : i32
      %get3A_1374 = arith.index_cast %add3A_1373 : i32 to index
      %get3A_1375 = tpu.vector_load %arg7[%get3A_1374] {strides = array<i32>} : memref<32768xf32, #tpu.memory_space<vmem>>, vector<16xf32>,
      %add3A_1376 = arith.constant 80 : i32
      %add3A_1377 = arith.addi %mul3A_1355, %add3A_1376 : i32
      %get3A_1378 = arith.index_cast %add3A_1377 : i32 to index
      %get3A_1379 = tpu.vector_load %arg7[%get3A_1378] {strides = array<i32>} : memref<32768xf32, #tpu.memory_space<vmem>>, vector<16xf32>,
      %add3A_1380 = arith.constant 96 : i32
      %add3A_1381 = arith.addi %mul3A_1355, %add3A_1380 : i32
      %get3A_1382 = arith.index_cast %add3A_1381 : i32 to index
      %get3A_1383 = tpu.vector_load %arg7[%get3A_1382] {strides = array<i32>} : memref<32768xf32, #tpu.memory_space<vmem>>, vector<16xf32>,
      %add3A_1384 = arith.constant 112 : i32
      %add3A_1385 = arith.addi %mul3A_1355, %add3A_1384 : i32
      %get3A_1386 = arith.index_cast %add3A_1385 : i32 to index
      %get3A_1387 = tpu.vector_load %arg7[%get3A_1386] {strides = array<i32>} : memref<32768xf32, #tpu.memory_space<vmem>>, vector<16xf32>,
      %mul3A_1388 = arith.mulf %get3A_1359, %get3A_31 : vector<16xf32>
      %mul3A_1389 = arith.mulf %get3A_1363, %get3A_33 : vector<16xf32>
      %add3A_1390 = arith.addf %mul3A_1388, %mul3A_1389 : vector<16xf32>
      %mul3A_1391 = arith.mulf %get3A_1367, %get3A_35 : vector<16xf32>
      %add3A_1392 = arith.addf %add3A_1390, %mul3A_1391 : vector<16xf32>
      %mul3A_1393 = arith.mulf %get3A_1371, %get3A_37 : vector<16xf32>
      %add3A_1394 = arith.addf %add3A_1392, %mul3A_1393 : vector<16xf32>
      %mul3A_1395 = arith.mulf %get3A_1375, %get3A_39 : vector<16xf32>
      %add3A_1396 = arith.addf %add3A_1394, %mul3A_1395 : vector<16xf32>
      %mul3A_1397 = arith.mulf %get3A_1379, %get3A_41 : vector<16xf32>
      %add3A_1398 = arith.addf %add3A_1396, %mul3A_1397 : vector<16xf32>
      %mul3A_1399 = arith.mulf %get3A_1383, %get3A_43 : vector<16xf32>
      %add3A_1400 = arith.addf %add3A_1398, %mul3A_1399 : vector<16xf32>
      %mul3A_1401 = arith.mulf %get3A_1387, %get3A_45 : vector<16xf32>
      %add3A_1402 = arith.addf %add3A_1400, %mul3A_1401 : vector<16xf32>
      %reduce_sum3A_1403 = arith.constant true
      %reduce_sum3A_1404 = vector.broadcast %reduce_sum3A_1403 : i1 to vector<16xi1>
      %reduce_sum3A_1405 = tpu.scan <sum>, %add3A_1402 masked %reduce_sum3A_1404 : vector<16xf32>, vector<16xi1> -> vector<16xf32>
      %reduce_sum3A_1406 = vector.extract %reduce_sum3A_1405[15] : f32 from vector<16xf32>
      %broadcast_in_dim3A_1407 = vector.broadcast %reduce_sum3A_1406 : f32 to vector<16xf32>
      %exp3A_1408 = math.exp %broadcast_in_dim3A_1407 : vector<16xf32>
      %mul3A_1409 = arith.constant 16 : i32
      %mul3A_1410 = arith.muli %add3A_1353, %mul3A_1409 : i32
      %swap3A_1411 = arith.index_cast %mul3A_1410 : i32 to index
      %swap3A_1412 = tpu.vector_load %arg8[%swap3A_1411] {strides = array<i32>} : memref<4096xf32, #tpu.memory_space<vmem>>, vector<16xf32>,
      tpu.vector_store %arg8[%swap3A_1411], %exp3A_1408 {strides = array<i32>} : memref<4096xf32, #tpu.memory_space<vmem>>, vector<16xf32>,
      %eq3A_1413 = arith.cmpi eq, %add3A_1353, %sub3A : i32
      %eq3A_1414 = arith.cmpi eq, %add3A_1353, %sub3A_48 : i32
      %or3A_1415 = arith.ori %eq3A_1413, %eq3A_1414 : i1
      %eq3A_1416 = arith.cmpi eq, %add3A_1353, %sub3A_49 : i32
      %or3A_1417 = arith.ori %or3A_1415, %eq3A_1416 : i1
      %jit3A_1418 = arith.constant 0.000000e+00 : f32
      %jit3A_1419 = arith.constant 1.000000e+00 : f32
      %select_n3A_1420 = arith.select %or3A_1417, %jit3A_1418, %jit3A_1419 : f32
      %broadcast_in_dim3A_1421 = vector.broadcast %select_n3A_1420 : f32 to vector<16xf32>
      %mul3A_1422 = arith.mulf %add3A_1325, %broadcast_in_dim3A_1421 : vector<16xf32>
      %add3A_1423 = arith.addf %mul3A_1422, %exp3A_1408 : vector<16xf32>
      %mul3A_1424 = arith.mulf %add3A_1328, %broadcast_in_dim3A_1421 : vector<16xf32>
      %mul3A_1425 = arith.mulf %exp3A_1408, %get3A_1359 : vector<16xf32>
      %add3A_1426 = arith.addf %mul3A_1424, %mul3A_1425 : vector<16xf32>
      %mul3A_1427 = arith.mulf %add3A_1331, %broadcast_in_dim3A_1421 : vector<16xf32>
      %mul3A_1428 = arith.mulf %exp3A_1408, %get3A_1363 : vector<16xf32>
      %add3A_1429 = arith.addf %mul3A_1427, %mul3A_1428 : vector<16xf32>
      %mul3A_1430 = arith.mulf %add3A_1334, %broadcast_in_dim3A_1421 : vector<16xf32>
      %mul3A_1431 = arith.mulf %exp3A_1408, %get3A_1367 : vector<16xf32>
      %add3A_1432 = arith.addf %mul3A_1430, %mul3A_1431 : vector<16xf32>
      %mul3A_1433 = arith.mulf %add3A_1337, %broadcast_in_dim3A_1421 : vector<16xf32>
      %mul3A_1434 = arith.mulf %exp3A_1408, %get3A_1371 : vector<16xf32>
      %add3A_1435 = arith.addf %mul3A_1433, %mul3A_1434 : vector<16xf32>
      %mul3A_1436 = arith.mulf %add3A_1340, %broadcast_in_dim3A_1421 : vector<16xf32>
      %mul3A_1437 = arith.mulf %exp3A_1408, %get3A_1375 : vector<16xf32>
      %add3A_1438 = arith.addf %mul3A_1436, %mul3A_1437 : vector<16xf32>
      %mul3A_1439 = arith.mulf %add3A_1343, %broadcast_in_dim3A_1421 : vector<16xf32>
      %mul3A_1440 = arith.mulf %exp3A_1408, %get3A_1379 : vector<16xf32>
      %add3A_1441 = arith.addf %mul3A_1439, %mul3A_1440 : vector<16xf32>
      %mul3A_1442 = arith.mulf %add3A_1346, %broadcast_in_dim3A_1421 : vector<16xf32>
      %mul3A_1443 = arith.mulf %exp3A_1408, %get3A_1383 : vector<16xf32>
      %add3A_1444 = arith.addf %mul3A_1442, %mul3A_1443 : vector<16xf32>
      %mul3A_1445 = arith.mulf %add3A_1349, %broadcast_in_dim3A_1421 : vector<16xf32>
      %mul3A_1446 = arith.mulf %exp3A_1408, %get3A_1387 : vector<16xf32>
      %add3A_1447 = arith.addf %mul3A_1445, %mul3A_1446 : vector<16xf32>
      %mul3A_1448 = arith.constant 16 : i32
      %mul3A_1449 = arith.muli %scan3A_852, %mul3A_1448 : i32
      %add3A_1450 = arith.constant 6 : i32
      %add3A_1451 = arith.addi %mul3A_1449, %add3A_1450 : i32
      %mul3A_1452 = arith.constant 128 : i32
      %mul3A_1453 = arith.muli %add3A_1451, %mul3A_1452 : i32
      %add3A_1454 = arith.constant 0 : i32
      %add3A_1455 = arith.addi %mul3A_1453, %add3A_1454 : i32
      %get3A_1456 = arith.index_cast %add3A_1455 : i32 to index
      %get3A_1457 = tpu.vector_load %arg7[%get3A_1456] {strides = array<i32>} : memref<32768xf32, #tpu.memory_space<vmem>>, vector<16xf32>,
      %add3A_1458 = arith.constant 16 : i32
      %add3A_1459 = arith.addi %mul3A_1453, %add3A_1458 : i32
      %get3A_1460 = arith.index_cast %add3A_1459 : i32 to index
      %get3A_1461 = tpu.vector_load %arg7[%get3A_1460] {strides = array<i32>} : memref<32768xf32, #tpu.memory_space<vmem>>, vector<16xf32>,
      %add3A_1462 = arith.constant 32 : i32
      %add3A_1463 = arith.addi %mul3A_1453, %add3A_1462 : i32
      %get3A_1464 = arith.index_cast %add3A_1463 : i32 to index
      %get3A_1465 = tpu.vector_load %arg7[%get3A_1464] {strides = array<i32>} : memref<32768xf32, #tpu.memory_space<vmem>>, vector<16xf32>,
      %add3A_1466 = arith.constant 48 : i32
      %add3A_1467 = arith.addi %mul3A_1453, %add3A_1466 : i32
      %get3A_1468 = arith.index_cast %add3A_1467 : i32 to index
      %get3A_1469 = tpu.vector_load %arg7[%get3A_1468] {strides = array<i32>} : memref<32768xf32, #tpu.memory_space<vmem>>, vector<16xf32>,
      %add3A_1470 = arith.constant 64 : i32
      %add3A_1471 = arith.addi %mul3A_1453, %add3A_1470 : i32
      %get3A_1472 = arith.index_cast %add3A_1471 : i32 to index
      %get3A_1473 = tpu.vector_load %arg7[%get3A_1472] {strides = array<i32>} : memref<32768xf32, #tpu.memory_space<vmem>>, vector<16xf32>,
      %add3A_1474 = arith.constant 80 : i32
      %add3A_1475 = arith.addi %mul3A_1453, %add3A_1474 : i32
      %get3A_1476 = arith.index_cast %add3A_1475 : i32 to index
      %get3A_1477 = tpu.vector_load %arg7[%get3A_1476] {strides = array<i32>} : memref<32768xf32, #tpu.memory_space<vmem>>, vector<16xf32>,
      %add3A_1478 = arith.constant 96 : i32
      %add3A_1479 = arith.addi %mul3A_1453, %add3A_1478 : i32
      %get3A_1480 = arith.index_cast %add3A_1479 : i32 to index
      %get3A_1481 = tpu.vector_load %arg7[%get3A_1480] {strides = array<i32>} : memref<32768xf32, #tpu.memory_space<vmem>>, vector<16xf32>,
      %add3A_1482 = arith.constant 112 : i32
      %add3A_1483 = arith.addi %mul3A_1453, %add3A_1482 : i32
      %get3A_1484 = arith.index_cast %add3A_1483 : i32 to index
      %get3A_1485 = tpu.vector_load %arg7[%get3A_1484] {strides = array<i32>} : memref<32768xf32, #tpu.memory_space<vmem>>, vector<16xf32>,
      %mul3A_1486 = arith.mulf %get3A_1457, %get3A_31 : vector<16xf32>
      %mul3A_1487 = arith.mulf %get3A_1461, %get3A_33 : vector<16xf32>
      %add3A_1488 = arith.addf %mul3A_1486, %mul3A_1487 : vector<16xf32>
      %mul3A_1489 = arith.mulf %get3A_1465, %get3A_35 : vector<16xf32>
      %add3A_1490 = arith.addf %add3A_1488, %mul3A_1489 : vector<16xf32>
      %mul3A_1491 = arith.mulf %get3A_1469, %get3A_37 : vector<16xf32>
      %add3A_1492 = arith.addf %add3A_1490, %mul3A_1491 : vector<16xf32>
      %mul3A_1493 = arith.mulf %get3A_1473, %get3A_39 : vector<16xf32>
      %add3A_1494 = arith.addf %add3A_1492, %mul3A_1493 : vector<16xf32>
      %mul3A_1495 = arith.mulf %get3A_1477, %get3A_41 : vector<16xf32>
      %add3A_1496 = arith.addf %add3A_1494, %mul3A_1495 : vector<16xf32>
      %mul3A_1497 = arith.mulf %get3A_1481, %get3A_43 : vector<16xf32>
      %add3A_1498 = arith.addf %add3A_1496, %mul3A_1497 : vector<16xf32>
      %mul3A_1499 = arith.mulf %get3A_1485, %get3A_45 : vector<16xf32>
      %add3A_1500 = arith.addf %add3A_1498, %mul3A_1499 : vector<16xf32>
      %reduce_sum3A_1501 = arith.constant true
      %reduce_sum3A_1502 = vector.broadcast %reduce_sum3A_1501 : i1 to vector<16xi1>
      %reduce_sum3A_1503 = tpu.scan <sum>, %add3A_1500 masked %reduce_sum3A_1502 : vector<16xf32>, vector<16xi1> -> vector<16xf32>
      %reduce_sum3A_1504 = vector.extract %reduce_sum3A_1503[15] : f32 from vector<16xf32>
      %broadcast_in_dim3A_1505 = vector.broadcast %reduce_sum3A_1504 : f32 to vector<16xf32>
      %exp3A_1506 = math.exp %broadcast_in_dim3A_1505 : vector<16xf32>
      %mul3A_1507 = arith.constant 16 : i32
      %mul3A_1508 = arith.muli %add3A_1451, %mul3A_1507 : i32
      %swap3A_1509 = arith.index_cast %mul3A_1508 : i32 to index
      %swap3A_1510 = tpu.vector_load %arg8[%swap3A_1509] {strides = array<i32>} : memref<4096xf32, #tpu.memory_space<vmem>>, vector<16xf32>,
      tpu.vector_store %arg8[%swap3A_1509], %exp3A_1506 {strides = array<i32>} : memref<4096xf32, #tpu.memory_space<vmem>>, vector<16xf32>,
      %eq3A_1511 = arith.cmpi eq, %add3A_1451, %sub3A : i32
      %eq3A_1512 = arith.cmpi eq, %add3A_1451, %sub3A_48 : i32
      %or3A_1513 = arith.ori %eq3A_1511, %eq3A_1512 : i1
      %eq3A_1514 = arith.cmpi eq, %add3A_1451, %sub3A_49 : i32
      %or3A_1515 = arith.ori %or3A_1513, %eq3A_1514 : i1
      %jit3A_1516 = arith.constant 0.000000e+00 : f32
      %jit3A_1517 = arith.constant 1.000000e+00 : f32
      %select_n3A_1518 = arith.select %or3A_1515, %jit3A_1516, %jit3A_1517 : f32
      %broadcast_in_dim3A_1519 = vector.broadcast %select_n3A_1518 : f32 to vector<16xf32>
      %mul3A_1520 = arith.mulf %add3A_1423, %broadcast_in_dim3A_1519 : vector<16xf32>
      %add3A_1521 = arith.addf %mul3A_1520, %exp3A_1506 : vector<16xf32>
      %mul3A_1522 = arith.mulf %add3A_1426, %broadcast_in_dim3A_1519 : vector<16xf32>
      %mul3A_1523 = arith.mulf %exp3A_1506, %get3A_1457 : vector<16xf32>
      %add3A_1524 = arith.addf %mul3A_1522, %mul3A_1523 : vector<16xf32>
      %mul3A_1525 = arith.mulf %add3A_1429, %broadcast_in_dim3A_1519 : vector<16xf32>
      %mul3A_1526 = arith.mulf %exp3A_1506, %get3A_1461 : vector<16xf32>
      %add3A_1527 = arith.addf %mul3A_1525, %mul3A_1526 : vector<16xf32>
      %mul3A_1528 = arith.mulf %add3A_1432, %broadcast_in_dim3A_1519 : vector<16xf32>
      %mul3A_1529 = arith.mulf %exp3A_1506, %get3A_1465 : vector<16xf32>
      %add3A_1530 = arith.addf %mul3A_1528, %mul3A_1529 : vector<16xf32>
      %mul3A_1531 = arith.mulf %add3A_1435, %broadcast_in_dim3A_1519 : vector<16xf32>
      %mul3A_1532 = arith.mulf %exp3A_1506, %get3A_1469 : vector<16xf32>
      %add3A_1533 = arith.addf %mul3A_1531, %mul3A_1532 : vector<16xf32>
      %mul3A_1534 = arith.mulf %add3A_1438, %broadcast_in_dim3A_1519 : vector<16xf32>
      %mul3A_1535 = arith.mulf %exp3A_1506, %get3A_1473 : vector<16xf32>
      %add3A_1536 = arith.addf %mul3A_1534, %mul3A_1535 : vector<16xf32>
      %mul3A_1537 = arith.mulf %add3A_1441, %broadcast_in_dim3A_1519 : vector<16xf32>
      %mul3A_1538 = arith.mulf %exp3A_1506, %get3A_1477 : vector<16xf32>
      %add3A_1539 = arith.addf %mul3A_1537, %mul3A_1538 : vector<16xf32>
      %mul3A_1540 = arith.mulf %add3A_1444, %broadcast_in_dim3A_1519 : vector<16xf32>
      %mul3A_1541 = arith.mulf %exp3A_1506, %get3A_1481 : vector<16xf32>
      %add3A_1542 = arith.addf %mul3A_1540, %mul3A_1541 : vector<16xf32>
      %mul3A_1543 = arith.mulf %add3A_1447, %broadcast_in_dim3A_1519 : vector<16xf32>
      %mul3A_1544 = arith.mulf %exp3A_1506, %get3A_1485 : vector<16xf32>
      %add3A_1545 = arith.addf %mul3A_1543, %mul3A_1544 : vector<16xf32>
      %mul3A_1546 = arith.constant 16 : i32
      %mul3A_1547 = arith.muli %scan3A_852, %mul3A_1546 : i32
      %add3A_1548 = arith.constant 7 : i32
      %add3A_1549 = arith.addi %mul3A_1547, %add3A_1548 : i32
      %mul3A_1550 = arith.constant 128 : i32
      %mul3A_1551 = arith.muli %add3A_1549, %mul3A_1550 : i32
      %add3A_1552 = arith.constant 0 : i32
      %add3A_1553 = arith.addi %mul3A_1551, %add3A_1552 : i32
      %get3A_1554 = arith.index_cast %add3A_1553 : i32 to index
      %get3A_1555 = tpu.vector_load %arg7[%get3A_1554] {strides = array<i32>} : memref<32768xf32, #tpu.memory_space<vmem>>, vector<16xf32>,
      %add3A_1556 = arith.constant 16 : i32
      %add3A_1557 = arith.addi %mul3A_1551, %add3A_1556 : i32
      %get3A_1558 = arith.index_cast %add3A_1557 : i32 to index
      %get3A_1559 = tpu.vector_load %arg7[%get3A_1558] {strides = array<i32>} : memref<32768xf32, #tpu.memory_space<vmem>>, vector<16xf32>,
      %add3A_1560 = arith.constant 32 : i32
      %add3A_1561 = arith.addi %mul3A_1551, %add3A_1560 : i32
      %get3A_1562 = arith.index_cast %add3A_1561 : i32 to index
      %get3A_1563 = tpu.vector_load %arg7[%get3A_1562] {strides = array<i32>} : memref<32768xf32, #tpu.memory_space<vmem>>, vector<16xf32>,
      %add3A_1564 = arith.constant 48 : i32
      %add3A_1565 = arith.addi %mul3A_1551, %add3A_1564 : i32
      %get3A_1566 = arith.index_cast %add3A_1565 : i32 to index
      %get3A_1567 = tpu.vector_load %arg7[%get3A_1566] {strides = array<i32>} : memref<32768xf32, #tpu.memory_space<vmem>>, vector<16xf32>,
      %add3A_1568 = arith.constant 64 : i32
      %add3A_1569 = arith.addi %mul3A_1551, %add3A_1568 : i32
      %get3A_1570 = arith.index_cast %add3A_1569 : i32 to index
      %get3A_1571 = tpu.vector_load %arg7[%get3A_1570] {strides = array<i32>} : memref<32768xf32, #tpu.memory_space<vmem>>, vector<16xf32>,
      %add3A_1572 = arith.constant 80 : i32
      %add3A_1573 = arith.addi %mul3A_1551, %add3A_1572 : i32
      %get3A_1574 = arith.index_cast %add3A_1573 : i32 to index
      %get3A_1575 = tpu.vector_load %arg7[%get3A_1574] {strides = array<i32>} : memref<32768xf32, #tpu.memory_space<vmem>>, vector<16xf32>,
      %add3A_1576 = arith.constant 96 : i32
      %add3A_1577 = arith.addi %mul3A_1551, %add3A_1576 : i32
      %get3A_1578 = arith.index_cast %add3A_1577 : i32 to index
      %get3A_1579 = tpu.vector_load %arg7[%get3A_1578] {strides = array<i32>} : memref<32768xf32, #tpu.memory_space<vmem>>, vector<16xf32>,
      %add3A_1580 = arith.constant 112 : i32
      %add3A_1581 = arith.addi %mul3A_1551, %add3A_1580 : i32
      %get3A_1582 = arith.index_cast %add3A_1581 : i32 to index
      %get3A_1583 = tpu.vector_load %arg7[%get3A_1582] {strides = array<i32>} : memref<32768xf32, #tpu.memory_space<vmem>>, vector<16xf32>,
      %mul3A_1584 = arith.mulf %get3A_1555, %get3A_31 : vector<16xf32>
      %mul3A_1585 = arith.mulf %get3A_1559, %get3A_33 : vector<16xf32>
      %add3A_1586 = arith.addf %mul3A_1584, %mul3A_1585 : vector<16xf32>
      %mul3A_1587 = arith.mulf %get3A_1563, %get3A_35 : vector<16xf32>
      %add3A_1588 = arith.addf %add3A_1586, %mul3A_1587 : vector<16xf32>
      %mul3A_1589 = arith.mulf %get3A_1567, %get3A_37 : vector<16xf32>
      %add3A_1590 = arith.addf %add3A_1588, %mul3A_1589 : vector<16xf32>
      %mul3A_1591 = arith.mulf %get3A_1571, %get3A_39 : vector<16xf32>
      %add3A_1592 = arith.addf %add3A_1590, %mul3A_1591 : vector<16xf32>
      %mul3A_1593 = arith.mulf %get3A_1575, %get3A_41 : vector<16xf32>
      %add3A_1594 = arith.addf %add3A_1592, %mul3A_1593 : vector<16xf32>
      %mul3A_1595 = arith.mulf %get3A_1579, %get3A_43 : vector<16xf32>
      %add3A_1596 = arith.addf %add3A_1594, %mul3A_1595 : vector<16xf32>
      %mul3A_1597 = arith.mulf %get3A_1583, %get3A_45 : vector<16xf32>
      %add3A_1598 = arith.addf %add3A_1596, %mul3A_1597 : vector<16xf32>
      %reduce_sum3A_1599 = arith.constant true
      %reduce_sum3A_1600 = vector.broadcast %reduce_sum3A_1599 : i1 to vector<16xi1>
      %reduce_sum3A_1601 = tpu.scan <sum>, %add3A_1598 masked %reduce_sum3A_1600 : vector<16xf32>, vector<16xi1> -> vector<16xf32>
      %reduce_sum3A_1602 = vector.extract %reduce_sum3A_1601[15] : f32 from vector<16xf32>
      %broadcast_in_dim3A_1603 = vector.broadcast %reduce_sum3A_1602 : f32 to vector<16xf32>
      %exp3A_1604 = math.exp %broadcast_in_dim3A_1603 : vector<16xf32>
      %mul3A_1605 = arith.constant 16 : i32
      %mul3A_1606 = arith.muli %add3A_1549, %mul3A_1605 : i32
      %swap3A_1607 = arith.index_cast %mul3A_1606 : i32 to index
      %swap3A_1608 = tpu.vector_load %arg8[%swap3A_1607] {strides = array<i32>} : memref<4096xf32, #tpu.memory_space<vmem>>, vector<16xf32>,
      tpu.vector_store %arg8[%swap3A_1607], %exp3A_1604 {strides = array<i32>} : memref<4096xf32, #tpu.memory_space<vmem>>, vector<16xf32>,
      %eq3A_1609 = arith.cmpi eq, %add3A_1549, %sub3A : i32
      %eq3A_1610 = arith.cmpi eq, %add3A_1549, %sub3A_48 : i32
      %or3A_1611 = arith.ori %eq3A_1609, %eq3A_1610 : i1
      %eq3A_1612 = arith.cmpi eq, %add3A_1549, %sub3A_49 : i32
      %or3A_1613 = arith.ori %or3A_1611, %eq3A_1612 : i1
      %jit3A_1614 = arith.constant 0.000000e+00 : f32
      %jit3A_1615 = arith.constant 1.000000e+00 : f32
      %select_n3A_1616 = arith.select %or3A_1613, %jit3A_1614, %jit3A_1615 : f32
      %broadcast_in_dim3A_1617 = vector.broadcast %select_n3A_1616 : f32 to vector<16xf32>
      %mul3A_1618 = arith.mulf %add3A_1521, %broadcast_in_dim3A_1617 : vector<16xf32>
      %add3A_1619 = arith.addf %mul3A_1618, %exp3A_1604 : vector<16xf32>
      %mul3A_1620 = arith.mulf %add3A_1524, %broadcast_in_dim3A_1617 : vector<16xf32>
      %mul3A_1621 = arith.mulf %exp3A_1604, %get3A_1555 : vector<16xf32>
      %add3A_1622 = arith.addf %mul3A_1620, %mul3A_1621 : vector<16xf32>
      %mul3A_1623 = arith.mulf %add3A_1527, %broadcast_in_dim3A_1617 : vector<16xf32>
      %mul3A_1624 = arith.mulf %exp3A_1604, %get3A_1559 : vector<16xf32>
      %add3A_1625 = arith.addf %mul3A_1623, %mul3A_1624 : vector<16xf32>
      %mul3A_1626 = arith.mulf %add3A_1530, %broadcast_in_dim3A_1617 : vector<16xf32>
      %mul3A_1627 = arith.mulf %exp3A_1604, %get3A_1563 : vector<16xf32>
      %add3A_1628 = arith.addf %mul3A_1626, %mul3A_1627 : vector<16xf32>
      %mul3A_1629 = arith.mulf %add3A_1533, %broadcast_in_dim3A_1617 : vector<16xf32>
      %mul3A_1630 = arith.mulf %exp3A_1604, %get3A_1567 : vector<16xf32>
      %add3A_1631 = arith.addf %mul3A_1629, %mul3A_1630 : vector<16xf32>
      %mul3A_1632 = arith.mulf %add3A_1536, %broadcast_in_dim3A_1617 : vector<16xf32>
      %mul3A_1633 = arith.mulf %exp3A_1604, %get3A_1571 : vector<16xf32>
      %add3A_1634 = arith.addf %mul3A_1632, %mul3A_1633 : vector<16xf32>
      %mul3A_1635 = arith.mulf %add3A_1539, %broadcast_in_dim3A_1617 : vector<16xf32>
      %mul3A_1636 = arith.mulf %exp3A_1604, %get3A_1575 : vector<16xf32>
      %add3A_1637 = arith.addf %mul3A_1635, %mul3A_1636 : vector<16xf32>
      %mul3A_1638 = arith.mulf %add3A_1542, %broadcast_in_dim3A_1617 : vector<16xf32>
      %mul3A_1639 = arith.mulf %exp3A_1604, %get3A_1579 : vector<16xf32>
      %add3A_1640 = arith.addf %mul3A_1638, %mul3A_1639 : vector<16xf32>
      %mul3A_1641 = arith.mulf %add3A_1545, %broadcast_in_dim3A_1617 : vector<16xf32>
      %mul3A_1642 = arith.mulf %exp3A_1604, %get3A_1583 : vector<16xf32>
      %add3A_1643 = arith.addf %mul3A_1641, %mul3A_1642 : vector<16xf32>
      %mul3A_1644 = arith.constant 16 : i32
      %mul3A_1645 = arith.muli %scan3A_852, %mul3A_1644 : i32
      %add3A_1646 = arith.constant 8 : i32
      %add3A_1647 = arith.addi %mul3A_1645, %add3A_1646 : i32
      %mul3A_1648 = arith.constant 128 : i32
      %mul3A_1649 = arith.muli %add3A_1647, %mul3A_1648 : i32
      %add3A_1650 = arith.constant 0 : i32
      %add3A_1651 = arith.addi %mul3A_1649, %add3A_1650 : i32
      %get3A_1652 = arith.index_cast %add3A_1651 : i32 to index
      %get3A_1653 = tpu.vector_load %arg7[%get3A_1652] {strides = array<i32>} : memref<32768xf32, #tpu.memory_space<vmem>>, vector<16xf32>,
      %add3A_1654 = arith.constant 16 : i32
      %add3A_1655 = arith.addi %mul3A_1649, %add3A_1654 : i32
      %get3A_1656 = arith.index_cast %add3A_1655 : i32 to index
      %get3A_1657 = tpu.vector_load %arg7[%get3A_1656] {strides = array<i32>} : memref<32768xf32, #tpu.memory_space<vmem>>, vector<16xf32>,
      %add3A_1658 = arith.constant 32 : i32
      %add3A_1659 = arith.addi %mul3A_1649, %add3A_1658 : i32
      %get3A_1660 = arith.index_cast %add3A_1659 : i32 to index
      %get3A_1661 = tpu.vector_load %arg7[%get3A_1660] {strides = array<i32>} : memref<32768xf32, #tpu.memory_space<vmem>>, vector<16xf32>,
      %add3A_1662 = arith.constant 48 : i32
      %add3A_1663 = arith.addi %mul3A_1649, %add3A_1662 : i32
      %get3A_1664 = arith.index_cast %add3A_1663 : i32 to index
      %get3A_1665 = tpu.vector_load %arg7[%get3A_1664] {strides = array<i32>} : memref<32768xf32, #tpu.memory_space<vmem>>, vector<16xf32>,
      %add3A_1666 = arith.constant 64 : i32
      %add3A_1667 = arith.addi %mul3A_1649, %add3A_1666 : i32
      %get3A_1668 = arith.index_cast %add3A_1667 : i32 to index
      %get3A_1669 = tpu.vector_load %arg7[%get3A_1668] {strides = array<i32>} : memref<32768xf32, #tpu.memory_space<vmem>>, vector<16xf32>,
      %add3A_1670 = arith.constant 80 : i32
      %add3A_1671 = arith.addi %mul3A_1649, %add3A_1670 : i32
      %get3A_1672 = arith.index_cast %add3A_1671 : i32 to index
      %get3A_1673 = tpu.vector_load %arg7[%get3A_1672] {strides = array<i32>} : memref<32768xf32, #tpu.memory_space<vmem>>, vector<16xf32>,
      %add3A_1674 = arith.constant 96 : i32
      %add3A_1675 = arith.addi %mul3A_1649, %add3A_1674 : i32
      %get3A_1676 = arith.index_cast %add3A_1675 : i32 to index
      %get3A_1677 = tpu.vector_load %arg7[%get3A_1676] {strides = array<i32>} : memref<32768xf32, #tpu.memory_space<vmem>>, vector<16xf32>,
      %add3A_1678 = arith.constant 112 : i32
      %add3A_1679 = arith.addi %mul3A_1649, %add3A_1678 : i32
      %get3A_1680 = arith.index_cast %add3A_1679 : i32 to index
      %get3A_1681 = tpu.vector_load %arg7[%get3A_1680] {strides = array<i32>} : memref<32768xf32, #tpu.memory_space<vmem>>, vector<16xf32>,
      %mul3A_1682 = arith.mulf %get3A_1653, %get3A_31 : vector<16xf32>
      %mul3A_1683 = arith.mulf %get3A_1657, %get3A_33 : vector<16xf32>
      %add3A_1684 = arith.addf %mul3A_1682, %mul3A_1683 : vector<16xf32>
      %mul3A_1685 = arith.mulf %get3A_1661, %get3A_35 : vector<16xf32>
      %add3A_1686 = arith.addf %add3A_1684, %mul3A_1685 : vector<16xf32>
      %mul3A_1687 = arith.mulf %get3A_1665, %get3A_37 : vector<16xf32>
      %add3A_1688 = arith.addf %add3A_1686, %mul3A_1687 : vector<16xf32>
      %mul3A_1689 = arith.mulf %get3A_1669, %get3A_39 : vector<16xf32>
      %add3A_1690 = arith.addf %add3A_1688, %mul3A_1689 : vector<16xf32>
      %mul3A_1691 = arith.mulf %get3A_1673, %get3A_41 : vector<16xf32>
      %add3A_1692 = arith.addf %add3A_1690, %mul3A_1691 : vector<16xf32>
      %mul3A_1693 = arith.mulf %get3A_1677, %get3A_43 : vector<16xf32>
      %add3A_1694 = arith.addf %add3A_1692, %mul3A_1693 : vector<16xf32>
      %mul3A_1695 = arith.mulf %get3A_1681, %get3A_45 : vector<16xf32>
      %add3A_1696 = arith.addf %add3A_1694, %mul3A_1695 : vector<16xf32>
      %reduce_sum3A_1697 = arith.constant true
      %reduce_sum3A_1698 = vector.broadcast %reduce_sum3A_1697 : i1 to vector<16xi1>
      %reduce_sum3A_1699 = tpu.scan <sum>, %add3A_1696 masked %reduce_sum3A_1698 : vector<16xf32>, vector<16xi1> -> vector<16xf32>
      %reduce_sum3A_1700 = vector.extract %reduce_sum3A_1699[15] : f32 from vector<16xf32>
      %broadcast_in_dim3A_1701 = vector.broadcast %reduce_sum3A_1700 : f32 to vector<16xf32>
      %exp3A_1702 = math.exp %broadcast_in_dim3A_1701 : vector<16xf32>
      %mul3A_1703 = arith.constant 16 : i32
      %mul3A_1704 = arith.muli %add3A_1647, %mul3A_1703 : i32
      %swap3A_1705 = arith.index_cast %mul3A_1704 : i32 to index
      %swap3A_1706 = tpu.vector_load %arg8[%swap3A_1705] {strides = array<i32>} : memref<4096xf32, #tpu.memory_space<vmem>>, vector<16xf32>,
      tpu.vector_store %arg8[%swap3A_1705], %exp3A_1702 {strides = array<i32>} : memref<4096xf32, #tpu.memory_space<vmem>>, vector<16xf32>,
      %eq3A_1707 = arith.cmpi eq, %add3A_1647, %sub3A : i32
      %eq3A_1708 = arith.cmpi eq, %add3A_1647, %sub3A_48 : i32
      %or3A_1709 = arith.ori %eq3A_1707, %eq3A_1708 : i1
      %eq3A_1710 = arith.cmpi eq, %add3A_1647, %sub3A_49 : i32
      %or3A_1711 = arith.ori %or3A_1709, %eq3A_1710 : i1
      %jit3A_1712 = arith.constant 0.000000e+00 : f32
      %jit3A_1713 = arith.constant 1.000000e+00 : f32
      %select_n3A_1714 = arith.select %or3A_1711, %jit3A_1712, %jit3A_1713 : f32
      %broadcast_in_dim3A_1715 = vector.broadcast %select_n3A_1714 : f32 to vector<16xf32>
      %mul3A_1716 = arith.mulf %add3A_1619, %broadcast_in_dim3A_1715 : vector<16xf32>
      %add3A_1717 = arith.addf %mul3A_1716, %exp3A_1702 : vector<16xf32>
      %mul3A_1718 = arith.mulf %add3A_1622, %broadcast_in_dim3A_1715 : vector<16xf32>
      %mul3A_1719 = arith.mulf %exp3A_1702, %get3A_1653 : vector<16xf32>
      %add3A_1720 = arith.addf %mul3A_1718, %mul3A_1719 : vector<16xf32>
      %mul3A_1721 = arith.mulf %add3A_1625, %broadcast_in_dim3A_1715 : vector<16xf32>
      %mul3A_1722 = arith.mulf %exp3A_1702, %get3A_1657 : vector<16xf32>
      %add3A_1723 = arith.addf %mul3A_1721, %mul3A_1722 : vector<16xf32>
      %mul3A_1724 = arith.mulf %add3A_1628, %broadcast_in_dim3A_1715 : vector<16xf32>
      %mul3A_1725 = arith.mulf %exp3A_1702, %get3A_1661 : vector<16xf32>
      %add3A_1726 = arith.addf %mul3A_1724, %mul3A_1725 : vector<16xf32>
      %mul3A_1727 = arith.mulf %add3A_1631, %broadcast_in_dim3A_1715 : vector<16xf32>
      %mul3A_1728 = arith.mulf %exp3A_1702, %get3A_1665 : vector<16xf32>
      %add3A_1729 = arith.addf %mul3A_1727, %mul3A_1728 : vector<16xf32>
      %mul3A_1730 = arith.mulf %add3A_1634, %broadcast_in_dim3A_1715 : vector<16xf32>
      %mul3A_1731 = arith.mulf %exp3A_1702, %get3A_1669 : vector<16xf32>
      %add3A_1732 = arith.addf %mul3A_1730, %mul3A_1731 : vector<16xf32>
      %mul3A_1733 = arith.mulf %add3A_1637, %broadcast_in_dim3A_1715 : vector<16xf32>
      %mul3A_1734 = arith.mulf %exp3A_1702, %get3A_1673 : vector<16xf32>
      %add3A_1735 = arith.addf %mul3A_1733, %mul3A_1734 : vector<16xf32>
      %mul3A_1736 = arith.mulf %add3A_1640, %broadcast_in_dim3A_1715 : vector<16xf32>
      %mul3A_1737 = arith.mulf %exp3A_1702, %get3A_1677 : vector<16xf32>
      %add3A_1738 = arith.addf %mul3A_1736, %mul3A_1737 : vector<16xf32>
      %mul3A_1739 = arith.mulf %add3A_1643, %broadcast_in_dim3A_1715 : vector<16xf32>
      %mul3A_1740 = arith.mulf %exp3A_1702, %get3A_1681 : vector<16xf32>
      %add3A_1741 = arith.addf %mul3A_1739, %mul3A_1740 : vector<16xf32>
      %mul3A_1742 = arith.constant 16 : i32
      %mul3A_1743 = arith.muli %scan3A_852, %mul3A_1742 : i32
      %add3A_1744 = arith.constant 9 : i32
      %add3A_1745 = arith.addi %mul3A_1743, %add3A_1744 : i32
      %mul3A_1746 = arith.constant 128 : i32
      %mul3A_1747 = arith.muli %add3A_1745, %mul3A_1746 : i32
      %add3A_1748 = arith.constant 0 : i32
      %add3A_1749 = arith.addi %mul3A_1747, %add3A_1748 : i32
      %get3A_1750 = arith.index_cast %add3A_1749 : i32 to index
      %get3A_1751 = tpu.vector_load %arg7[%get3A_1750] {strides = array<i32>} : memref<32768xf32, #tpu.memory_space<vmem>>, vector<16xf32>,
      %add3A_1752 = arith.constant 16 : i32
      %add3A_1753 = arith.addi %mul3A_1747, %add3A_1752 : i32
      %get3A_1754 = arith.index_cast %add3A_1753 : i32 to index
      %get3A_1755 = tpu.vector_load %arg7[%get3A_1754] {strides = array<i32>} : memref<32768xf32, #tpu.memory_space<vmem>>, vector<16xf32>,
      %add3A_1756 = arith.constant 32 : i32
      %add3A_1757 = arith.addi %mul3A_1747, %add3A_1756 : i32
      %get3A_1758 = arith.index_cast %add3A_1757 : i32 to index
      %get3A_1759 = tpu.vector_load %arg7[%get3A_1758] {strides = array<i32>} : memref<32768xf32, #tpu.memory_space<vmem>>, vector<16xf32>,
      %add3A_1760 = arith.constant 48 : i32
      %add3A_1761 = arith.addi %mul3A_1747, %add3A_1760 : i32
      %get3A_1762 = arith.index_cast %add3A_1761 : i32 to index
      %get3A_1763 = tpu.vector_load %arg7[%get3A_1762] {strides = array<i32>} : memref<32768xf32, #tpu.memory_space<vmem>>, vector<16xf32>,
      %add3A_1764 = arith.constant 64 : i32
      %add3A_1765 = arith.addi %mul3A_1747, %add3A_1764 : i32
      %get3A_1766 = arith.index_cast %add3A_1765 : i32 to index
      %get3A_1767 = tpu.vector_load %arg7[%get3A_1766] {strides = array<i32>} : memref<32768xf32, #tpu.memory_space<vmem>>, vector<16xf32>,
      %add3A_1768 = arith.constant 80 : i32
      %add3A_1769 = arith.addi %mul3A_1747, %add3A_1768 : i32
      %get3A_1770 = arith.index_cast %add3A_1769 : i32 to index
      %get3A_1771 = tpu.vector_load %arg7[%get3A_1770] {strides = array<i32>} : memref<32768xf32, #tpu.memory_space<vmem>>, vector<16xf32>,
      %add3A_1772 = arith.constant 96 : i32
      %add3A_1773 = arith.addi %mul3A_1747, %add3A_1772 : i32
      %get3A_1774 = arith.index_cast %add3A_1773 : i32 to index
      %get3A_1775 = tpu.vector_load %arg7[%get3A_1774] {strides = array<i32>} : memref<32768xf32, #tpu.memory_space<vmem>>, vector<16xf32>,
      %add3A_1776 = arith.constant 112 : i32
      %add3A_1777 = arith.addi %mul3A_1747, %add3A_1776 : i32
      %get3A_1778 = arith.index_cast %add3A_1777 : i32 to index
      %get3A_1779 = tpu.vector_load %arg7[%get3A_1778] {strides = array<i32>} : memref<32768xf32, #tpu.memory_space<vmem>>, vector<16xf32>,
      %mul3A_1780 = arith.mulf %get3A_1751, %get3A_31 : vector<16xf32>
      %mul3A_1781 = arith.mulf %get3A_1755, %get3A_33 : vector<16xf32>
      %add3A_1782 = arith.addf %mul3A_1780, %mul3A_1781 : vector<16xf32>
      %mul3A_1783 = arith.mulf %get3A_1759, %get3A_35 : vector<16xf32>
      %add3A_1784 = arith.addf %add3A_1782, %mul3A_1783 : vector<16xf32>
      %mul3A_1785 = arith.mulf %get3A_1763, %get3A_37 : vector<16xf32>
      %add3A_1786 = arith.addf %add3A_1784, %mul3A_1785 : vector<16xf32>
      %mul3A_1787 = arith.mulf %get3A_1767, %get3A_39 : vector<16xf32>
      %add3A_1788 = arith.addf %add3A_1786, %mul3A_1787 : vector<16xf32>
      %mul3A_1789 = arith.mulf %get3A_1771, %get3A_41 : vector<16xf32>
      %add3A_1790 = arith.addf %add3A_1788, %mul3A_1789 : vector<16xf32>
      %mul3A_1791 = arith.mulf %get3A_1775, %get3A_43 : vector<16xf32>
      %add3A_1792 = arith.addf %add3A_1790, %mul3A_1791 : vector<16xf32>
      %mul3A_1793 = arith.mulf %get3A_1779, %get3A_45 : vector<16xf32>
      %add3A_1794 = arith.addf %add3A_1792, %mul3A_1793 : vector<16xf32>
      %reduce_sum3A_1795 = arith.constant true
      %reduce_sum3A_1796 = vector.broadcast %reduce_sum3A_1795 : i1 to vector<16xi1>
      %reduce_sum3A_1797 = tpu.scan <sum>, %add3A_1794 masked %reduce_sum3A_1796 : vector<16xf32>, vector<16xi1> -> vector<16xf32>
      %reduce_sum3A_1798 = vector.extract %reduce_sum3A_1797[15] : f32 from vector<16xf32>
      %broadcast_in_dim3A_1799 = vector.broadcast %reduce_sum3A_1798 : f32 to vector<16xf32>
      %exp3A_1800 = math.exp %broadcast_in_dim3A_1799 : vector<16xf32>
      %mul3A_1801 = arith.constant 16 : i32
      %mul3A_1802 = arith.muli %add3A_1745, %mul3A_1801 : i32
      %swap3A_1803 = arith.index_cast %mul3A_1802 : i32 to index
      %swap3A_1804 = tpu.vector_load %arg8[%swap3A_1803] {strides = array<i32>} : memref<4096xf32, #tpu.memory_space<vmem>>, vector<16xf32>,
      tpu.vector_store %arg8[%swap3A_1803], %exp3A_1800 {strides = array<i32>} : memref<4096xf32, #tpu.memory_space<vmem>>, vector<16xf32>,
      %eq3A_1805 = arith.cmpi eq, %add3A_1745, %sub3A : i32
      %eq3A_1806 = arith.cmpi eq, %add3A_1745, %sub3A_48 : i32
      %or3A_1807 = arith.ori %eq3A_1805, %eq3A_1806 : i1
      %eq3A_1808 = arith.cmpi eq, %add3A_1745, %sub3A_49 : i32
      %or3A_1809 = arith.ori %or3A_1807, %eq3A_1808 : i1
      %jit3A_1810 = arith.constant 0.000000e+00 : f32
      %jit3A_1811 = arith.constant 1.000000e+00 : f32
      %select_n3A_1812 = arith.select %or3A_1809, %jit3A_1810, %jit3A_1811 : f32
      %broadcast_in_dim3A_1813 = vector.broadcast %select_n3A_1812 : f32 to vector<16xf32>
      %mul3A_1814 = arith.mulf %add3A_1717, %broadcast_in_dim3A_1813 : vector<16xf32>
      %add3A_1815 = arith.addf %mul3A_1814, %exp3A_1800 : vector<16xf32>
      %mul3A_1816 = arith.mulf %add3A_1720, %broadcast_in_dim3A_1813 : vector<16xf32>
      %mul3A_1817 = arith.mulf %exp3A_1800, %get3A_1751 : vector<16xf32>
      %add3A_1818 = arith.addf %mul3A_1816, %mul3A_1817 : vector<16xf32>
      %mul3A_1819 = arith.mulf %add3A_1723, %broadcast_in_dim3A_1813 : vector<16xf32>
      %mul3A_1820 = arith.mulf %exp3A_1800, %get3A_1755 : vector<16xf32>
      %add3A_1821 = arith.addf %mul3A_1819, %mul3A_1820 : vector<16xf32>
      %mul3A_1822 = arith.mulf %add3A_1726, %broadcast_in_dim3A_1813 : vector<16xf32>
      %mul3A_1823 = arith.mulf %exp3A_1800, %get3A_1759 : vector<16xf32>
      %add3A_1824 = arith.addf %mul3A_1822, %mul3A_1823 : vector<16xf32>
      %mul3A_1825 = arith.mulf %add3A_1729, %broadcast_in_dim3A_1813 : vector<16xf32>
      %mul3A_1826 = arith.mulf %exp3A_1800, %get3A_1763 : vector<16xf32>
      %add3A_1827 = arith.addf %mul3A_1825, %mul3A_1826 : vector<16xf32>
      %mul3A_1828 = arith.mulf %add3A_1732, %broadcast_in_dim3A_1813 : vector<16xf32>
      %mul3A_1829 = arith.mulf %exp3A_1800, %get3A_1767 : vector<16xf32>
      %add3A_1830 = arith.addf %mul3A_1828, %mul3A_1829 : vector<16xf32>
      %mul3A_1831 = arith.mulf %add3A_1735, %broadcast_in_dim3A_1813 : vector<16xf32>
      %mul3A_1832 = arith.mulf %exp3A_1800, %get3A_1771 : vector<16xf32>
      %add3A_1833 = arith.addf %mul3A_1831, %mul3A_1832 : vector<16xf32>
      %mul3A_1834 = arith.mulf %add3A_1738, %broadcast_in_dim3A_1813 : vector<16xf32>
      %mul3A_1835 = arith.mulf %exp3A_1800, %get3A_1775 : vector<16xf32>
      %add3A_1836 = arith.addf %mul3A_1834, %mul3A_1835 : vector<16xf32>
      %mul3A_1837 = arith.mulf %add3A_1741, %broadcast_in_dim3A_1813 : vector<16xf32>
      %mul3A_1838 = arith.mulf %exp3A_1800, %get3A_1779 : vector<16xf32>
      %add3A_1839 = arith.addf %mul3A_1837, %mul3A_1838 : vector<16xf32>
      %mul3A_1840 = arith.constant 16 : i32
      %mul3A_1841 = arith.muli %scan3A_852, %mul3A_1840 : i32
      %add3A_1842 = arith.constant 10 : i32
      %add3A_1843 = arith.addi %mul3A_1841, %add3A_1842 : i32
      %mul3A_1844 = arith.constant 128 : i32
      %mul3A_1845 = arith.muli %add3A_1843, %mul3A_1844 : i32
      %add3A_1846 = arith.constant 0 : i32
      %add3A_1847 = arith.addi %mul3A_1845, %add3A_1846 : i32
      %get3A_1848 = arith.index_cast %add3A_1847 : i32 to index
      %get3A_1849 = tpu.vector_load %arg7[%get3A_1848] {strides = array<i32>} : memref<32768xf32, #tpu.memory_space<vmem>>, vector<16xf32>,
      %add3A_1850 = arith.constant 16 : i32
      %add3A_1851 = arith.addi %mul3A_1845, %add3A_1850 : i32
      %get3A_1852 = arith.index_cast %add3A_1851 : i32 to index
      %get3A_1853 = tpu.vector_load %arg7[%get3A_1852] {strides = array<i32>} : memref<32768xf32, #tpu.memory_space<vmem>>, vector<16xf32>,
      %add3A_1854 = arith.constant 32 : i32
      %add3A_1855 = arith.addi %mul3A_1845, %add3A_1854 : i32
      %get3A_1856 = arith.index_cast %add3A_1855 : i32 to index
      %get3A_1857 = tpu.vector_load %arg7[%get3A_1856] {strides = array<i32>} : memref<32768xf32, #tpu.memory_space<vmem>>, vector<16xf32>,
      %add3A_1858 = arith.constant 48 : i32
      %add3A_1859 = arith.addi %mul3A_1845, %add3A_1858 : i32
      %get3A_1860 = arith.index_cast %add3A_1859 : i32 to index
      %get3A_1861 = tpu.vector_load %arg7[%get3A_1860] {strides = array<i32>} : memref<32768xf32, #tpu.memory_space<vmem>>, vector<16xf32>,
      %add3A_1862 = arith.constant 64 : i32
      %add3A_1863 = arith.addi %mul3A_1845, %add3A_1862 : i32
      %get3A_1864 = arith.index_cast %add3A_1863 : i32 to index
      %get3A_1865 = tpu.vector_load %arg7[%get3A_1864] {strides = array<i32>} : memref<32768xf32, #tpu.memory_space<vmem>>, vector<16xf32>,
      %add3A_1866 = arith.constant 80 : i32
      %add3A_1867 = arith.addi %mul3A_1845, %add3A_1866 : i32
      %get3A_1868 = arith.index_cast %add3A_1867 : i32 to index
      %get3A_1869 = tpu.vector_load %arg7[%get3A_1868] {strides = array<i32>} : memref<32768xf32, #tpu.memory_space<vmem>>, vector<16xf32>,
      %add3A_1870 = arith.constant 96 : i32
      %add3A_1871 = arith.addi %mul3A_1845, %add3A_1870 : i32
      %get3A_1872 = arith.index_cast %add3A_1871 : i32 to index
      %get3A_1873 = tpu.vector_load %arg7[%get3A_1872] {strides = array<i32>} : memref<32768xf32, #tpu.memory_space<vmem>>, vector<16xf32>,
      %add3A_1874 = arith.constant 112 : i32
      %add3A_1875 = arith.addi %mul3A_1845, %add3A_1874 : i32
      %get3A_1876 = arith.index_cast %add3A_1875 : i32 to index
      %get3A_1877 = tpu.vector_load %arg7[%get3A_1876] {strides = array<i32>} : memref<32768xf32, #tpu.memory_space<vmem>>, vector<16xf32>,
      %mul3A_1878 = arith.mulf %get3A_1849, %get3A_31 : vector<16xf32>
      %mul3A_1879 = arith.mulf %get3A_1853, %get3A_33 : vector<16xf32>
      %add3A_1880 = arith.addf %mul3A_1878, %mul3A_1879 : vector<16xf32>
      %mul3A_1881 = arith.mulf %get3A_1857, %get3A_35 : vector<16xf32>
      %add3A_1882 = arith.addf %add3A_1880, %mul3A_1881 : vector<16xf32>
      %mul3A_1883 = arith.mulf %get3A_1861, %get3A_37 : vector<16xf32>
      %add3A_1884 = arith.addf %add3A_1882, %mul3A_1883 : vector<16xf32>
      %mul3A_1885 = arith.mulf %get3A_1865, %get3A_39 : vector<16xf32>
      %add3A_1886 = arith.addf %add3A_1884, %mul3A_1885 : vector<16xf32>
      %mul3A_1887 = arith.mulf %get3A_1869, %get3A_41 : vector<16xf32>
      %add3A_1888 = arith.addf %add3A_1886, %mul3A_1887 : vector<16xf32>
      %mul3A_1889 = arith.mulf %get3A_1873, %get3A_43 : vector<16xf32>
      %add3A_1890 = arith.addf %add3A_1888, %mul3A_1889 : vector<16xf32>
      %mul3A_1891 = arith.mulf %get3A_1877, %get3A_45 : vector<16xf32>
      %add3A_1892 = arith.addf %add3A_1890, %mul3A_1891 : vector<16xf32>
      %reduce_sum3A_1893 = arith.constant true
      %reduce_sum3A_1894 = vector.broadcast %reduce_sum3A_1893 : i1 to vector<16xi1>
      %reduce_sum3A_1895 = tpu.scan <sum>, %add3A_1892 masked %reduce_sum3A_1894 : vector<16xf32>, vector<16xi1> -> vector<16xf32>
      %reduce_sum3A_1896 = vector.extract %reduce_sum3A_1895[15] : f32 from vector<16xf32>
      %broadcast_in_dim3A_1897 = vector.broadcast %reduce_sum3A_1896 : f32 to vector<16xf32>
      %exp3A_1898 = math.exp %broadcast_in_dim3A_1897 : vector<16xf32>
      %mul3A_1899 = arith.constant 16 : i32
      %mul3A_1900 = arith.muli %add3A_1843, %mul3A_1899 : i32
      %swap3A_1901 = arith.index_cast %mul3A_1900 : i32 to index
      %swap3A_1902 = tpu.vector_load %arg8[%swap3A_1901] {strides = array<i32>} : memref<4096xf32, #tpu.memory_space<vmem>>, vector<16xf32>,
      tpu.vector_store %arg8[%swap3A_1901], %exp3A_1898 {strides = array<i32>} : memref<4096xf32, #tpu.memory_space<vmem>>, vector<16xf32>,
      %eq3A_1903 = arith.cmpi eq, %add3A_1843, %sub3A : i32
      %eq3A_1904 = arith.cmpi eq, %add3A_1843, %sub3A_48 : i32
      %or3A_1905 = arith.ori %eq3A_1903, %eq3A_1904 : i1
      %eq3A_1906 = arith.cmpi eq, %add3A_1843, %sub3A_49 : i32
      %or3A_1907 = arith.ori %or3A_1905, %eq3A_1906 : i1
      %jit3A_1908 = arith.constant 0.000000e+00 : f32
      %jit3A_1909 = arith.constant 1.000000e+00 : f32
      %select_n3A_1910 = arith.select %or3A_1907, %jit3A_1908, %jit3A_1909 : f32
      %broadcast_in_dim3A_1911 = vector.broadcast %select_n3A_1910 : f32 to vector<16xf32>
      %mul3A_1912 = arith.mulf %add3A_1815, %broadcast_in_dim3A_1911 : vector<16xf32>
      %add3A_1913 = arith.addf %mul3A_1912, %exp3A_1898 : vector<16xf32>
      %mul3A_1914 = arith.mulf %add3A_1818, %broadcast_in_dim3A_1911 : vector<16xf32>
      %mul3A_1915 = arith.mulf %exp3A_1898, %get3A_1849 : vector<16xf32>
      %add3A_1916 = arith.addf %mul3A_1914, %mul3A_1915 : vector<16xf32>
      %mul3A_1917 = arith.mulf %add3A_1821, %broadcast_in_dim3A_1911 : vector<16xf32>
      %mul3A_1918 = arith.mulf %exp3A_1898, %get3A_1853 : vector<16xf32>
      %add3A_1919 = arith.addf %mul3A_1917, %mul3A_1918 : vector<16xf32>
      %mul3A_1920 = arith.mulf %add3A_1824, %broadcast_in_dim3A_1911 : vector<16xf32>
      %mul3A_1921 = arith.mulf %exp3A_1898, %get3A_1857 : vector<16xf32>
      %add3A_1922 = arith.addf %mul3A_1920, %mul3A_1921 : vector<16xf32>
      %mul3A_1923 = arith.mulf %add3A_1827, %broadcast_in_dim3A_1911 : vector<16xf32>
      %mul3A_1924 = arith.mulf %exp3A_1898, %get3A_1861 : vector<16xf32>
      %add3A_1925 = arith.addf %mul3A_1923, %mul3A_1924 : vector<16xf32>
      %mul3A_1926 = arith.mulf %add3A_1830, %broadcast_in_dim3A_1911 : vector<16xf32>
      %mul3A_1927 = arith.mulf %exp3A_1898, %get3A_1865 : vector<16xf32>
      %add3A_1928 = arith.addf %mul3A_1926, %mul3A_1927 : vector<16xf32>
      %mul3A_1929 = arith.mulf %add3A_1833, %broadcast_in_dim3A_1911 : vector<16xf32>
      %mul3A_1930 = arith.mulf %exp3A_1898, %get3A_1869 : vector<16xf32>
      %add3A_1931 = arith.addf %mul3A_1929, %mul3A_1930 : vector<16xf32>
      %mul3A_1932 = arith.mulf %add3A_1836, %broadcast_in_dim3A_1911 : vector<16xf32>
      %mul3A_1933 = arith.mulf %exp3A_1898, %get3A_1873 : vector<16xf32>
      %add3A_1934 = arith.addf %mul3A_1932, %mul3A_1933 : vector<16xf32>
      %mul3A_1935 = arith.mulf %add3A_1839, %broadcast_in_dim3A_1911 : vector<16xf32>
      %mul3A_1936 = arith.mulf %exp3A_1898, %get3A_1877 : vector<16xf32>
      %add3A_1937 = arith.addf %mul3A_1935, %mul3A_1936 : vector<16xf32>
      %mul3A_1938 = arith.constant 16 : i32
      %mul3A_1939 = arith.muli %scan3A_852, %mul3A_1938 : i32
      %add3A_1940 = arith.constant 11 : i32
      %add3A_1941 = arith.addi %mul3A_1939, %add3A_1940 : i32
      %mul3A_1942 = arith.constant 128 : i32
      %mul3A_1943 = arith.muli %add3A_1941, %mul3A_1942 : i32
      %add3A_1944 = arith.constant 0 : i32
      %add3A_1945 = arith.addi %mul3A_1943, %add3A_1944 : i32
      %get3A_1946 = arith.index_cast %add3A_1945 : i32 to index
      %get3A_1947 = tpu.vector_load %arg7[%get3A_1946] {strides = array<i32>} : memref<32768xf32, #tpu.memory_space<vmem>>, vector<16xf32>,
      %add3A_1948 = arith.constant 16 : i32
      %add3A_1949 = arith.addi %mul3A_1943, %add3A_1948 : i32
      %get3A_1950 = arith.index_cast %add3A_1949 : i32 to index
      %get3A_1951 = tpu.vector_load %arg7[%get3A_1950] {strides = array<i32>} : memref<32768xf32, #tpu.memory_space<vmem>>, vector<16xf32>,
      %add3A_1952 = arith.constant 32 : i32
      %add3A_1953 = arith.addi %mul3A_1943, %add3A_1952 : i32
      %get3A_1954 = arith.index_cast %add3A_1953 : i32 to index
      %get3A_1955 = tpu.vector_load %arg7[%get3A_1954] {strides = array<i32>} : memref<32768xf32, #tpu.memory_space<vmem>>, vector<16xf32>,
      %add3A_1956 = arith.constant 48 : i32
      %add3A_1957 = arith.addi %mul3A_1943, %add3A_1956 : i32
      %get3A_1958 = arith.index_cast %add3A_1957 : i32 to index
      %get3A_1959 = tpu.vector_load %arg7[%get3A_1958] {strides = array<i32>} : memref<32768xf32, #tpu.memory_space<vmem>>, vector<16xf32>,
      %add3A_1960 = arith.constant 64 : i32
      %add3A_1961 = arith.addi %mul3A_1943, %add3A_1960 : i32
      %get3A_1962 = arith.index_cast %add3A_1961 : i32 to index
      %get3A_1963 = tpu.vector_load %arg7[%get3A_1962] {strides = array<i32>} : memref<32768xf32, #tpu.memory_space<vmem>>, vector<16xf32>,
      %add3A_1964 = arith.constant 80 : i32
      %add3A_1965 = arith.addi %mul3A_1943, %add3A_1964 : i32
      %get3A_1966 = arith.index_cast %add3A_1965 : i32 to index
      %get3A_1967 = tpu.vector_load %arg7[%get3A_1966] {strides = array<i32>} : memref<32768xf32, #tpu.memory_space<vmem>>, vector<16xf32>,
      %add3A_1968 = arith.constant 96 : i32
      %add3A_1969 = arith.addi %mul3A_1943, %add3A_1968 : i32
      %get3A_1970 = arith.index_cast %add3A_1969 : i32 to index
      %get3A_1971 = tpu.vector_load %arg7[%get3A_1970] {strides = array<i32>} : memref<32768xf32, #tpu.memory_space<vmem>>, vector<16xf32>,
      %add3A_1972 = arith.constant 112 : i32
      %add3A_1973 = arith.addi %mul3A_1943, %add3A_1972 : i32
      %get3A_1974 = arith.index_cast %add3A_1973 : i32 to index
      %get3A_1975 = tpu.vector_load %arg7[%get3A_1974] {strides = array<i32>} : memref<32768xf32, #tpu.memory_space<vmem>>, vector<16xf32>,
      %mul3A_1976 = arith.mulf %get3A_1947, %get3A_31 : vector<16xf32>
      %mul3A_1977 = arith.mulf %get3A_1951, %get3A_33 : vector<16xf32>
      %add3A_1978 = arith.addf %mul3A_1976, %mul3A_1977 : vector<16xf32>
      %mul3A_1979 = arith.mulf %get3A_1955, %get3A_35 : vector<16xf32>
      %add3A_1980 = arith.addf %add3A_1978, %mul3A_1979 : vector<16xf32>
      %mul3A_1981 = arith.mulf %get3A_1959, %get3A_37 : vector<16xf32>
      %add3A_1982 = arith.addf %add3A_1980, %mul3A_1981 : vector<16xf32>
      %mul3A_1983 = arith.mulf %get3A_1963, %get3A_39 : vector<16xf32>
      %add3A_1984 = arith.addf %add3A_1982, %mul3A_1983 : vector<16xf32>
      %mul3A_1985 = arith.mulf %get3A_1967, %get3A_41 : vector<16xf32>
      %add3A_1986 = arith.addf %add3A_1984, %mul3A_1985 : vector<16xf32>
      %mul3A_1987 = arith.mulf %get3A_1971, %get3A_43 : vector<16xf32>
      %add3A_1988 = arith.addf %add3A_1986, %mul3A_1987 : vector<16xf32>
      %mul3A_1989 = arith.mulf %get3A_1975, %get3A_45 : vector<16xf32>
      %add3A_1990 = arith.addf %add3A_1988, %mul3A_1989 : vector<16xf32>
      %reduce_sum3A_1991 = arith.constant true
      %reduce_sum3A_1992 = vector.broadcast %reduce_sum3A_1991 : i1 to vector<16xi1>
      %reduce_sum3A_1993 = tpu.scan <sum>, %add3A_1990 masked %reduce_sum3A_1992 : vector<16xf32>, vector<16xi1> -> vector<16xf32>
      %reduce_sum3A_1994 = vector.extract %reduce_sum3A_1993[15] : f32 from vector<16xf32>
      %broadcast_in_dim3A_1995 = vector.broadcast %reduce_sum3A_1994 : f32 to vector<16xf32>
      %exp3A_1996 = math.exp %broadcast_in_dim3A_1995 : vector<16xf32>
      %mul3A_1997 = arith.constant 16 : i32
      %mul3A_1998 = arith.muli %add3A_1941, %mul3A_1997 : i32
      %swap3A_1999 = arith.index_cast %mul3A_1998 : i32 to index
      %swap3A_2000 = tpu.vector_load %arg8[%swap3A_1999] {strides = array<i32>} : memref<4096xf32, #tpu.memory_space<vmem>>, vector<16xf32>,
      tpu.vector_store %arg8[%swap3A_1999], %exp3A_1996 {strides = array<i32>} : memref<4096xf32, #tpu.memory_space<vmem>>, vector<16xf32>,
      %eq3A_2001 = arith.cmpi eq, %add3A_1941, %sub3A : i32
      %eq3A_2002 = arith.cmpi eq, %add3A_1941, %sub3A_48 : i32
      %or3A_2003 = arith.ori %eq3A_2001, %eq3A_2002 : i1
      %eq3A_2004 = arith.cmpi eq, %add3A_1941, %sub3A_49 : i32
      %or3A_2005 = arith.ori %or3A_2003, %eq3A_2004 : i1
      %jit3A_2006 = arith.constant 0.000000e+00 : f32
      %jit3A_2007 = arith.constant 1.000000e+00 : f32
      %select_n3A_2008 = arith.select %or3A_2005, %jit3A_2006, %jit3A_2007 : f32
      %broadcast_in_dim3A_2009 = vector.broadcast %select_n3A_2008 : f32 to vector<16xf32>
      %mul3A_2010 = arith.mulf %add3A_1913, %broadcast_in_dim3A_2009 : vector<16xf32>
      %add3A_2011 = arith.addf %mul3A_2010, %exp3A_1996 : vector<16xf32>
      %mul3A_2012 = arith.mulf %add3A_1916, %broadcast_in_dim3A_2009 : vector<16xf32>
      %mul3A_2013 = arith.mulf %exp3A_1996, %get3A_1947 : vector<16xf32>
      %add3A_2014 = arith.addf %mul3A_2012, %mul3A_2013 : vector<16xf32>
      %mul3A_2015 = arith.mulf %add3A_1919, %broadcast_in_dim3A_2009 : vector<16xf32>
      %mul3A_2016 = arith.mulf %exp3A_1996, %get3A_1951 : vector<16xf32>
      %add3A_2017 = arith.addf %mul3A_2015, %mul3A_2016 : vector<16xf32>
      %mul3A_2018 = arith.mulf %add3A_1922, %broadcast_in_dim3A_2009 : vector<16xf32>
      %mul3A_2019 = arith.mulf %exp3A_1996, %get3A_1955 : vector<16xf32>
      %add3A_2020 = arith.addf %mul3A_2018, %mul3A_2019 : vector<16xf32>
      %mul3A_2021 = arith.mulf %add3A_1925, %broadcast_in_dim3A_2009 : vector<16xf32>
      %mul3A_2022 = arith.mulf %exp3A_1996, %get3A_1959 : vector<16xf32>
      %add3A_2023 = arith.addf %mul3A_2021, %mul3A_2022 : vector<16xf32>
      %mul3A_2024 = arith.mulf %add3A_1928, %broadcast_in_dim3A_2009 : vector<16xf32>
      %mul3A_2025 = arith.mulf %exp3A_1996, %get3A_1963 : vector<16xf32>
      %add3A_2026 = arith.addf %mul3A_2024, %mul3A_2025 : vector<16xf32>
      %mul3A_2027 = arith.mulf %add3A_1931, %broadcast_in_dim3A_2009 : vector<16xf32>
      %mul3A_2028 = arith.mulf %exp3A_1996, %get3A_1967 : vector<16xf32>
      %add3A_2029 = arith.addf %mul3A_2027, %mul3A_2028 : vector<16xf32>
      %mul3A_2030 = arith.mulf %add3A_1934, %broadcast_in_dim3A_2009 : vector<16xf32>
      %mul3A_2031 = arith.mulf %exp3A_1996, %get3A_1971 : vector<16xf32>
      %add3A_2032 = arith.addf %mul3A_2030, %mul3A_2031 : vector<16xf32>
      %mul3A_2033 = arith.mulf %add3A_1937, %broadcast_in_dim3A_2009 : vector<16xf32>
      %mul3A_2034 = arith.mulf %exp3A_1996, %get3A_1975 : vector<16xf32>
      %add3A_2035 = arith.addf %mul3A_2033, %mul3A_2034 : vector<16xf32>
      %mul3A_2036 = arith.constant 16 : i32
      %mul3A_2037 = arith.muli %scan3A_852, %mul3A_2036 : i32
      %add3A_2038 = arith.constant 12 : i32
      %add3A_2039 = arith.addi %mul3A_2037, %add3A_2038 : i32
      %mul3A_2040 = arith.constant 128 : i32
      %mul3A_2041 = arith.muli %add3A_2039, %mul3A_2040 : i32
      %add3A_2042 = arith.constant 0 : i32
      %add3A_2043 = arith.addi %mul3A_2041, %add3A_2042 : i32
      %get3A_2044 = arith.index_cast %add3A_2043 : i32 to index
      %get3A_2045 = tpu.vector_load %arg7[%get3A_2044] {strides = array<i32>} : memref<32768xf32, #tpu.memory_space<vmem>>, vector<16xf32>,
      %add3A_2046 = arith.constant 16 : i32
      %add3A_2047 = arith.addi %mul3A_2041, %add3A_2046 : i32
      %get3A_2048 = arith.index_cast %add3A_2047 : i32 to index
      %get3A_2049 = tpu.vector_load %arg7[%get3A_2048] {strides = array<i32>} : memref<32768xf32, #tpu.memory_space<vmem>>, vector<16xf32>,
      %add3A_2050 = arith.constant 32 : i32
      %add3A_2051 = arith.addi %mul3A_2041, %add3A_2050 : i32
      %get3A_2052 = arith.index_cast %add3A_2051 : i32 to index
      %get3A_2053 = tpu.vector_load %arg7[%get3A_2052] {strides = array<i32>} : memref<32768xf32, #tpu.memory_space<vmem>>, vector<16xf32>,
      %add3A_2054 = arith.constant 48 : i32
      %add3A_2055 = arith.addi %mul3A_2041, %add3A_2054 : i32
      %get3A_2056 = arith.index_cast %add3A_2055 : i32 to index
      %get3A_2057 = tpu.vector_load %arg7[%get3A_2056] {strides = array<i32>} : memref<32768xf32, #tpu.memory_space<vmem>>, vector<16xf32>,
      %add3A_2058 = arith.constant 64 : i32
      %add3A_2059 = arith.addi %mul3A_2041, %add3A_2058 : i32
      %get3A_2060 = arith.index_cast %add3A_2059 : i32 to index
      %get3A_2061 = tpu.vector_load %arg7[%get3A_2060] {strides = array<i32>} : memref<32768xf32, #tpu.memory_space<vmem>>, vector<16xf32>,
      %add3A_2062 = arith.constant 80 : i32
      %add3A_2063 = arith.addi %mul3A_2041, %add3A_2062 : i32
      %get3A_2064 = arith.index_cast %add3A_2063 : i32 to index
      %get3A_2065 = tpu.vector_load %arg7[%get3A_2064] {strides = array<i32>} : memref<32768xf32, #tpu.memory_space<vmem>>, vector<16xf32>,
      %add3A_2066 = arith.constant 96 : i32
      %add3A_2067 = arith.addi %mul3A_2041, %add3A_2066 : i32
      %get3A_2068 = arith.index_cast %add3A_2067 : i32 to index
      %get3A_2069 = tpu.vector_load %arg7[%get3A_2068] {strides = array<i32>} : memref<32768xf32, #tpu.memory_space<vmem>>, vector<16xf32>,
      %add3A_2070 = arith.constant 112 : i32
      %add3A_2071 = arith.addi %mul3A_2041, %add3A_2070 : i32
      %get3A_2072 = arith.index_cast %add3A_2071 : i32 to index
      %get3A_2073 = tpu.vector_load %arg7[%get3A_2072] {strides = array<i32>} : memref<32768xf32, #tpu.memory_space<vmem>>, vector<16xf32>,
      %mul3A_2074 = arith.mulf %get3A_2045, %get3A_31 : vector<16xf32>
      %mul3A_2075 = arith.mulf %get3A_2049, %get3A_33 : vector<16xf32>
      %add3A_2076 = arith.addf %mul3A_2074, %mul3A_2075 : vector<16xf32>
      %mul3A_2077 = arith.mulf %get3A_2053, %get3A_35 : vector<16xf32>
      %add3A_2078 = arith.addf %add3A_2076, %mul3A_2077 : vector<16xf32>
      %mul3A_2079 = arith.mulf %get3A_2057, %get3A_37 : vector<16xf32>
      %add3A_2080 = arith.addf %add3A_2078, %mul3A_2079 : vector<16xf32>
      %mul3A_2081 = arith.mulf %get3A_2061, %get3A_39 : vector<16xf32>
      %add3A_2082 = arith.addf %add3A_2080, %mul3A_2081 : vector<16xf32>
      %mul3A_2083 = arith.mulf %get3A_2065, %get3A_41 : vector<16xf32>
      %add3A_2084 = arith.addf %add3A_2082, %mul3A_2083 : vector<16xf32>
      %mul3A_2085 = arith.mulf %get3A_2069, %get3A_43 : vector<16xf32>
      %add3A_2086 = arith.addf %add3A_2084, %mul3A_2085 : vector<16xf32>
      %mul3A_2087 = arith.mulf %get3A_2073, %get3A_45 : vector<16xf32>
      %add3A_2088 = arith.addf %add3A_2086, %mul3A_2087 : vector<16xf32>
      %reduce_sum3A_2089 = arith.constant true
      %reduce_sum3A_2090 = vector.broadcast %reduce_sum3A_2089 : i1 to vector<16xi1>
      %reduce_sum3A_2091 = tpu.scan <sum>, %add3A_2088 masked %reduce_sum3A_2090 : vector<16xf32>, vector<16xi1> -> vector<16xf32>
      %reduce_sum3A_2092 = vector.extract %reduce_sum3A_2091[15] : f32 from vector<16xf32>
      %broadcast_in_dim3A_2093 = vector.broadcast %reduce_sum3A_2092 : f32 to vector<16xf32>
      %exp3A_2094 = math.exp %broadcast_in_dim3A_2093 : vector<16xf32>
      %mul3A_2095 = arith.constant 16 : i32
      %mul3A_2096 = arith.muli %add3A_2039, %mul3A_2095 : i32
      %swap3A_2097 = arith.index_cast %mul3A_2096 : i32 to index
      %swap3A_2098 = tpu.vector_load %arg8[%swap3A_2097] {strides = array<i32>} : memref<4096xf32, #tpu.memory_space<vmem>>, vector<16xf32>,
      tpu.vector_store %arg8[%swap3A_2097], %exp3A_2094 {strides = array<i32>} : memref<4096xf32, #tpu.memory_space<vmem>>, vector<16xf32>,
      %eq3A_2099 = arith.cmpi eq, %add3A_2039, %sub3A : i32
      %eq3A_2100 = arith.cmpi eq, %add3A_2039, %sub3A_48 : i32
      %or3A_2101 = arith.ori %eq3A_2099, %eq3A_2100 : i1
      %eq3A_2102 = arith.cmpi eq, %add3A_2039, %sub3A_49 : i32
      %or3A_2103 = arith.ori %or3A_2101, %eq3A_2102 : i1
      %jit3A_2104 = arith.constant 0.000000e+00 : f32
      %jit3A_2105 = arith.constant 1.000000e+00 : f32
      %select_n3A_2106 = arith.select %or3A_2103, %jit3A_2104, %jit3A_2105 : f32
      %broadcast_in_dim3A_2107 = vector.broadcast %select_n3A_2106 : f32 to vector<16xf32>
      %mul3A_2108 = arith.mulf %add3A_2011, %broadcast_in_dim3A_2107 : vector<16xf32>
      %add3A_2109 = arith.addf %mul3A_2108, %exp3A_2094 : vector<16xf32>
      %mul3A_2110 = arith.mulf %add3A_2014, %broadcast_in_dim3A_2107 : vector<16xf32>
      %mul3A_2111 = arith.mulf %exp3A_2094, %get3A_2045 : vector<16xf32>
      %add3A_2112 = arith.addf %mul3A_2110, %mul3A_2111 : vector<16xf32>
      %mul3A_2113 = arith.mulf %add3A_2017, %broadcast_in_dim3A_2107 : vector<16xf32>
      %mul3A_2114 = arith.mulf %exp3A_2094, %get3A_2049 : vector<16xf32>
      %add3A_2115 = arith.addf %mul3A_2113, %mul3A_2114 : vector<16xf32>
      %mul3A_2116 = arith.mulf %add3A_2020, %broadcast_in_dim3A_2107 : vector<16xf32>
      %mul3A_2117 = arith.mulf %exp3A_2094, %get3A_2053 : vector<16xf32>
      %add3A_2118 = arith.addf %mul3A_2116, %mul3A_2117 : vector<16xf32>
      %mul3A_2119 = arith.mulf %add3A_2023, %broadcast_in_dim3A_2107 : vector<16xf32>
      %mul3A_2120 = arith.mulf %exp3A_2094, %get3A_2057 : vector<16xf32>
      %add3A_2121 = arith.addf %mul3A_2119, %mul3A_2120 : vector<16xf32>
      %mul3A_2122 = arith.mulf %add3A_2026, %broadcast_in_dim3A_2107 : vector<16xf32>
      %mul3A_2123 = arith.mulf %exp3A_2094, %get3A_2061 : vector<16xf32>
      %add3A_2124 = arith.addf %mul3A_2122, %mul3A_2123 : vector<16xf32>
      %mul3A_2125 = arith.mulf %add3A_2029, %broadcast_in_dim3A_2107 : vector<16xf32>
      %mul3A_2126 = arith.mulf %exp3A_2094, %get3A_2065 : vector<16xf32>
      %add3A_2127 = arith.addf %mul3A_2125, %mul3A_2126 : vector<16xf32>
      %mul3A_2128 = arith.mulf %add3A_2032, %broadcast_in_dim3A_2107 : vector<16xf32>
      %mul3A_2129 = arith.mulf %exp3A_2094, %get3A_2069 : vector<16xf32>
      %add3A_2130 = arith.addf %mul3A_2128, %mul3A_2129 : vector<16xf32>
      %mul3A_2131 = arith.mulf %add3A_2035, %broadcast_in_dim3A_2107 : vector<16xf32>
      %mul3A_2132 = arith.mulf %exp3A_2094, %get3A_2073 : vector<16xf32>
      %add3A_2133 = arith.addf %mul3A_2131, %mul3A_2132 : vector<16xf32>
      %mul3A_2134 = arith.constant 16 : i32
      %mul3A_2135 = arith.muli %scan3A_852, %mul3A_2134 : i32
      %add3A_2136 = arith.constant 13 : i32
      %add3A_2137 = arith.addi %mul3A_2135, %add3A_2136 : i32
      %mul3A_2138 = arith.constant 128 : i32
      %mul3A_2139 = arith.muli %add3A_2137, %mul3A_2138 : i32
      %add3A_2140 = arith.constant 0 : i32
      %add3A_2141 = arith.addi %mul3A_2139, %add3A_2140 : i32
      %get3A_2142 = arith.index_cast %add3A_2141 : i32 to index
      %get3A_2143 = tpu.vector_load %arg7[%get3A_2142] {strides = array<i32>} : memref<32768xf32, #tpu.memory_space<vmem>>, vector<16xf32>,
      %add3A_2144 = arith.constant 16 : i32
      %add3A_2145 = arith.addi %mul3A_2139, %add3A_2144 : i32
      %get3A_2146 = arith.index_cast %add3A_2145 : i32 to index
      %get3A_2147 = tpu.vector_load %arg7[%get3A_2146] {strides = array<i32>} : memref<32768xf32, #tpu.memory_space<vmem>>, vector<16xf32>,
      %add3A_2148 = arith.constant 32 : i32
      %add3A_2149 = arith.addi %mul3A_2139, %add3A_2148 : i32
      %get3A_2150 = arith.index_cast %add3A_2149 : i32 to index
      %get3A_2151 = tpu.vector_load %arg7[%get3A_2150] {strides = array<i32>} : memref<32768xf32, #tpu.memory_space<vmem>>, vector<16xf32>,
      %add3A_2152 = arith.constant 48 : i32
      %add3A_2153 = arith.addi %mul3A_2139, %add3A_2152 : i32
      %get3A_2154 = arith.index_cast %add3A_2153 : i32 to index
      %get3A_2155 = tpu.vector_load %arg7[%get3A_2154] {strides = array<i32>} : memref<32768xf32, #tpu.memory_space<vmem>>, vector<16xf32>,
      %add3A_2156 = arith.constant 64 : i32
      %add3A_2157 = arith.addi %mul3A_2139, %add3A_2156 : i32
      %get3A_2158 = arith.index_cast %add3A_2157 : i32 to index
      %get3A_2159 = tpu.vector_load %arg7[%get3A_2158] {strides = array<i32>} : memref<32768xf32, #tpu.memory_space<vmem>>, vector<16xf32>,
      %add3A_2160 = arith.constant 80 : i32
      %add3A_2161 = arith.addi %mul3A_2139, %add3A_2160 : i32
      %get3A_2162 = arith.index_cast %add3A_2161 : i32 to index
      %get3A_2163 = tpu.vector_load %arg7[%get3A_2162] {strides = array<i32>} : memref<32768xf32, #tpu.memory_space<vmem>>, vector<16xf32>,
      %add3A_2164 = arith.constant 96 : i32
      %add3A_2165 = arith.addi %mul3A_2139, %add3A_2164 : i32
      %get3A_2166 = arith.index_cast %add3A_2165 : i32 to index
      %get3A_2167 = tpu.vector_load %arg7[%get3A_2166] {strides = array<i32>} : memref<32768xf32, #tpu.memory_space<vmem>>, vector<16xf32>,
      %add3A_2168 = arith.constant 112 : i32
      %add3A_2169 = arith.addi %mul3A_2139, %add3A_2168 : i32
      %get3A_2170 = arith.index_cast %add3A_2169 : i32 to index
      %get3A_2171 = tpu.vector_load %arg7[%get3A_2170] {strides = array<i32>} : memref<32768xf32, #tpu.memory_space<vmem>>, vector<16xf32>,
      %mul3A_2172 = arith.mulf %get3A_2143, %get3A_31 : vector<16xf32>
      %mul3A_2173 = arith.mulf %get3A_2147, %get3A_33 : vector<16xf32>
      %add3A_2174 = arith.addf %mul3A_2172, %mul3A_2173 : vector<16xf32>
      %mul3A_2175 = arith.mulf %get3A_2151, %get3A_35 : vector<16xf32>
      %add3A_2176 = arith.addf %add3A_2174, %mul3A_2175 : vector<16xf32>
      %mul3A_2177 = arith.mulf %get3A_2155, %get3A_37 : vector<16xf32>
      %add3A_2178 = arith.addf %add3A_2176, %mul3A_2177 : vector<16xf32>
      %mul3A_2179 = arith.mulf %get3A_2159, %get3A_39 : vector<16xf32>
      %add3A_2180 = arith.addf %add3A_2178, %mul3A_2179 : vector<16xf32>
      %mul3A_2181 = arith.mulf %get3A_2163, %get3A_41 : vector<16xf32>
      %add3A_2182 = arith.addf %add3A_2180, %mul3A_2181 : vector<16xf32>
      %mul3A_2183 = arith.mulf %get3A_2167, %get3A_43 : vector<16xf32>
      %add3A_2184 = arith.addf %add3A_2182, %mul3A_2183 : vector<16xf32>
      %mul3A_2185 = arith.mulf %get3A_2171, %get3A_45 : vector<16xf32>
      %add3A_2186 = arith.addf %add3A_2184, %mul3A_2185 : vector<16xf32>
      %reduce_sum3A_2187 = arith.constant true
      %reduce_sum3A_2188 = vector.broadcast %reduce_sum3A_2187 : i1 to vector<16xi1>
      %reduce_sum3A_2189 = tpu.scan <sum>, %add3A_2186 masked %reduce_sum3A_2188 : vector<16xf32>, vector<16xi1> -> vector<16xf32>
      %reduce_sum3A_2190 = vector.extract %reduce_sum3A_2189[15] : f32 from vector<16xf32>
      %broadcast_in_dim3A_2191 = vector.broadcast %reduce_sum3A_2190 : f32 to vector<16xf32>
      %exp3A_2192 = math.exp %broadcast_in_dim3A_2191 : vector<16xf32>
      %mul3A_2193 = arith.constant 16 : i32
      %mul3A_2194 = arith.muli %add3A_2137, %mul3A_2193 : i32
      %swap3A_2195 = arith.index_cast %mul3A_2194 : i32 to index
      %swap3A_2196 = tpu.vector_load %arg8[%swap3A_2195] {strides = array<i32>} : memref<4096xf32, #tpu.memory_space<vmem>>, vector<16xf32>,
      tpu.vector_store %arg8[%swap3A_2195], %exp3A_2192 {strides = array<i32>} : memref<4096xf32, #tpu.memory_space<vmem>>, vector<16xf32>,
      %eq3A_2197 = arith.cmpi eq, %add3A_2137, %sub3A : i32
      %eq3A_2198 = arith.cmpi eq, %add3A_2137, %sub3A_48 : i32
      %or3A_2199 = arith.ori %eq3A_2197, %eq3A_2198 : i1
      %eq3A_2200 = arith.cmpi eq, %add3A_2137, %sub3A_49 : i32
      %or3A_2201 = arith.ori %or3A_2199, %eq3A_2200 : i1
      %jit3A_2202 = arith.constant 0.000000e+00 : f32
      %jit3A_2203 = arith.constant 1.000000e+00 : f32
      %select_n3A_2204 = arith.select %or3A_2201, %jit3A_2202, %jit3A_2203 : f32
      %broadcast_in_dim3A_2205 = vector.broadcast %select_n3A_2204 : f32 to vector<16xf32>
      %mul3A_2206 = arith.mulf %add3A_2109, %broadcast_in_dim3A_2205 : vector<16xf32>
      %add3A_2207 = arith.addf %mul3A_2206, %exp3A_2192 : vector<16xf32>
      %mul3A_2208 = arith.mulf %add3A_2112, %broadcast_in_dim3A_2205 : vector<16xf32>
      %mul3A_2209 = arith.mulf %exp3A_2192, %get3A_2143 : vector<16xf32>
      %add3A_2210 = arith.addf %mul3A_2208, %mul3A_2209 : vector<16xf32>
      %mul3A_2211 = arith.mulf %add3A_2115, %broadcast_in_dim3A_2205 : vector<16xf32>
      %mul3A_2212 = arith.mulf %exp3A_2192, %get3A_2147 : vector<16xf32>
      %add3A_2213 = arith.addf %mul3A_2211, %mul3A_2212 : vector<16xf32>
      %mul3A_2214 = arith.mulf %add3A_2118, %broadcast_in_dim3A_2205 : vector<16xf32>
      %mul3A_2215 = arith.mulf %exp3A_2192, %get3A_2151 : vector<16xf32>
      %add3A_2216 = arith.addf %mul3A_2214, %mul3A_2215 : vector<16xf32>
      %mul3A_2217 = arith.mulf %add3A_2121, %broadcast_in_dim3A_2205 : vector<16xf32>
      %mul3A_2218 = arith.mulf %exp3A_2192, %get3A_2155 : vector<16xf32>
      %add3A_2219 = arith.addf %mul3A_2217, %mul3A_2218 : vector<16xf32>
      %mul3A_2220 = arith.mulf %add3A_2124, %broadcast_in_dim3A_2205 : vector<16xf32>
      %mul3A_2221 = arith.mulf %exp3A_2192, %get3A_2159 : vector<16xf32>
      %add3A_2222 = arith.addf %mul3A_2220, %mul3A_2221 : vector<16xf32>
      %mul3A_2223 = arith.mulf %add3A_2127, %broadcast_in_dim3A_2205 : vector<16xf32>
      %mul3A_2224 = arith.mulf %exp3A_2192, %get3A_2163 : vector<16xf32>
      %add3A_2225 = arith.addf %mul3A_2223, %mul3A_2224 : vector<16xf32>
      %mul3A_2226 = arith.mulf %add3A_2130, %broadcast_in_dim3A_2205 : vector<16xf32>
      %mul3A_2227 = arith.mulf %exp3A_2192, %get3A_2167 : vector<16xf32>
      %add3A_2228 = arith.addf %mul3A_2226, %mul3A_2227 : vector<16xf32>
      %mul3A_2229 = arith.mulf %add3A_2133, %broadcast_in_dim3A_2205 : vector<16xf32>
      %mul3A_2230 = arith.mulf %exp3A_2192, %get3A_2171 : vector<16xf32>
      %add3A_2231 = arith.addf %mul3A_2229, %mul3A_2230 : vector<16xf32>
      %mul3A_2232 = arith.constant 16 : i32
      %mul3A_2233 = arith.muli %scan3A_852, %mul3A_2232 : i32
      %add3A_2234 = arith.constant 14 : i32
      %add3A_2235 = arith.addi %mul3A_2233, %add3A_2234 : i32
      %mul3A_2236 = arith.constant 128 : i32
      %mul3A_2237 = arith.muli %add3A_2235, %mul3A_2236 : i32
      %add3A_2238 = arith.constant 0 : i32
      %add3A_2239 = arith.addi %mul3A_2237, %add3A_2238 : i32
      %get3A_2240 = arith.index_cast %add3A_2239 : i32 to index
      %get3A_2241 = tpu.vector_load %arg7[%get3A_2240] {strides = array<i32>} : memref<32768xf32, #tpu.memory_space<vmem>>, vector<16xf32>,
      %add3A_2242 = arith.constant 16 : i32
      %add3A_2243 = arith.addi %mul3A_2237, %add3A_2242 : i32
      %get3A_2244 = arith.index_cast %add3A_2243 : i32 to index
      %get3A_2245 = tpu.vector_load %arg7[%get3A_2244] {strides = array<i32>} : memref<32768xf32, #tpu.memory_space<vmem>>, vector<16xf32>,
      %add3A_2246 = arith.constant 32 : i32
      %add3A_2247 = arith.addi %mul3A_2237, %add3A_2246 : i32
      %get3A_2248 = arith.index_cast %add3A_2247 : i32 to index
      %get3A_2249 = tpu.vector_load %arg7[%get3A_2248] {strides = array<i32>} : memref<32768xf32, #tpu.memory_space<vmem>>, vector<16xf32>,
      %add3A_2250 = arith.constant 48 : i32
      %add3A_2251 = arith.addi %mul3A_2237, %add3A_2250 : i32
      %get3A_2252 = arith.index_cast %add3A_2251 : i32 to index
      %get3A_2253 = tpu.vector_load %arg7[%get3A_2252] {strides = array<i32>} : memref<32768xf32, #tpu.memory_space<vmem>>, vector<16xf32>,
      %add3A_2254 = arith.constant 64 : i32
      %add3A_2255 = arith.addi %mul3A_2237, %add3A_2254 : i32
      %get3A_2256 = arith.index_cast %add3A_2255 : i32 to index
      %get3A_2257 = tpu.vector_load %arg7[%get3A_2256] {strides = array<i32>} : memref<32768xf32, #tpu.memory_space<vmem>>, vector<16xf32>,
      %add3A_2258 = arith.constant 80 : i32
      %add3A_2259 = arith.addi %mul3A_2237, %add3A_2258 : i32
      %get3A_2260 = arith.index_cast %add3A_2259 : i32 to index
      %get3A_2261 = tpu.vector_load %arg7[%get3A_2260] {strides = array<i32>} : memref<32768xf32, #tpu.memory_space<vmem>>, vector<16xf32>,
      %add3A_2262 = arith.constant 96 : i32
      %add3A_2263 = arith.addi %mul3A_2237, %add3A_2262 : i32
      %get3A_2264 = arith.index_cast %add3A_2263 : i32 to index
      %get3A_2265 = tpu.vector_load %arg7[%get3A_2264] {strides = array<i32>} : memref<32768xf32, #tpu.memory_space<vmem>>, vector<16xf32>,
      %add3A_2266 = arith.constant 112 : i32
      %add3A_2267 = arith.addi %mul3A_2237, %add3A_2266 : i32
      %get3A_2268 = arith.index_cast %add3A_2267 : i32 to index
      %get3A_2269 = tpu.vector_load %arg7[%get3A_2268] {strides = array<i32>} : memref<32768xf32, #tpu.memory_space<vmem>>, vector<16xf32>,
      %mul3A_2270 = arith.mulf %get3A_2241, %get3A_31 : vector<16xf32>
      %mul3A_2271 = arith.mulf %get3A_2245, %get3A_33 : vector<16xf32>
      %add3A_2272 = arith.addf %mul3A_2270, %mul3A_2271 : vector<16xf32>
      %mul3A_2273 = arith.mulf %get3A_2249, %get3A_35 : vector<16xf32>
      %add3A_2274 = arith.addf %add3A_2272, %mul3A_2273 : vector<16xf32>
      %mul3A_2275 = arith.mulf %get3A_2253, %get3A_37 : vector<16xf32>
      %add3A_2276 = arith.addf %add3A_2274, %mul3A_2275 : vector<16xf32>
      %mul3A_2277 = arith.mulf %get3A_2257, %get3A_39 : vector<16xf32>
      %add3A_2278 = arith.addf %add3A_2276, %mul3A_2277 : vector<16xf32>
      %mul3A_2279 = arith.mulf %get3A_2261, %get3A_41 : vector<16xf32>
      %add3A_2280 = arith.addf %add3A_2278, %mul3A_2279 : vector<16xf32>
      %mul3A_2281 = arith.mulf %get3A_2265, %get3A_43 : vector<16xf32>
      %add3A_2282 = arith.addf %add3A_2280, %mul3A_2281 : vector<16xf32>
      %mul3A_2283 = arith.mulf %get3A_2269, %get3A_45 : vector<16xf32>
      %add3A_2284 = arith.addf %add3A_2282, %mul3A_2283 : vector<16xf32>
      %reduce_sum3A_2285 = arith.constant true
      %reduce_sum3A_2286 = vector.broadcast %reduce_sum3A_2285 : i1 to vector<16xi1>
      %reduce_sum3A_2287 = tpu.scan <sum>, %add3A_2284 masked %reduce_sum3A_2286 : vector<16xf32>, vector<16xi1> -> vector<16xf32>
      %reduce_sum3A_2288 = vector.extract %reduce_sum3A_2287[15] : f32 from vector<16xf32>
      %broadcast_in_dim3A_2289 = vector.broadcast %reduce_sum3A_2288 : f32 to vector<16xf32>
      %exp3A_2290 = math.exp %broadcast_in_dim3A_2289 : vector<16xf32>
      %mul3A_2291 = arith.constant 16 : i32
      %mul3A_2292 = arith.muli %add3A_2235, %mul3A_2291 : i32
      %swap3A_2293 = arith.index_cast %mul3A_2292 : i32 to index
      %swap3A_2294 = tpu.vector_load %arg8[%swap3A_2293] {strides = array<i32>} : memref<4096xf32, #tpu.memory_space<vmem>>, vector<16xf32>,
      tpu.vector_store %arg8[%swap3A_2293], %exp3A_2290 {strides = array<i32>} : memref<4096xf32, #tpu.memory_space<vmem>>, vector<16xf32>,
      %eq3A_2295 = arith.cmpi eq, %add3A_2235, %sub3A : i32
      %eq3A_2296 = arith.cmpi eq, %add3A_2235, %sub3A_48 : i32
      %or3A_2297 = arith.ori %eq3A_2295, %eq3A_2296 : i1
      %eq3A_2298 = arith.cmpi eq, %add3A_2235, %sub3A_49 : i32
      %or3A_2299 = arith.ori %or3A_2297, %eq3A_2298 : i1
      %jit3A_2300 = arith.constant 0.000000e+00 : f32
      %jit3A_2301 = arith.constant 1.000000e+00 : f32
      %select_n3A_2302 = arith.select %or3A_2299, %jit3A_2300, %jit3A_2301 : f32
      %broadcast_in_dim3A_2303 = vector.broadcast %select_n3A_2302 : f32 to vector<16xf32>
      %mul3A_2304 = arith.mulf %add3A_2207, %broadcast_in_dim3A_2303 : vector<16xf32>
      %add3A_2305 = arith.addf %mul3A_2304, %exp3A_2290 : vector<16xf32>
      %mul3A_2306 = arith.mulf %add3A_2210, %broadcast_in_dim3A_2303 : vector<16xf32>
      %mul3A_2307 = arith.mulf %exp3A_2290, %get3A_2241 : vector<16xf32>
      %add3A_2308 = arith.addf %mul3A_2306, %mul3A_2307 : vector<16xf32>
      %mul3A_2309 = arith.mulf %add3A_2213, %broadcast_in_dim3A_2303 : vector<16xf32>
      %mul3A_2310 = arith.mulf %exp3A_2290, %get3A_2245 : vector<16xf32>
      %add3A_2311 = arith.addf %mul3A_2309, %mul3A_2310 : vector<16xf32>
      %mul3A_2312 = arith.mulf %add3A_2216, %broadcast_in_dim3A_2303 : vector<16xf32>
      %mul3A_2313 = arith.mulf %exp3A_2290, %get3A_2249 : vector<16xf32>
      %add3A_2314 = arith.addf %mul3A_2312, %mul3A_2313 : vector<16xf32>
      %mul3A_2315 = arith.mulf %add3A_2219, %broadcast_in_dim3A_2303 : vector<16xf32>
      %mul3A_2316 = arith.mulf %exp3A_2290, %get3A_2253 : vector<16xf32>
      %add3A_2317 = arith.addf %mul3A_2315, %mul3A_2316 : vector<16xf32>
      %mul3A_2318 = arith.mulf %add3A_2222, %broadcast_in_dim3A_2303 : vector<16xf32>
      %mul3A_2319 = arith.mulf %exp3A_2290, %get3A_2257 : vector<16xf32>
      %add3A_2320 = arith.addf %mul3A_2318, %mul3A_2319 : vector<16xf32>
      %mul3A_2321 = arith.mulf %add3A_2225, %broadcast_in_dim3A_2303 : vector<16xf32>
      %mul3A_2322 = arith.mulf %exp3A_2290, %get3A_2261 : vector<16xf32>
      %add3A_2323 = arith.addf %mul3A_2321, %mul3A_2322 : vector<16xf32>
      %mul3A_2324 = arith.mulf %add3A_2228, %broadcast_in_dim3A_2303 : vector<16xf32>
      %mul3A_2325 = arith.mulf %exp3A_2290, %get3A_2265 : vector<16xf32>
      %add3A_2326 = arith.addf %mul3A_2324, %mul3A_2325 : vector<16xf32>
      %mul3A_2327 = arith.mulf %add3A_2231, %broadcast_in_dim3A_2303 : vector<16xf32>
      %mul3A_2328 = arith.mulf %exp3A_2290, %get3A_2269 : vector<16xf32>
      %add3A_2329 = arith.addf %mul3A_2327, %mul3A_2328 : vector<16xf32>
      %mul3A_2330 = arith.constant 16 : i32
      %mul3A_2331 = arith.muli %scan3A_852, %mul3A_2330 : i32
      %add3A_2332 = arith.constant 15 : i32
      %add3A_2333 = arith.addi %mul3A_2331, %add3A_2332 : i32
      %mul3A_2334 = arith.constant 128 : i32
      %mul3A_2335 = arith.muli %add3A_2333, %mul3A_2334 : i32
      %add3A_2336 = arith.constant 0 : i32
      %add3A_2337 = arith.addi %mul3A_2335, %add3A_2336 : i32
      %get3A_2338 = arith.index_cast %add3A_2337 : i32 to index
      %get3A_2339 = tpu.vector_load %arg7[%get3A_2338] {strides = array<i32>} : memref<32768xf32, #tpu.memory_space<vmem>>, vector<16xf32>,
      %add3A_2340 = arith.constant 16 : i32
      %add3A_2341 = arith.addi %mul3A_2335, %add3A_2340 : i32
      %get3A_2342 = arith.index_cast %add3A_2341 : i32 to index
      %get3A_2343 = tpu.vector_load %arg7[%get3A_2342] {strides = array<i32>} : memref<32768xf32, #tpu.memory_space<vmem>>, vector<16xf32>,
      %add3A_2344 = arith.constant 32 : i32
      %add3A_2345 = arith.addi %mul3A_2335, %add3A_2344 : i32
      %get3A_2346 = arith.index_cast %add3A_2345 : i32 to index
      %get3A_2347 = tpu.vector_load %arg7[%get3A_2346] {strides = array<i32>} : memref<32768xf32, #tpu.memory_space<vmem>>, vector<16xf32>,
      %add3A_2348 = arith.constant 48 : i32
      %add3A_2349 = arith.addi %mul3A_2335, %add3A_2348 : i32
      %get3A_2350 = arith.index_cast %add3A_2349 : i32 to index
      %get3A_2351 = tpu.vector_load %arg7[%get3A_2350] {strides = array<i32>} : memref<32768xf32, #tpu.memory_space<vmem>>, vector<16xf32>,
      %add3A_2352 = arith.constant 64 : i32
      %add3A_2353 = arith.addi %mul3A_2335, %add3A_2352 : i32
      %get3A_2354 = arith.index_cast %add3A_2353 : i32 to index
      %get3A_2355 = tpu.vector_load %arg7[%get3A_2354] {strides = array<i32>} : memref<32768xf32, #tpu.memory_space<vmem>>, vector<16xf32>,
      %add3A_2356 = arith.constant 80 : i32
      %add3A_2357 = arith.addi %mul3A_2335, %add3A_2356 : i32
      %get3A_2358 = arith.index_cast %add3A_2357 : i32 to index
      %get3A_2359 = tpu.vector_load %arg7[%get3A_2358] {strides = array<i32>} : memref<32768xf32, #tpu.memory_space<vmem>>, vector<16xf32>,
      %add3A_2360 = arith.constant 96 : i32
      %add3A_2361 = arith.addi %mul3A_2335, %add3A_2360 : i32
      %get3A_2362 = arith.index_cast %add3A_2361 : i32 to index
      %get3A_2363 = tpu.vector_load %arg7[%get3A_2362] {strides = array<i32>} : memref<32768xf32, #tpu.memory_space<vmem>>, vector<16xf32>,
      %add3A_2364 = arith.constant 112 : i32
      %add3A_2365 = arith.addi %mul3A_2335, %add3A_2364 : i32
      %get3A_2366 = arith.index_cast %add3A_2365 : i32 to index
      %get3A_2367 = tpu.vector_load %arg7[%get3A_2366] {strides = array<i32>} : memref<32768xf32, #tpu.memory_space<vmem>>, vector<16xf32>,
      %mul3A_2368 = arith.mulf %get3A_2339, %get3A_31 : vector<16xf32>
      %mul3A_2369 = arith.mulf %get3A_2343, %get3A_33 : vector<16xf32>
      %add3A_2370 = arith.addf %mul3A_2368, %mul3A_2369 : vector<16xf32>
      %mul3A_2371 = arith.mulf %get3A_2347, %get3A_35 : vector<16xf32>
      %add3A_2372 = arith.addf %add3A_2370, %mul3A_2371 : vector<16xf32>
      %mul3A_2373 = arith.mulf %get3A_2351, %get3A_37 : vector<16xf32>
      %add3A_2374 = arith.addf %add3A_2372, %mul3A_2373 : vector<16xf32>
      %mul3A_2375 = arith.mulf %get3A_2355, %get3A_39 : vector<16xf32>
      %add3A_2376 = arith.addf %add3A_2374, %mul3A_2375 : vector<16xf32>
      %mul3A_2377 = arith.mulf %get3A_2359, %get3A_41 : vector<16xf32>
      %add3A_2378 = arith.addf %add3A_2376, %mul3A_2377 : vector<16xf32>
      %mul3A_2379 = arith.mulf %get3A_2363, %get3A_43 : vector<16xf32>
      %add3A_2380 = arith.addf %add3A_2378, %mul3A_2379 : vector<16xf32>
      %mul3A_2381 = arith.mulf %get3A_2367, %get3A_45 : vector<16xf32>
      %add3A_2382 = arith.addf %add3A_2380, %mul3A_2381 : vector<16xf32>
      %reduce_sum3A_2383 = arith.constant true
      %reduce_sum3A_2384 = vector.broadcast %reduce_sum3A_2383 : i1 to vector<16xi1>
      %reduce_sum3A_2385 = tpu.scan <sum>, %add3A_2382 masked %reduce_sum3A_2384 : vector<16xf32>, vector<16xi1> -> vector<16xf32>
      %reduce_sum3A_2386 = vector.extract %reduce_sum3A_2385[15] : f32 from vector<16xf32>
      %broadcast_in_dim3A_2387 = vector.broadcast %reduce_sum3A_2386 : f32 to vector<16xf32>
      %exp3A_2388 = math.exp %broadcast_in_dim3A_2387 : vector<16xf32>
      %mul3A_2389 = arith.constant 16 : i32
      %mul3A_2390 = arith.muli %add3A_2333, %mul3A_2389 : i32
      %swap3A_2391 = arith.index_cast %mul3A_2390 : i32 to index
      %swap3A_2392 = tpu.vector_load %arg8[%swap3A_2391] {strides = array<i32>} : memref<4096xf32, #tpu.memory_space<vmem>>, vector<16xf32>,
      tpu.vector_store %arg8[%swap3A_2391], %exp3A_2388 {strides = array<i32>} : memref<4096xf32, #tpu.memory_space<vmem>>, vector<16xf32>,
      %eq3A_2393 = arith.cmpi eq, %add3A_2333, %sub3A : i32
      %eq3A_2394 = arith.cmpi eq, %add3A_2333, %sub3A_48 : i32
      %or3A_2395 = arith.ori %eq3A_2393, %eq3A_2394 : i1
      %eq3A_2396 = arith.cmpi eq, %add3A_2333, %sub3A_49 : i32
      %or3A_2397 = arith.ori %or3A_2395, %eq3A_2396 : i1
      %jit3A_2398 = arith.constant 0.000000e+00 : f32
      %jit3A_2399 = arith.constant 1.000000e+00 : f32
      %select_n3A_2400 = arith.select %or3A_2397, %jit3A_2398, %jit3A_2399 : f32
      %broadcast_in_dim3A_2401 = vector.broadcast %select_n3A_2400 : f32 to vector<16xf32>
      %mul3A_2402 = arith.mulf %add3A_2305, %broadcast_in_dim3A_2401 : vector<16xf32>
      %add3A_2403 = arith.addf %mul3A_2402, %exp3A_2388 : vector<16xf32>
      %mul3A_2404 = arith.mulf %add3A_2308, %broadcast_in_dim3A_2401 : vector<16xf32>
      %mul3A_2405 = arith.mulf %exp3A_2388, %get3A_2339 : vector<16xf32>
      %add3A_2406 = arith.addf %mul3A_2404, %mul3A_2405 : vector<16xf32>
      %mul3A_2407 = arith.mulf %add3A_2311, %broadcast_in_dim3A_2401 : vector<16xf32>
      %mul3A_2408 = arith.mulf %exp3A_2388, %get3A_2343 : vector<16xf32>
      %add3A_2409 = arith.addf %mul3A_2407, %mul3A_2408 : vector<16xf32>
      %mul3A_2410 = arith.mulf %add3A_2314, %broadcast_in_dim3A_2401 : vector<16xf32>
      %mul3A_2411 = arith.mulf %exp3A_2388, %get3A_2347 : vector<16xf32>
      %add3A_2412 = arith.addf %mul3A_2410, %mul3A_2411 : vector<16xf32>
      %mul3A_2413 = arith.mulf %add3A_2317, %broadcast_in_dim3A_2401 : vector<16xf32>
      %mul3A_2414 = arith.mulf %exp3A_2388, %get3A_2351 : vector<16xf32>
      %add3A_2415 = arith.addf %mul3A_2413, %mul3A_2414 : vector<16xf32>
      %mul3A_2416 = arith.mulf %add3A_2320, %broadcast_in_dim3A_2401 : vector<16xf32>
      %mul3A_2417 = arith.mulf %exp3A_2388, %get3A_2355 : vector<16xf32>
      %add3A_2418 = arith.addf %mul3A_2416, %mul3A_2417 : vector<16xf32>
      %mul3A_2419 = arith.mulf %add3A_2323, %broadcast_in_dim3A_2401 : vector<16xf32>
      %mul3A_2420 = arith.mulf %exp3A_2388, %get3A_2359 : vector<16xf32>
      %add3A_2421 = arith.addf %mul3A_2419, %mul3A_2420 : vector<16xf32>
      %mul3A_2422 = arith.mulf %add3A_2326, %broadcast_in_dim3A_2401 : vector<16xf32>
      %mul3A_2423 = arith.mulf %exp3A_2388, %get3A_2363 : vector<16xf32>
      %add3A_2424 = arith.addf %mul3A_2422, %mul3A_2423 : vector<16xf32>
      %mul3A_2425 = arith.mulf %add3A_2329, %broadcast_in_dim3A_2401 : vector<16xf32>
      %mul3A_2426 = arith.mulf %exp3A_2388, %get3A_2367 : vector<16xf32>
      %add3A_2427 = arith.addf %mul3A_2425, %mul3A_2426 : vector<16xf32>
      scf.yield %add3A_2403, %add3A_2406, %add3A_2409, %add3A_2412, %add3A_2415, %add3A_2418, %add3A_2421, %add3A_2424, %add3A_2427 : vector<16xf32>, vector<16xf32>, vector<16xf32>, vector<16xf32>, vector<16xf32>, vector<16xf32>, vector<16xf32>, vector<16xf32>, vector<16xf32>
    }
    %scan3A_56 = arith.constant 16 : i32
    %swap3A = arith.constant 0 : index
    %swap3A_57 = tpu.vector_load %arg11[%swap3A] {strides = array<i32>} : memref<144xf32, #tpu.memory_space<vmem>>, vector<16xf32>,
    tpu.vector_store %arg11[%swap3A], %scan3A_55#1 {strides = array<i32>} : memref<144xf32, #tpu.memory_space<vmem>>, vector<16xf32>,
    %swap3A_58 = arith.constant 16 : index
    %swap3A_59 = tpu.vector_load %arg11[%swap3A_58] {strides = array<i32>} : memref<144xf32, #tpu.memory_space<vmem>>, vector<16xf32>,
    tpu.vector_store %arg11[%swap3A_58], %scan3A_55#2 {strides = array<i32>} : memref<144xf32, #tpu.memory_space<vmem>>, vector<16xf32>,
    %swap3A_60 = arith.constant 32 : index
    %swap3A_61 = tpu.vector_load %arg11[%swap3A_60] {strides = array<i32>} : memref<144xf32, #tpu.memory_space<vmem>>, vector<16xf32>,
    tpu.vector_store %arg11[%swap3A_60], %scan3A_55#3 {strides = array<i32>} : memref<144xf32, #tpu.memory_space<vmem>>, vector<16xf32>,
    %swap3A_62 = arith.constant 48 : index
    %swap3A_63 = tpu.vector_load %arg11[%swap3A_62] {strides = array<i32>} : memref<144xf32, #tpu.memory_space<vmem>>, vector<16xf32>,
    tpu.vector_store %arg11[%swap3A_62], %scan3A_55#4 {strides = array<i32>} : memref<144xf32, #tpu.memory_space<vmem>>, vector<16xf32>,
    %swap3A_64 = arith.constant 64 : index
    %swap3A_65 = tpu.vector_load %arg11[%swap3A_64] {strides = array<i32>} : memref<144xf32, #tpu.memory_space<vmem>>, vector<16xf32>,
    tpu.vector_store %arg11[%swap3A_64], %scan3A_55#5 {strides = array<i32>} : memref<144xf32, #tpu.memory_space<vmem>>, vector<16xf32>,
    %swap3A_66 = arith.constant 80 : index
    %swap3A_67 = tpu.vector_load %arg11[%swap3A_66] {strides = array<i32>} : memref<144xf32, #tpu.memory_space<vmem>>, vector<16xf32>,
    tpu.vector_store %arg11[%swap3A_66], %scan3A_55#6 {strides = array<i32>} : memref<144xf32, #tpu.memory_space<vmem>>, vector<16xf32>,
    %swap3A_68 = arith.constant 96 : index
    %swap3A_69 = tpu.vector_load %arg11[%swap3A_68] {strides = array<i32>} : memref<144xf32, #tpu.memory_space<vmem>>, vector<16xf32>,
    tpu.vector_store %arg11[%swap3A_68], %scan3A_55#7 {strides = array<i32>} : memref<144xf32, #tpu.memory_space<vmem>>, vector<16xf32>,
    %swap3A_70 = arith.constant 112 : index
    %swap3A_71 = tpu.vector_load %arg11[%swap3A_70] {strides = array<i32>} : memref<144xf32, #tpu.memory_space<vmem>>, vector<16xf32>,
    tpu.vector_store %arg11[%swap3A_70], %scan3A_55#8 {strides = array<i32>} : memref<144xf32, #tpu.memory_space<vmem>>, vector<16xf32>,
    %swap3A_72 = arith.constant 128 : index
    %swap3A_73 = tpu.vector_load %arg11[%swap3A_72] {strides = array<i32>} : memref<144xf32, #tpu.memory_space<vmem>>, vector<16xf32>,
    tpu.vector_store %arg11[%swap3A_72], %scan3A_55#0 {strides = array<i32>} : memref<144xf32, #tpu.memory_space<vmem>>, vector<16xf32>,
    %mul3A_74 = arith.constant 144 : i32
    %mul3A_75 = arith.muli %arg1, %mul3A_74 : i32
    "tpu.region"() ({
      %run_scoped3A = tpu.sem_alloc : memref<!tpu.dma_semaphore, #tpu.memory_space<semaphore_mem>>
      %dma_start3A = tpu.memref_slice %arg6[%mul3A_75] : memref<2304xf32, #tpu.memory_space<hbm>> -> memref<144xf32, #tpu.memory_space<hbm>>
      %dma_start3A_852 = tpu.memref_slice %arg6[%mul3A_75] : memref<2304xf32, #tpu.memory_space<hbm>> -> memref<144xf32, #tpu.memory_space<hbm>>
      tpu.enqueue_dma source(%arg11 : memref<144xf32, #tpu.memory_space<vmem>>) target(%dma_start3A_852 : memref<144xf32, #tpu.memory_space<hbm>>) target_semaphore(%run_scoped3A : memref<!tpu.dma_semaphore, #tpu.memory_space<semaphore_mem>>)
      %dma_wait3A = tpu.memref_slice %arg6[%mul3A_75] : memref<2304xf32, #tpu.memory_space<hbm>> -> memref<144xf32, #tpu.memory_space<hbm>>
      %dma_wait3A_853 = tpu.memref_slice %arg6[%mul3A_75] : memref<2304xf32, #tpu.memory_space<hbm>> -> memref<144xf32, #tpu.memory_space<hbm>>
      tpu.wait_dma2 semaphore(%run_scoped3A : memref<!tpu.dma_semaphore, #tpu.memory_space<semaphore_mem>>) src(%arg11 : memref<144xf32, #tpu.memory_space<vmem>>) dst(%dma_wait3A_853 : memref<144xf32, #tpu.memory_space<hbm>>)
      tpu.yield
    }) : () -> ()
    %barrier3A = arith.constant 0 : index
    tpu.barrier barrier_id(%barrier3A)
    "tpu.region"() ({
      %run_scoped3A = tpu.sem_alloc : memref<!tpu.dma_semaphore, #tpu.memory_space<semaphore_mem>>
      tpu.enqueue_dma source(%arg6 : memref<2304xf32, #tpu.memory_space<hbm>>) target(%arg12 : memref<2304xf32, #tpu.memory_space<vmem>>) target_semaphore(%run_scoped3A : memref<!tpu.dma_semaphore, #tpu.memory_space<semaphore_mem>>)
      tpu.wait_dma2 semaphore(%run_scoped3A : memref<!tpu.dma_semaphore, #tpu.memory_space<semaphore_mem>>) src(%arg6 : memref<2304xf32, #tpu.memory_space<hbm>>) dst(%arg12 : memref<2304xf32, #tpu.memory_space<vmem>>)
      tpu.yield
    }) : () -> ()
    %ge3A = arith.cmpi sge, %mul3A_47, %convert_element_type3A_7 : i32
    %convert_element_type3A_76 = arith.extui %ge3A : i1 to i32
    %ge3A_77 = arith.cmpi sge, %mul3A_47, %convert_element_type3A_18 : i32
    %convert_element_type3A_78 = arith.extui %ge3A_77 : i1 to i32
    %add3A = arith.addi %convert_element_type3A_76, %convert_element_type3A_78 : i32
    %ge3A_79 = arith.cmpi sge, %mul3A_47, %convert_element_type3A_29 : i32
    %convert_element_type3A_80 = arith.extui %ge3A_79 : i1 to i32
    %add3A_81 = arith.addi %add3A, %convert_element_type3A_80 : i32
    %le3A = arith.constant 255 : i32
    %le3A_82 = arith.cmpi sle, %convert_element_type3A_7, %le3A : i32
    %convert_element_type3A_83 = arith.extui %le3A_82 : i1 to i32
    %le3A_84 = arith.constant 255 : i32
    %le3A_85 = arith.cmpi sle, %convert_element_type3A_18, %le3A_84 : i32
    %convert_element_type3A_86 = arith.extui %le3A_85 : i1 to i32
    %add3A_87 = arith.addi %convert_element_type3A_83, %convert_element_type3A_86 : i32
    %le3A_88 = arith.constant 255 : i32
    %le3A_89 = arith.cmpi sle, %convert_element_type3A_29, %le3A_88 : i32
    %convert_element_type3A_90 = arith.extui %le3A_89 : i1 to i32
    %add3A_91 = arith.addi %add3A_87, %convert_element_type3A_90 : i32
    %gt3A = arith.constant 0 : i32
    %gt3A_92 = arith.cmpi sgt, %arg1, %gt3A : i32
    %eq3A_93 = arith.cmpi eq, %add3A_91, %add3A_81 : i32
    %and3A = arith.andi %gt3A_92, %eq3A_93 : i1
    %get3A_94 = arith.constant 0 : index
    %get3A_95 = tpu.vector_load %arg12[%get3A_94] {strides = array<i32>} : memref<2304xf32, #tpu.memory_space<vmem>>, vector<16xf32>,
    %select_n3A_96 = arith.select %and3A, %get3A_95, %broadcast_in_dim3A_51 : vector<16xf32>
    %add3A_97 = arith.addf %broadcast_in_dim3A_51, %select_n3A_96 : vector<16xf32>
    %get3A_98 = arith.constant 16 : index
    %get3A_99 = tpu.vector_load %arg12[%get3A_98] {strides = array<i32>} : memref<2304xf32, #tpu.memory_space<vmem>>, vector<16xf32>,
    %select_n3A_100 = arith.select %and3A, %get3A_99, %broadcast_in_dim3A_51 : vector<16xf32>
    %add3A_101 = arith.addf %broadcast_in_dim3A_51, %select_n3A_100 : vector<16xf32>
    %get3A_102 = arith.constant 32 : index
    %get3A_103 = tpu.vector_load %arg12[%get3A_102] {strides = array<i32>} : memref<2304xf32, #tpu.memory_space<vmem>>, vector<16xf32>,
    %select_n3A_104 = arith.select %and3A, %get3A_103, %broadcast_in_dim3A_51 : vector<16xf32>
    %add3A_105 = arith.addf %broadcast_in_dim3A_51, %select_n3A_104 : vector<16xf32>
    %get3A_106 = arith.constant 48 : index
    %get3A_107 = tpu.vector_load %arg12[%get3A_106] {strides = array<i32>} : memref<2304xf32, #tpu.memory_space<vmem>>, vector<16xf32>,
    %select_n3A_108 = arith.select %and3A, %get3A_107, %broadcast_in_dim3A_51 : vector<16xf32>
    %add3A_109 = arith.addf %broadcast_in_dim3A_51, %select_n3A_108 : vector<16xf32>
    %get3A_110 = arith.constant 64 : index
    %get3A_111 = tpu.vector_load %arg12[%get3A_110] {strides = array<i32>} : memref<2304xf32, #tpu.memory_space<vmem>>, vector<16xf32>,
    %select_n3A_112 = arith.select %and3A, %get3A_111, %broadcast_in_dim3A_51 : vector<16xf32>
    %add3A_113 = arith.addf %broadcast_in_dim3A_51, %select_n3A_112 : vector<16xf32>
    %get3A_114 = arith.constant 80 : index
    %get3A_115 = tpu.vector_load %arg12[%get3A_114] {strides = array<i32>} : memref<2304xf32, #tpu.memory_space<vmem>>, vector<16xf32>,
    %select_n3A_116 = arith.select %and3A, %get3A_115, %broadcast_in_dim3A_51 : vector<16xf32>
    %add3A_117 = arith.addf %broadcast_in_dim3A_51, %select_n3A_116 : vector<16xf32>
    %get3A_118 = arith.constant 96 : index
    %get3A_119 = tpu.vector_load %arg12[%get3A_118] {strides = array<i32>} : memref<2304xf32, #tpu.memory_space<vmem>>, vector<16xf32>,
    %select_n3A_120 = arith.select %and3A, %get3A_119, %broadcast_in_dim3A_51 : vector<16xf32>
    %add3A_121 = arith.addf %broadcast_in_dim3A_51, %select_n3A_120 : vector<16xf32>
    %get3A_122 = arith.constant 112 : index
    %get3A_123 = tpu.vector_load %arg12[%get3A_122] {strides = array<i32>} : memref<2304xf32, #tpu.memory_space<vmem>>, vector<16xf32>,
    %select_n3A_124 = arith.select %and3A, %get3A_123, %broadcast_in_dim3A_51 : vector<16xf32>
    %add3A_125 = arith.addf %broadcast_in_dim3A_51, %select_n3A_124 : vector<16xf32>
    %get3A_126 = arith.constant 128 : index
    %get3A_127 = tpu.vector_load %arg12[%get3A_126] {strides = array<i32>} : memref<2304xf32, #tpu.memory_space<vmem>>, vector<16xf32>,
    %select_n3A_128 = arith.select %and3A, %get3A_127, %broadcast_in_dim3A_51 : vector<16xf32>
    %add3A_129 = arith.addf %broadcast_in_dim3A_51, %select_n3A_128 : vector<16xf32>
    %le3A_130 = arith.constant 511 : i32
    %le3A_131 = arith.cmpi sle, %convert_element_type3A_7, %le3A_130 : i32
    %convert_element_type3A_132 = arith.extui %le3A_131 : i1 to i32
    %le3A_133 = arith.constant 511 : i32
    %le3A_134 = arith.cmpi sle, %convert_element_type3A_18, %le3A_133 : i32
    %convert_element_type3A_135 = arith.extui %le3A_134 : i1 to i32
    %add3A_136 = arith.addi %convert_element_type3A_132, %convert_element_type3A_135 : i32
    %le3A_137 = arith.constant 511 : i32
    %le3A_138 = arith.cmpi sle, %convert_element_type3A_29, %le3A_137 : i32
    %convert_element_type3A_139 = arith.extui %le3A_138 : i1 to i32
    %add3A_140 = arith.addi %add3A_136, %convert_element_type3A_139 : i32
    %gt3A_141 = arith.constant 1 : i32
    %gt3A_142 = arith.cmpi sgt, %arg1, %gt3A_141 : i32
    %eq3A_143 = arith.cmpi eq, %add3A_140, %add3A_81 : i32
    %and3A_144 = arith.andi %gt3A_142, %eq3A_143 : i1
    %get3A_145 = arith.constant 144 : index
    %get3A_146 = tpu.vector_load %arg12[%get3A_145] {strides = array<i32>} : memref<2304xf32, #tpu.memory_space<vmem>>, vector<16xf32>,
    %select_n3A_147 = arith.select %and3A_144, %get3A_146, %broadcast_in_dim3A_51 : vector<16xf32>
    %add3A_148 = arith.addf %add3A_97, %select_n3A_147 : vector<16xf32>
    %get3A_149 = arith.constant 160 : index
    %get3A_150 = tpu.vector_load %arg12[%get3A_149] {strides = array<i32>} : memref<2304xf32, #tpu.memory_space<vmem>>, vector<16xf32>,
    %select_n3A_151 = arith.select %and3A_144, %get3A_150, %broadcast_in_dim3A_51 : vector<16xf32>
    %add3A_152 = arith.addf %add3A_101, %select_n3A_151 : vector<16xf32>
    %get3A_153 = arith.constant 176 : index
    %get3A_154 = tpu.vector_load %arg12[%get3A_153] {strides = array<i32>} : memref<2304xf32, #tpu.memory_space<vmem>>, vector<16xf32>,
    %select_n3A_155 = arith.select %and3A_144, %get3A_154, %broadcast_in_dim3A_51 : vector<16xf32>
    %add3A_156 = arith.addf %add3A_105, %select_n3A_155 : vector<16xf32>
    %get3A_157 = arith.constant 192 : index
    %get3A_158 = tpu.vector_load %arg12[%get3A_157] {strides = array<i32>} : memref<2304xf32, #tpu.memory_space<vmem>>, vector<16xf32>,
    %select_n3A_159 = arith.select %and3A_144, %get3A_158, %broadcast_in_dim3A_51 : vector<16xf32>
    %add3A_160 = arith.addf %add3A_109, %select_n3A_159 : vector<16xf32>
    %get3A_161 = arith.constant 208 : index
    %get3A_162 = tpu.vector_load %arg12[%get3A_161] {strides = array<i32>} : memref<2304xf32, #tpu.memory_space<vmem>>, vector<16xf32>,
    %select_n3A_163 = arith.select %and3A_144, %get3A_162, %broadcast_in_dim3A_51 : vector<16xf32>
    %add3A_164 = arith.addf %add3A_113, %select_n3A_163 : vector<16xf32>
    %get3A_165 = arith.constant 224 : index
    %get3A_166 = tpu.vector_load %arg12[%get3A_165] {strides = array<i32>} : memref<2304xf32, #tpu.memory_space<vmem>>, vector<16xf32>,
    %select_n3A_167 = arith.select %and3A_144, %get3A_166, %broadcast_in_dim3A_51 : vector<16xf32>
    %add3A_168 = arith.addf %add3A_117, %select_n3A_167 : vector<16xf32>
    %get3A_169 = arith.constant 240 : index
    %get3A_170 = tpu.vector_load %arg12[%get3A_169] {strides = array<i32>} : memref<2304xf32, #tpu.memory_space<vmem>>, vector<16xf32>,
    %select_n3A_171 = arith.select %and3A_144, %get3A_170, %broadcast_in_dim3A_51 : vector<16xf32>
    %add3A_172 = arith.addf %add3A_121, %select_n3A_171 : vector<16xf32>
    %get3A_173 = arith.constant 256 : index
    %get3A_174 = tpu.vector_load %arg12[%get3A_173] {strides = array<i32>} : memref<2304xf32, #tpu.memory_space<vmem>>, vector<16xf32>,
    %select_n3A_175 = arith.select %and3A_144, %get3A_174, %broadcast_in_dim3A_51 : vector<16xf32>
    %add3A_176 = arith.addf %add3A_125, %select_n3A_175 : vector<16xf32>
    %get3A_177 = arith.constant 272 : index
    %get3A_178 = tpu.vector_load %arg12[%get3A_177] {strides = array<i32>} : memref<2304xf32, #tpu.memory_space<vmem>>, vector<16xf32>,
    %select_n3A_179 = arith.select %and3A_144, %get3A_178, %broadcast_in_dim3A_51 : vector<16xf32>
    %add3A_180 = arith.addf %add3A_129, %select_n3A_179 : vector<16xf32>
    %le3A_181 = arith.constant 767 : i32
    %le3A_182 = arith.cmpi sle, %convert_element_type3A_7, %le3A_181 : i32
    %convert_element_type3A_183 = arith.extui %le3A_182 : i1 to i32
    %le3A_184 = arith.constant 767 : i32
    %le3A_185 = arith.cmpi sle, %convert_element_type3A_18, %le3A_184 : i32
    %convert_element_type3A_186 = arith.extui %le3A_185 : i1 to i32
    %add3A_187 = arith.addi %convert_element_type3A_183, %convert_element_type3A_186 : i32
    %le3A_188 = arith.constant 767 : i32
    %le3A_189 = arith.cmpi sle, %convert_element_type3A_29, %le3A_188 : i32
    %convert_element_type3A_190 = arith.extui %le3A_189 : i1 to i32
    %add3A_191 = arith.addi %add3A_187, %convert_element_type3A_190 : i32
    %gt3A_192 = arith.constant 2 : i32
    %gt3A_193 = arith.cmpi sgt, %arg1, %gt3A_192 : i32
    %eq3A_194 = arith.cmpi eq, %add3A_191, %add3A_81 : i32
    %and3A_195 = arith.andi %gt3A_193, %eq3A_194 : i1
    %get3A_196 = arith.constant 288 : index
    %get3A_197 = tpu.vector_load %arg12[%get3A_196] {strides = array<i32>} : memref<2304xf32, #tpu.memory_space<vmem>>, vector<16xf32>,
    %select_n3A_198 = arith.select %and3A_195, %get3A_197, %broadcast_in_dim3A_51 : vector<16xf32>
    %add3A_199 = arith.addf %add3A_148, %select_n3A_198 : vector<16xf32>
    %get3A_200 = arith.constant 304 : index
    %get3A_201 = tpu.vector_load %arg12[%get3A_200] {strides = array<i32>} : memref<2304xf32, #tpu.memory_space<vmem>>, vector<16xf32>,
    %select_n3A_202 = arith.select %and3A_195, %get3A_201, %broadcast_in_dim3A_51 : vector<16xf32>
    %add3A_203 = arith.addf %add3A_152, %select_n3A_202 : vector<16xf32>
    %get3A_204 = arith.constant 320 : index
    %get3A_205 = tpu.vector_load %arg12[%get3A_204] {strides = array<i32>} : memref<2304xf32, #tpu.memory_space<vmem>>, vector<16xf32>,
    %select_n3A_206 = arith.select %and3A_195, %get3A_205, %broadcast_in_dim3A_51 : vector<16xf32>
    %add3A_207 = arith.addf %add3A_156, %select_n3A_206 : vector<16xf32>
    %get3A_208 = arith.constant 336 : index
    %get3A_209 = tpu.vector_load %arg12[%get3A_208] {strides = array<i32>} : memref<2304xf32, #tpu.memory_space<vmem>>, vector<16xf32>,
    %select_n3A_210 = arith.select %and3A_195, %get3A_209, %broadcast_in_dim3A_51 : vector<16xf32>
    %add3A_211 = arith.addf %add3A_160, %select_n3A_210 : vector<16xf32>
    %get3A_212 = arith.constant 352 : index
    %get3A_213 = tpu.vector_load %arg12[%get3A_212] {strides = array<i32>} : memref<2304xf32, #tpu.memory_space<vmem>>, vector<16xf32>,
    %select_n3A_214 = arith.select %and3A_195, %get3A_213, %broadcast_in_dim3A_51 : vector<16xf32>
    %add3A_215 = arith.addf %add3A_164, %select_n3A_214 : vector<16xf32>
    %get3A_216 = arith.constant 368 : index
    %get3A_217 = tpu.vector_load %arg12[%get3A_216] {strides = array<i32>} : memref<2304xf32, #tpu.memory_space<vmem>>, vector<16xf32>,
    %select_n3A_218 = arith.select %and3A_195, %get3A_217, %broadcast_in_dim3A_51 : vector<16xf32>
    %add3A_219 = arith.addf %add3A_168, %select_n3A_218 : vector<16xf32>
    %get3A_220 = arith.constant 384 : index
    %get3A_221 = tpu.vector_load %arg12[%get3A_220] {strides = array<i32>} : memref<2304xf32, #tpu.memory_space<vmem>>, vector<16xf32>,
    %select_n3A_222 = arith.select %and3A_195, %get3A_221, %broadcast_in_dim3A_51 : vector<16xf32>
    %add3A_223 = arith.addf %add3A_172, %select_n3A_222 : vector<16xf32>
    %get3A_224 = arith.constant 400 : index
    %get3A_225 = tpu.vector_load %arg12[%get3A_224] {strides = array<i32>} : memref<2304xf32, #tpu.memory_space<vmem>>, vector<16xf32>,
    %select_n3A_226 = arith.select %and3A_195, %get3A_225, %broadcast_in_dim3A_51 : vector<16xf32>
    %add3A_227 = arith.addf %add3A_176, %select_n3A_226 : vector<16xf32>
    %get3A_228 = arith.constant 416 : index
    %get3A_229 = tpu.vector_load %arg12[%get3A_228] {strides = array<i32>} : memref<2304xf32, #tpu.memory_space<vmem>>, vector<16xf32>,
    %select_n3A_230 = arith.select %and3A_195, %get3A_229, %broadcast_in_dim3A_51 : vector<16xf32>
    %add3A_231 = arith.addf %add3A_180, %select_n3A_230 : vector<16xf32>
    %le3A_232 = arith.constant 1023 : i32
    %le3A_233 = arith.cmpi sle, %convert_element_type3A_7, %le3A_232 : i32
    %convert_element_type3A_234 = arith.extui %le3A_233 : i1 to i32
    %le3A_235 = arith.constant 1023 : i32
    %le3A_236 = arith.cmpi sle, %convert_element_type3A_18, %le3A_235 : i32
    %convert_element_type3A_237 = arith.extui %le3A_236 : i1 to i32
    %add3A_238 = arith.addi %convert_element_type3A_234, %convert_element_type3A_237 : i32
    %le3A_239 = arith.constant 1023 : i32
    %le3A_240 = arith.cmpi sle, %convert_element_type3A_29, %le3A_239 : i32
    %convert_element_type3A_241 = arith.extui %le3A_240 : i1 to i32
    %add3A_242 = arith.addi %add3A_238, %convert_element_type3A_241 : i32
    %gt3A_243 = arith.constant 3 : i32
    %gt3A_244 = arith.cmpi sgt, %arg1, %gt3A_243 : i32
    %eq3A_245 = arith.cmpi eq, %add3A_242, %add3A_81 : i32
    %and3A_246 = arith.andi %gt3A_244, %eq3A_245 : i1
    %get3A_247 = arith.constant 432 : index
    %get3A_248 = tpu.vector_load %arg12[%get3A_247] {strides = array<i32>} : memref<2304xf32, #tpu.memory_space<vmem>>, vector<16xf32>,
    %select_n3A_249 = arith.select %and3A_246, %get3A_248, %broadcast_in_dim3A_51 : vector<16xf32>
    %add3A_250 = arith.addf %add3A_199, %select_n3A_249 : vector<16xf32>
    %get3A_251 = arith.constant 448 : index
    %get3A_252 = tpu.vector_load %arg12[%get3A_251] {strides = array<i32>} : memref<2304xf32, #tpu.memory_space<vmem>>, vector<16xf32>,
    %select_n3A_253 = arith.select %and3A_246, %get3A_252, %broadcast_in_dim3A_51 : vector<16xf32>
    %add3A_254 = arith.addf %add3A_203, %select_n3A_253 : vector<16xf32>
    %get3A_255 = arith.constant 464 : index
    %get3A_256 = tpu.vector_load %arg12[%get3A_255] {strides = array<i32>} : memref<2304xf32, #tpu.memory_space<vmem>>, vector<16xf32>,
    %select_n3A_257 = arith.select %and3A_246, %get3A_256, %broadcast_in_dim3A_51 : vector<16xf32>
    %add3A_258 = arith.addf %add3A_207, %select_n3A_257 : vector<16xf32>
    %get3A_259 = arith.constant 480 : index
    %get3A_260 = tpu.vector_load %arg12[%get3A_259] {strides = array<i32>} : memref<2304xf32, #tpu.memory_space<vmem>>, vector<16xf32>,
    %select_n3A_261 = arith.select %and3A_246, %get3A_260, %broadcast_in_dim3A_51 : vector<16xf32>
    %add3A_262 = arith.addf %add3A_211, %select_n3A_261 : vector<16xf32>
    %get3A_263 = arith.constant 496 : index
    %get3A_264 = tpu.vector_load %arg12[%get3A_263] {strides = array<i32>} : memref<2304xf32, #tpu.memory_space<vmem>>, vector<16xf32>,
    %select_n3A_265 = arith.select %and3A_246, %get3A_264, %broadcast_in_dim3A_51 : vector<16xf32>
    %add3A_266 = arith.addf %add3A_215, %select_n3A_265 : vector<16xf32>
    %get3A_267 = arith.constant 512 : index
    %get3A_268 = tpu.vector_load %arg12[%get3A_267] {strides = array<i32>} : memref<2304xf32, #tpu.memory_space<vmem>>, vector<16xf32>,
    %select_n3A_269 = arith.select %and3A_246, %get3A_268, %broadcast_in_dim3A_51 : vector<16xf32>
    %add3A_270 = arith.addf %add3A_219, %select_n3A_269 : vector<16xf32>
    %get3A_271 = arith.constant 528 : index
    %get3A_272 = tpu.vector_load %arg12[%get3A_271] {strides = array<i32>} : memref<2304xf32, #tpu.memory_space<vmem>>, vector<16xf32>,
    %select_n3A_273 = arith.select %and3A_246, %get3A_272, %broadcast_in_dim3A_51 : vector<16xf32>
    %add3A_274 = arith.addf %add3A_223, %select_n3A_273 : vector<16xf32>
    %get3A_275 = arith.constant 544 : index
    %get3A_276 = tpu.vector_load %arg12[%get3A_275] {strides = array<i32>} : memref<2304xf32, #tpu.memory_space<vmem>>, vector<16xf32>,
    %select_n3A_277 = arith.select %and3A_246, %get3A_276, %broadcast_in_dim3A_51 : vector<16xf32>
    %add3A_278 = arith.addf %add3A_227, %select_n3A_277 : vector<16xf32>
    %get3A_279 = arith.constant 560 : index
    %get3A_280 = tpu.vector_load %arg12[%get3A_279] {strides = array<i32>} : memref<2304xf32, #tpu.memory_space<vmem>>, vector<16xf32>,
    %select_n3A_281 = arith.select %and3A_246, %get3A_280, %broadcast_in_dim3A_51 : vector<16xf32>
    %add3A_282 = arith.addf %add3A_231, %select_n3A_281 : vector<16xf32>
    %le3A_283 = arith.constant 1279 : i32
    %le3A_284 = arith.cmpi sle, %convert_element_type3A_7, %le3A_283 : i32
    %convert_element_type3A_285 = arith.extui %le3A_284 : i1 to i32
    %le3A_286 = arith.constant 1279 : i32
    %le3A_287 = arith.cmpi sle, %convert_element_type3A_18, %le3A_286 : i32
    %convert_element_type3A_288 = arith.extui %le3A_287 : i1 to i32
    %add3A_289 = arith.addi %convert_element_type3A_285, %convert_element_type3A_288 : i32
    %le3A_290 = arith.constant 1279 : i32
    %le3A_291 = arith.cmpi sle, %convert_element_type3A_29, %le3A_290 : i32
    %convert_element_type3A_292 = arith.extui %le3A_291 : i1 to i32
    %add3A_293 = arith.addi %add3A_289, %convert_element_type3A_292 : i32
    %gt3A_294 = arith.constant 4 : i32
    %gt3A_295 = arith.cmpi sgt, %arg1, %gt3A_294 : i32
    %eq3A_296 = arith.cmpi eq, %add3A_293, %add3A_81 : i32
    %and3A_297 = arith.andi %gt3A_295, %eq3A_296 : i1
    %get3A_298 = arith.constant 576 : index
    %get3A_299 = tpu.vector_load %arg12[%get3A_298] {strides = array<i32>} : memref<2304xf32, #tpu.memory_space<vmem>>, vector<16xf32>,
    %select_n3A_300 = arith.select %and3A_297, %get3A_299, %broadcast_in_dim3A_51 : vector<16xf32>
    %add3A_301 = arith.addf %add3A_250, %select_n3A_300 : vector<16xf32>
    %get3A_302 = arith.constant 592 : index
    %get3A_303 = tpu.vector_load %arg12[%get3A_302] {strides = array<i32>} : memref<2304xf32, #tpu.memory_space<vmem>>, vector<16xf32>,
    %select_n3A_304 = arith.select %and3A_297, %get3A_303, %broadcast_in_dim3A_51 : vector<16xf32>
    %add3A_305 = arith.addf %add3A_254, %select_n3A_304 : vector<16xf32>
    %get3A_306 = arith.constant 608 : index
    %get3A_307 = tpu.vector_load %arg12[%get3A_306] {strides = array<i32>} : memref<2304xf32, #tpu.memory_space<vmem>>, vector<16xf32>,
    %select_n3A_308 = arith.select %and3A_297, %get3A_307, %broadcast_in_dim3A_51 : vector<16xf32>
    %add3A_309 = arith.addf %add3A_258, %select_n3A_308 : vector<16xf32>
    %get3A_310 = arith.constant 624 : index
    %get3A_311 = tpu.vector_load %arg12[%get3A_310] {strides = array<i32>} : memref<2304xf32, #tpu.memory_space<vmem>>, vector<16xf32>,
    %select_n3A_312 = arith.select %and3A_297, %get3A_311, %broadcast_in_dim3A_51 : vector<16xf32>
    %add3A_313 = arith.addf %add3A_262, %select_n3A_312 : vector<16xf32>
    %get3A_314 = arith.constant 640 : index
    %get3A_315 = tpu.vector_load %arg12[%get3A_314] {strides = array<i32>} : memref<2304xf32, #tpu.memory_space<vmem>>, vector<16xf32>,
    %select_n3A_316 = arith.select %and3A_297, %get3A_315, %broadcast_in_dim3A_51 : vector<16xf32>
    %add3A_317 = arith.addf %add3A_266, %select_n3A_316 : vector<16xf32>
    %get3A_318 = arith.constant 656 : index
    %get3A_319 = tpu.vector_load %arg12[%get3A_318] {strides = array<i32>} : memref<2304xf32, #tpu.memory_space<vmem>>, vector<16xf32>,
    %select_n3A_320 = arith.select %and3A_297, %get3A_319, %broadcast_in_dim3A_51 : vector<16xf32>
    %add3A_321 = arith.addf %add3A_270, %select_n3A_320 : vector<16xf32>
    %get3A_322 = arith.constant 672 : index
    %get3A_323 = tpu.vector_load %arg12[%get3A_322] {strides = array<i32>} : memref<2304xf32, #tpu.memory_space<vmem>>, vector<16xf32>,
    %select_n3A_324 = arith.select %and3A_297, %get3A_323, %broadcast_in_dim3A_51 : vector<16xf32>
    %add3A_325 = arith.addf %add3A_274, %select_n3A_324 : vector<16xf32>
    %get3A_326 = arith.constant 688 : index
    %get3A_327 = tpu.vector_load %arg12[%get3A_326] {strides = array<i32>} : memref<2304xf32, #tpu.memory_space<vmem>>, vector<16xf32>,
    %select_n3A_328 = arith.select %and3A_297, %get3A_327, %broadcast_in_dim3A_51 : vector<16xf32>
    %add3A_329 = arith.addf %add3A_278, %select_n3A_328 : vector<16xf32>
    %get3A_330 = arith.constant 704 : index
    %get3A_331 = tpu.vector_load %arg12[%get3A_330] {strides = array<i32>} : memref<2304xf32, #tpu.memory_space<vmem>>, vector<16xf32>,
    %select_n3A_332 = arith.select %and3A_297, %get3A_331, %broadcast_in_dim3A_51 : vector<16xf32>
    %add3A_333 = arith.addf %add3A_282, %select_n3A_332 : vector<16xf32>
    %le3A_334 = arith.constant 1535 : i32
    %le3A_335 = arith.cmpi sle, %convert_element_type3A_7, %le3A_334 : i32
    %convert_element_type3A_336 = arith.extui %le3A_335 : i1 to i32
    %le3A_337 = arith.constant 1535 : i32
    %le3A_338 = arith.cmpi sle, %convert_element_type3A_18, %le3A_337 : i32
    %convert_element_type3A_339 = arith.extui %le3A_338 : i1 to i32
    %add3A_340 = arith.addi %convert_element_type3A_336, %convert_element_type3A_339 : i32
    %le3A_341 = arith.constant 1535 : i32
    %le3A_342 = arith.cmpi sle, %convert_element_type3A_29, %le3A_341 : i32
    %convert_element_type3A_343 = arith.extui %le3A_342 : i1 to i32
    %add3A_344 = arith.addi %add3A_340, %convert_element_type3A_343 : i32
    %gt3A_345 = arith.constant 5 : i32
    %gt3A_346 = arith.cmpi sgt, %arg1, %gt3A_345 : i32
    %eq3A_347 = arith.cmpi eq, %add3A_344, %add3A_81 : i32
    %and3A_348 = arith.andi %gt3A_346, %eq3A_347 : i1
    %get3A_349 = arith.constant 720 : index
    %get3A_350 = tpu.vector_load %arg12[%get3A_349] {strides = array<i32>} : memref<2304xf32, #tpu.memory_space<vmem>>, vector<16xf32>,
    %select_n3A_351 = arith.select %and3A_348, %get3A_350, %broadcast_in_dim3A_51 : vector<16xf32>
    %add3A_352 = arith.addf %add3A_301, %select_n3A_351 : vector<16xf32>
    %get3A_353 = arith.constant 736 : index
    %get3A_354 = tpu.vector_load %arg12[%get3A_353] {strides = array<i32>} : memref<2304xf32, #tpu.memory_space<vmem>>, vector<16xf32>,
    %select_n3A_355 = arith.select %and3A_348, %get3A_354, %broadcast_in_dim3A_51 : vector<16xf32>
    %add3A_356 = arith.addf %add3A_305, %select_n3A_355 : vector<16xf32>
    %get3A_357 = arith.constant 752 : index
    %get3A_358 = tpu.vector_load %arg12[%get3A_357] {strides = array<i32>} : memref<2304xf32, #tpu.memory_space<vmem>>, vector<16xf32>,
    %select_n3A_359 = arith.select %and3A_348, %get3A_358, %broadcast_in_dim3A_51 : vector<16xf32>
    %add3A_360 = arith.addf %add3A_309, %select_n3A_359 : vector<16xf32>
    %get3A_361 = arith.constant 768 : index
    %get3A_362 = tpu.vector_load %arg12[%get3A_361] {strides = array<i32>} : memref<2304xf32, #tpu.memory_space<vmem>>, vector<16xf32>,
    %select_n3A_363 = arith.select %and3A_348, %get3A_362, %broadcast_in_dim3A_51 : vector<16xf32>
    %add3A_364 = arith.addf %add3A_313, %select_n3A_363 : vector<16xf32>
    %get3A_365 = arith.constant 784 : index
    %get3A_366 = tpu.vector_load %arg12[%get3A_365] {strides = array<i32>} : memref<2304xf32, #tpu.memory_space<vmem>>, vector<16xf32>,
    %select_n3A_367 = arith.select %and3A_348, %get3A_366, %broadcast_in_dim3A_51 : vector<16xf32>
    %add3A_368 = arith.addf %add3A_317, %select_n3A_367 : vector<16xf32>
    %get3A_369 = arith.constant 800 : index
    %get3A_370 = tpu.vector_load %arg12[%get3A_369] {strides = array<i32>} : memref<2304xf32, #tpu.memory_space<vmem>>, vector<16xf32>,
    %select_n3A_371 = arith.select %and3A_348, %get3A_370, %broadcast_in_dim3A_51 : vector<16xf32>
    %add3A_372 = arith.addf %add3A_321, %select_n3A_371 : vector<16xf32>
    %get3A_373 = arith.constant 816 : index
    %get3A_374 = tpu.vector_load %arg12[%get3A_373] {strides = array<i32>} : memref<2304xf32, #tpu.memory_space<vmem>>, vector<16xf32>,
    %select_n3A_375 = arith.select %and3A_348, %get3A_374, %broadcast_in_dim3A_51 : vector<16xf32>
    %add3A_376 = arith.addf %add3A_325, %select_n3A_375 : vector<16xf32>
    %get3A_377 = arith.constant 832 : index
    %get3A_378 = tpu.vector_load %arg12[%get3A_377] {strides = array<i32>} : memref<2304xf32, #tpu.memory_space<vmem>>, vector<16xf32>,
    %select_n3A_379 = arith.select %and3A_348, %get3A_378, %broadcast_in_dim3A_51 : vector<16xf32>
    %add3A_380 = arith.addf %add3A_329, %select_n3A_379 : vector<16xf32>
    %get3A_381 = arith.constant 848 : index
    %get3A_382 = tpu.vector_load %arg12[%get3A_381] {strides = array<i32>} : memref<2304xf32, #tpu.memory_space<vmem>>, vector<16xf32>,
    %select_n3A_383 = arith.select %and3A_348, %get3A_382, %broadcast_in_dim3A_51 : vector<16xf32>
    %add3A_384 = arith.addf %add3A_333, %select_n3A_383 : vector<16xf32>
    %le3A_385 = arith.constant 1791 : i32
    %le3A_386 = arith.cmpi sle, %convert_element_type3A_7, %le3A_385 : i32
    %convert_element_type3A_387 = arith.extui %le3A_386 : i1 to i32
    %le3A_388 = arith.constant 1791 : i32
    %le3A_389 = arith.cmpi sle, %convert_element_type3A_18, %le3A_388 : i32
    %convert_element_type3A_390 = arith.extui %le3A_389 : i1 to i32
    %add3A_391 = arith.addi %convert_element_type3A_387, %convert_element_type3A_390 : i32
    %le3A_392 = arith.constant 1791 : i32
    %le3A_393 = arith.cmpi sle, %convert_element_type3A_29, %le3A_392 : i32
    %convert_element_type3A_394 = arith.extui %le3A_393 : i1 to i32
    %add3A_395 = arith.addi %add3A_391, %convert_element_type3A_394 : i32
    %gt3A_396 = arith.constant 6 : i32
    %gt3A_397 = arith.cmpi sgt, %arg1, %gt3A_396 : i32
    %eq3A_398 = arith.cmpi eq, %add3A_395, %add3A_81 : i32
    %and3A_399 = arith.andi %gt3A_397, %eq3A_398 : i1
    %get3A_400 = arith.constant 864 : index
    %get3A_401 = tpu.vector_load %arg12[%get3A_400] {strides = array<i32>} : memref<2304xf32, #tpu.memory_space<vmem>>, vector<16xf32>,
    %select_n3A_402 = arith.select %and3A_399, %get3A_401, %broadcast_in_dim3A_51 : vector<16xf32>
    %add3A_403 = arith.addf %add3A_352, %select_n3A_402 : vector<16xf32>
    %get3A_404 = arith.constant 880 : index
    %get3A_405 = tpu.vector_load %arg12[%get3A_404] {strides = array<i32>} : memref<2304xf32, #tpu.memory_space<vmem>>, vector<16xf32>,
    %select_n3A_406 = arith.select %and3A_399, %get3A_405, %broadcast_in_dim3A_51 : vector<16xf32>
    %add3A_407 = arith.addf %add3A_356, %select_n3A_406 : vector<16xf32>
    %get3A_408 = arith.constant 896 : index
    %get3A_409 = tpu.vector_load %arg12[%get3A_408] {strides = array<i32>} : memref<2304xf32, #tpu.memory_space<vmem>>, vector<16xf32>,
    %select_n3A_410 = arith.select %and3A_399, %get3A_409, %broadcast_in_dim3A_51 : vector<16xf32>
    %add3A_411 = arith.addf %add3A_360, %select_n3A_410 : vector<16xf32>
    %get3A_412 = arith.constant 912 : index
    %get3A_413 = tpu.vector_load %arg12[%get3A_412] {strides = array<i32>} : memref<2304xf32, #tpu.memory_space<vmem>>, vector<16xf32>,
    %select_n3A_414 = arith.select %and3A_399, %get3A_413, %broadcast_in_dim3A_51 : vector<16xf32>
    %add3A_415 = arith.addf %add3A_364, %select_n3A_414 : vector<16xf32>
    %get3A_416 = arith.constant 928 : index
    %get3A_417 = tpu.vector_load %arg12[%get3A_416] {strides = array<i32>} : memref<2304xf32, #tpu.memory_space<vmem>>, vector<16xf32>,
    %select_n3A_418 = arith.select %and3A_399, %get3A_417, %broadcast_in_dim3A_51 : vector<16xf32>
    %add3A_419 = arith.addf %add3A_368, %select_n3A_418 : vector<16xf32>
    %get3A_420 = arith.constant 944 : index
    %get3A_421 = tpu.vector_load %arg12[%get3A_420] {strides = array<i32>} : memref<2304xf32, #tpu.memory_space<vmem>>, vector<16xf32>,
    %select_n3A_422 = arith.select %and3A_399, %get3A_421, %broadcast_in_dim3A_51 : vector<16xf32>
    %add3A_423 = arith.addf %add3A_372, %select_n3A_422 : vector<16xf32>
    %get3A_424 = arith.constant 960 : index
    %get3A_425 = tpu.vector_load %arg12[%get3A_424] {strides = array<i32>} : memref<2304xf32, #tpu.memory_space<vmem>>, vector<16xf32>,
    %select_n3A_426 = arith.select %and3A_399, %get3A_425, %broadcast_in_dim3A_51 : vector<16xf32>
    %add3A_427 = arith.addf %add3A_376, %select_n3A_426 : vector<16xf32>
    %get3A_428 = arith.constant 976 : index
    %get3A_429 = tpu.vector_load %arg12[%get3A_428] {strides = array<i32>} : memref<2304xf32, #tpu.memory_space<vmem>>, vector<16xf32>,
    %select_n3A_430 = arith.select %and3A_399, %get3A_429, %broadcast_in_dim3A_51 : vector<16xf32>
    %add3A_431 = arith.addf %add3A_380, %select_n3A_430 : vector<16xf32>
    %get3A_432 = arith.constant 992 : index
    %get3A_433 = tpu.vector_load %arg12[%get3A_432] {strides = array<i32>} : memref<2304xf32, #tpu.memory_space<vmem>>, vector<16xf32>,
    %select_n3A_434 = arith.select %and3A_399, %get3A_433, %broadcast_in_dim3A_51 : vector<16xf32>
    %add3A_435 = arith.addf %add3A_384, %select_n3A_434 : vector<16xf32>
    %le3A_436 = arith.constant 2047 : i32
    %le3A_437 = arith.cmpi sle, %convert_element_type3A_7, %le3A_436 : i32
    %convert_element_type3A_438 = arith.extui %le3A_437 : i1 to i32
    %le3A_439 = arith.constant 2047 : i32
    %le3A_440 = arith.cmpi sle, %convert_element_type3A_18, %le3A_439 : i32
    %convert_element_type3A_441 = arith.extui %le3A_440 : i1 to i32
    %add3A_442 = arith.addi %convert_element_type3A_438, %convert_element_type3A_441 : i32
    %le3A_443 = arith.constant 2047 : i32
    %le3A_444 = arith.cmpi sle, %convert_element_type3A_29, %le3A_443 : i32
    %convert_element_type3A_445 = arith.extui %le3A_444 : i1 to i32
    %add3A_446 = arith.addi %add3A_442, %convert_element_type3A_445 : i32
    %gt3A_447 = arith.constant 7 : i32
    %gt3A_448 = arith.cmpi sgt, %arg1, %gt3A_447 : i32
    %eq3A_449 = arith.cmpi eq, %add3A_446, %add3A_81 : i32
    %and3A_450 = arith.andi %gt3A_448, %eq3A_449 : i1
    %get3A_451 = arith.constant 1008 : index
    %get3A_452 = tpu.vector_load %arg12[%get3A_451] {strides = array<i32>} : memref<2304xf32, #tpu.memory_space<vmem>>, vector<16xf32>,
    %select_n3A_453 = arith.select %and3A_450, %get3A_452, %broadcast_in_dim3A_51 : vector<16xf32>
    %add3A_454 = arith.addf %add3A_403, %select_n3A_453 : vector<16xf32>
    %get3A_455 = arith.constant 1024 : index
    %get3A_456 = tpu.vector_load %arg12[%get3A_455] {strides = array<i32>} : memref<2304xf32, #tpu.memory_space<vmem>>, vector<16xf32>,
    %select_n3A_457 = arith.select %and3A_450, %get3A_456, %broadcast_in_dim3A_51 : vector<16xf32>
    %add3A_458 = arith.addf %add3A_407, %select_n3A_457 : vector<16xf32>
    %get3A_459 = arith.constant 1040 : index
    %get3A_460 = tpu.vector_load %arg12[%get3A_459] {strides = array<i32>} : memref<2304xf32, #tpu.memory_space<vmem>>, vector<16xf32>,
    %select_n3A_461 = arith.select %and3A_450, %get3A_460, %broadcast_in_dim3A_51 : vector<16xf32>
    %add3A_462 = arith.addf %add3A_411, %select_n3A_461 : vector<16xf32>
    %get3A_463 = arith.constant 1056 : index
    %get3A_464 = tpu.vector_load %arg12[%get3A_463] {strides = array<i32>} : memref<2304xf32, #tpu.memory_space<vmem>>, vector<16xf32>,
    %select_n3A_465 = arith.select %and3A_450, %get3A_464, %broadcast_in_dim3A_51 : vector<16xf32>
    %add3A_466 = arith.addf %add3A_415, %select_n3A_465 : vector<16xf32>
    %get3A_467 = arith.constant 1072 : index
    %get3A_468 = tpu.vector_load %arg12[%get3A_467] {strides = array<i32>} : memref<2304xf32, #tpu.memory_space<vmem>>, vector<16xf32>,
    %select_n3A_469 = arith.select %and3A_450, %get3A_468, %broadcast_in_dim3A_51 : vector<16xf32>
    %add3A_470 = arith.addf %add3A_419, %select_n3A_469 : vector<16xf32>
    %get3A_471 = arith.constant 1088 : index
    %get3A_472 = tpu.vector_load %arg12[%get3A_471] {strides = array<i32>} : memref<2304xf32, #tpu.memory_space<vmem>>, vector<16xf32>,
    %select_n3A_473 = arith.select %and3A_450, %get3A_472, %broadcast_in_dim3A_51 : vector<16xf32>
    %add3A_474 = arith.addf %add3A_423, %select_n3A_473 : vector<16xf32>
    %get3A_475 = arith.constant 1104 : index
    %get3A_476 = tpu.vector_load %arg12[%get3A_475] {strides = array<i32>} : memref<2304xf32, #tpu.memory_space<vmem>>, vector<16xf32>,
    %select_n3A_477 = arith.select %and3A_450, %get3A_476, %broadcast_in_dim3A_51 : vector<16xf32>
    %add3A_478 = arith.addf %add3A_427, %select_n3A_477 : vector<16xf32>
    %get3A_479 = arith.constant 1120 : index
    %get3A_480 = tpu.vector_load %arg12[%get3A_479] {strides = array<i32>} : memref<2304xf32, #tpu.memory_space<vmem>>, vector<16xf32>,
    %select_n3A_481 = arith.select %and3A_450, %get3A_480, %broadcast_in_dim3A_51 : vector<16xf32>
    %add3A_482 = arith.addf %add3A_431, %select_n3A_481 : vector<16xf32>
    %get3A_483 = arith.constant 1136 : index
    %get3A_484 = tpu.vector_load %arg12[%get3A_483] {strides = array<i32>} : memref<2304xf32, #tpu.memory_space<vmem>>, vector<16xf32>,
    %select_n3A_485 = arith.select %and3A_450, %get3A_484, %broadcast_in_dim3A_51 : vector<16xf32>
    %add3A_486 = arith.addf %add3A_435, %select_n3A_485 : vector<16xf32>
    %le3A_487 = arith.constant 2303 : i32
    %le3A_488 = arith.cmpi sle, %convert_element_type3A_7, %le3A_487 : i32
    %convert_element_type3A_489 = arith.extui %le3A_488 : i1 to i32
    %le3A_490 = arith.constant 2303 : i32
    %le3A_491 = arith.cmpi sle, %convert_element_type3A_18, %le3A_490 : i32
    %convert_element_type3A_492 = arith.extui %le3A_491 : i1 to i32
    %add3A_493 = arith.addi %convert_element_type3A_489, %convert_element_type3A_492 : i32
    %le3A_494 = arith.constant 2303 : i32
    %le3A_495 = arith.cmpi sle, %convert_element_type3A_29, %le3A_494 : i32
    %convert_element_type3A_496 = arith.extui %le3A_495 : i1 to i32
    %add3A_497 = arith.addi %add3A_493, %convert_element_type3A_496 : i32
    %gt3A_498 = arith.constant 8 : i32
    %gt3A_499 = arith.cmpi sgt, %arg1, %gt3A_498 : i32
    %eq3A_500 = arith.cmpi eq, %add3A_497, %add3A_81 : i32
    %and3A_501 = arith.andi %gt3A_499, %eq3A_500 : i1
    %get3A_502 = arith.constant 1152 : index
    %get3A_503 = tpu.vector_load %arg12[%get3A_502] {strides = array<i32>} : memref<2304xf32, #tpu.memory_space<vmem>>, vector<16xf32>,
    %select_n3A_504 = arith.select %and3A_501, %get3A_503, %broadcast_in_dim3A_51 : vector<16xf32>
    %add3A_505 = arith.addf %add3A_454, %select_n3A_504 : vector<16xf32>
    %get3A_506 = arith.constant 1168 : index
    %get3A_507 = tpu.vector_load %arg12[%get3A_506] {strides = array<i32>} : memref<2304xf32, #tpu.memory_space<vmem>>, vector<16xf32>,
    %select_n3A_508 = arith.select %and3A_501, %get3A_507, %broadcast_in_dim3A_51 : vector<16xf32>
    %add3A_509 = arith.addf %add3A_458, %select_n3A_508 : vector<16xf32>
    %get3A_510 = arith.constant 1184 : index
    %get3A_511 = tpu.vector_load %arg12[%get3A_510] {strides = array<i32>} : memref<2304xf32, #tpu.memory_space<vmem>>, vector<16xf32>,
    %select_n3A_512 = arith.select %and3A_501, %get3A_511, %broadcast_in_dim3A_51 : vector<16xf32>
    %add3A_513 = arith.addf %add3A_462, %select_n3A_512 : vector<16xf32>
    %get3A_514 = arith.constant 1200 : index
    %get3A_515 = tpu.vector_load %arg12[%get3A_514] {strides = array<i32>} : memref<2304xf32, #tpu.memory_space<vmem>>, vector<16xf32>,
    %select_n3A_516 = arith.select %and3A_501, %get3A_515, %broadcast_in_dim3A_51 : vector<16xf32>
    %add3A_517 = arith.addf %add3A_466, %select_n3A_516 : vector<16xf32>
    %get3A_518 = arith.constant 1216 : index
    %get3A_519 = tpu.vector_load %arg12[%get3A_518] {strides = array<i32>} : memref<2304xf32, #tpu.memory_space<vmem>>, vector<16xf32>,
    %select_n3A_520 = arith.select %and3A_501, %get3A_519, %broadcast_in_dim3A_51 : vector<16xf32>
    %add3A_521 = arith.addf %add3A_470, %select_n3A_520 : vector<16xf32>
    %get3A_522 = arith.constant 1232 : index
    %get3A_523 = tpu.vector_load %arg12[%get3A_522] {strides = array<i32>} : memref<2304xf32, #tpu.memory_space<vmem>>, vector<16xf32>,
    %select_n3A_524 = arith.select %and3A_501, %get3A_523, %broadcast_in_dim3A_51 : vector<16xf32>
    %add3A_525 = arith.addf %add3A_474, %select_n3A_524 : vector<16xf32>
    %get3A_526 = arith.constant 1248 : index
    %get3A_527 = tpu.vector_load %arg12[%get3A_526] {strides = array<i32>} : memref<2304xf32, #tpu.memory_space<vmem>>, vector<16xf32>,
    %select_n3A_528 = arith.select %and3A_501, %get3A_527, %broadcast_in_dim3A_51 : vector<16xf32>
    %add3A_529 = arith.addf %add3A_478, %select_n3A_528 : vector<16xf32>
    %get3A_530 = arith.constant 1264 : index
    %get3A_531 = tpu.vector_load %arg12[%get3A_530] {strides = array<i32>} : memref<2304xf32, #tpu.memory_space<vmem>>, vector<16xf32>,
    %select_n3A_532 = arith.select %and3A_501, %get3A_531, %broadcast_in_dim3A_51 : vector<16xf32>
    %add3A_533 = arith.addf %add3A_482, %select_n3A_532 : vector<16xf32>
    %get3A_534 = arith.constant 1280 : index
    %get3A_535 = tpu.vector_load %arg12[%get3A_534] {strides = array<i32>} : memref<2304xf32, #tpu.memory_space<vmem>>, vector<16xf32>,
    %select_n3A_536 = arith.select %and3A_501, %get3A_535, %broadcast_in_dim3A_51 : vector<16xf32>
    %add3A_537 = arith.addf %add3A_486, %select_n3A_536 : vector<16xf32>
    %le3A_538 = arith.constant 2559 : i32
    %le3A_539 = arith.cmpi sle, %convert_element_type3A_7, %le3A_538 : i32
    %convert_element_type3A_540 = arith.extui %le3A_539 : i1 to i32
    %le3A_541 = arith.constant 2559 : i32
    %le3A_542 = arith.cmpi sle, %convert_element_type3A_18, %le3A_541 : i32
    %convert_element_type3A_543 = arith.extui %le3A_542 : i1 to i32
    %add3A_544 = arith.addi %convert_element_type3A_540, %convert_element_type3A_543 : i32
    %le3A_545 = arith.constant 2559 : i32
    %le3A_546 = arith.cmpi sle, %convert_element_type3A_29, %le3A_545 : i32
    %convert_element_type3A_547 = arith.extui %le3A_546 : i1 to i32
    %add3A_548 = arith.addi %add3A_544, %convert_element_type3A_547 : i32
    %gt3A_549 = arith.constant 9 : i32
    %gt3A_550 = arith.cmpi sgt, %arg1, %gt3A_549 : i32
    %eq3A_551 = arith.cmpi eq, %add3A_548, %add3A_81 : i32
    %and3A_552 = arith.andi %gt3A_550, %eq3A_551 : i1
    %get3A_553 = arith.constant 1296 : index
    %get3A_554 = tpu.vector_load %arg12[%get3A_553] {strides = array<i32>} : memref<2304xf32, #tpu.memory_space<vmem>>, vector<16xf32>,
    %select_n3A_555 = arith.select %and3A_552, %get3A_554, %broadcast_in_dim3A_51 : vector<16xf32>
    %add3A_556 = arith.addf %add3A_505, %select_n3A_555 : vector<16xf32>
    %get3A_557 = arith.constant 1312 : index
    %get3A_558 = tpu.vector_load %arg12[%get3A_557] {strides = array<i32>} : memref<2304xf32, #tpu.memory_space<vmem>>, vector<16xf32>,
    %select_n3A_559 = arith.select %and3A_552, %get3A_558, %broadcast_in_dim3A_51 : vector<16xf32>
    %add3A_560 = arith.addf %add3A_509, %select_n3A_559 : vector<16xf32>
    %get3A_561 = arith.constant 1328 : index
    %get3A_562 = tpu.vector_load %arg12[%get3A_561] {strides = array<i32>} : memref<2304xf32, #tpu.memory_space<vmem>>, vector<16xf32>,
    %select_n3A_563 = arith.select %and3A_552, %get3A_562, %broadcast_in_dim3A_51 : vector<16xf32>
    %add3A_564 = arith.addf %add3A_513, %select_n3A_563 : vector<16xf32>
    %get3A_565 = arith.constant 1344 : index
    %get3A_566 = tpu.vector_load %arg12[%get3A_565] {strides = array<i32>} : memref<2304xf32, #tpu.memory_space<vmem>>, vector<16xf32>,
    %select_n3A_567 = arith.select %and3A_552, %get3A_566, %broadcast_in_dim3A_51 : vector<16xf32>
    %add3A_568 = arith.addf %add3A_517, %select_n3A_567 : vector<16xf32>
    %get3A_569 = arith.constant 1360 : index
    %get3A_570 = tpu.vector_load %arg12[%get3A_569] {strides = array<i32>} : memref<2304xf32, #tpu.memory_space<vmem>>, vector<16xf32>,
    %select_n3A_571 = arith.select %and3A_552, %get3A_570, %broadcast_in_dim3A_51 : vector<16xf32>
    %add3A_572 = arith.addf %add3A_521, %select_n3A_571 : vector<16xf32>
    %get3A_573 = arith.constant 1376 : index
    %get3A_574 = tpu.vector_load %arg12[%get3A_573] {strides = array<i32>} : memref<2304xf32, #tpu.memory_space<vmem>>, vector<16xf32>,
    %select_n3A_575 = arith.select %and3A_552, %get3A_574, %broadcast_in_dim3A_51 : vector<16xf32>
    %add3A_576 = arith.addf %add3A_525, %select_n3A_575 : vector<16xf32>
    %get3A_577 = arith.constant 1392 : index
    %get3A_578 = tpu.vector_load %arg12[%get3A_577] {strides = array<i32>} : memref<2304xf32, #tpu.memory_space<vmem>>, vector<16xf32>,
    %select_n3A_579 = arith.select %and3A_552, %get3A_578, %broadcast_in_dim3A_51 : vector<16xf32>
    %add3A_580 = arith.addf %add3A_529, %select_n3A_579 : vector<16xf32>
    %get3A_581 = arith.constant 1408 : index
    %get3A_582 = tpu.vector_load %arg12[%get3A_581] {strides = array<i32>} : memref<2304xf32, #tpu.memory_space<vmem>>, vector<16xf32>,
    %select_n3A_583 = arith.select %and3A_552, %get3A_582, %broadcast_in_dim3A_51 : vector<16xf32>
    %add3A_584 = arith.addf %add3A_533, %select_n3A_583 : vector<16xf32>
    %get3A_585 = arith.constant 1424 : index
    %get3A_586 = tpu.vector_load %arg12[%get3A_585] {strides = array<i32>} : memref<2304xf32, #tpu.memory_space<vmem>>, vector<16xf32>,
    %select_n3A_587 = arith.select %and3A_552, %get3A_586, %broadcast_in_dim3A_51 : vector<16xf32>
    %add3A_588 = arith.addf %add3A_537, %select_n3A_587 : vector<16xf32>
    %le3A_589 = arith.constant 2815 : i32
    %le3A_590 = arith.cmpi sle, %convert_element_type3A_7, %le3A_589 : i32
    %convert_element_type3A_591 = arith.extui %le3A_590 : i1 to i32
    %le3A_592 = arith.constant 2815 : i32
    %le3A_593 = arith.cmpi sle, %convert_element_type3A_18, %le3A_592 : i32
    %convert_element_type3A_594 = arith.extui %le3A_593 : i1 to i32
    %add3A_595 = arith.addi %convert_element_type3A_591, %convert_element_type3A_594 : i32
    %le3A_596 = arith.constant 2815 : i32
    %le3A_597 = arith.cmpi sle, %convert_element_type3A_29, %le3A_596 : i32
    %convert_element_type3A_598 = arith.extui %le3A_597 : i1 to i32
    %add3A_599 = arith.addi %add3A_595, %convert_element_type3A_598 : i32
    %gt3A_600 = arith.constant 10 : i32
    %gt3A_601 = arith.cmpi sgt, %arg1, %gt3A_600 : i32
    %eq3A_602 = arith.cmpi eq, %add3A_599, %add3A_81 : i32
    %and3A_603 = arith.andi %gt3A_601, %eq3A_602 : i1
    %get3A_604 = arith.constant 1440 : index
    %get3A_605 = tpu.vector_load %arg12[%get3A_604] {strides = array<i32>} : memref<2304xf32, #tpu.memory_space<vmem>>, vector<16xf32>,
    %select_n3A_606 = arith.select %and3A_603, %get3A_605, %broadcast_in_dim3A_51 : vector<16xf32>
    %add3A_607 = arith.addf %add3A_556, %select_n3A_606 : vector<16xf32>
    %get3A_608 = arith.constant 1456 : index
    %get3A_609 = tpu.vector_load %arg12[%get3A_608] {strides = array<i32>} : memref<2304xf32, #tpu.memory_space<vmem>>, vector<16xf32>,
    %select_n3A_610 = arith.select %and3A_603, %get3A_609, %broadcast_in_dim3A_51 : vector<16xf32>
    %add3A_611 = arith.addf %add3A_560, %select_n3A_610 : vector<16xf32>
    %get3A_612 = arith.constant 1472 : index
    %get3A_613 = tpu.vector_load %arg12[%get3A_612] {strides = array<i32>} : memref<2304xf32, #tpu.memory_space<vmem>>, vector<16xf32>,
    %select_n3A_614 = arith.select %and3A_603, %get3A_613, %broadcast_in_dim3A_51 : vector<16xf32>
    %add3A_615 = arith.addf %add3A_564, %select_n3A_614 : vector<16xf32>
    %get3A_616 = arith.constant 1488 : index
    %get3A_617 = tpu.vector_load %arg12[%get3A_616] {strides = array<i32>} : memref<2304xf32, #tpu.memory_space<vmem>>, vector<16xf32>,
    %select_n3A_618 = arith.select %and3A_603, %get3A_617, %broadcast_in_dim3A_51 : vector<16xf32>
    %add3A_619 = arith.addf %add3A_568, %select_n3A_618 : vector<16xf32>
    %get3A_620 = arith.constant 1504 : index
    %get3A_621 = tpu.vector_load %arg12[%get3A_620] {strides = array<i32>} : memref<2304xf32, #tpu.memory_space<vmem>>, vector<16xf32>,
    %select_n3A_622 = arith.select %and3A_603, %get3A_621, %broadcast_in_dim3A_51 : vector<16xf32>
    %add3A_623 = arith.addf %add3A_572, %select_n3A_622 : vector<16xf32>
    %get3A_624 = arith.constant 1520 : index
    %get3A_625 = tpu.vector_load %arg12[%get3A_624] {strides = array<i32>} : memref<2304xf32, #tpu.memory_space<vmem>>, vector<16xf32>,
    %select_n3A_626 = arith.select %and3A_603, %get3A_625, %broadcast_in_dim3A_51 : vector<16xf32>
    %add3A_627 = arith.addf %add3A_576, %select_n3A_626 : vector<16xf32>
    %get3A_628 = arith.constant 1536 : index
    %get3A_629 = tpu.vector_load %arg12[%get3A_628] {strides = array<i32>} : memref<2304xf32, #tpu.memory_space<vmem>>, vector<16xf32>,
    %select_n3A_630 = arith.select %and3A_603, %get3A_629, %broadcast_in_dim3A_51 : vector<16xf32>
    %add3A_631 = arith.addf %add3A_580, %select_n3A_630 : vector<16xf32>
    %get3A_632 = arith.constant 1552 : index
    %get3A_633 = tpu.vector_load %arg12[%get3A_632] {strides = array<i32>} : memref<2304xf32, #tpu.memory_space<vmem>>, vector<16xf32>,
    %select_n3A_634 = arith.select %and3A_603, %get3A_633, %broadcast_in_dim3A_51 : vector<16xf32>
    %add3A_635 = arith.addf %add3A_584, %select_n3A_634 : vector<16xf32>
    %get3A_636 = arith.constant 1568 : index
    %get3A_637 = tpu.vector_load %arg12[%get3A_636] {strides = array<i32>} : memref<2304xf32, #tpu.memory_space<vmem>>, vector<16xf32>,
    %select_n3A_638 = arith.select %and3A_603, %get3A_637, %broadcast_in_dim3A_51 : vector<16xf32>
    %add3A_639 = arith.addf %add3A_588, %select_n3A_638 : vector<16xf32>
    %le3A_640 = arith.constant 3071 : i32
    %le3A_641 = arith.cmpi sle, %convert_element_type3A_7, %le3A_640 : i32
    %convert_element_type3A_642 = arith.extui %le3A_641 : i1 to i32
    %le3A_643 = arith.constant 3071 : i32
    %le3A_644 = arith.cmpi sle, %convert_element_type3A_18, %le3A_643 : i32
    %convert_element_type3A_645 = arith.extui %le3A_644 : i1 to i32
    %add3A_646 = arith.addi %convert_element_type3A_642, %convert_element_type3A_645 : i32
    %le3A_647 = arith.constant 3071 : i32
    %le3A_648 = arith.cmpi sle, %convert_element_type3A_29, %le3A_647 : i32
    %convert_element_type3A_649 = arith.extui %le3A_648 : i1 to i32
    %add3A_650 = arith.addi %add3A_646, %convert_element_type3A_649 : i32
    %gt3A_651 = arith.constant 11 : i32
    %gt3A_652 = arith.cmpi sgt, %arg1, %gt3A_651 : i32
    %eq3A_653 = arith.cmpi eq, %add3A_650, %add3A_81 : i32
    %and3A_654 = arith.andi %gt3A_652, %eq3A_653 : i1
    %get3A_655 = arith.constant 1584 : index
    %get3A_656 = tpu.vector_load %arg12[%get3A_655] {strides = array<i32>} : memref<2304xf32, #tpu.memory_space<vmem>>, vector<16xf32>,
    %select_n3A_657 = arith.select %and3A_654, %get3A_656, %broadcast_in_dim3A_51 : vector<16xf32>
    %add3A_658 = arith.addf %add3A_607, %select_n3A_657 : vector<16xf32>
    %get3A_659 = arith.constant 1600 : index
    %get3A_660 = tpu.vector_load %arg12[%get3A_659] {strides = array<i32>} : memref<2304xf32, #tpu.memory_space<vmem>>, vector<16xf32>,
    %select_n3A_661 = arith.select %and3A_654, %get3A_660, %broadcast_in_dim3A_51 : vector<16xf32>
    %add3A_662 = arith.addf %add3A_611, %select_n3A_661 : vector<16xf32>
    %get3A_663 = arith.constant 1616 : index
    %get3A_664 = tpu.vector_load %arg12[%get3A_663] {strides = array<i32>} : memref<2304xf32, #tpu.memory_space<vmem>>, vector<16xf32>,
    %select_n3A_665 = arith.select %and3A_654, %get3A_664, %broadcast_in_dim3A_51 : vector<16xf32>
    %add3A_666 = arith.addf %add3A_615, %select_n3A_665 : vector<16xf32>
    %get3A_667 = arith.constant 1632 : index
    %get3A_668 = tpu.vector_load %arg12[%get3A_667] {strides = array<i32>} : memref<2304xf32, #tpu.memory_space<vmem>>, vector<16xf32>,
    %select_n3A_669 = arith.select %and3A_654, %get3A_668, %broadcast_in_dim3A_51 : vector<16xf32>
    %add3A_670 = arith.addf %add3A_619, %select_n3A_669 : vector<16xf32>
    %get3A_671 = arith.constant 1648 : index
    %get3A_672 = tpu.vector_load %arg12[%get3A_671] {strides = array<i32>} : memref<2304xf32, #tpu.memory_space<vmem>>, vector<16xf32>,
    %select_n3A_673 = arith.select %and3A_654, %get3A_672, %broadcast_in_dim3A_51 : vector<16xf32>
    %add3A_674 = arith.addf %add3A_623, %select_n3A_673 : vector<16xf32>
    %get3A_675 = arith.constant 1664 : index
    %get3A_676 = tpu.vector_load %arg12[%get3A_675] {strides = array<i32>} : memref<2304xf32, #tpu.memory_space<vmem>>, vector<16xf32>,
    %select_n3A_677 = arith.select %and3A_654, %get3A_676, %broadcast_in_dim3A_51 : vector<16xf32>
    %add3A_678 = arith.addf %add3A_627, %select_n3A_677 : vector<16xf32>
    %get3A_679 = arith.constant 1680 : index
    %get3A_680 = tpu.vector_load %arg12[%get3A_679] {strides = array<i32>} : memref<2304xf32, #tpu.memory_space<vmem>>, vector<16xf32>,
    %select_n3A_681 = arith.select %and3A_654, %get3A_680, %broadcast_in_dim3A_51 : vector<16xf32>
    %add3A_682 = arith.addf %add3A_631, %select_n3A_681 : vector<16xf32>
    %get3A_683 = arith.constant 1696 : index
    %get3A_684 = tpu.vector_load %arg12[%get3A_683] {strides = array<i32>} : memref<2304xf32, #tpu.memory_space<vmem>>, vector<16xf32>,
    %select_n3A_685 = arith.select %and3A_654, %get3A_684, %broadcast_in_dim3A_51 : vector<16xf32>
    %add3A_686 = arith.addf %add3A_635, %select_n3A_685 : vector<16xf32>
    %get3A_687 = arith.constant 1712 : index
    %get3A_688 = tpu.vector_load %arg12[%get3A_687] {strides = array<i32>} : memref<2304xf32, #tpu.memory_space<vmem>>, vector<16xf32>,
    %select_n3A_689 = arith.select %and3A_654, %get3A_688, %broadcast_in_dim3A_51 : vector<16xf32>
    %add3A_690 = arith.addf %add3A_639, %select_n3A_689 : vector<16xf32>
    %le3A_691 = arith.constant 3327 : i32
    %le3A_692 = arith.cmpi sle, %convert_element_type3A_7, %le3A_691 : i32
    %convert_element_type3A_693 = arith.extui %le3A_692 : i1 to i32
    %le3A_694 = arith.constant 3327 : i32
    %le3A_695 = arith.cmpi sle, %convert_element_type3A_18, %le3A_694 : i32
    %convert_element_type3A_696 = arith.extui %le3A_695 : i1 to i32
    %add3A_697 = arith.addi %convert_element_type3A_693, %convert_element_type3A_696 : i32
    %le3A_698 = arith.constant 3327 : i32
    %le3A_699 = arith.cmpi sle, %convert_element_type3A_29, %le3A_698 : i32
    %convert_element_type3A_700 = arith.extui %le3A_699 : i1 to i32
    %add3A_701 = arith.addi %add3A_697, %convert_element_type3A_700 : i32
    %gt3A_702 = arith.constant 12 : i32
    %gt3A_703 = arith.cmpi sgt, %arg1, %gt3A_702 : i32
    %eq3A_704 = arith.cmpi eq, %add3A_701, %add3A_81 : i32
    %and3A_705 = arith.andi %gt3A_703, %eq3A_704 : i1
    %get3A_706 = arith.constant 1728 : index
    %get3A_707 = tpu.vector_load %arg12[%get3A_706] {strides = array<i32>} : memref<2304xf32, #tpu.memory_space<vmem>>, vector<16xf32>,
    %select_n3A_708 = arith.select %and3A_705, %get3A_707, %broadcast_in_dim3A_51 : vector<16xf32>
    %add3A_709 = arith.addf %add3A_658, %select_n3A_708 : vector<16xf32>
    %get3A_710 = arith.constant 1744 : index
    %get3A_711 = tpu.vector_load %arg12[%get3A_710] {strides = array<i32>} : memref<2304xf32, #tpu.memory_space<vmem>>, vector<16xf32>,
    %select_n3A_712 = arith.select %and3A_705, %get3A_711, %broadcast_in_dim3A_51 : vector<16xf32>
    %add3A_713 = arith.addf %add3A_662, %select_n3A_712 : vector<16xf32>
    %get3A_714 = arith.constant 1760 : index
    %get3A_715 = tpu.vector_load %arg12[%get3A_714] {strides = array<i32>} : memref<2304xf32, #tpu.memory_space<vmem>>, vector<16xf32>,
    %select_n3A_716 = arith.select %and3A_705, %get3A_715, %broadcast_in_dim3A_51 : vector<16xf32>
    %add3A_717 = arith.addf %add3A_666, %select_n3A_716 : vector<16xf32>
    %get3A_718 = arith.constant 1776 : index
    %get3A_719 = tpu.vector_load %arg12[%get3A_718] {strides = array<i32>} : memref<2304xf32, #tpu.memory_space<vmem>>, vector<16xf32>,
    %select_n3A_720 = arith.select %and3A_705, %get3A_719, %broadcast_in_dim3A_51 : vector<16xf32>
    %add3A_721 = arith.addf %add3A_670, %select_n3A_720 : vector<16xf32>
    %get3A_722 = arith.constant 1792 : index
    %get3A_723 = tpu.vector_load %arg12[%get3A_722] {strides = array<i32>} : memref<2304xf32, #tpu.memory_space<vmem>>, vector<16xf32>,
    %select_n3A_724 = arith.select %and3A_705, %get3A_723, %broadcast_in_dim3A_51 : vector<16xf32>
    %add3A_725 = arith.addf %add3A_674, %select_n3A_724 : vector<16xf32>
    %get3A_726 = arith.constant 1808 : index
    %get3A_727 = tpu.vector_load %arg12[%get3A_726] {strides = array<i32>} : memref<2304xf32, #tpu.memory_space<vmem>>, vector<16xf32>,
    %select_n3A_728 = arith.select %and3A_705, %get3A_727, %broadcast_in_dim3A_51 : vector<16xf32>
    %add3A_729 = arith.addf %add3A_678, %select_n3A_728 : vector<16xf32>
    %get3A_730 = arith.constant 1824 : index
    %get3A_731 = tpu.vector_load %arg12[%get3A_730] {strides = array<i32>} : memref<2304xf32, #tpu.memory_space<vmem>>, vector<16xf32>,
    %select_n3A_732 = arith.select %and3A_705, %get3A_731, %broadcast_in_dim3A_51 : vector<16xf32>
    %add3A_733 = arith.addf %add3A_682, %select_n3A_732 : vector<16xf32>
    %get3A_734 = arith.constant 1840 : index
    %get3A_735 = tpu.vector_load %arg12[%get3A_734] {strides = array<i32>} : memref<2304xf32, #tpu.memory_space<vmem>>, vector<16xf32>,
    %select_n3A_736 = arith.select %and3A_705, %get3A_735, %broadcast_in_dim3A_51 : vector<16xf32>
    %add3A_737 = arith.addf %add3A_686, %select_n3A_736 : vector<16xf32>
    %get3A_738 = arith.constant 1856 : index
    %get3A_739 = tpu.vector_load %arg12[%get3A_738] {strides = array<i32>} : memref<2304xf32, #tpu.memory_space<vmem>>, vector<16xf32>,
    %select_n3A_740 = arith.select %and3A_705, %get3A_739, %broadcast_in_dim3A_51 : vector<16xf32>
    %add3A_741 = arith.addf %add3A_690, %select_n3A_740 : vector<16xf32>
    %le3A_742 = arith.constant 3583 : i32
    %le3A_743 = arith.cmpi sle, %convert_element_type3A_7, %le3A_742 : i32
    %convert_element_type3A_744 = arith.extui %le3A_743 : i1 to i32
    %le3A_745 = arith.constant 3583 : i32
    %le3A_746 = arith.cmpi sle, %convert_element_type3A_18, %le3A_745 : i32
    %convert_element_type3A_747 = arith.extui %le3A_746 : i1 to i32
    %add3A_748 = arith.addi %convert_element_type3A_744, %convert_element_type3A_747 : i32
    %le3A_749 = arith.constant 3583 : i32
    %le3A_750 = arith.cmpi sle, %convert_element_type3A_29, %le3A_749 : i32
    %convert_element_type3A_751 = arith.extui %le3A_750 : i1 to i32
    %add3A_752 = arith.addi %add3A_748, %convert_element_type3A_751 : i32
    %gt3A_753 = arith.constant 13 : i32
    %gt3A_754 = arith.cmpi sgt, %arg1, %gt3A_753 : i32
    %eq3A_755 = arith.cmpi eq, %add3A_752, %add3A_81 : i32
    %and3A_756 = arith.andi %gt3A_754, %eq3A_755 : i1
    %get3A_757 = arith.constant 1872 : index
    %get3A_758 = tpu.vector_load %arg12[%get3A_757] {strides = array<i32>} : memref<2304xf32, #tpu.memory_space<vmem>>, vector<16xf32>,
    %select_n3A_759 = arith.select %and3A_756, %get3A_758, %broadcast_in_dim3A_51 : vector<16xf32>
    %add3A_760 = arith.addf %add3A_709, %select_n3A_759 : vector<16xf32>
    %get3A_761 = arith.constant 1888 : index
    %get3A_762 = tpu.vector_load %arg12[%get3A_761] {strides = array<i32>} : memref<2304xf32, #tpu.memory_space<vmem>>, vector<16xf32>,
    %select_n3A_763 = arith.select %and3A_756, %get3A_762, %broadcast_in_dim3A_51 : vector<16xf32>
    %add3A_764 = arith.addf %add3A_713, %select_n3A_763 : vector<16xf32>
    %get3A_765 = arith.constant 1904 : index
    %get3A_766 = tpu.vector_load %arg12[%get3A_765] {strides = array<i32>} : memref<2304xf32, #tpu.memory_space<vmem>>, vector<16xf32>,
    %select_n3A_767 = arith.select %and3A_756, %get3A_766, %broadcast_in_dim3A_51 : vector<16xf32>
    %add3A_768 = arith.addf %add3A_717, %select_n3A_767 : vector<16xf32>
    %get3A_769 = arith.constant 1920 : index
    %get3A_770 = tpu.vector_load %arg12[%get3A_769] {strides = array<i32>} : memref<2304xf32, #tpu.memory_space<vmem>>, vector<16xf32>,
    %select_n3A_771 = arith.select %and3A_756, %get3A_770, %broadcast_in_dim3A_51 : vector<16xf32>
    %add3A_772 = arith.addf %add3A_721, %select_n3A_771 : vector<16xf32>
    %get3A_773 = arith.constant 1936 : index
    %get3A_774 = tpu.vector_load %arg12[%get3A_773] {strides = array<i32>} : memref<2304xf32, #tpu.memory_space<vmem>>, vector<16xf32>,
    %select_n3A_775 = arith.select %and3A_756, %get3A_774, %broadcast_in_dim3A_51 : vector<16xf32>
    %add3A_776 = arith.addf %add3A_725, %select_n3A_775 : vector<16xf32>
    %get3A_777 = arith.constant 1952 : index
    %get3A_778 = tpu.vector_load %arg12[%get3A_777] {strides = array<i32>} : memref<2304xf32, #tpu.memory_space<vmem>>, vector<16xf32>,
    %select_n3A_779 = arith.select %and3A_756, %get3A_778, %broadcast_in_dim3A_51 : vector<16xf32>
    %add3A_780 = arith.addf %add3A_729, %select_n3A_779 : vector<16xf32>
    %get3A_781 = arith.constant 1968 : index
    %get3A_782 = tpu.vector_load %arg12[%get3A_781] {strides = array<i32>} : memref<2304xf32, #tpu.memory_space<vmem>>, vector<16xf32>,
    %select_n3A_783 = arith.select %and3A_756, %get3A_782, %broadcast_in_dim3A_51 : vector<16xf32>
    %add3A_784 = arith.addf %add3A_733, %select_n3A_783 : vector<16xf32>
    %get3A_785 = arith.constant 1984 : index
    %get3A_786 = tpu.vector_load %arg12[%get3A_785] {strides = array<i32>} : memref<2304xf32, #tpu.memory_space<vmem>>, vector<16xf32>,
    %select_n3A_787 = arith.select %and3A_756, %get3A_786, %broadcast_in_dim3A_51 : vector<16xf32>
    %add3A_788 = arith.addf %add3A_737, %select_n3A_787 : vector<16xf32>
    %get3A_789 = arith.constant 2000 : index
    %get3A_790 = tpu.vector_load %arg12[%get3A_789] {strides = array<i32>} : memref<2304xf32, #tpu.memory_space<vmem>>, vector<16xf32>,
    %select_n3A_791 = arith.select %and3A_756, %get3A_790, %broadcast_in_dim3A_51 : vector<16xf32>
    %add3A_792 = arith.addf %add3A_741, %select_n3A_791 : vector<16xf32>
    %le3A_793 = arith.constant 3839 : i32
    %le3A_794 = arith.cmpi sle, %convert_element_type3A_7, %le3A_793 : i32
    %convert_element_type3A_795 = arith.extui %le3A_794 : i1 to i32
    %le3A_796 = arith.constant 3839 : i32
    %le3A_797 = arith.cmpi sle, %convert_element_type3A_18, %le3A_796 : i32
    %convert_element_type3A_798 = arith.extui %le3A_797 : i1 to i32
    %add3A_799 = arith.addi %convert_element_type3A_795, %convert_element_type3A_798 : i32
    %le3A_800 = arith.constant 3839 : i32
    %le3A_801 = arith.cmpi sle, %convert_element_type3A_29, %le3A_800 : i32
    %convert_element_type3A_802 = arith.extui %le3A_801 : i1 to i32
    %add3A_803 = arith.addi %add3A_799, %convert_element_type3A_802 : i32
    %gt3A_804 = arith.constant 14 : i32
    %gt3A_805 = arith.cmpi sgt, %arg1, %gt3A_804 : i32
    %eq3A_806 = arith.cmpi eq, %add3A_803, %add3A_81 : i32
    %and3A_807 = arith.andi %gt3A_805, %eq3A_806 : i1
    %get3A_808 = arith.constant 2016 : index
    %get3A_809 = tpu.vector_load %arg12[%get3A_808] {strides = array<i32>} : memref<2304xf32, #tpu.memory_space<vmem>>, vector<16xf32>,
    %select_n3A_810 = arith.select %and3A_807, %get3A_809, %broadcast_in_dim3A_51 : vector<16xf32>
    %add3A_811 = arith.addf %add3A_760, %select_n3A_810 : vector<16xf32>
    %get3A_812 = arith.constant 2032 : index
    %get3A_813 = tpu.vector_load %arg12[%get3A_812] {strides = array<i32>} : memref<2304xf32, #tpu.memory_space<vmem>>, vector<16xf32>,
    %select_n3A_814 = arith.select %and3A_807, %get3A_813, %broadcast_in_dim3A_51 : vector<16xf32>
    %add3A_815 = arith.addf %add3A_764, %select_n3A_814 : vector<16xf32>
    %get3A_816 = arith.constant 2048 : index
    %get3A_817 = tpu.vector_load %arg12[%get3A_816] {strides = array<i32>} : memref<2304xf32, #tpu.memory_space<vmem>>, vector<16xf32>,
    %select_n3A_818 = arith.select %and3A_807, %get3A_817, %broadcast_in_dim3A_51 : vector<16xf32>
    %add3A_819 = arith.addf %add3A_768, %select_n3A_818 : vector<16xf32>
    %get3A_820 = arith.constant 2064 : index
    %get3A_821 = tpu.vector_load %arg12[%get3A_820] {strides = array<i32>} : memref<2304xf32, #tpu.memory_space<vmem>>, vector<16xf32>,
    %select_n3A_822 = arith.select %and3A_807, %get3A_821, %broadcast_in_dim3A_51 : vector<16xf32>
    %add3A_823 = arith.addf %add3A_772, %select_n3A_822 : vector<16xf32>
    %get3A_824 = arith.constant 2080 : index
    %get3A_825 = tpu.vector_load %arg12[%get3A_824] {strides = array<i32>} : memref<2304xf32, #tpu.memory_space<vmem>>, vector<16xf32>,
    %select_n3A_826 = arith.select %and3A_807, %get3A_825, %broadcast_in_dim3A_51 : vector<16xf32>
    %add3A_827 = arith.addf %add3A_776, %select_n3A_826 : vector<16xf32>
    %get3A_828 = arith.constant 2096 : index
    %get3A_829 = tpu.vector_load %arg12[%get3A_828] {strides = array<i32>} : memref<2304xf32, #tpu.memory_space<vmem>>, vector<16xf32>,
    %select_n3A_830 = arith.select %and3A_807, %get3A_829, %broadcast_in_dim3A_51 : vector<16xf32>
    %add3A_831 = arith.addf %add3A_780, %select_n3A_830 : vector<16xf32>
    %get3A_832 = arith.constant 2112 : index
    %get3A_833 = tpu.vector_load %arg12[%get3A_832] {strides = array<i32>} : memref<2304xf32, #tpu.memory_space<vmem>>, vector<16xf32>,
    %select_n3A_834 = arith.select %and3A_807, %get3A_833, %broadcast_in_dim3A_51 : vector<16xf32>
    %add3A_835 = arith.addf %add3A_784, %select_n3A_834 : vector<16xf32>
    %get3A_836 = arith.constant 2128 : index
    %get3A_837 = tpu.vector_load %arg12[%get3A_836] {strides = array<i32>} : memref<2304xf32, #tpu.memory_space<vmem>>, vector<16xf32>,
    %select_n3A_838 = arith.select %and3A_807, %get3A_837, %broadcast_in_dim3A_51 : vector<16xf32>
    %add3A_839 = arith.addf %add3A_788, %select_n3A_838 : vector<16xf32>
    %get3A_840 = arith.constant 2144 : index
    %get3A_841 = tpu.vector_load %arg12[%get3A_840] {strides = array<i32>} : memref<2304xf32, #tpu.memory_space<vmem>>, vector<16xf32>,
    %select_n3A_842 = arith.select %and3A_807, %get3A_841, %broadcast_in_dim3A_51 : vector<16xf32>
    %add3A_843 = arith.addf %add3A_792, %select_n3A_842 : vector<16xf32>
    %scan3A_844 = arith.constant 0 : i32
    %scan3A_845 = arith.constant 16 : i32
    %scan3A_846 = arith.addi %scan3A_844, %scan3A_845 : i32
    %scan3A_847 = arith.constant 1 : i32
    %scan3A_848:9 = scf.for %scan3A_852 = %scan3A_844 to %scan3A_846 step %scan3A_847 iter_args(%scan3A_853 = %add3A_843, %scan3A_854 = %add3A_811, %scan3A_855 = %add3A_815, %scan3A_856 = %add3A_819, %scan3A_857 = %add3A_823, %scan3A_858 = %add3A_827, %scan3A_859 = %add3A_831, %scan3A_860 = %add3A_835, %scan3A_861 = %add3A_839) -> (vector<16xf32>, vector<16xf32>, vector<16xf32>, vector<16xf32>, vector<16xf32>, vector<16xf32>, vector<16xf32>, vector<16xf32>, vector<16xf32>)  : i32 {
      %mul3A_862 = arith.constant 16 : i32
      %mul3A_863 = arith.muli %scan3A_852, %mul3A_862 : i32
      %add3A_864 = arith.constant 0 : i32
      %add3A_865 = arith.addi %mul3A_863, %add3A_864 : i32
      %mul3A_866 = arith.constant 128 : i32
      %mul3A_867 = arith.muli %add3A_865, %mul3A_866 : i32
      %mul3A_868 = arith.constant 16 : i32
      %mul3A_869 = arith.muli %add3A_865, %mul3A_868 : i32
      %get3A_870 = arith.index_cast %mul3A_869 : i32 to index
      %get3A_871 = tpu.vector_load %arg8[%get3A_870] {strides = array<i32>} : memref<4096xf32, #tpu.memory_space<vmem>>, vector<16xf32>,
      %add3A_872 = arith.constant 0 : i32
      %add3A_873 = arith.addi %mul3A_867, %add3A_872 : i32
      %get3A_874 = arith.index_cast %add3A_873 : i32 to index
      %get3A_875 = tpu.vector_load %arg7[%get3A_874] {strides = array<i32>} : memref<32768xf32, #tpu.memory_space<vmem>>, vector<16xf32>,
      %add3A_876 = arith.constant 16 : i32
      %add3A_877 = arith.addi %mul3A_867, %add3A_876 : i32
      %get3A_878 = arith.index_cast %add3A_877 : i32 to index
      %get3A_879 = tpu.vector_load %arg7[%get3A_878] {strides = array<i32>} : memref<32768xf32, #tpu.memory_space<vmem>>, vector<16xf32>,
      %add3A_880 = arith.constant 32 : i32
      %add3A_881 = arith.addi %mul3A_867, %add3A_880 : i32
      %get3A_882 = arith.index_cast %add3A_881 : i32 to index
      %get3A_883 = tpu.vector_load %arg7[%get3A_882] {strides = array<i32>} : memref<32768xf32, #tpu.memory_space<vmem>>, vector<16xf32>,
      %add3A_884 = arith.constant 48 : i32
      %add3A_885 = arith.addi %mul3A_867, %add3A_884 : i32
      %get3A_886 = arith.index_cast %add3A_885 : i32 to index
      %get3A_887 = tpu.vector_load %arg7[%get3A_886] {strides = array<i32>} : memref<32768xf32, #tpu.memory_space<vmem>>, vector<16xf32>,
      %add3A_888 = arith.constant 64 : i32
      %add3A_889 = arith.addi %mul3A_867, %add3A_888 : i32
      %get3A_890 = arith.index_cast %add3A_889 : i32 to index
      %get3A_891 = tpu.vector_load %arg7[%get3A_890] {strides = array<i32>} : memref<32768xf32, #tpu.memory_space<vmem>>, vector<16xf32>,
      %add3A_892 = arith.constant 80 : i32
      %add3A_893 = arith.addi %mul3A_867, %add3A_892 : i32
      %get3A_894 = arith.index_cast %add3A_893 : i32 to index
      %get3A_895 = tpu.vector_load %arg7[%get3A_894] {strides = array<i32>} : memref<32768xf32, #tpu.memory_space<vmem>>, vector<16xf32>,
      %add3A_896 = arith.constant 96 : i32
      %add3A_897 = arith.addi %mul3A_867, %add3A_896 : i32
      %get3A_898 = arith.index_cast %add3A_897 : i32 to index
      %get3A_899 = tpu.vector_load %arg7[%get3A_898] {strides = array<i32>} : memref<32768xf32, #tpu.memory_space<vmem>>, vector<16xf32>,
      %add3A_900 = arith.constant 112 : i32
      %add3A_901 = arith.addi %mul3A_867, %add3A_900 : i32
      %get3A_902 = arith.index_cast %add3A_901 : i32 to index
      %get3A_903 = tpu.vector_load %arg7[%get3A_902] {strides = array<i32>} : memref<32768xf32, #tpu.memory_space<vmem>>, vector<16xf32>,
      %eq3A_904 = arith.cmpi eq, %add3A_865, %sub3A : i32
      %eq3A_905 = arith.cmpi eq, %add3A_865, %sub3A_48 : i32
      %or3A = arith.ori %eq3A_904, %eq3A_905 : i1
      %eq3A_906 = arith.cmpi eq, %add3A_865, %sub3A_49 : i32
      %or3A_907 = arith.ori %or3A, %eq3A_906 : i1
      %jit3A_908 = arith.constant 0.000000e+00 : f32
      %jit3A_909 = arith.constant 1.000000e+00 : f32
      %select_n3A_910 = arith.select %or3A_907, %jit3A_908, %jit3A_909 : f32
      %broadcast_in_dim3A_911 = vector.broadcast %select_n3A_910 : f32 to vector<16xf32>
      %mul3A_912 = arith.mulf %scan3A_853, %broadcast_in_dim3A_911 : vector<16xf32>
      %add3A_913 = arith.addf %mul3A_912, %get3A_871 : vector<16xf32>
      %mul3A_914 = arith.mulf %scan3A_854, %broadcast_in_dim3A_911 : vector<16xf32>
      %mul3A_915 = arith.mulf %get3A_871, %get3A_875 : vector<16xf32>
      %add3A_916 = arith.addf %mul3A_914, %mul3A_915 : vector<16xf32>
      %mul3A_917 = arith.mulf %scan3A_855, %broadcast_in_dim3A_911 : vector<16xf32>
      %mul3A_918 = arith.mulf %get3A_871, %get3A_879 : vector<16xf32>
      %add3A_919 = arith.addf %mul3A_917, %mul3A_918 : vector<16xf32>
      %mul3A_920 = arith.mulf %scan3A_856, %broadcast_in_dim3A_911 : vector<16xf32>
      %mul3A_921 = arith.mulf %get3A_871, %get3A_883 : vector<16xf32>
      %add3A_922 = arith.addf %mul3A_920, %mul3A_921 : vector<16xf32>
      %mul3A_923 = arith.mulf %scan3A_857, %broadcast_in_dim3A_911 : vector<16xf32>
      %mul3A_924 = arith.mulf %get3A_871, %get3A_887 : vector<16xf32>
      %add3A_925 = arith.addf %mul3A_923, %mul3A_924 : vector<16xf32>
      %mul3A_926 = arith.mulf %scan3A_858, %broadcast_in_dim3A_911 : vector<16xf32>
      %mul3A_927 = arith.mulf %get3A_871, %get3A_891 : vector<16xf32>
      %add3A_928 = arith.addf %mul3A_926, %mul3A_927 : vector<16xf32>
      %mul3A_929 = arith.mulf %scan3A_859, %broadcast_in_dim3A_911 : vector<16xf32>
      %mul3A_930 = arith.mulf %get3A_871, %get3A_895 : vector<16xf32>
      %add3A_931 = arith.addf %mul3A_929, %mul3A_930 : vector<16xf32>
      %mul3A_932 = arith.mulf %scan3A_860, %broadcast_in_dim3A_911 : vector<16xf32>
      %mul3A_933 = arith.mulf %get3A_871, %get3A_899 : vector<16xf32>
      %add3A_934 = arith.addf %mul3A_932, %mul3A_933 : vector<16xf32>
      %mul3A_935 = arith.mulf %scan3A_861, %broadcast_in_dim3A_911 : vector<16xf32>
      %mul3A_936 = arith.mulf %get3A_871, %get3A_903 : vector<16xf32>
      %add3A_937 = arith.addf %mul3A_935, %mul3A_936 : vector<16xf32>
      %div3A = arith.constant 1.000000e+00 : f32
      %div3A_938 = vector.broadcast %div3A : f32 to vector<16xf32>
      %div3A_939 = arith.divf %div3A_938, %add3A_913 : vector<16xf32>
      %mul3A_940 = arith.mulf %add3A_916, %div3A_939 : vector<16xf32>
      %add3A_941 = arith.constant 0 : i32
      %add3A_942 = arith.addi %mul3A_867, %add3A_941 : i32
      %swap3A_943 = arith.index_cast %add3A_942 : i32 to index
      %swap3A_944 = tpu.vector_load %arg7[%swap3A_943] {strides = array<i32>} : memref<32768xf32, #tpu.memory_space<vmem>>, vector<16xf32>,
      tpu.vector_store %arg7[%swap3A_943], %mul3A_940 {strides = array<i32>} : memref<32768xf32, #tpu.memory_space<vmem>>, vector<16xf32>,
      %mul3A_945 = arith.mulf %add3A_919, %div3A_939 : vector<16xf32>
      %add3A_946 = arith.constant 16 : i32
      %add3A_947 = arith.addi %mul3A_867, %add3A_946 : i32
      %swap3A_948 = arith.index_cast %add3A_947 : i32 to index
      %swap3A_949 = tpu.vector_load %arg7[%swap3A_948] {strides = array<i32>} : memref<32768xf32, #tpu.memory_space<vmem>>, vector<16xf32>,
      tpu.vector_store %arg7[%swap3A_948], %mul3A_945 {strides = array<i32>} : memref<32768xf32, #tpu.memory_space<vmem>>, vector<16xf32>,
      %mul3A_950 = arith.mulf %add3A_922, %div3A_939 : vector<16xf32>
      %add3A_951 = arith.constant 32 : i32
      %add3A_952 = arith.addi %mul3A_867, %add3A_951 : i32
      %swap3A_953 = arith.index_cast %add3A_952 : i32 to index
      %swap3A_954 = tpu.vector_load %arg7[%swap3A_953] {strides = array<i32>} : memref<32768xf32, #tpu.memory_space<vmem>>, vector<16xf32>,
      tpu.vector_store %arg7[%swap3A_953], %mul3A_950 {strides = array<i32>} : memref<32768xf32, #tpu.memory_space<vmem>>, vector<16xf32>,
      %mul3A_955 = arith.mulf %add3A_925, %div3A_939 : vector<16xf32>
      %add3A_956 = arith.constant 48 : i32
      %add3A_957 = arith.addi %mul3A_867, %add3A_956 : i32
      %swap3A_958 = arith.index_cast %add3A_957 : i32 to index
      %swap3A_959 = tpu.vector_load %arg7[%swap3A_958] {strides = array<i32>} : memref<32768xf32, #tpu.memory_space<vmem>>, vector<16xf32>,
      tpu.vector_store %arg7[%swap3A_958], %mul3A_955 {strides = array<i32>} : memref<32768xf32, #tpu.memory_space<vmem>>, vector<16xf32>,
      %mul3A_960 = arith.mulf %add3A_928, %div3A_939 : vector<16xf32>
      %add3A_961 = arith.constant 64 : i32
      %add3A_962 = arith.addi %mul3A_867, %add3A_961 : i32
      %swap3A_963 = arith.index_cast %add3A_962 : i32 to index
      %swap3A_964 = tpu.vector_load %arg7[%swap3A_963] {strides = array<i32>} : memref<32768xf32, #tpu.memory_space<vmem>>, vector<16xf32>,
      tpu.vector_store %arg7[%swap3A_963], %mul3A_960 {strides = array<i32>} : memref<32768xf32, #tpu.memory_space<vmem>>, vector<16xf32>,
      %mul3A_965 = arith.mulf %add3A_931, %div3A_939 : vector<16xf32>
      %add3A_966 = arith.constant 80 : i32
      %add3A_967 = arith.addi %mul3A_867, %add3A_966 : i32
      %swap3A_968 = arith.index_cast %add3A_967 : i32 to index
      %swap3A_969 = tpu.vector_load %arg7[%swap3A_968] {strides = array<i32>} : memref<32768xf32, #tpu.memory_space<vmem>>, vector<16xf32>,
      tpu.vector_store %arg7[%swap3A_968], %mul3A_965 {strides = array<i32>} : memref<32768xf32, #tpu.memory_space<vmem>>, vector<16xf32>,
      %mul3A_970 = arith.mulf %add3A_934, %div3A_939 : vector<16xf32>
      %add3A_971 = arith.constant 96 : i32
      %add3A_972 = arith.addi %mul3A_867, %add3A_971 : i32
      %swap3A_973 = arith.index_cast %add3A_972 : i32 to index
      %swap3A_974 = tpu.vector_load %arg7[%swap3A_973] {strides = array<i32>} : memref<32768xf32, #tpu.memory_space<vmem>>, vector<16xf32>,
      tpu.vector_store %arg7[%swap3A_973], %mul3A_970 {strides = array<i32>} : memref<32768xf32, #tpu.memory_space<vmem>>, vector<16xf32>,
      %mul3A_975 = arith.mulf %add3A_937, %div3A_939 : vector<16xf32>
      %add3A_976 = arith.constant 112 : i32
      %add3A_977 = arith.addi %mul3A_867, %add3A_976 : i32
      %swap3A_978 = arith.index_cast %add3A_977 : i32 to index
      %swap3A_979 = tpu.vector_load %arg7[%swap3A_978] {strides = array<i32>} : memref<32768xf32, #tpu.memory_space<vmem>>, vector<16xf32>,
      tpu.vector_store %arg7[%swap3A_978], %mul3A_975 {strides = array<i32>} : memref<32768xf32, #tpu.memory_space<vmem>>, vector<16xf32>,
      %mul3A_980 = arith.constant 16 : i32
      %mul3A_981 = arith.muli %scan3A_852, %mul3A_980 : i32
      %add3A_982 = arith.constant 1 : i32
      %add3A_983 = arith.addi %mul3A_981, %add3A_982 : i32
      %mul3A_984 = arith.constant 128 : i32
      %mul3A_985 = arith.muli %add3A_983, %mul3A_984 : i32
      %mul3A_986 = arith.constant 16 : i32
      %mul3A_987 = arith.muli %add3A_983, %mul3A_986 : i32
      %get3A_988 = arith.index_cast %mul3A_987 : i32 to index
      %get3A_989 = tpu.vector_load %arg8[%get3A_988] {strides = array<i32>} : memref<4096xf32, #tpu.memory_space<vmem>>, vector<16xf32>,
      %add3A_990 = arith.constant 0 : i32
      %add3A_991 = arith.addi %mul3A_985, %add3A_990 : i32
      %get3A_992 = arith.index_cast %add3A_991 : i32 to index
      %get3A_993 = tpu.vector_load %arg7[%get3A_992] {strides = array<i32>} : memref<32768xf32, #tpu.memory_space<vmem>>, vector<16xf32>,
      %add3A_994 = arith.constant 16 : i32
      %add3A_995 = arith.addi %mul3A_985, %add3A_994 : i32
      %get3A_996 = arith.index_cast %add3A_995 : i32 to index
      %get3A_997 = tpu.vector_load %arg7[%get3A_996] {strides = array<i32>} : memref<32768xf32, #tpu.memory_space<vmem>>, vector<16xf32>,
      %add3A_998 = arith.constant 32 : i32
      %add3A_999 = arith.addi %mul3A_985, %add3A_998 : i32
      %get3A_1000 = arith.index_cast %add3A_999 : i32 to index
      %get3A_1001 = tpu.vector_load %arg7[%get3A_1000] {strides = array<i32>} : memref<32768xf32, #tpu.memory_space<vmem>>, vector<16xf32>,
      %add3A_1002 = arith.constant 48 : i32
      %add3A_1003 = arith.addi %mul3A_985, %add3A_1002 : i32
      %get3A_1004 = arith.index_cast %add3A_1003 : i32 to index
      %get3A_1005 = tpu.vector_load %arg7[%get3A_1004] {strides = array<i32>} : memref<32768xf32, #tpu.memory_space<vmem>>, vector<16xf32>,
      %add3A_1006 = arith.constant 64 : i32
      %add3A_1007 = arith.addi %mul3A_985, %add3A_1006 : i32
      %get3A_1008 = arith.index_cast %add3A_1007 : i32 to index
      %get3A_1009 = tpu.vector_load %arg7[%get3A_1008] {strides = array<i32>} : memref<32768xf32, #tpu.memory_space<vmem>>, vector<16xf32>,
      %add3A_1010 = arith.constant 80 : i32
      %add3A_1011 = arith.addi %mul3A_985, %add3A_1010 : i32
      %get3A_1012 = arith.index_cast %add3A_1011 : i32 to index
      %get3A_1013 = tpu.vector_load %arg7[%get3A_1012] {strides = array<i32>} : memref<32768xf32, #tpu.memory_space<vmem>>, vector<16xf32>,
      %add3A_1014 = arith.constant 96 : i32
      %add3A_1015 = arith.addi %mul3A_985, %add3A_1014 : i32
      %get3A_1016 = arith.index_cast %add3A_1015 : i32 to index
      %get3A_1017 = tpu.vector_load %arg7[%get3A_1016] {strides = array<i32>} : memref<32768xf32, #tpu.memory_space<vmem>>, vector<16xf32>,
      %add3A_1018 = arith.constant 112 : i32
      %add3A_1019 = arith.addi %mul3A_985, %add3A_1018 : i32
      %get3A_1020 = arith.index_cast %add3A_1019 : i32 to index
      %get3A_1021 = tpu.vector_load %arg7[%get3A_1020] {strides = array<i32>} : memref<32768xf32, #tpu.memory_space<vmem>>, vector<16xf32>,
      %eq3A_1022 = arith.cmpi eq, %add3A_983, %sub3A : i32
      %eq3A_1023 = arith.cmpi eq, %add3A_983, %sub3A_48 : i32
      %or3A_1024 = arith.ori %eq3A_1022, %eq3A_1023 : i1
      %eq3A_1025 = arith.cmpi eq, %add3A_983, %sub3A_49 : i32
      %or3A_1026 = arith.ori %or3A_1024, %eq3A_1025 : i1
      %jit3A_1027 = arith.constant 0.000000e+00 : f32
      %jit3A_1028 = arith.constant 1.000000e+00 : f32
      %select_n3A_1029 = arith.select %or3A_1026, %jit3A_1027, %jit3A_1028 : f32
      %broadcast_in_dim3A_1030 = vector.broadcast %select_n3A_1029 : f32 to vector<16xf32>
      %mul3A_1031 = arith.mulf %add3A_913, %broadcast_in_dim3A_1030 : vector<16xf32>
      %add3A_1032 = arith.addf %mul3A_1031, %get3A_989 : vector<16xf32>
      %mul3A_1033 = arith.mulf %add3A_916, %broadcast_in_dim3A_1030 : vector<16xf32>
      %mul3A_1034 = arith.mulf %get3A_989, %get3A_993 : vector<16xf32>
      %add3A_1035 = arith.addf %mul3A_1033, %mul3A_1034 : vector<16xf32>
      %mul3A_1036 = arith.mulf %add3A_919, %broadcast_in_dim3A_1030 : vector<16xf32>
      %mul3A_1037 = arith.mulf %get3A_989, %get3A_997 : vector<16xf32>
      %add3A_1038 = arith.addf %mul3A_1036, %mul3A_1037 : vector<16xf32>
      %mul3A_1039 = arith.mulf %add3A_922, %broadcast_in_dim3A_1030 : vector<16xf32>
      %mul3A_1040 = arith.mulf %get3A_989, %get3A_1001 : vector<16xf32>
      %add3A_1041 = arith.addf %mul3A_1039, %mul3A_1040 : vector<16xf32>
      %mul3A_1042 = arith.mulf %add3A_925, %broadcast_in_dim3A_1030 : vector<16xf32>
      %mul3A_1043 = arith.mulf %get3A_989, %get3A_1005 : vector<16xf32>
      %add3A_1044 = arith.addf %mul3A_1042, %mul3A_1043 : vector<16xf32>
      %mul3A_1045 = arith.mulf %add3A_928, %broadcast_in_dim3A_1030 : vector<16xf32>
      %mul3A_1046 = arith.mulf %get3A_989, %get3A_1009 : vector<16xf32>
      %add3A_1047 = arith.addf %mul3A_1045, %mul3A_1046 : vector<16xf32>
      %mul3A_1048 = arith.mulf %add3A_931, %broadcast_in_dim3A_1030 : vector<16xf32>
      %mul3A_1049 = arith.mulf %get3A_989, %get3A_1013 : vector<16xf32>
      %add3A_1050 = arith.addf %mul3A_1048, %mul3A_1049 : vector<16xf32>
      %mul3A_1051 = arith.mulf %add3A_934, %broadcast_in_dim3A_1030 : vector<16xf32>
      %mul3A_1052 = arith.mulf %get3A_989, %get3A_1017 : vector<16xf32>
      %add3A_1053 = arith.addf %mul3A_1051, %mul3A_1052 : vector<16xf32>
      %mul3A_1054 = arith.mulf %add3A_937, %broadcast_in_dim3A_1030 : vector<16xf32>
      %mul3A_1055 = arith.mulf %get3A_989, %get3A_1021 : vector<16xf32>
      %add3A_1056 = arith.addf %mul3A_1054, %mul3A_1055 : vector<16xf32>
      %div3A_1057 = arith.constant 1.000000e+00 : f32
      %div3A_1058 = vector.broadcast %div3A_1057 : f32 to vector<16xf32>
      %div3A_1059 = arith.divf %div3A_1058, %add3A_1032 : vector<16xf32>
      %mul3A_1060 = arith.mulf %add3A_1035, %div3A_1059 : vector<16xf32>
      %add3A_1061 = arith.constant 0 : i32
      %add3A_1062 = arith.addi %mul3A_985, %add3A_1061 : i32
      %swap3A_1063 = arith.index_cast %add3A_1062 : i32 to index
      %swap3A_1064 = tpu.vector_load %arg7[%swap3A_1063] {strides = array<i32>} : memref<32768xf32, #tpu.memory_space<vmem>>, vector<16xf32>,
      tpu.vector_store %arg7[%swap3A_1063], %mul3A_1060 {strides = array<i32>} : memref<32768xf32, #tpu.memory_space<vmem>>, vector<16xf32>,
      %mul3A_1065 = arith.mulf %add3A_1038, %div3A_1059 : vector<16xf32>
      %add3A_1066 = arith.constant 16 : i32
      %add3A_1067 = arith.addi %mul3A_985, %add3A_1066 : i32
      %swap3A_1068 = arith.index_cast %add3A_1067 : i32 to index
      %swap3A_1069 = tpu.vector_load %arg7[%swap3A_1068] {strides = array<i32>} : memref<32768xf32, #tpu.memory_space<vmem>>, vector<16xf32>,
      tpu.vector_store %arg7[%swap3A_1068], %mul3A_1065 {strides = array<i32>} : memref<32768xf32, #tpu.memory_space<vmem>>, vector<16xf32>,
      %mul3A_1070 = arith.mulf %add3A_1041, %div3A_1059 : vector<16xf32>
      %add3A_1071 = arith.constant 32 : i32
      %add3A_1072 = arith.addi %mul3A_985, %add3A_1071 : i32
      %swap3A_1073 = arith.index_cast %add3A_1072 : i32 to index
      %swap3A_1074 = tpu.vector_load %arg7[%swap3A_1073] {strides = array<i32>} : memref<32768xf32, #tpu.memory_space<vmem>>, vector<16xf32>,
      tpu.vector_store %arg7[%swap3A_1073], %mul3A_1070 {strides = array<i32>} : memref<32768xf32, #tpu.memory_space<vmem>>, vector<16xf32>,
      %mul3A_1075 = arith.mulf %add3A_1044, %div3A_1059 : vector<16xf32>
      %add3A_1076 = arith.constant 48 : i32
      %add3A_1077 = arith.addi %mul3A_985, %add3A_1076 : i32
      %swap3A_1078 = arith.index_cast %add3A_1077 : i32 to index
      %swap3A_1079 = tpu.vector_load %arg7[%swap3A_1078] {strides = array<i32>} : memref<32768xf32, #tpu.memory_space<vmem>>, vector<16xf32>,
      tpu.vector_store %arg7[%swap3A_1078], %mul3A_1075 {strides = array<i32>} : memref<32768xf32, #tpu.memory_space<vmem>>, vector<16xf32>,
      %mul3A_1080 = arith.mulf %add3A_1047, %div3A_1059 : vector<16xf32>
      %add3A_1081 = arith.constant 64 : i32
      %add3A_1082 = arith.addi %mul3A_985, %add3A_1081 : i32
      %swap3A_1083 = arith.index_cast %add3A_1082 : i32 to index
      %swap3A_1084 = tpu.vector_load %arg7[%swap3A_1083] {strides = array<i32>} : memref<32768xf32, #tpu.memory_space<vmem>>, vector<16xf32>,
      tpu.vector_store %arg7[%swap3A_1083], %mul3A_1080 {strides = array<i32>} : memref<32768xf32, #tpu.memory_space<vmem>>, vector<16xf32>,
      %mul3A_1085 = arith.mulf %add3A_1050, %div3A_1059 : vector<16xf32>
      %add3A_1086 = arith.constant 80 : i32
      %add3A_1087 = arith.addi %mul3A_985, %add3A_1086 : i32
      %swap3A_1088 = arith.index_cast %add3A_1087 : i32 to index
      %swap3A_1089 = tpu.vector_load %arg7[%swap3A_1088] {strides = array<i32>} : memref<32768xf32, #tpu.memory_space<vmem>>, vector<16xf32>,
      tpu.vector_store %arg7[%swap3A_1088], %mul3A_1085 {strides = array<i32>} : memref<32768xf32, #tpu.memory_space<vmem>>, vector<16xf32>,
      %mul3A_1090 = arith.mulf %add3A_1053, %div3A_1059 : vector<16xf32>
      %add3A_1091 = arith.constant 96 : i32
      %add3A_1092 = arith.addi %mul3A_985, %add3A_1091 : i32
      %swap3A_1093 = arith.index_cast %add3A_1092 : i32 to index
      %swap3A_1094 = tpu.vector_load %arg7[%swap3A_1093] {strides = array<i32>} : memref<32768xf32, #tpu.memory_space<vmem>>, vector<16xf32>,
      tpu.vector_store %arg7[%swap3A_1093], %mul3A_1090 {strides = array<i32>} : memref<32768xf32, #tpu.memory_space<vmem>>, vector<16xf32>,
      %mul3A_1095 = arith.mulf %add3A_1056, %div3A_1059 : vector<16xf32>
      %add3A_1096 = arith.constant 112 : i32
      %add3A_1097 = arith.addi %mul3A_985, %add3A_1096 : i32
      %swap3A_1098 = arith.index_cast %add3A_1097 : i32 to index
      %swap3A_1099 = tpu.vector_load %arg7[%swap3A_1098] {strides = array<i32>} : memref<32768xf32, #tpu.memory_space<vmem>>, vector<16xf32>,
      tpu.vector_store %arg7[%swap3A_1098], %mul3A_1095 {strides = array<i32>} : memref<32768xf32, #tpu.memory_space<vmem>>, vector<16xf32>,
      %mul3A_1100 = arith.constant 16 : i32
      %mul3A_1101 = arith.muli %scan3A_852, %mul3A_1100 : i32
      %add3A_1102 = arith.constant 2 : i32
      %add3A_1103 = arith.addi %mul3A_1101, %add3A_1102 : i32
      %mul3A_1104 = arith.constant 128 : i32
      %mul3A_1105 = arith.muli %add3A_1103, %mul3A_1104 : i32
      %mul3A_1106 = arith.constant 16 : i32
      %mul3A_1107 = arith.muli %add3A_1103, %mul3A_1106 : i32
      %get3A_1108 = arith.index_cast %mul3A_1107 : i32 to index
      %get3A_1109 = tpu.vector_load %arg8[%get3A_1108] {strides = array<i32>} : memref<4096xf32, #tpu.memory_space<vmem>>, vector<16xf32>,
      %add3A_1110 = arith.constant 0 : i32
      %add3A_1111 = arith.addi %mul3A_1105, %add3A_1110 : i32
      %get3A_1112 = arith.index_cast %add3A_1111 : i32 to index
      %get3A_1113 = tpu.vector_load %arg7[%get3A_1112] {strides = array<i32>} : memref<32768xf32, #tpu.memory_space<vmem>>, vector<16xf32>,
      %add3A_1114 = arith.constant 16 : i32
      %add3A_1115 = arith.addi %mul3A_1105, %add3A_1114 : i32
      %get3A_1116 = arith.index_cast %add3A_1115 : i32 to index
      %get3A_1117 = tpu.vector_load %arg7[%get3A_1116] {strides = array<i32>} : memref<32768xf32, #tpu.memory_space<vmem>>, vector<16xf32>,
      %add3A_1118 = arith.constant 32 : i32
      %add3A_1119 = arith.addi %mul3A_1105, %add3A_1118 : i32
      %get3A_1120 = arith.index_cast %add3A_1119 : i32 to index
      %get3A_1121 = tpu.vector_load %arg7[%get3A_1120] {strides = array<i32>} : memref<32768xf32, #tpu.memory_space<vmem>>, vector<16xf32>,
      %add3A_1122 = arith.constant 48 : i32
      %add3A_1123 = arith.addi %mul3A_1105, %add3A_1122 : i32
      %get3A_1124 = arith.index_cast %add3A_1123 : i32 to index
      %get3A_1125 = tpu.vector_load %arg7[%get3A_1124] {strides = array<i32>} : memref<32768xf32, #tpu.memory_space<vmem>>, vector<16xf32>,
      %add3A_1126 = arith.constant 64 : i32
      %add3A_1127 = arith.addi %mul3A_1105, %add3A_1126 : i32
      %get3A_1128 = arith.index_cast %add3A_1127 : i32 to index
      %get3A_1129 = tpu.vector_load %arg7[%get3A_1128] {strides = array<i32>} : memref<32768xf32, #tpu.memory_space<vmem>>, vector<16xf32>,
      %add3A_1130 = arith.constant 80 : i32
      %add3A_1131 = arith.addi %mul3A_1105, %add3A_1130 : i32
      %get3A_1132 = arith.index_cast %add3A_1131 : i32 to index
      %get3A_1133 = tpu.vector_load %arg7[%get3A_1132] {strides = array<i32>} : memref<32768xf32, #tpu.memory_space<vmem>>, vector<16xf32>,
      %add3A_1134 = arith.constant 96 : i32
      %add3A_1135 = arith.addi %mul3A_1105, %add3A_1134 : i32
      %get3A_1136 = arith.index_cast %add3A_1135 : i32 to index
      %get3A_1137 = tpu.vector_load %arg7[%get3A_1136] {strides = array<i32>} : memref<32768xf32, #tpu.memory_space<vmem>>, vector<16xf32>,
      %add3A_1138 = arith.constant 112 : i32
      %add3A_1139 = arith.addi %mul3A_1105, %add3A_1138 : i32
      %get3A_1140 = arith.index_cast %add3A_1139 : i32 to index
      %get3A_1141 = tpu.vector_load %arg7[%get3A_1140] {strides = array<i32>} : memref<32768xf32, #tpu.memory_space<vmem>>, vector<16xf32>,
      %eq3A_1142 = arith.cmpi eq, %add3A_1103, %sub3A : i32
      %eq3A_1143 = arith.cmpi eq, %add3A_1103, %sub3A_48 : i32
      %or3A_1144 = arith.ori %eq3A_1142, %eq3A_1143 : i1
      %eq3A_1145 = arith.cmpi eq, %add3A_1103, %sub3A_49 : i32
      %or3A_1146 = arith.ori %or3A_1144, %eq3A_1145 : i1
      %jit3A_1147 = arith.constant 0.000000e+00 : f32
      %jit3A_1148 = arith.constant 1.000000e+00 : f32
      %select_n3A_1149 = arith.select %or3A_1146, %jit3A_1147, %jit3A_1148 : f32
      %broadcast_in_dim3A_1150 = vector.broadcast %select_n3A_1149 : f32 to vector<16xf32>
      %mul3A_1151 = arith.mulf %add3A_1032, %broadcast_in_dim3A_1150 : vector<16xf32>
      %add3A_1152 = arith.addf %mul3A_1151, %get3A_1109 : vector<16xf32>
      %mul3A_1153 = arith.mulf %add3A_1035, %broadcast_in_dim3A_1150 : vector<16xf32>
      %mul3A_1154 = arith.mulf %get3A_1109, %get3A_1113 : vector<16xf32>
      %add3A_1155 = arith.addf %mul3A_1153, %mul3A_1154 : vector<16xf32>
      %mul3A_1156 = arith.mulf %add3A_1038, %broadcast_in_dim3A_1150 : vector<16xf32>
      %mul3A_1157 = arith.mulf %get3A_1109, %get3A_1117 : vector<16xf32>
      %add3A_1158 = arith.addf %mul3A_1156, %mul3A_1157 : vector<16xf32>
      %mul3A_1159 = arith.mulf %add3A_1041, %broadcast_in_dim3A_1150 : vector<16xf32>
      %mul3A_1160 = arith.mulf %get3A_1109, %get3A_1121 : vector<16xf32>
      %add3A_1161 = arith.addf %mul3A_1159, %mul3A_1160 : vector<16xf32>
      %mul3A_1162 = arith.mulf %add3A_1044, %broadcast_in_dim3A_1150 : vector<16xf32>
      %mul3A_1163 = arith.mulf %get3A_1109, %get3A_1125 : vector<16xf32>
      %add3A_1164 = arith.addf %mul3A_1162, %mul3A_1163 : vector<16xf32>
      %mul3A_1165 = arith.mulf %add3A_1047, %broadcast_in_dim3A_1150 : vector<16xf32>
      %mul3A_1166 = arith.mulf %get3A_1109, %get3A_1129 : vector<16xf32>
      %add3A_1167 = arith.addf %mul3A_1165, %mul3A_1166 : vector<16xf32>
      %mul3A_1168 = arith.mulf %add3A_1050, %broadcast_in_dim3A_1150 : vector<16xf32>
      %mul3A_1169 = arith.mulf %get3A_1109, %get3A_1133 : vector<16xf32>
      %add3A_1170 = arith.addf %mul3A_1168, %mul3A_1169 : vector<16xf32>
      %mul3A_1171 = arith.mulf %add3A_1053, %broadcast_in_dim3A_1150 : vector<16xf32>
      %mul3A_1172 = arith.mulf %get3A_1109, %get3A_1137 : vector<16xf32>
      %add3A_1173 = arith.addf %mul3A_1171, %mul3A_1172 : vector<16xf32>
      %mul3A_1174 = arith.mulf %add3A_1056, %broadcast_in_dim3A_1150 : vector<16xf32>
      %mul3A_1175 = arith.mulf %get3A_1109, %get3A_1141 : vector<16xf32>
      %add3A_1176 = arith.addf %mul3A_1174, %mul3A_1175 : vector<16xf32>
      %div3A_1177 = arith.constant 1.000000e+00 : f32
      %div3A_1178 = vector.broadcast %div3A_1177 : f32 to vector<16xf32>
      %div3A_1179 = arith.divf %div3A_1178, %add3A_1152 : vector<16xf32>
      %mul3A_1180 = arith.mulf %add3A_1155, %div3A_1179 : vector<16xf32>
      %add3A_1181 = arith.constant 0 : i32
      %add3A_1182 = arith.addi %mul3A_1105, %add3A_1181 : i32
      %swap3A_1183 = arith.index_cast %add3A_1182 : i32 to index
      %swap3A_1184 = tpu.vector_load %arg7[%swap3A_1183] {strides = array<i32>} : memref<32768xf32, #tpu.memory_space<vmem>>, vector<16xf32>,
      tpu.vector_store %arg7[%swap3A_1183], %mul3A_1180 {strides = array<i32>} : memref<32768xf32, #tpu.memory_space<vmem>>, vector<16xf32>,
      %mul3A_1185 = arith.mulf %add3A_1158, %div3A_1179 : vector<16xf32>
      %add3A_1186 = arith.constant 16 : i32
      %add3A_1187 = arith.addi %mul3A_1105, %add3A_1186 : i32
      %swap3A_1188 = arith.index_cast %add3A_1187 : i32 to index
      %swap3A_1189 = tpu.vector_load %arg7[%swap3A_1188] {strides = array<i32>} : memref<32768xf32, #tpu.memory_space<vmem>>, vector<16xf32>,
      tpu.vector_store %arg7[%swap3A_1188], %mul3A_1185 {strides = array<i32>} : memref<32768xf32, #tpu.memory_space<vmem>>, vector<16xf32>,
      %mul3A_1190 = arith.mulf %add3A_1161, %div3A_1179 : vector<16xf32>
      %add3A_1191 = arith.constant 32 : i32
      %add3A_1192 = arith.addi %mul3A_1105, %add3A_1191 : i32
      %swap3A_1193 = arith.index_cast %add3A_1192 : i32 to index
      %swap3A_1194 = tpu.vector_load %arg7[%swap3A_1193] {strides = array<i32>} : memref<32768xf32, #tpu.memory_space<vmem>>, vector<16xf32>,
      tpu.vector_store %arg7[%swap3A_1193], %mul3A_1190 {strides = array<i32>} : memref<32768xf32, #tpu.memory_space<vmem>>, vector<16xf32>,
      %mul3A_1195 = arith.mulf %add3A_1164, %div3A_1179 : vector<16xf32>
      %add3A_1196 = arith.constant 48 : i32
      %add3A_1197 = arith.addi %mul3A_1105, %add3A_1196 : i32
      %swap3A_1198 = arith.index_cast %add3A_1197 : i32 to index
      %swap3A_1199 = tpu.vector_load %arg7[%swap3A_1198] {strides = array<i32>} : memref<32768xf32, #tpu.memory_space<vmem>>, vector<16xf32>,
      tpu.vector_store %arg7[%swap3A_1198], %mul3A_1195 {strides = array<i32>} : memref<32768xf32, #tpu.memory_space<vmem>>, vector<16xf32>,
      %mul3A_1200 = arith.mulf %add3A_1167, %div3A_1179 : vector<16xf32>
      %add3A_1201 = arith.constant 64 : i32
      %add3A_1202 = arith.addi %mul3A_1105, %add3A_1201 : i32
      %swap3A_1203 = arith.index_cast %add3A_1202 : i32 to index
      %swap3A_1204 = tpu.vector_load %arg7[%swap3A_1203] {strides = array<i32>} : memref<32768xf32, #tpu.memory_space<vmem>>, vector<16xf32>,
      tpu.vector_store %arg7[%swap3A_1203], %mul3A_1200 {strides = array<i32>} : memref<32768xf32, #tpu.memory_space<vmem>>, vector<16xf32>,
      %mul3A_1205 = arith.mulf %add3A_1170, %div3A_1179 : vector<16xf32>
      %add3A_1206 = arith.constant 80 : i32
      %add3A_1207 = arith.addi %mul3A_1105, %add3A_1206 : i32
      %swap3A_1208 = arith.index_cast %add3A_1207 : i32 to index
      %swap3A_1209 = tpu.vector_load %arg7[%swap3A_1208] {strides = array<i32>} : memref<32768xf32, #tpu.memory_space<vmem>>, vector<16xf32>,
      tpu.vector_store %arg7[%swap3A_1208], %mul3A_1205 {strides = array<i32>} : memref<32768xf32, #tpu.memory_space<vmem>>, vector<16xf32>,
      %mul3A_1210 = arith.mulf %add3A_1173, %div3A_1179 : vector<16xf32>
      %add3A_1211 = arith.constant 96 : i32
      %add3A_1212 = arith.addi %mul3A_1105, %add3A_1211 : i32
      %swap3A_1213 = arith.index_cast %add3A_1212 : i32 to index
      %swap3A_1214 = tpu.vector_load %arg7[%swap3A_1213] {strides = array<i32>} : memref<32768xf32, #tpu.memory_space<vmem>>, vector<16xf32>,
      tpu.vector_store %arg7[%swap3A_1213], %mul3A_1210 {strides = array<i32>} : memref<32768xf32, #tpu.memory_space<vmem>>, vector<16xf32>,
      %mul3A_1215 = arith.mulf %add3A_1176, %div3A_1179 : vector<16xf32>
      %add3A_1216 = arith.constant 112 : i32
      %add3A_1217 = arith.addi %mul3A_1105, %add3A_1216 : i32
      %swap3A_1218 = arith.index_cast %add3A_1217 : i32 to index
      %swap3A_1219 = tpu.vector_load %arg7[%swap3A_1218] {strides = array<i32>} : memref<32768xf32, #tpu.memory_space<vmem>>, vector<16xf32>,
      tpu.vector_store %arg7[%swap3A_1218], %mul3A_1215 {strides = array<i32>} : memref<32768xf32, #tpu.memory_space<vmem>>, vector<16xf32>,
      %mul3A_1220 = arith.constant 16 : i32
      %mul3A_1221 = arith.muli %scan3A_852, %mul3A_1220 : i32
      %add3A_1222 = arith.constant 3 : i32
      %add3A_1223 = arith.addi %mul3A_1221, %add3A_1222 : i32
      %mul3A_1224 = arith.constant 128 : i32
      %mul3A_1225 = arith.muli %add3A_1223, %mul3A_1224 : i32
      %mul3A_1226 = arith.constant 16 : i32
      %mul3A_1227 = arith.muli %add3A_1223, %mul3A_1226 : i32
      %get3A_1228 = arith.index_cast %mul3A_1227 : i32 to index
      %get3A_1229 = tpu.vector_load %arg8[%get3A_1228] {strides = array<i32>} : memref<4096xf32, #tpu.memory_space<vmem>>, vector<16xf32>,
      %add3A_1230 = arith.constant 0 : i32
      %add3A_1231 = arith.addi %mul3A_1225, %add3A_1230 : i32
      %get3A_1232 = arith.index_cast %add3A_1231 : i32 to index
      %get3A_1233 = tpu.vector_load %arg7[%get3A_1232] {strides = array<i32>} : memref<32768xf32, #tpu.memory_space<vmem>>, vector<16xf32>,
      %add3A_1234 = arith.constant 16 : i32
      %add3A_1235 = arith.addi %mul3A_1225, %add3A_1234 : i32
      %get3A_1236 = arith.index_cast %add3A_1235 : i32 to index
      %get3A_1237 = tpu.vector_load %arg7[%get3A_1236] {strides = array<i32>} : memref<32768xf32, #tpu.memory_space<vmem>>, vector<16xf32>,
      %add3A_1238 = arith.constant 32 : i32
      %add3A_1239 = arith.addi %mul3A_1225, %add3A_1238 : i32
      %get3A_1240 = arith.index_cast %add3A_1239 : i32 to index
      %get3A_1241 = tpu.vector_load %arg7[%get3A_1240] {strides = array<i32>} : memref<32768xf32, #tpu.memory_space<vmem>>, vector<16xf32>,
      %add3A_1242 = arith.constant 48 : i32
      %add3A_1243 = arith.addi %mul3A_1225, %add3A_1242 : i32
      %get3A_1244 = arith.index_cast %add3A_1243 : i32 to index
      %get3A_1245 = tpu.vector_load %arg7[%get3A_1244] {strides = array<i32>} : memref<32768xf32, #tpu.memory_space<vmem>>, vector<16xf32>,
      %add3A_1246 = arith.constant 64 : i32
      %add3A_1247 = arith.addi %mul3A_1225, %add3A_1246 : i32
      %get3A_1248 = arith.index_cast %add3A_1247 : i32 to index
      %get3A_1249 = tpu.vector_load %arg7[%get3A_1248] {strides = array<i32>} : memref<32768xf32, #tpu.memory_space<vmem>>, vector<16xf32>,
      %add3A_1250 = arith.constant 80 : i32
      %add3A_1251 = arith.addi %mul3A_1225, %add3A_1250 : i32
      %get3A_1252 = arith.index_cast %add3A_1251 : i32 to index
      %get3A_1253 = tpu.vector_load %arg7[%get3A_1252] {strides = array<i32>} : memref<32768xf32, #tpu.memory_space<vmem>>, vector<16xf32>,
      %add3A_1254 = arith.constant 96 : i32
      %add3A_1255 = arith.addi %mul3A_1225, %add3A_1254 : i32
      %get3A_1256 = arith.index_cast %add3A_1255 : i32 to index
      %get3A_1257 = tpu.vector_load %arg7[%get3A_1256] {strides = array<i32>} : memref<32768xf32, #tpu.memory_space<vmem>>, vector<16xf32>,
      %add3A_1258 = arith.constant 112 : i32
      %add3A_1259 = arith.addi %mul3A_1225, %add3A_1258 : i32
      %get3A_1260 = arith.index_cast %add3A_1259 : i32 to index
      %get3A_1261 = tpu.vector_load %arg7[%get3A_1260] {strides = array<i32>} : memref<32768xf32, #tpu.memory_space<vmem>>, vector<16xf32>,
      %eq3A_1262 = arith.cmpi eq, %add3A_1223, %sub3A : i32
      %eq3A_1263 = arith.cmpi eq, %add3A_1223, %sub3A_48 : i32
      %or3A_1264 = arith.ori %eq3A_1262, %eq3A_1263 : i1
      %eq3A_1265 = arith.cmpi eq, %add3A_1223, %sub3A_49 : i32
      %or3A_1266 = arith.ori %or3A_1264, %eq3A_1265 : i1
      %jit3A_1267 = arith.constant 0.000000e+00 : f32
      %jit3A_1268 = arith.constant 1.000000e+00 : f32
      %select_n3A_1269 = arith.select %or3A_1266, %jit3A_1267, %jit3A_1268 : f32
      %broadcast_in_dim3A_1270 = vector.broadcast %select_n3A_1269 : f32 to vector<16xf32>
      %mul3A_1271 = arith.mulf %add3A_1152, %broadcast_in_dim3A_1270 : vector<16xf32>
      %add3A_1272 = arith.addf %mul3A_1271, %get3A_1229 : vector<16xf32>
      %mul3A_1273 = arith.mulf %add3A_1155, %broadcast_in_dim3A_1270 : vector<16xf32>
      %mul3A_1274 = arith.mulf %get3A_1229, %get3A_1233 : vector<16xf32>
      %add3A_1275 = arith.addf %mul3A_1273, %mul3A_1274 : vector<16xf32>
      %mul3A_1276 = arith.mulf %add3A_1158, %broadcast_in_dim3A_1270 : vector<16xf32>
      %mul3A_1277 = arith.mulf %get3A_1229, %get3A_1237 : vector<16xf32>
      %add3A_1278 = arith.addf %mul3A_1276, %mul3A_1277 : vector<16xf32>
      %mul3A_1279 = arith.mulf %add3A_1161, %broadcast_in_dim3A_1270 : vector<16xf32>
      %mul3A_1280 = arith.mulf %get3A_1229, %get3A_1241 : vector<16xf32>
      %add3A_1281 = arith.addf %mul3A_1279, %mul3A_1280 : vector<16xf32>
      %mul3A_1282 = arith.mulf %add3A_1164, %broadcast_in_dim3A_1270 : vector<16xf32>
      %mul3A_1283 = arith.mulf %get3A_1229, %get3A_1245 : vector<16xf32>
      %add3A_1284 = arith.addf %mul3A_1282, %mul3A_1283 : vector<16xf32>
      %mul3A_1285 = arith.mulf %add3A_1167, %broadcast_in_dim3A_1270 : vector<16xf32>
      %mul3A_1286 = arith.mulf %get3A_1229, %get3A_1249 : vector<16xf32>
      %add3A_1287 = arith.addf %mul3A_1285, %mul3A_1286 : vector<16xf32>
      %mul3A_1288 = arith.mulf %add3A_1170, %broadcast_in_dim3A_1270 : vector<16xf32>
      %mul3A_1289 = arith.mulf %get3A_1229, %get3A_1253 : vector<16xf32>
      %add3A_1290 = arith.addf %mul3A_1288, %mul3A_1289 : vector<16xf32>
      %mul3A_1291 = arith.mulf %add3A_1173, %broadcast_in_dim3A_1270 : vector<16xf32>
      %mul3A_1292 = arith.mulf %get3A_1229, %get3A_1257 : vector<16xf32>
      %add3A_1293 = arith.addf %mul3A_1291, %mul3A_1292 : vector<16xf32>
      %mul3A_1294 = arith.mulf %add3A_1176, %broadcast_in_dim3A_1270 : vector<16xf32>
      %mul3A_1295 = arith.mulf %get3A_1229, %get3A_1261 : vector<16xf32>
      %add3A_1296 = arith.addf %mul3A_1294, %mul3A_1295 : vector<16xf32>
      %div3A_1297 = arith.constant 1.000000e+00 : f32
      %div3A_1298 = vector.broadcast %div3A_1297 : f32 to vector<16xf32>
      %div3A_1299 = arith.divf %div3A_1298, %add3A_1272 : vector<16xf32>
      %mul3A_1300 = arith.mulf %add3A_1275, %div3A_1299 : vector<16xf32>
      %add3A_1301 = arith.constant 0 : i32
      %add3A_1302 = arith.addi %mul3A_1225, %add3A_1301 : i32
      %swap3A_1303 = arith.index_cast %add3A_1302 : i32 to index
      %swap3A_1304 = tpu.vector_load %arg7[%swap3A_1303] {strides = array<i32>} : memref<32768xf32, #tpu.memory_space<vmem>>, vector<16xf32>,
      tpu.vector_store %arg7[%swap3A_1303], %mul3A_1300 {strides = array<i32>} : memref<32768xf32, #tpu.memory_space<vmem>>, vector<16xf32>,
      %mul3A_1305 = arith.mulf %add3A_1278, %div3A_1299 : vector<16xf32>
      %add3A_1306 = arith.constant 16 : i32
      %add3A_1307 = arith.addi %mul3A_1225, %add3A_1306 : i32
      %swap3A_1308 = arith.index_cast %add3A_1307 : i32 to index
      %swap3A_1309 = tpu.vector_load %arg7[%swap3A_1308] {strides = array<i32>} : memref<32768xf32, #tpu.memory_space<vmem>>, vector<16xf32>,
      tpu.vector_store %arg7[%swap3A_1308], %mul3A_1305 {strides = array<i32>} : memref<32768xf32, #tpu.memory_space<vmem>>, vector<16xf32>,
      %mul3A_1310 = arith.mulf %add3A_1281, %div3A_1299 : vector<16xf32>
      %add3A_1311 = arith.constant 32 : i32
      %add3A_1312 = arith.addi %mul3A_1225, %add3A_1311 : i32
      %swap3A_1313 = arith.index_cast %add3A_1312 : i32 to index
      %swap3A_1314 = tpu.vector_load %arg7[%swap3A_1313] {strides = array<i32>} : memref<32768xf32, #tpu.memory_space<vmem>>, vector<16xf32>,
      tpu.vector_store %arg7[%swap3A_1313], %mul3A_1310 {strides = array<i32>} : memref<32768xf32, #tpu.memory_space<vmem>>, vector<16xf32>,
      %mul3A_1315 = arith.mulf %add3A_1284, %div3A_1299 : vector<16xf32>
      %add3A_1316 = arith.constant 48 : i32
      %add3A_1317 = arith.addi %mul3A_1225, %add3A_1316 : i32
      %swap3A_1318 = arith.index_cast %add3A_1317 : i32 to index
      %swap3A_1319 = tpu.vector_load %arg7[%swap3A_1318] {strides = array<i32>} : memref<32768xf32, #tpu.memory_space<vmem>>, vector<16xf32>,
      tpu.vector_store %arg7[%swap3A_1318], %mul3A_1315 {strides = array<i32>} : memref<32768xf32, #tpu.memory_space<vmem>>, vector<16xf32>,
      %mul3A_1320 = arith.mulf %add3A_1287, %div3A_1299 : vector<16xf32>
      %add3A_1321 = arith.constant 64 : i32
      %add3A_1322 = arith.addi %mul3A_1225, %add3A_1321 : i32
      %swap3A_1323 = arith.index_cast %add3A_1322 : i32 to index
      %swap3A_1324 = tpu.vector_load %arg7[%swap3A_1323] {strides = array<i32>} : memref<32768xf32, #tpu.memory_space<vmem>>, vector<16xf32>,
      tpu.vector_store %arg7[%swap3A_1323], %mul3A_1320 {strides = array<i32>} : memref<32768xf32, #tpu.memory_space<vmem>>, vector<16xf32>,
      %mul3A_1325 = arith.mulf %add3A_1290, %div3A_1299 : vector<16xf32>
      %add3A_1326 = arith.constant 80 : i32
      %add3A_1327 = arith.addi %mul3A_1225, %add3A_1326 : i32
      %swap3A_1328 = arith.index_cast %add3A_1327 : i32 to index
      %swap3A_1329 = tpu.vector_load %arg7[%swap3A_1328] {strides = array<i32>} : memref<32768xf32, #tpu.memory_space<vmem>>, vector<16xf32>,
      tpu.vector_store %arg7[%swap3A_1328], %mul3A_1325 {strides = array<i32>} : memref<32768xf32, #tpu.memory_space<vmem>>, vector<16xf32>,
      %mul3A_1330 = arith.mulf %add3A_1293, %div3A_1299 : vector<16xf32>
      %add3A_1331 = arith.constant 96 : i32
      %add3A_1332 = arith.addi %mul3A_1225, %add3A_1331 : i32
      %swap3A_1333 = arith.index_cast %add3A_1332 : i32 to index
      %swap3A_1334 = tpu.vector_load %arg7[%swap3A_1333] {strides = array<i32>} : memref<32768xf32, #tpu.memory_space<vmem>>, vector<16xf32>,
      tpu.vector_store %arg7[%swap3A_1333], %mul3A_1330 {strides = array<i32>} : memref<32768xf32, #tpu.memory_space<vmem>>, vector<16xf32>,
      %mul3A_1335 = arith.mulf %add3A_1296, %div3A_1299 : vector<16xf32>
      %add3A_1336 = arith.constant 112 : i32
      %add3A_1337 = arith.addi %mul3A_1225, %add3A_1336 : i32
      %swap3A_1338 = arith.index_cast %add3A_1337 : i32 to index
      %swap3A_1339 = tpu.vector_load %arg7[%swap3A_1338] {strides = array<i32>} : memref<32768xf32, #tpu.memory_space<vmem>>, vector<16xf32>,
      tpu.vector_store %arg7[%swap3A_1338], %mul3A_1335 {strides = array<i32>} : memref<32768xf32, #tpu.memory_space<vmem>>, vector<16xf32>,
      %mul3A_1340 = arith.constant 16 : i32
      %mul3A_1341 = arith.muli %scan3A_852, %mul3A_1340 : i32
      %add3A_1342 = arith.constant 4 : i32
      %add3A_1343 = arith.addi %mul3A_1341, %add3A_1342 : i32
      %mul3A_1344 = arith.constant 128 : i32
      %mul3A_1345 = arith.muli %add3A_1343, %mul3A_1344 : i32
      %mul3A_1346 = arith.constant 16 : i32
      %mul3A_1347 = arith.muli %add3A_1343, %mul3A_1346 : i32
      %get3A_1348 = arith.index_cast %mul3A_1347 : i32 to index
      %get3A_1349 = tpu.vector_load %arg8[%get3A_1348] {strides = array<i32>} : memref<4096xf32, #tpu.memory_space<vmem>>, vector<16xf32>,
      %add3A_1350 = arith.constant 0 : i32
      %add3A_1351 = arith.addi %mul3A_1345, %add3A_1350 : i32
      %get3A_1352 = arith.index_cast %add3A_1351 : i32 to index
      %get3A_1353 = tpu.vector_load %arg7[%get3A_1352] {strides = array<i32>} : memref<32768xf32, #tpu.memory_space<vmem>>, vector<16xf32>,
      %add3A_1354 = arith.constant 16 : i32
      %add3A_1355 = arith.addi %mul3A_1345, %add3A_1354 : i32
      %get3A_1356 = arith.index_cast %add3A_1355 : i32 to index
      %get3A_1357 = tpu.vector_load %arg7[%get3A_1356] {strides = array<i32>} : memref<32768xf32, #tpu.memory_space<vmem>>, vector<16xf32>,
      %add3A_1358 = arith.constant 32 : i32
      %add3A_1359 = arith.addi %mul3A_1345, %add3A_1358 : i32
      %get3A_1360 = arith.index_cast %add3A_1359 : i32 to index
      %get3A_1361 = tpu.vector_load %arg7[%get3A_1360] {strides = array<i32>} : memref<32768xf32, #tpu.memory_space<vmem>>, vector<16xf32>,
      %add3A_1362 = arith.constant 48 : i32
      %add3A_1363 = arith.addi %mul3A_1345, %add3A_1362 : i32
      %get3A_1364 = arith.index_cast %add3A_1363 : i32 to index
      %get3A_1365 = tpu.vector_load %arg7[%get3A_1364] {strides = array<i32>} : memref<32768xf32, #tpu.memory_space<vmem>>, vector<16xf32>,
      %add3A_1366 = arith.constant 64 : i32
      %add3A_1367 = arith.addi %mul3A_1345, %add3A_1366 : i32
      %get3A_1368 = arith.index_cast %add3A_1367 : i32 to index
      %get3A_1369 = tpu.vector_load %arg7[%get3A_1368] {strides = array<i32>} : memref<32768xf32, #tpu.memory_space<vmem>>, vector<16xf32>,
      %add3A_1370 = arith.constant 80 : i32
      %add3A_1371 = arith.addi %mul3A_1345, %add3A_1370 : i32
      %get3A_1372 = arith.index_cast %add3A_1371 : i32 to index
      %get3A_1373 = tpu.vector_load %arg7[%get3A_1372] {strides = array<i32>} : memref<32768xf32, #tpu.memory_space<vmem>>, vector<16xf32>,
      %add3A_1374 = arith.constant 96 : i32
      %add3A_1375 = arith.addi %mul3A_1345, %add3A_1374 : i32
      %get3A_1376 = arith.index_cast %add3A_1375 : i32 to index
      %get3A_1377 = tpu.vector_load %arg7[%get3A_1376] {strides = array<i32>} : memref<32768xf32, #tpu.memory_space<vmem>>, vector<16xf32>,
      %add3A_1378 = arith.constant 112 : i32
      %add3A_1379 = arith.addi %mul3A_1345, %add3A_1378 : i32
      %get3A_1380 = arith.index_cast %add3A_1379 : i32 to index
      %get3A_1381 = tpu.vector_load %arg7[%get3A_1380] {strides = array<i32>} : memref<32768xf32, #tpu.memory_space<vmem>>, vector<16xf32>,
      %eq3A_1382 = arith.cmpi eq, %add3A_1343, %sub3A : i32
      %eq3A_1383 = arith.cmpi eq, %add3A_1343, %sub3A_48 : i32
      %or3A_1384 = arith.ori %eq3A_1382, %eq3A_1383 : i1
      %eq3A_1385 = arith.cmpi eq, %add3A_1343, %sub3A_49 : i32
      %or3A_1386 = arith.ori %or3A_1384, %eq3A_1385 : i1
      %jit3A_1387 = arith.constant 0.000000e+00 : f32
      %jit3A_1388 = arith.constant 1.000000e+00 : f32
      %select_n3A_1389 = arith.select %or3A_1386, %jit3A_1387, %jit3A_1388 : f32
      %broadcast_in_dim3A_1390 = vector.broadcast %select_n3A_1389 : f32 to vector<16xf32>
      %mul3A_1391 = arith.mulf %add3A_1272, %broadcast_in_dim3A_1390 : vector<16xf32>
      %add3A_1392 = arith.addf %mul3A_1391, %get3A_1349 : vector<16xf32>
      %mul3A_1393 = arith.mulf %add3A_1275, %broadcast_in_dim3A_1390 : vector<16xf32>
      %mul3A_1394 = arith.mulf %get3A_1349, %get3A_1353 : vector<16xf32>
      %add3A_1395 = arith.addf %mul3A_1393, %mul3A_1394 : vector<16xf32>
      %mul3A_1396 = arith.mulf %add3A_1278, %broadcast_in_dim3A_1390 : vector<16xf32>
      %mul3A_1397 = arith.mulf %get3A_1349, %get3A_1357 : vector<16xf32>
      %add3A_1398 = arith.addf %mul3A_1396, %mul3A_1397 : vector<16xf32>
      %mul3A_1399 = arith.mulf %add3A_1281, %broadcast_in_dim3A_1390 : vector<16xf32>
      %mul3A_1400 = arith.mulf %get3A_1349, %get3A_1361 : vector<16xf32>
      %add3A_1401 = arith.addf %mul3A_1399, %mul3A_1400 : vector<16xf32>
      %mul3A_1402 = arith.mulf %add3A_1284, %broadcast_in_dim3A_1390 : vector<16xf32>
      %mul3A_1403 = arith.mulf %get3A_1349, %get3A_1365 : vector<16xf32>
      %add3A_1404 = arith.addf %mul3A_1402, %mul3A_1403 : vector<16xf32>
      %mul3A_1405 = arith.mulf %add3A_1287, %broadcast_in_dim3A_1390 : vector<16xf32>
      %mul3A_1406 = arith.mulf %get3A_1349, %get3A_1369 : vector<16xf32>
      %add3A_1407 = arith.addf %mul3A_1405, %mul3A_1406 : vector<16xf32>
      %mul3A_1408 = arith.mulf %add3A_1290, %broadcast_in_dim3A_1390 : vector<16xf32>
      %mul3A_1409 = arith.mulf %get3A_1349, %get3A_1373 : vector<16xf32>
      %add3A_1410 = arith.addf %mul3A_1408, %mul3A_1409 : vector<16xf32>
      %mul3A_1411 = arith.mulf %add3A_1293, %broadcast_in_dim3A_1390 : vector<16xf32>
      %mul3A_1412 = arith.mulf %get3A_1349, %get3A_1377 : vector<16xf32>
      %add3A_1413 = arith.addf %mul3A_1411, %mul3A_1412 : vector<16xf32>
      %mul3A_1414 = arith.mulf %add3A_1296, %broadcast_in_dim3A_1390 : vector<16xf32>
      %mul3A_1415 = arith.mulf %get3A_1349, %get3A_1381 : vector<16xf32>
      %add3A_1416 = arith.addf %mul3A_1414, %mul3A_1415 : vector<16xf32>
      %div3A_1417 = arith.constant 1.000000e+00 : f32
      %div3A_1418 = vector.broadcast %div3A_1417 : f32 to vector<16xf32>
      %div3A_1419 = arith.divf %div3A_1418, %add3A_1392 : vector<16xf32>
      %mul3A_1420 = arith.mulf %add3A_1395, %div3A_1419 : vector<16xf32>
      %add3A_1421 = arith.constant 0 : i32
      %add3A_1422 = arith.addi %mul3A_1345, %add3A_1421 : i32
      %swap3A_1423 = arith.index_cast %add3A_1422 : i32 to index
      %swap3A_1424 = tpu.vector_load %arg7[%swap3A_1423] {strides = array<i32>} : memref<32768xf32, #tpu.memory_space<vmem>>, vector<16xf32>,
      tpu.vector_store %arg7[%swap3A_1423], %mul3A_1420 {strides = array<i32>} : memref<32768xf32, #tpu.memory_space<vmem>>, vector<16xf32>,
      %mul3A_1425 = arith.mulf %add3A_1398, %div3A_1419 : vector<16xf32>
      %add3A_1426 = arith.constant 16 : i32
      %add3A_1427 = arith.addi %mul3A_1345, %add3A_1426 : i32
      %swap3A_1428 = arith.index_cast %add3A_1427 : i32 to index
      %swap3A_1429 = tpu.vector_load %arg7[%swap3A_1428] {strides = array<i32>} : memref<32768xf32, #tpu.memory_space<vmem>>, vector<16xf32>,
      tpu.vector_store %arg7[%swap3A_1428], %mul3A_1425 {strides = array<i32>} : memref<32768xf32, #tpu.memory_space<vmem>>, vector<16xf32>,
      %mul3A_1430 = arith.mulf %add3A_1401, %div3A_1419 : vector<16xf32>
      %add3A_1431 = arith.constant 32 : i32
      %add3A_1432 = arith.addi %mul3A_1345, %add3A_1431 : i32
      %swap3A_1433 = arith.index_cast %add3A_1432 : i32 to index
      %swap3A_1434 = tpu.vector_load %arg7[%swap3A_1433] {strides = array<i32>} : memref<32768xf32, #tpu.memory_space<vmem>>, vector<16xf32>,
      tpu.vector_store %arg7[%swap3A_1433], %mul3A_1430 {strides = array<i32>} : memref<32768xf32, #tpu.memory_space<vmem>>, vector<16xf32>,
      %mul3A_1435 = arith.mulf %add3A_1404, %div3A_1419 : vector<16xf32>
      %add3A_1436 = arith.constant 48 : i32
      %add3A_1437 = arith.addi %mul3A_1345, %add3A_1436 : i32
      %swap3A_1438 = arith.index_cast %add3A_1437 : i32 to index
      %swap3A_1439 = tpu.vector_load %arg7[%swap3A_1438] {strides = array<i32>} : memref<32768xf32, #tpu.memory_space<vmem>>, vector<16xf32>,
      tpu.vector_store %arg7[%swap3A_1438], %mul3A_1435 {strides = array<i32>} : memref<32768xf32, #tpu.memory_space<vmem>>, vector<16xf32>,
      %mul3A_1440 = arith.mulf %add3A_1407, %div3A_1419 : vector<16xf32>
      %add3A_1441 = arith.constant 64 : i32
      %add3A_1442 = arith.addi %mul3A_1345, %add3A_1441 : i32
      %swap3A_1443 = arith.index_cast %add3A_1442 : i32 to index
      %swap3A_1444 = tpu.vector_load %arg7[%swap3A_1443] {strides = array<i32>} : memref<32768xf32, #tpu.memory_space<vmem>>, vector<16xf32>,
      tpu.vector_store %arg7[%swap3A_1443], %mul3A_1440 {strides = array<i32>} : memref<32768xf32, #tpu.memory_space<vmem>>, vector<16xf32>,
      %mul3A_1445 = arith.mulf %add3A_1410, %div3A_1419 : vector<16xf32>
      %add3A_1446 = arith.constant 80 : i32
      %add3A_1447 = arith.addi %mul3A_1345, %add3A_1446 : i32
      %swap3A_1448 = arith.index_cast %add3A_1447 : i32 to index
      %swap3A_1449 = tpu.vector_load %arg7[%swap3A_1448] {strides = array<i32>} : memref<32768xf32, #tpu.memory_space<vmem>>, vector<16xf32>,
      tpu.vector_store %arg7[%swap3A_1448], %mul3A_1445 {strides = array<i32>} : memref<32768xf32, #tpu.memory_space<vmem>>, vector<16xf32>,
      %mul3A_1450 = arith.mulf %add3A_1413, %div3A_1419 : vector<16xf32>
      %add3A_1451 = arith.constant 96 : i32
      %add3A_1452 = arith.addi %mul3A_1345, %add3A_1451 : i32
      %swap3A_1453 = arith.index_cast %add3A_1452 : i32 to index
      %swap3A_1454 = tpu.vector_load %arg7[%swap3A_1453] {strides = array<i32>} : memref<32768xf32, #tpu.memory_space<vmem>>, vector<16xf32>,
      tpu.vector_store %arg7[%swap3A_1453], %mul3A_1450 {strides = array<i32>} : memref<32768xf32, #tpu.memory_space<vmem>>, vector<16xf32>,
      %mul3A_1455 = arith.mulf %add3A_1416, %div3A_1419 : vector<16xf32>
      %add3A_1456 = arith.constant 112 : i32
      %add3A_1457 = arith.addi %mul3A_1345, %add3A_1456 : i32
      %swap3A_1458 = arith.index_cast %add3A_1457 : i32 to index
      %swap3A_1459 = tpu.vector_load %arg7[%swap3A_1458] {strides = array<i32>} : memref<32768xf32, #tpu.memory_space<vmem>>, vector<16xf32>,
      tpu.vector_store %arg7[%swap3A_1458], %mul3A_1455 {strides = array<i32>} : memref<32768xf32, #tpu.memory_space<vmem>>, vector<16xf32>,
      %mul3A_1460 = arith.constant 16 : i32
      %mul3A_1461 = arith.muli %scan3A_852, %mul3A_1460 : i32
      %add3A_1462 = arith.constant 5 : i32
      %add3A_1463 = arith.addi %mul3A_1461, %add3A_1462 : i32
      %mul3A_1464 = arith.constant 128 : i32
      %mul3A_1465 = arith.muli %add3A_1463, %mul3A_1464 : i32
      %mul3A_1466 = arith.constant 16 : i32
      %mul3A_1467 = arith.muli %add3A_1463, %mul3A_1466 : i32
      %get3A_1468 = arith.index_cast %mul3A_1467 : i32 to index
      %get3A_1469 = tpu.vector_load %arg8[%get3A_1468] {strides = array<i32>} : memref<4096xf32, #tpu.memory_space<vmem>>, vector<16xf32>,
      %add3A_1470 = arith.constant 0 : i32
      %add3A_1471 = arith.addi %mul3A_1465, %add3A_1470 : i32
      %get3A_1472 = arith.index_cast %add3A_1471 : i32 to index
      %get3A_1473 = tpu.vector_load %arg7[%get3A_1472] {strides = array<i32>} : memref<32768xf32, #tpu.memory_space<vmem>>, vector<16xf32>,
      %add3A_1474 = arith.constant 16 : i32
      %add3A_1475 = arith.addi %mul3A_1465, %add3A_1474 : i32
      %get3A_1476 = arith.index_cast %add3A_1475 : i32 to index
      %get3A_1477 = tpu.vector_load %arg7[%get3A_1476] {strides = array<i32>} : memref<32768xf32, #tpu.memory_space<vmem>>, vector<16xf32>,
      %add3A_1478 = arith.constant 32 : i32
      %add3A_1479 = arith.addi %mul3A_1465, %add3A_1478 : i32
      %get3A_1480 = arith.index_cast %add3A_1479 : i32 to index
      %get3A_1481 = tpu.vector_load %arg7[%get3A_1480] {strides = array<i32>} : memref<32768xf32, #tpu.memory_space<vmem>>, vector<16xf32>,
      %add3A_1482 = arith.constant 48 : i32
      %add3A_1483 = arith.addi %mul3A_1465, %add3A_1482 : i32
      %get3A_1484 = arith.index_cast %add3A_1483 : i32 to index
      %get3A_1485 = tpu.vector_load %arg7[%get3A_1484] {strides = array<i32>} : memref<32768xf32, #tpu.memory_space<vmem>>, vector<16xf32>,
      %add3A_1486 = arith.constant 64 : i32
      %add3A_1487 = arith.addi %mul3A_1465, %add3A_1486 : i32
      %get3A_1488 = arith.index_cast %add3A_1487 : i32 to index
      %get3A_1489 = tpu.vector_load %arg7[%get3A_1488] {strides = array<i32>} : memref<32768xf32, #tpu.memory_space<vmem>>, vector<16xf32>,
      %add3A_1490 = arith.constant 80 : i32
      %add3A_1491 = arith.addi %mul3A_1465, %add3A_1490 : i32
      %get3A_1492 = arith.index_cast %add3A_1491 : i32 to index
      %get3A_1493 = tpu.vector_load %arg7[%get3A_1492] {strides = array<i32>} : memref<32768xf32, #tpu.memory_space<vmem>>, vector<16xf32>,
      %add3A_1494 = arith.constant 96 : i32
      %add3A_1495 = arith.addi %mul3A_1465, %add3A_1494 : i32
      %get3A_1496 = arith.index_cast %add3A_1495 : i32 to index
      %get3A_1497 = tpu.vector_load %arg7[%get3A_1496] {strides = array<i32>} : memref<32768xf32, #tpu.memory_space<vmem>>, vector<16xf32>,
      %add3A_1498 = arith.constant 112 : i32
      %add3A_1499 = arith.addi %mul3A_1465, %add3A_1498 : i32
      %get3A_1500 = arith.index_cast %add3A_1499 : i32 to index
      %get3A_1501 = tpu.vector_load %arg7[%get3A_1500] {strides = array<i32>} : memref<32768xf32, #tpu.memory_space<vmem>>, vector<16xf32>,
      %eq3A_1502 = arith.cmpi eq, %add3A_1463, %sub3A : i32
      %eq3A_1503 = arith.cmpi eq, %add3A_1463, %sub3A_48 : i32
      %or3A_1504 = arith.ori %eq3A_1502, %eq3A_1503 : i1
      %eq3A_1505 = arith.cmpi eq, %add3A_1463, %sub3A_49 : i32
      %or3A_1506 = arith.ori %or3A_1504, %eq3A_1505 : i1
      %jit3A_1507 = arith.constant 0.000000e+00 : f32
      %jit3A_1508 = arith.constant 1.000000e+00 : f32
      %select_n3A_1509 = arith.select %or3A_1506, %jit3A_1507, %jit3A_1508 : f32
      %broadcast_in_dim3A_1510 = vector.broadcast %select_n3A_1509 : f32 to vector<16xf32>
      %mul3A_1511 = arith.mulf %add3A_1392, %broadcast_in_dim3A_1510 : vector<16xf32>
      %add3A_1512 = arith.addf %mul3A_1511, %get3A_1469 : vector<16xf32>
      %mul3A_1513 = arith.mulf %add3A_1395, %broadcast_in_dim3A_1510 : vector<16xf32>
      %mul3A_1514 = arith.mulf %get3A_1469, %get3A_1473 : vector<16xf32>
      %add3A_1515 = arith.addf %mul3A_1513, %mul3A_1514 : vector<16xf32>
      %mul3A_1516 = arith.mulf %add3A_1398, %broadcast_in_dim3A_1510 : vector<16xf32>
      %mul3A_1517 = arith.mulf %get3A_1469, %get3A_1477 : vector<16xf32>
      %add3A_1518 = arith.addf %mul3A_1516, %mul3A_1517 : vector<16xf32>
      %mul3A_1519 = arith.mulf %add3A_1401, %broadcast_in_dim3A_1510 : vector<16xf32>
      %mul3A_1520 = arith.mulf %get3A_1469, %get3A_1481 : vector<16xf32>
      %add3A_1521 = arith.addf %mul3A_1519, %mul3A_1520 : vector<16xf32>
      %mul3A_1522 = arith.mulf %add3A_1404, %broadcast_in_dim3A_1510 : vector<16xf32>
      %mul3A_1523 = arith.mulf %get3A_1469, %get3A_1485 : vector<16xf32>
      %add3A_1524 = arith.addf %mul3A_1522, %mul3A_1523 : vector<16xf32>
      %mul3A_1525 = arith.mulf %add3A_1407, %broadcast_in_dim3A_1510 : vector<16xf32>
      %mul3A_1526 = arith.mulf %get3A_1469, %get3A_1489 : vector<16xf32>
      %add3A_1527 = arith.addf %mul3A_1525, %mul3A_1526 : vector<16xf32>
      %mul3A_1528 = arith.mulf %add3A_1410, %broadcast_in_dim3A_1510 : vector<16xf32>
      %mul3A_1529 = arith.mulf %get3A_1469, %get3A_1493 : vector<16xf32>
      %add3A_1530 = arith.addf %mul3A_1528, %mul3A_1529 : vector<16xf32>
      %mul3A_1531 = arith.mulf %add3A_1413, %broadcast_in_dim3A_1510 : vector<16xf32>
      %mul3A_1532 = arith.mulf %get3A_1469, %get3A_1497 : vector<16xf32>
      %add3A_1533 = arith.addf %mul3A_1531, %mul3A_1532 : vector<16xf32>
      %mul3A_1534 = arith.mulf %add3A_1416, %broadcast_in_dim3A_1510 : vector<16xf32>
      %mul3A_1535 = arith.mulf %get3A_1469, %get3A_1501 : vector<16xf32>
      %add3A_1536 = arith.addf %mul3A_1534, %mul3A_1535 : vector<16xf32>
      %div3A_1537 = arith.constant 1.000000e+00 : f32
      %div3A_1538 = vector.broadcast %div3A_1537 : f32 to vector<16xf32>
      %div3A_1539 = arith.divf %div3A_1538, %add3A_1512 : vector<16xf32>
      %mul3A_1540 = arith.mulf %add3A_1515, %div3A_1539 : vector<16xf32>
      %add3A_1541 = arith.constant 0 : i32
      %add3A_1542 = arith.addi %mul3A_1465, %add3A_1541 : i32
      %swap3A_1543 = arith.index_cast %add3A_1542 : i32 to index
      %swap3A_1544 = tpu.vector_load %arg7[%swap3A_1543] {strides = array<i32>} : memref<32768xf32, #tpu.memory_space<vmem>>, vector<16xf32>,
      tpu.vector_store %arg7[%swap3A_1543], %mul3A_1540 {strides = array<i32>} : memref<32768xf32, #tpu.memory_space<vmem>>, vector<16xf32>,
      %mul3A_1545 = arith.mulf %add3A_1518, %div3A_1539 : vector<16xf32>
      %add3A_1546 = arith.constant 16 : i32
      %add3A_1547 = arith.addi %mul3A_1465, %add3A_1546 : i32
      %swap3A_1548 = arith.index_cast %add3A_1547 : i32 to index
      %swap3A_1549 = tpu.vector_load %arg7[%swap3A_1548] {strides = array<i32>} : memref<32768xf32, #tpu.memory_space<vmem>>, vector<16xf32>,
      tpu.vector_store %arg7[%swap3A_1548], %mul3A_1545 {strides = array<i32>} : memref<32768xf32, #tpu.memory_space<vmem>>, vector<16xf32>,
      %mul3A_1550 = arith.mulf %add3A_1521, %div3A_1539 : vector<16xf32>
      %add3A_1551 = arith.constant 32 : i32
      %add3A_1552 = arith.addi %mul3A_1465, %add3A_1551 : i32
      %swap3A_1553 = arith.index_cast %add3A_1552 : i32 to index
      %swap3A_1554 = tpu.vector_load %arg7[%swap3A_1553] {strides = array<i32>} : memref<32768xf32, #tpu.memory_space<vmem>>, vector<16xf32>,
      tpu.vector_store %arg7[%swap3A_1553], %mul3A_1550 {strides = array<i32>} : memref<32768xf32, #tpu.memory_space<vmem>>, vector<16xf32>,
      %mul3A_1555 = arith.mulf %add3A_1524, %div3A_1539 : vector<16xf32>
      %add3A_1556 = arith.constant 48 : i32
      %add3A_1557 = arith.addi %mul3A_1465, %add3A_1556 : i32
      %swap3A_1558 = arith.index_cast %add3A_1557 : i32 to index
      %swap3A_1559 = tpu.vector_load %arg7[%swap3A_1558] {strides = array<i32>} : memref<32768xf32, #tpu.memory_space<vmem>>, vector<16xf32>,
      tpu.vector_store %arg7[%swap3A_1558], %mul3A_1555 {strides = array<i32>} : memref<32768xf32, #tpu.memory_space<vmem>>, vector<16xf32>,
      %mul3A_1560 = arith.mulf %add3A_1527, %div3A_1539 : vector<16xf32>
      %add3A_1561 = arith.constant 64 : i32
      %add3A_1562 = arith.addi %mul3A_1465, %add3A_1561 : i32
      %swap3A_1563 = arith.index_cast %add3A_1562 : i32 to index
      %swap3A_1564 = tpu.vector_load %arg7[%swap3A_1563] {strides = array<i32>} : memref<32768xf32, #tpu.memory_space<vmem>>, vector<16xf32>,
      tpu.vector_store %arg7[%swap3A_1563], %mul3A_1560 {strides = array<i32>} : memref<32768xf32, #tpu.memory_space<vmem>>, vector<16xf32>,
      %mul3A_1565 = arith.mulf %add3A_1530, %div3A_1539 : vector<16xf32>
      %add3A_1566 = arith.constant 80 : i32
      %add3A_1567 = arith.addi %mul3A_1465, %add3A_1566 : i32
      %swap3A_1568 = arith.index_cast %add3A_1567 : i32 to index
      %swap3A_1569 = tpu.vector_load %arg7[%swap3A_1568] {strides = array<i32>} : memref<32768xf32, #tpu.memory_space<vmem>>, vector<16xf32>,
      tpu.vector_store %arg7[%swap3A_1568], %mul3A_1565 {strides = array<i32>} : memref<32768xf32, #tpu.memory_space<vmem>>, vector<16xf32>,
      %mul3A_1570 = arith.mulf %add3A_1533, %div3A_1539 : vector<16xf32>
      %add3A_1571 = arith.constant 96 : i32
      %add3A_1572 = arith.addi %mul3A_1465, %add3A_1571 : i32
      %swap3A_1573 = arith.index_cast %add3A_1572 : i32 to index
      %swap3A_1574 = tpu.vector_load %arg7[%swap3A_1573] {strides = array<i32>} : memref<32768xf32, #tpu.memory_space<vmem>>, vector<16xf32>,
      tpu.vector_store %arg7[%swap3A_1573], %mul3A_1570 {strides = array<i32>} : memref<32768xf32, #tpu.memory_space<vmem>>, vector<16xf32>,
      %mul3A_1575 = arith.mulf %add3A_1536, %div3A_1539 : vector<16xf32>
      %add3A_1576 = arith.constant 112 : i32
      %add3A_1577 = arith.addi %mul3A_1465, %add3A_1576 : i32
      %swap3A_1578 = arith.index_cast %add3A_1577 : i32 to index
      %swap3A_1579 = tpu.vector_load %arg7[%swap3A_1578] {strides = array<i32>} : memref<32768xf32, #tpu.memory_space<vmem>>, vector<16xf32>,
      tpu.vector_store %arg7[%swap3A_1578], %mul3A_1575 {strides = array<i32>} : memref<32768xf32, #tpu.memory_space<vmem>>, vector<16xf32>,
      %mul3A_1580 = arith.constant 16 : i32
      %mul3A_1581 = arith.muli %scan3A_852, %mul3A_1580 : i32
      %add3A_1582 = arith.constant 6 : i32
      %add3A_1583 = arith.addi %mul3A_1581, %add3A_1582 : i32
      %mul3A_1584 = arith.constant 128 : i32
      %mul3A_1585 = arith.muli %add3A_1583, %mul3A_1584 : i32
      %mul3A_1586 = arith.constant 16 : i32
      %mul3A_1587 = arith.muli %add3A_1583, %mul3A_1586 : i32
      %get3A_1588 = arith.index_cast %mul3A_1587 : i32 to index
      %get3A_1589 = tpu.vector_load %arg8[%get3A_1588] {strides = array<i32>} : memref<4096xf32, #tpu.memory_space<vmem>>, vector<16xf32>,
      %add3A_1590 = arith.constant 0 : i32
      %add3A_1591 = arith.addi %mul3A_1585, %add3A_1590 : i32
      %get3A_1592 = arith.index_cast %add3A_1591 : i32 to index
      %get3A_1593 = tpu.vector_load %arg7[%get3A_1592] {strides = array<i32>} : memref<32768xf32, #tpu.memory_space<vmem>>, vector<16xf32>,
      %add3A_1594 = arith.constant 16 : i32
      %add3A_1595 = arith.addi %mul3A_1585, %add3A_1594 : i32
      %get3A_1596 = arith.index_cast %add3A_1595 : i32 to index
      %get3A_1597 = tpu.vector_load %arg7[%get3A_1596] {strides = array<i32>} : memref<32768xf32, #tpu.memory_space<vmem>>, vector<16xf32>,
      %add3A_1598 = arith.constant 32 : i32
      %add3A_1599 = arith.addi %mul3A_1585, %add3A_1598 : i32
      %get3A_1600 = arith.index_cast %add3A_1599 : i32 to index
      %get3A_1601 = tpu.vector_load %arg7[%get3A_1600] {strides = array<i32>} : memref<32768xf32, #tpu.memory_space<vmem>>, vector<16xf32>,
      %add3A_1602 = arith.constant 48 : i32
      %add3A_1603 = arith.addi %mul3A_1585, %add3A_1602 : i32
      %get3A_1604 = arith.index_cast %add3A_1603 : i32 to index
      %get3A_1605 = tpu.vector_load %arg7[%get3A_1604] {strides = array<i32>} : memref<32768xf32, #tpu.memory_space<vmem>>, vector<16xf32>,
      %add3A_1606 = arith.constant 64 : i32
      %add3A_1607 = arith.addi %mul3A_1585, %add3A_1606 : i32
      %get3A_1608 = arith.index_cast %add3A_1607 : i32 to index
      %get3A_1609 = tpu.vector_load %arg7[%get3A_1608] {strides = array<i32>} : memref<32768xf32, #tpu.memory_space<vmem>>, vector<16xf32>,
      %add3A_1610 = arith.constant 80 : i32
      %add3A_1611 = arith.addi %mul3A_1585, %add3A_1610 : i32
      %get3A_1612 = arith.index_cast %add3A_1611 : i32 to index
      %get3A_1613 = tpu.vector_load %arg7[%get3A_1612] {strides = array<i32>} : memref<32768xf32, #tpu.memory_space<vmem>>, vector<16xf32>,
      %add3A_1614 = arith.constant 96 : i32
      %add3A_1615 = arith.addi %mul3A_1585, %add3A_1614 : i32
      %get3A_1616 = arith.index_cast %add3A_1615 : i32 to index
      %get3A_1617 = tpu.vector_load %arg7[%get3A_1616] {strides = array<i32>} : memref<32768xf32, #tpu.memory_space<vmem>>, vector<16xf32>,
      %add3A_1618 = arith.constant 112 : i32
      %add3A_1619 = arith.addi %mul3A_1585, %add3A_1618 : i32
      %get3A_1620 = arith.index_cast %add3A_1619 : i32 to index
      %get3A_1621 = tpu.vector_load %arg7[%get3A_1620] {strides = array<i32>} : memref<32768xf32, #tpu.memory_space<vmem>>, vector<16xf32>,
      %eq3A_1622 = arith.cmpi eq, %add3A_1583, %sub3A : i32
      %eq3A_1623 = arith.cmpi eq, %add3A_1583, %sub3A_48 : i32
      %or3A_1624 = arith.ori %eq3A_1622, %eq3A_1623 : i1
      %eq3A_1625 = arith.cmpi eq, %add3A_1583, %sub3A_49 : i32
      %or3A_1626 = arith.ori %or3A_1624, %eq3A_1625 : i1
      %jit3A_1627 = arith.constant 0.000000e+00 : f32
      %jit3A_1628 = arith.constant 1.000000e+00 : f32
      %select_n3A_1629 = arith.select %or3A_1626, %jit3A_1627, %jit3A_1628 : f32
      %broadcast_in_dim3A_1630 = vector.broadcast %select_n3A_1629 : f32 to vector<16xf32>
      %mul3A_1631 = arith.mulf %add3A_1512, %broadcast_in_dim3A_1630 : vector<16xf32>
      %add3A_1632 = arith.addf %mul3A_1631, %get3A_1589 : vector<16xf32>
      %mul3A_1633 = arith.mulf %add3A_1515, %broadcast_in_dim3A_1630 : vector<16xf32>
      %mul3A_1634 = arith.mulf %get3A_1589, %get3A_1593 : vector<16xf32>
      %add3A_1635 = arith.addf %mul3A_1633, %mul3A_1634 : vector<16xf32>
      %mul3A_1636 = arith.mulf %add3A_1518, %broadcast_in_dim3A_1630 : vector<16xf32>
      %mul3A_1637 = arith.mulf %get3A_1589, %get3A_1597 : vector<16xf32>
      %add3A_1638 = arith.addf %mul3A_1636, %mul3A_1637 : vector<16xf32>
      %mul3A_1639 = arith.mulf %add3A_1521, %broadcast_in_dim3A_1630 : vector<16xf32>
      %mul3A_1640 = arith.mulf %get3A_1589, %get3A_1601 : vector<16xf32>
      %add3A_1641 = arith.addf %mul3A_1639, %mul3A_1640 : vector<16xf32>
      %mul3A_1642 = arith.mulf %add3A_1524, %broadcast_in_dim3A_1630 : vector<16xf32>
      %mul3A_1643 = arith.mulf %get3A_1589, %get3A_1605 : vector<16xf32>
      %add3A_1644 = arith.addf %mul3A_1642, %mul3A_1643 : vector<16xf32>
      %mul3A_1645 = arith.mulf %add3A_1527, %broadcast_in_dim3A_1630 : vector<16xf32>
      %mul3A_1646 = arith.mulf %get3A_1589, %get3A_1609 : vector<16xf32>
      %add3A_1647 = arith.addf %mul3A_1645, %mul3A_1646 : vector<16xf32>
      %mul3A_1648 = arith.mulf %add3A_1530, %broadcast_in_dim3A_1630 : vector<16xf32>
      %mul3A_1649 = arith.mulf %get3A_1589, %get3A_1613 : vector<16xf32>
      %add3A_1650 = arith.addf %mul3A_1648, %mul3A_1649 : vector<16xf32>
      %mul3A_1651 = arith.mulf %add3A_1533, %broadcast_in_dim3A_1630 : vector<16xf32>
      %mul3A_1652 = arith.mulf %get3A_1589, %get3A_1617 : vector<16xf32>
      %add3A_1653 = arith.addf %mul3A_1651, %mul3A_1652 : vector<16xf32>
      %mul3A_1654 = arith.mulf %add3A_1536, %broadcast_in_dim3A_1630 : vector<16xf32>
      %mul3A_1655 = arith.mulf %get3A_1589, %get3A_1621 : vector<16xf32>
      %add3A_1656 = arith.addf %mul3A_1654, %mul3A_1655 : vector<16xf32>
      %div3A_1657 = arith.constant 1.000000e+00 : f32
      %div3A_1658 = vector.broadcast %div3A_1657 : f32 to vector<16xf32>
      %div3A_1659 = arith.divf %div3A_1658, %add3A_1632 : vector<16xf32>
      %mul3A_1660 = arith.mulf %add3A_1635, %div3A_1659 : vector<16xf32>
      %add3A_1661 = arith.constant 0 : i32
      %add3A_1662 = arith.addi %mul3A_1585, %add3A_1661 : i32
      %swap3A_1663 = arith.index_cast %add3A_1662 : i32 to index
      %swap3A_1664 = tpu.vector_load %arg7[%swap3A_1663] {strides = array<i32>} : memref<32768xf32, #tpu.memory_space<vmem>>, vector<16xf32>,
      tpu.vector_store %arg7[%swap3A_1663], %mul3A_1660 {strides = array<i32>} : memref<32768xf32, #tpu.memory_space<vmem>>, vector<16xf32>,
      %mul3A_1665 = arith.mulf %add3A_1638, %div3A_1659 : vector<16xf32>
      %add3A_1666 = arith.constant 16 : i32
      %add3A_1667 = arith.addi %mul3A_1585, %add3A_1666 : i32
      %swap3A_1668 = arith.index_cast %add3A_1667 : i32 to index
      %swap3A_1669 = tpu.vector_load %arg7[%swap3A_1668] {strides = array<i32>} : memref<32768xf32, #tpu.memory_space<vmem>>, vector<16xf32>,
      tpu.vector_store %arg7[%swap3A_1668], %mul3A_1665 {strides = array<i32>} : memref<32768xf32, #tpu.memory_space<vmem>>, vector<16xf32>,
      %mul3A_1670 = arith.mulf %add3A_1641, %div3A_1659 : vector<16xf32>
      %add3A_1671 = arith.constant 32 : i32
      %add3A_1672 = arith.addi %mul3A_1585, %add3A_1671 : i32
      %swap3A_1673 = arith.index_cast %add3A_1672 : i32 to index
      %swap3A_1674 = tpu.vector_load %arg7[%swap3A_1673] {strides = array<i32>} : memref<32768xf32, #tpu.memory_space<vmem>>, vector<16xf32>,
      tpu.vector_store %arg7[%swap3A_1673], %mul3A_1670 {strides = array<i32>} : memref<32768xf32, #tpu.memory_space<vmem>>, vector<16xf32>,
      %mul3A_1675 = arith.mulf %add3A_1644, %div3A_1659 : vector<16xf32>
      %add3A_1676 = arith.constant 48 : i32
      %add3A_1677 = arith.addi %mul3A_1585, %add3A_1676 : i32
      %swap3A_1678 = arith.index_cast %add3A_1677 : i32 to index
      %swap3A_1679 = tpu.vector_load %arg7[%swap3A_1678] {strides = array<i32>} : memref<32768xf32, #tpu.memory_space<vmem>>, vector<16xf32>,
      tpu.vector_store %arg7[%swap3A_1678], %mul3A_1675 {strides = array<i32>} : memref<32768xf32, #tpu.memory_space<vmem>>, vector<16xf32>,
      %mul3A_1680 = arith.mulf %add3A_1647, %div3A_1659 : vector<16xf32>
      %add3A_1681 = arith.constant 64 : i32
      %add3A_1682 = arith.addi %mul3A_1585, %add3A_1681 : i32
      %swap3A_1683 = arith.index_cast %add3A_1682 : i32 to index
      %swap3A_1684 = tpu.vector_load %arg7[%swap3A_1683] {strides = array<i32>} : memref<32768xf32, #tpu.memory_space<vmem>>, vector<16xf32>,
      tpu.vector_store %arg7[%swap3A_1683], %mul3A_1680 {strides = array<i32>} : memref<32768xf32, #tpu.memory_space<vmem>>, vector<16xf32>,
      %mul3A_1685 = arith.mulf %add3A_1650, %div3A_1659 : vector<16xf32>
      %add3A_1686 = arith.constant 80 : i32
      %add3A_1687 = arith.addi %mul3A_1585, %add3A_1686 : i32
      %swap3A_1688 = arith.index_cast %add3A_1687 : i32 to index
      %swap3A_1689 = tpu.vector_load %arg7[%swap3A_1688] {strides = array<i32>} : memref<32768xf32, #tpu.memory_space<vmem>>, vector<16xf32>,
      tpu.vector_store %arg7[%swap3A_1688], %mul3A_1685 {strides = array<i32>} : memref<32768xf32, #tpu.memory_space<vmem>>, vector<16xf32>,
      %mul3A_1690 = arith.mulf %add3A_1653, %div3A_1659 : vector<16xf32>
      %add3A_1691 = arith.constant 96 : i32
      %add3A_1692 = arith.addi %mul3A_1585, %add3A_1691 : i32
      %swap3A_1693 = arith.index_cast %add3A_1692 : i32 to index
      %swap3A_1694 = tpu.vector_load %arg7[%swap3A_1693] {strides = array<i32>} : memref<32768xf32, #tpu.memory_space<vmem>>, vector<16xf32>,
      tpu.vector_store %arg7[%swap3A_1693], %mul3A_1690 {strides = array<i32>} : memref<32768xf32, #tpu.memory_space<vmem>>, vector<16xf32>,
      %mul3A_1695 = arith.mulf %add3A_1656, %div3A_1659 : vector<16xf32>
      %add3A_1696 = arith.constant 112 : i32
      %add3A_1697 = arith.addi %mul3A_1585, %add3A_1696 : i32
      %swap3A_1698 = arith.index_cast %add3A_1697 : i32 to index
      %swap3A_1699 = tpu.vector_load %arg7[%swap3A_1698] {strides = array<i32>} : memref<32768xf32, #tpu.memory_space<vmem>>, vector<16xf32>,
      tpu.vector_store %arg7[%swap3A_1698], %mul3A_1695 {strides = array<i32>} : memref<32768xf32, #tpu.memory_space<vmem>>, vector<16xf32>,
      %mul3A_1700 = arith.constant 16 : i32
      %mul3A_1701 = arith.muli %scan3A_852, %mul3A_1700 : i32
      %add3A_1702 = arith.constant 7 : i32
      %add3A_1703 = arith.addi %mul3A_1701, %add3A_1702 : i32
      %mul3A_1704 = arith.constant 128 : i32
      %mul3A_1705 = arith.muli %add3A_1703, %mul3A_1704 : i32
      %mul3A_1706 = arith.constant 16 : i32
      %mul3A_1707 = arith.muli %add3A_1703, %mul3A_1706 : i32
      %get3A_1708 = arith.index_cast %mul3A_1707 : i32 to index
      %get3A_1709 = tpu.vector_load %arg8[%get3A_1708] {strides = array<i32>} : memref<4096xf32, #tpu.memory_space<vmem>>, vector<16xf32>,
      %add3A_1710 = arith.constant 0 : i32
      %add3A_1711 = arith.addi %mul3A_1705, %add3A_1710 : i32
      %get3A_1712 = arith.index_cast %add3A_1711 : i32 to index
      %get3A_1713 = tpu.vector_load %arg7[%get3A_1712] {strides = array<i32>} : memref<32768xf32, #tpu.memory_space<vmem>>, vector<16xf32>,
      %add3A_1714 = arith.constant 16 : i32
      %add3A_1715 = arith.addi %mul3A_1705, %add3A_1714 : i32
      %get3A_1716 = arith.index_cast %add3A_1715 : i32 to index
      %get3A_1717 = tpu.vector_load %arg7[%get3A_1716] {strides = array<i32>} : memref<32768xf32, #tpu.memory_space<vmem>>, vector<16xf32>,
      %add3A_1718 = arith.constant 32 : i32
      %add3A_1719 = arith.addi %mul3A_1705, %add3A_1718 : i32
      %get3A_1720 = arith.index_cast %add3A_1719 : i32 to index
      %get3A_1721 = tpu.vector_load %arg7[%get3A_1720] {strides = array<i32>} : memref<32768xf32, #tpu.memory_space<vmem>>, vector<16xf32>,
      %add3A_1722 = arith.constant 48 : i32
      %add3A_1723 = arith.addi %mul3A_1705, %add3A_1722 : i32
      %get3A_1724 = arith.index_cast %add3A_1723 : i32 to index
      %get3A_1725 = tpu.vector_load %arg7[%get3A_1724] {strides = array<i32>} : memref<32768xf32, #tpu.memory_space<vmem>>, vector<16xf32>,
      %add3A_1726 = arith.constant 64 : i32
      %add3A_1727 = arith.addi %mul3A_1705, %add3A_1726 : i32
      %get3A_1728 = arith.index_cast %add3A_1727 : i32 to index
      %get3A_1729 = tpu.vector_load %arg7[%get3A_1728] {strides = array<i32>} : memref<32768xf32, #tpu.memory_space<vmem>>, vector<16xf32>,
      %add3A_1730 = arith.constant 80 : i32
      %add3A_1731 = arith.addi %mul3A_1705, %add3A_1730 : i32
      %get3A_1732 = arith.index_cast %add3A_1731 : i32 to index
      %get3A_1733 = tpu.vector_load %arg7[%get3A_1732] {strides = array<i32>} : memref<32768xf32, #tpu.memory_space<vmem>>, vector<16xf32>,
      %add3A_1734 = arith.constant 96 : i32
      %add3A_1735 = arith.addi %mul3A_1705, %add3A_1734 : i32
      %get3A_1736 = arith.index_cast %add3A_1735 : i32 to index
      %get3A_1737 = tpu.vector_load %arg7[%get3A_1736] {strides = array<i32>} : memref<32768xf32, #tpu.memory_space<vmem>>, vector<16xf32>,
      %add3A_1738 = arith.constant 112 : i32
      %add3A_1739 = arith.addi %mul3A_1705, %add3A_1738 : i32
      %get3A_1740 = arith.index_cast %add3A_1739 : i32 to index
      %get3A_1741 = tpu.vector_load %arg7[%get3A_1740] {strides = array<i32>} : memref<32768xf32, #tpu.memory_space<vmem>>, vector<16xf32>,
      %eq3A_1742 = arith.cmpi eq, %add3A_1703, %sub3A : i32
      %eq3A_1743 = arith.cmpi eq, %add3A_1703, %sub3A_48 : i32
      %or3A_1744 = arith.ori %eq3A_1742, %eq3A_1743 : i1
      %eq3A_1745 = arith.cmpi eq, %add3A_1703, %sub3A_49 : i32
      %or3A_1746 = arith.ori %or3A_1744, %eq3A_1745 : i1
      %jit3A_1747 = arith.constant 0.000000e+00 : f32
      %jit3A_1748 = arith.constant 1.000000e+00 : f32
      %select_n3A_1749 = arith.select %or3A_1746, %jit3A_1747, %jit3A_1748 : f32
      %broadcast_in_dim3A_1750 = vector.broadcast %select_n3A_1749 : f32 to vector<16xf32>
      %mul3A_1751 = arith.mulf %add3A_1632, %broadcast_in_dim3A_1750 : vector<16xf32>
      %add3A_1752 = arith.addf %mul3A_1751, %get3A_1709 : vector<16xf32>
      %mul3A_1753 = arith.mulf %add3A_1635, %broadcast_in_dim3A_1750 : vector<16xf32>
      %mul3A_1754 = arith.mulf %get3A_1709, %get3A_1713 : vector<16xf32>
      %add3A_1755 = arith.addf %mul3A_1753, %mul3A_1754 : vector<16xf32>
      %mul3A_1756 = arith.mulf %add3A_1638, %broadcast_in_dim3A_1750 : vector<16xf32>
      %mul3A_1757 = arith.mulf %get3A_1709, %get3A_1717 : vector<16xf32>
      %add3A_1758 = arith.addf %mul3A_1756, %mul3A_1757 : vector<16xf32>
      %mul3A_1759 = arith.mulf %add3A_1641, %broadcast_in_dim3A_1750 : vector<16xf32>
      %mul3A_1760 = arith.mulf %get3A_1709, %get3A_1721 : vector<16xf32>
      %add3A_1761 = arith.addf %mul3A_1759, %mul3A_1760 : vector<16xf32>
      %mul3A_1762 = arith.mulf %add3A_1644, %broadcast_in_dim3A_1750 : vector<16xf32>
      %mul3A_1763 = arith.mulf %get3A_1709, %get3A_1725 : vector<16xf32>
      %add3A_1764 = arith.addf %mul3A_1762, %mul3A_1763 : vector<16xf32>
      %mul3A_1765 = arith.mulf %add3A_1647, %broadcast_in_dim3A_1750 : vector<16xf32>
      %mul3A_1766 = arith.mulf %get3A_1709, %get3A_1729 : vector<16xf32>
      %add3A_1767 = arith.addf %mul3A_1765, %mul3A_1766 : vector<16xf32>
      %mul3A_1768 = arith.mulf %add3A_1650, %broadcast_in_dim3A_1750 : vector<16xf32>
      %mul3A_1769 = arith.mulf %get3A_1709, %get3A_1733 : vector<16xf32>
      %add3A_1770 = arith.addf %mul3A_1768, %mul3A_1769 : vector<16xf32>
      %mul3A_1771 = arith.mulf %add3A_1653, %broadcast_in_dim3A_1750 : vector<16xf32>
      %mul3A_1772 = arith.mulf %get3A_1709, %get3A_1737 : vector<16xf32>
      %add3A_1773 = arith.addf %mul3A_1771, %mul3A_1772 : vector<16xf32>
      %mul3A_1774 = arith.mulf %add3A_1656, %broadcast_in_dim3A_1750 : vector<16xf32>
      %mul3A_1775 = arith.mulf %get3A_1709, %get3A_1741 : vector<16xf32>
      %add3A_1776 = arith.addf %mul3A_1774, %mul3A_1775 : vector<16xf32>
      %div3A_1777 = arith.constant 1.000000e+00 : f32
      %div3A_1778 = vector.broadcast %div3A_1777 : f32 to vector<16xf32>
      %div3A_1779 = arith.divf %div3A_1778, %add3A_1752 : vector<16xf32>
      %mul3A_1780 = arith.mulf %add3A_1755, %div3A_1779 : vector<16xf32>
      %add3A_1781 = arith.constant 0 : i32
      %add3A_1782 = arith.addi %mul3A_1705, %add3A_1781 : i32
      %swap3A_1783 = arith.index_cast %add3A_1782 : i32 to index
      %swap3A_1784 = tpu.vector_load %arg7[%swap3A_1783] {strides = array<i32>} : memref<32768xf32, #tpu.memory_space<vmem>>, vector<16xf32>,
      tpu.vector_store %arg7[%swap3A_1783], %mul3A_1780 {strides = array<i32>} : memref<32768xf32, #tpu.memory_space<vmem>>, vector<16xf32>,
      %mul3A_1785 = arith.mulf %add3A_1758, %div3A_1779 : vector<16xf32>
      %add3A_1786 = arith.constant 16 : i32
      %add3A_1787 = arith.addi %mul3A_1705, %add3A_1786 : i32
      %swap3A_1788 = arith.index_cast %add3A_1787 : i32 to index
      %swap3A_1789 = tpu.vector_load %arg7[%swap3A_1788] {strides = array<i32>} : memref<32768xf32, #tpu.memory_space<vmem>>, vector<16xf32>,
      tpu.vector_store %arg7[%swap3A_1788], %mul3A_1785 {strides = array<i32>} : memref<32768xf32, #tpu.memory_space<vmem>>, vector<16xf32>,
      %mul3A_1790 = arith.mulf %add3A_1761, %div3A_1779 : vector<16xf32>
      %add3A_1791 = arith.constant 32 : i32
      %add3A_1792 = arith.addi %mul3A_1705, %add3A_1791 : i32
      %swap3A_1793 = arith.index_cast %add3A_1792 : i32 to index
      %swap3A_1794 = tpu.vector_load %arg7[%swap3A_1793] {strides = array<i32>} : memref<32768xf32, #tpu.memory_space<vmem>>, vector<16xf32>,
      tpu.vector_store %arg7[%swap3A_1793], %mul3A_1790 {strides = array<i32>} : memref<32768xf32, #tpu.memory_space<vmem>>, vector<16xf32>,
      %mul3A_1795 = arith.mulf %add3A_1764, %div3A_1779 : vector<16xf32>
      %add3A_1796 = arith.constant 48 : i32
      %add3A_1797 = arith.addi %mul3A_1705, %add3A_1796 : i32
      %swap3A_1798 = arith.index_cast %add3A_1797 : i32 to index
      %swap3A_1799 = tpu.vector_load %arg7[%swap3A_1798] {strides = array<i32>} : memref<32768xf32, #tpu.memory_space<vmem>>, vector<16xf32>,
      tpu.vector_store %arg7[%swap3A_1798], %mul3A_1795 {strides = array<i32>} : memref<32768xf32, #tpu.memory_space<vmem>>, vector<16xf32>,
      %mul3A_1800 = arith.mulf %add3A_1767, %div3A_1779 : vector<16xf32>
      %add3A_1801 = arith.constant 64 : i32
      %add3A_1802 = arith.addi %mul3A_1705, %add3A_1801 : i32
      %swap3A_1803 = arith.index_cast %add3A_1802 : i32 to index
      %swap3A_1804 = tpu.vector_load %arg7[%swap3A_1803] {strides = array<i32>} : memref<32768xf32, #tpu.memory_space<vmem>>, vector<16xf32>,
      tpu.vector_store %arg7[%swap3A_1803], %mul3A_1800 {strides = array<i32>} : memref<32768xf32, #tpu.memory_space<vmem>>, vector<16xf32>,
      %mul3A_1805 = arith.mulf %add3A_1770, %div3A_1779 : vector<16xf32>
      %add3A_1806 = arith.constant 80 : i32
      %add3A_1807 = arith.addi %mul3A_1705, %add3A_1806 : i32
      %swap3A_1808 = arith.index_cast %add3A_1807 : i32 to index
      %swap3A_1809 = tpu.vector_load %arg7[%swap3A_1808] {strides = array<i32>} : memref<32768xf32, #tpu.memory_space<vmem>>, vector<16xf32>,
      tpu.vector_store %arg7[%swap3A_1808], %mul3A_1805 {strides = array<i32>} : memref<32768xf32, #tpu.memory_space<vmem>>, vector<16xf32>,
      %mul3A_1810 = arith.mulf %add3A_1773, %div3A_1779 : vector<16xf32>
      %add3A_1811 = arith.constant 96 : i32
      %add3A_1812 = arith.addi %mul3A_1705, %add3A_1811 : i32
      %swap3A_1813 = arith.index_cast %add3A_1812 : i32 to index
      %swap3A_1814 = tpu.vector_load %arg7[%swap3A_1813] {strides = array<i32>} : memref<32768xf32, #tpu.memory_space<vmem>>, vector<16xf32>,
      tpu.vector_store %arg7[%swap3A_1813], %mul3A_1810 {strides = array<i32>} : memref<32768xf32, #tpu.memory_space<vmem>>, vector<16xf32>,
      %mul3A_1815 = arith.mulf %add3A_1776, %div3A_1779 : vector<16xf32>
      %add3A_1816 = arith.constant 112 : i32
      %add3A_1817 = arith.addi %mul3A_1705, %add3A_1816 : i32
      %swap3A_1818 = arith.index_cast %add3A_1817 : i32 to index
      %swap3A_1819 = tpu.vector_load %arg7[%swap3A_1818] {strides = array<i32>} : memref<32768xf32, #tpu.memory_space<vmem>>, vector<16xf32>,
      tpu.vector_store %arg7[%swap3A_1818], %mul3A_1815 {strides = array<i32>} : memref<32768xf32, #tpu.memory_space<vmem>>, vector<16xf32>,
      %mul3A_1820 = arith.constant 16 : i32
      %mul3A_1821 = arith.muli %scan3A_852, %mul3A_1820 : i32
      %add3A_1822 = arith.constant 8 : i32
      %add3A_1823 = arith.addi %mul3A_1821, %add3A_1822 : i32
      %mul3A_1824 = arith.constant 128 : i32
      %mul3A_1825 = arith.muli %add3A_1823, %mul3A_1824 : i32
      %mul3A_1826 = arith.constant 16 : i32
      %mul3A_1827 = arith.muli %add3A_1823, %mul3A_1826 : i32
      %get3A_1828 = arith.index_cast %mul3A_1827 : i32 to index
      %get3A_1829 = tpu.vector_load %arg8[%get3A_1828] {strides = array<i32>} : memref<4096xf32, #tpu.memory_space<vmem>>, vector<16xf32>,
      %add3A_1830 = arith.constant 0 : i32
      %add3A_1831 = arith.addi %mul3A_1825, %add3A_1830 : i32
      %get3A_1832 = arith.index_cast %add3A_1831 : i32 to index
      %get3A_1833 = tpu.vector_load %arg7[%get3A_1832] {strides = array<i32>} : memref<32768xf32, #tpu.memory_space<vmem>>, vector<16xf32>,
      %add3A_1834 = arith.constant 16 : i32
      %add3A_1835 = arith.addi %mul3A_1825, %add3A_1834 : i32
      %get3A_1836 = arith.index_cast %add3A_1835 : i32 to index
      %get3A_1837 = tpu.vector_load %arg7[%get3A_1836] {strides = array<i32>} : memref<32768xf32, #tpu.memory_space<vmem>>, vector<16xf32>,
      %add3A_1838 = arith.constant 32 : i32
      %add3A_1839 = arith.addi %mul3A_1825, %add3A_1838 : i32
      %get3A_1840 = arith.index_cast %add3A_1839 : i32 to index
      %get3A_1841 = tpu.vector_load %arg7[%get3A_1840] {strides = array<i32>} : memref<32768xf32, #tpu.memory_space<vmem>>, vector<16xf32>,
      %add3A_1842 = arith.constant 48 : i32
      %add3A_1843 = arith.addi %mul3A_1825, %add3A_1842 : i32
      %get3A_1844 = arith.index_cast %add3A_1843 : i32 to index
      %get3A_1845 = tpu.vector_load %arg7[%get3A_1844] {strides = array<i32>} : memref<32768xf32, #tpu.memory_space<vmem>>, vector<16xf32>,
      %add3A_1846 = arith.constant 64 : i32
      %add3A_1847 = arith.addi %mul3A_1825, %add3A_1846 : i32
      %get3A_1848 = arith.index_cast %add3A_1847 : i32 to index
      %get3A_1849 = tpu.vector_load %arg7[%get3A_1848] {strides = array<i32>} : memref<32768xf32, #tpu.memory_space<vmem>>, vector<16xf32>,
      %add3A_1850 = arith.constant 80 : i32
      %add3A_1851 = arith.addi %mul3A_1825, %add3A_1850 : i32
      %get3A_1852 = arith.index_cast %add3A_1851 : i32 to index
      %get3A_1853 = tpu.vector_load %arg7[%get3A_1852] {strides = array<i32>} : memref<32768xf32, #tpu.memory_space<vmem>>, vector<16xf32>,
      %add3A_1854 = arith.constant 96 : i32
      %add3A_1855 = arith.addi %mul3A_1825, %add3A_1854 : i32
      %get3A_1856 = arith.index_cast %add3A_1855 : i32 to index
      %get3A_1857 = tpu.vector_load %arg7[%get3A_1856] {strides = array<i32>} : memref<32768xf32, #tpu.memory_space<vmem>>, vector<16xf32>,
      %add3A_1858 = arith.constant 112 : i32
      %add3A_1859 = arith.addi %mul3A_1825, %add3A_1858 : i32
      %get3A_1860 = arith.index_cast %add3A_1859 : i32 to index
      %get3A_1861 = tpu.vector_load %arg7[%get3A_1860] {strides = array<i32>} : memref<32768xf32, #tpu.memory_space<vmem>>, vector<16xf32>,
      %eq3A_1862 = arith.cmpi eq, %add3A_1823, %sub3A : i32
      %eq3A_1863 = arith.cmpi eq, %add3A_1823, %sub3A_48 : i32
      %or3A_1864 = arith.ori %eq3A_1862, %eq3A_1863 : i1
      %eq3A_1865 = arith.cmpi eq, %add3A_1823, %sub3A_49 : i32
      %or3A_1866 = arith.ori %or3A_1864, %eq3A_1865 : i1
      %jit3A_1867 = arith.constant 0.000000e+00 : f32
      %jit3A_1868 = arith.constant 1.000000e+00 : f32
      %select_n3A_1869 = arith.select %or3A_1866, %jit3A_1867, %jit3A_1868 : f32
      %broadcast_in_dim3A_1870 = vector.broadcast %select_n3A_1869 : f32 to vector<16xf32>
      %mul3A_1871 = arith.mulf %add3A_1752, %broadcast_in_dim3A_1870 : vector<16xf32>
      %add3A_1872 = arith.addf %mul3A_1871, %get3A_1829 : vector<16xf32>
      %mul3A_1873 = arith.mulf %add3A_1755, %broadcast_in_dim3A_1870 : vector<16xf32>
      %mul3A_1874 = arith.mulf %get3A_1829, %get3A_1833 : vector<16xf32>
      %add3A_1875 = arith.addf %mul3A_1873, %mul3A_1874 : vector<16xf32>
      %mul3A_1876 = arith.mulf %add3A_1758, %broadcast_in_dim3A_1870 : vector<16xf32>
      %mul3A_1877 = arith.mulf %get3A_1829, %get3A_1837 : vector<16xf32>
      %add3A_1878 = arith.addf %mul3A_1876, %mul3A_1877 : vector<16xf32>
      %mul3A_1879 = arith.mulf %add3A_1761, %broadcast_in_dim3A_1870 : vector<16xf32>
      %mul3A_1880 = arith.mulf %get3A_1829, %get3A_1841 : vector<16xf32>
      %add3A_1881 = arith.addf %mul3A_1879, %mul3A_1880 : vector<16xf32>
      %mul3A_1882 = arith.mulf %add3A_1764, %broadcast_in_dim3A_1870 : vector<16xf32>
      %mul3A_1883 = arith.mulf %get3A_1829, %get3A_1845 : vector<16xf32>
      %add3A_1884 = arith.addf %mul3A_1882, %mul3A_1883 : vector<16xf32>
      %mul3A_1885 = arith.mulf %add3A_1767, %broadcast_in_dim3A_1870 : vector<16xf32>
      %mul3A_1886 = arith.mulf %get3A_1829, %get3A_1849 : vector<16xf32>
      %add3A_1887 = arith.addf %mul3A_1885, %mul3A_1886 : vector<16xf32>
      %mul3A_1888 = arith.mulf %add3A_1770, %broadcast_in_dim3A_1870 : vector<16xf32>
      %mul3A_1889 = arith.mulf %get3A_1829, %get3A_1853 : vector<16xf32>
      %add3A_1890 = arith.addf %mul3A_1888, %mul3A_1889 : vector<16xf32>
      %mul3A_1891 = arith.mulf %add3A_1773, %broadcast_in_dim3A_1870 : vector<16xf32>
      %mul3A_1892 = arith.mulf %get3A_1829, %get3A_1857 : vector<16xf32>
      %add3A_1893 = arith.addf %mul3A_1891, %mul3A_1892 : vector<16xf32>
      %mul3A_1894 = arith.mulf %add3A_1776, %broadcast_in_dim3A_1870 : vector<16xf32>
      %mul3A_1895 = arith.mulf %get3A_1829, %get3A_1861 : vector<16xf32>
      %add3A_1896 = arith.addf %mul3A_1894, %mul3A_1895 : vector<16xf32>
      %div3A_1897 = arith.constant 1.000000e+00 : f32
      %div3A_1898 = vector.broadcast %div3A_1897 : f32 to vector<16xf32>
      %div3A_1899 = arith.divf %div3A_1898, %add3A_1872 : vector<16xf32>
      %mul3A_1900 = arith.mulf %add3A_1875, %div3A_1899 : vector<16xf32>
      %add3A_1901 = arith.constant 0 : i32
      %add3A_1902 = arith.addi %mul3A_1825, %add3A_1901 : i32
      %swap3A_1903 = arith.index_cast %add3A_1902 : i32 to index
      %swap3A_1904 = tpu.vector_load %arg7[%swap3A_1903] {strides = array<i32>} : memref<32768xf32, #tpu.memory_space<vmem>>, vector<16xf32>,
      tpu.vector_store %arg7[%swap3A_1903], %mul3A_1900 {strides = array<i32>} : memref<32768xf32, #tpu.memory_space<vmem>>, vector<16xf32>,
      %mul3A_1905 = arith.mulf %add3A_1878, %div3A_1899 : vector<16xf32>
      %add3A_1906 = arith.constant 16 : i32
      %add3A_1907 = arith.addi %mul3A_1825, %add3A_1906 : i32
      %swap3A_1908 = arith.index_cast %add3A_1907 : i32 to index
      %swap3A_1909 = tpu.vector_load %arg7[%swap3A_1908] {strides = array<i32>} : memref<32768xf32, #tpu.memory_space<vmem>>, vector<16xf32>,
      tpu.vector_store %arg7[%swap3A_1908], %mul3A_1905 {strides = array<i32>} : memref<32768xf32, #tpu.memory_space<vmem>>, vector<16xf32>,
      %mul3A_1910 = arith.mulf %add3A_1881, %div3A_1899 : vector<16xf32>
      %add3A_1911 = arith.constant 32 : i32
      %add3A_1912 = arith.addi %mul3A_1825, %add3A_1911 : i32
      %swap3A_1913 = arith.index_cast %add3A_1912 : i32 to index
      %swap3A_1914 = tpu.vector_load %arg7[%swap3A_1913] {strides = array<i32>} : memref<32768xf32, #tpu.memory_space<vmem>>, vector<16xf32>,
      tpu.vector_store %arg7[%swap3A_1913], %mul3A_1910 {strides = array<i32>} : memref<32768xf32, #tpu.memory_space<vmem>>, vector<16xf32>,
      %mul3A_1915 = arith.mulf %add3A_1884, %div3A_1899 : vector<16xf32>
      %add3A_1916 = arith.constant 48 : i32
      %add3A_1917 = arith.addi %mul3A_1825, %add3A_1916 : i32
      %swap3A_1918 = arith.index_cast %add3A_1917 : i32 to index
      %swap3A_1919 = tpu.vector_load %arg7[%swap3A_1918] {strides = array<i32>} : memref<32768xf32, #tpu.memory_space<vmem>>, vector<16xf32>,
      tpu.vector_store %arg7[%swap3A_1918], %mul3A_1915 {strides = array<i32>} : memref<32768xf32, #tpu.memory_space<vmem>>, vector<16xf32>,
      %mul3A_1920 = arith.mulf %add3A_1887, %div3A_1899 : vector<16xf32>
      %add3A_1921 = arith.constant 64 : i32
      %add3A_1922 = arith.addi %mul3A_1825, %add3A_1921 : i32
      %swap3A_1923 = arith.index_cast %add3A_1922 : i32 to index
      %swap3A_1924 = tpu.vector_load %arg7[%swap3A_1923] {strides = array<i32>} : memref<32768xf32, #tpu.memory_space<vmem>>, vector<16xf32>,
      tpu.vector_store %arg7[%swap3A_1923], %mul3A_1920 {strides = array<i32>} : memref<32768xf32, #tpu.memory_space<vmem>>, vector<16xf32>,
      %mul3A_1925 = arith.mulf %add3A_1890, %div3A_1899 : vector<16xf32>
      %add3A_1926 = arith.constant 80 : i32
      %add3A_1927 = arith.addi %mul3A_1825, %add3A_1926 : i32
      %swap3A_1928 = arith.index_cast %add3A_1927 : i32 to index
      %swap3A_1929 = tpu.vector_load %arg7[%swap3A_1928] {strides = array<i32>} : memref<32768xf32, #tpu.memory_space<vmem>>, vector<16xf32>,
      tpu.vector_store %arg7[%swap3A_1928], %mul3A_1925 {strides = array<i32>} : memref<32768xf32, #tpu.memory_space<vmem>>, vector<16xf32>,
      %mul3A_1930 = arith.mulf %add3A_1893, %div3A_1899 : vector<16xf32>
      %add3A_1931 = arith.constant 96 : i32
      %add3A_1932 = arith.addi %mul3A_1825, %add3A_1931 : i32
      %swap3A_1933 = arith.index_cast %add3A_1932 : i32 to index
      %swap3A_1934 = tpu.vector_load %arg7[%swap3A_1933] {strides = array<i32>} : memref<32768xf32, #tpu.memory_space<vmem>>, vector<16xf32>,
      tpu.vector_store %arg7[%swap3A_1933], %mul3A_1930 {strides = array<i32>} : memref<32768xf32, #tpu.memory_space<vmem>>, vector<16xf32>,
      %mul3A_1935 = arith.mulf %add3A_1896, %div3A_1899 : vector<16xf32>
      %add3A_1936 = arith.constant 112 : i32
      %add3A_1937 = arith.addi %mul3A_1825, %add3A_1936 : i32
      %swap3A_1938 = arith.index_cast %add3A_1937 : i32 to index
      %swap3A_1939 = tpu.vector_load %arg7[%swap3A_1938] {strides = array<i32>} : memref<32768xf32, #tpu.memory_space<vmem>>, vector<16xf32>,
      tpu.vector_store %arg7[%swap3A_1938], %mul3A_1935 {strides = array<i32>} : memref<32768xf32, #tpu.memory_space<vmem>>, vector<16xf32>,
      %mul3A_1940 = arith.constant 16 : i32
      %mul3A_1941 = arith.muli %scan3A_852, %mul3A_1940 : i32
      %add3A_1942 = arith.constant 9 : i32
      %add3A_1943 = arith.addi %mul3A_1941, %add3A_1942 : i32
      %mul3A_1944 = arith.constant 128 : i32
      %mul3A_1945 = arith.muli %add3A_1943, %mul3A_1944 : i32
      %mul3A_1946 = arith.constant 16 : i32
      %mul3A_1947 = arith.muli %add3A_1943, %mul3A_1946 : i32
      %get3A_1948 = arith.index_cast %mul3A_1947 : i32 to index
      %get3A_1949 = tpu.vector_load %arg8[%get3A_1948] {strides = array<i32>} : memref<4096xf32, #tpu.memory_space<vmem>>, vector<16xf32>,
      %add3A_1950 = arith.constant 0 : i32
      %add3A_1951 = arith.addi %mul3A_1945, %add3A_1950 : i32
      %get3A_1952 = arith.index_cast %add3A_1951 : i32 to index
      %get3A_1953 = tpu.vector_load %arg7[%get3A_1952] {strides = array<i32>} : memref<32768xf32, #tpu.memory_space<vmem>>, vector<16xf32>,
      %add3A_1954 = arith.constant 16 : i32
      %add3A_1955 = arith.addi %mul3A_1945, %add3A_1954 : i32
      %get3A_1956 = arith.index_cast %add3A_1955 : i32 to index
      %get3A_1957 = tpu.vector_load %arg7[%get3A_1956] {strides = array<i32>} : memref<32768xf32, #tpu.memory_space<vmem>>, vector<16xf32>,
      %add3A_1958 = arith.constant 32 : i32
      %add3A_1959 = arith.addi %mul3A_1945, %add3A_1958 : i32
      %get3A_1960 = arith.index_cast %add3A_1959 : i32 to index
      %get3A_1961 = tpu.vector_load %arg7[%get3A_1960] {strides = array<i32>} : memref<32768xf32, #tpu.memory_space<vmem>>, vector<16xf32>,
      %add3A_1962 = arith.constant 48 : i32
      %add3A_1963 = arith.addi %mul3A_1945, %add3A_1962 : i32
      %get3A_1964 = arith.index_cast %add3A_1963 : i32 to index
      %get3A_1965 = tpu.vector_load %arg7[%get3A_1964] {strides = array<i32>} : memref<32768xf32, #tpu.memory_space<vmem>>, vector<16xf32>,
      %add3A_1966 = arith.constant 64 : i32
      %add3A_1967 = arith.addi %mul3A_1945, %add3A_1966 : i32
      %get3A_1968 = arith.index_cast %add3A_1967 : i32 to index
      %get3A_1969 = tpu.vector_load %arg7[%get3A_1968] {strides = array<i32>} : memref<32768xf32, #tpu.memory_space<vmem>>, vector<16xf32>,
      %add3A_1970 = arith.constant 80 : i32
      %add3A_1971 = arith.addi %mul3A_1945, %add3A_1970 : i32
      %get3A_1972 = arith.index_cast %add3A_1971 : i32 to index
      %get3A_1973 = tpu.vector_load %arg7[%get3A_1972] {strides = array<i32>} : memref<32768xf32, #tpu.memory_space<vmem>>, vector<16xf32>,
      %add3A_1974 = arith.constant 96 : i32
      %add3A_1975 = arith.addi %mul3A_1945, %add3A_1974 : i32
      %get3A_1976 = arith.index_cast %add3A_1975 : i32 to index
      %get3A_1977 = tpu.vector_load %arg7[%get3A_1976] {strides = array<i32>} : memref<32768xf32, #tpu.memory_space<vmem>>, vector<16xf32>,
      %add3A_1978 = arith.constant 112 : i32
      %add3A_1979 = arith.addi %mul3A_1945, %add3A_1978 : i32
      %get3A_1980 = arith.index_cast %add3A_1979 : i32 to index
      %get3A_1981 = tpu.vector_load %arg7[%get3A_1980] {strides = array<i32>} : memref<32768xf32, #tpu.memory_space<vmem>>, vector<16xf32>,
      %eq3A_1982 = arith.cmpi eq, %add3A_1943, %sub3A : i32
      %eq3A_1983 = arith.cmpi eq, %add3A_1943, %sub3A_48 : i32
      %or3A_1984 = arith.ori %eq3A_1982, %eq3A_1983 : i1
      %eq3A_1985 = arith.cmpi eq, %add3A_1943, %sub3A_49 : i32
      %or3A_1986 = arith.ori %or3A_1984, %eq3A_1985 : i1
      %jit3A_1987 = arith.constant 0.000000e+00 : f32
      %jit3A_1988 = arith.constant 1.000000e+00 : f32
      %select_n3A_1989 = arith.select %or3A_1986, %jit3A_1987, %jit3A_1988 : f32
      %broadcast_in_dim3A_1990 = vector.broadcast %select_n3A_1989 : f32 to vector<16xf32>
      %mul3A_1991 = arith.mulf %add3A_1872, %broadcast_in_dim3A_1990 : vector<16xf32>
      %add3A_1992 = arith.addf %mul3A_1991, %get3A_1949 : vector<16xf32>
      %mul3A_1993 = arith.mulf %add3A_1875, %broadcast_in_dim3A_1990 : vector<16xf32>
      %mul3A_1994 = arith.mulf %get3A_1949, %get3A_1953 : vector<16xf32>
      %add3A_1995 = arith.addf %mul3A_1993, %mul3A_1994 : vector<16xf32>
      %mul3A_1996 = arith.mulf %add3A_1878, %broadcast_in_dim3A_1990 : vector<16xf32>
      %mul3A_1997 = arith.mulf %get3A_1949, %get3A_1957 : vector<16xf32>
      %add3A_1998 = arith.addf %mul3A_1996, %mul3A_1997 : vector<16xf32>
      %mul3A_1999 = arith.mulf %add3A_1881, %broadcast_in_dim3A_1990 : vector<16xf32>
      %mul3A_2000 = arith.mulf %get3A_1949, %get3A_1961 : vector<16xf32>
      %add3A_2001 = arith.addf %mul3A_1999, %mul3A_2000 : vector<16xf32>
      %mul3A_2002 = arith.mulf %add3A_1884, %broadcast_in_dim3A_1990 : vector<16xf32>
      %mul3A_2003 = arith.mulf %get3A_1949, %get3A_1965 : vector<16xf32>
      %add3A_2004 = arith.addf %mul3A_2002, %mul3A_2003 : vector<16xf32>
      %mul3A_2005 = arith.mulf %add3A_1887, %broadcast_in_dim3A_1990 : vector<16xf32>
      %mul3A_2006 = arith.mulf %get3A_1949, %get3A_1969 : vector<16xf32>
      %add3A_2007 = arith.addf %mul3A_2005, %mul3A_2006 : vector<16xf32>
      %mul3A_2008 = arith.mulf %add3A_1890, %broadcast_in_dim3A_1990 : vector<16xf32>
      %mul3A_2009 = arith.mulf %get3A_1949, %get3A_1973 : vector<16xf32>
      %add3A_2010 = arith.addf %mul3A_2008, %mul3A_2009 : vector<16xf32>
      %mul3A_2011 = arith.mulf %add3A_1893, %broadcast_in_dim3A_1990 : vector<16xf32>
      %mul3A_2012 = arith.mulf %get3A_1949, %get3A_1977 : vector<16xf32>
      %add3A_2013 = arith.addf %mul3A_2011, %mul3A_2012 : vector<16xf32>
      %mul3A_2014 = arith.mulf %add3A_1896, %broadcast_in_dim3A_1990 : vector<16xf32>
      %mul3A_2015 = arith.mulf %get3A_1949, %get3A_1981 : vector<16xf32>
      %add3A_2016 = arith.addf %mul3A_2014, %mul3A_2015 : vector<16xf32>
      %div3A_2017 = arith.constant 1.000000e+00 : f32
      %div3A_2018 = vector.broadcast %div3A_2017 : f32 to vector<16xf32>
      %div3A_2019 = arith.divf %div3A_2018, %add3A_1992 : vector<16xf32>
      %mul3A_2020 = arith.mulf %add3A_1995, %div3A_2019 : vector<16xf32>
      %add3A_2021 = arith.constant 0 : i32
      %add3A_2022 = arith.addi %mul3A_1945, %add3A_2021 : i32
      %swap3A_2023 = arith.index_cast %add3A_2022 : i32 to index
      %swap3A_2024 = tpu.vector_load %arg7[%swap3A_2023] {strides = array<i32>} : memref<32768xf32, #tpu.memory_space<vmem>>, vector<16xf32>,
      tpu.vector_store %arg7[%swap3A_2023], %mul3A_2020 {strides = array<i32>} : memref<32768xf32, #tpu.memory_space<vmem>>, vector<16xf32>,
      %mul3A_2025 = arith.mulf %add3A_1998, %div3A_2019 : vector<16xf32>
      %add3A_2026 = arith.constant 16 : i32
      %add3A_2027 = arith.addi %mul3A_1945, %add3A_2026 : i32
      %swap3A_2028 = arith.index_cast %add3A_2027 : i32 to index
      %swap3A_2029 = tpu.vector_load %arg7[%swap3A_2028] {strides = array<i32>} : memref<32768xf32, #tpu.memory_space<vmem>>, vector<16xf32>,
      tpu.vector_store %arg7[%swap3A_2028], %mul3A_2025 {strides = array<i32>} : memref<32768xf32, #tpu.memory_space<vmem>>, vector<16xf32>,
      %mul3A_2030 = arith.mulf %add3A_2001, %div3A_2019 : vector<16xf32>
      %add3A_2031 = arith.constant 32 : i32
      %add3A_2032 = arith.addi %mul3A_1945, %add3A_2031 : i32
      %swap3A_2033 = arith.index_cast %add3A_2032 : i32 to index
      %swap3A_2034 = tpu.vector_load %arg7[%swap3A_2033] {strides = array<i32>} : memref<32768xf32, #tpu.memory_space<vmem>>, vector<16xf32>,
      tpu.vector_store %arg7[%swap3A_2033], %mul3A_2030 {strides = array<i32>} : memref<32768xf32, #tpu.memory_space<vmem>>, vector<16xf32>,
      %mul3A_2035 = arith.mulf %add3A_2004, %div3A_2019 : vector<16xf32>
      %add3A_2036 = arith.constant 48 : i32
      %add3A_2037 = arith.addi %mul3A_1945, %add3A_2036 : i32
      %swap3A_2038 = arith.index_cast %add3A_2037 : i32 to index
      %swap3A_2039 = tpu.vector_load %arg7[%swap3A_2038] {strides = array<i32>} : memref<32768xf32, #tpu.memory_space<vmem>>, vector<16xf32>,
      tpu.vector_store %arg7[%swap3A_2038], %mul3A_2035 {strides = array<i32>} : memref<32768xf32, #tpu.memory_space<vmem>>, vector<16xf32>,
      %mul3A_2040 = arith.mulf %add3A_2007, %div3A_2019 : vector<16xf32>
      %add3A_2041 = arith.constant 64 : i32
      %add3A_2042 = arith.addi %mul3A_1945, %add3A_2041 : i32
      %swap3A_2043 = arith.index_cast %add3A_2042 : i32 to index
      %swap3A_2044 = tpu.vector_load %arg7[%swap3A_2043] {strides = array<i32>} : memref<32768xf32, #tpu.memory_space<vmem>>, vector<16xf32>,
      tpu.vector_store %arg7[%swap3A_2043], %mul3A_2040 {strides = array<i32>} : memref<32768xf32, #tpu.memory_space<vmem>>, vector<16xf32>,
      %mul3A_2045 = arith.mulf %add3A_2010, %div3A_2019 : vector<16xf32>
      %add3A_2046 = arith.constant 80 : i32
      %add3A_2047 = arith.addi %mul3A_1945, %add3A_2046 : i32
      %swap3A_2048 = arith.index_cast %add3A_2047 : i32 to index
      %swap3A_2049 = tpu.vector_load %arg7[%swap3A_2048] {strides = array<i32>} : memref<32768xf32, #tpu.memory_space<vmem>>, vector<16xf32>,
      tpu.vector_store %arg7[%swap3A_2048], %mul3A_2045 {strides = array<i32>} : memref<32768xf32, #tpu.memory_space<vmem>>, vector<16xf32>,
      %mul3A_2050 = arith.mulf %add3A_2013, %div3A_2019 : vector<16xf32>
      %add3A_2051 = arith.constant 96 : i32
      %add3A_2052 = arith.addi %mul3A_1945, %add3A_2051 : i32
      %swap3A_2053 = arith.index_cast %add3A_2052 : i32 to index
      %swap3A_2054 = tpu.vector_load %arg7[%swap3A_2053] {strides = array<i32>} : memref<32768xf32, #tpu.memory_space<vmem>>, vector<16xf32>,
      tpu.vector_store %arg7[%swap3A_2053], %mul3A_2050 {strides = array<i32>} : memref<32768xf32, #tpu.memory_space<vmem>>, vector<16xf32>,
      %mul3A_2055 = arith.mulf %add3A_2016, %div3A_2019 : vector<16xf32>
      %add3A_2056 = arith.constant 112 : i32
      %add3A_2057 = arith.addi %mul3A_1945, %add3A_2056 : i32
      %swap3A_2058 = arith.index_cast %add3A_2057 : i32 to index
      %swap3A_2059 = tpu.vector_load %arg7[%swap3A_2058] {strides = array<i32>} : memref<32768xf32, #tpu.memory_space<vmem>>, vector<16xf32>,
      tpu.vector_store %arg7[%swap3A_2058], %mul3A_2055 {strides = array<i32>} : memref<32768xf32, #tpu.memory_space<vmem>>, vector<16xf32>,
      %mul3A_2060 = arith.constant 16 : i32
      %mul3A_2061 = arith.muli %scan3A_852, %mul3A_2060 : i32
      %add3A_2062 = arith.constant 10 : i32
      %add3A_2063 = arith.addi %mul3A_2061, %add3A_2062 : i32
      %mul3A_2064 = arith.constant 128 : i32
      %mul3A_2065 = arith.muli %add3A_2063, %mul3A_2064 : i32
      %mul3A_2066 = arith.constant 16 : i32
      %mul3A_2067 = arith.muli %add3A_2063, %mul3A_2066 : i32
      %get3A_2068 = arith.index_cast %mul3A_2067 : i32 to index
      %get3A_2069 = tpu.vector_load %arg8[%get3A_2068] {strides = array<i32>} : memref<4096xf32, #tpu.memory_space<vmem>>, vector<16xf32>,
      %add3A_2070 = arith.constant 0 : i32
      %add3A_2071 = arith.addi %mul3A_2065, %add3A_2070 : i32
      %get3A_2072 = arith.index_cast %add3A_2071 : i32 to index
      %get3A_2073 = tpu.vector_load %arg7[%get3A_2072] {strides = array<i32>} : memref<32768xf32, #tpu.memory_space<vmem>>, vector<16xf32>,
      %add3A_2074 = arith.constant 16 : i32
      %add3A_2075 = arith.addi %mul3A_2065, %add3A_2074 : i32
      %get3A_2076 = arith.index_cast %add3A_2075 : i32 to index
      %get3A_2077 = tpu.vector_load %arg7[%get3A_2076] {strides = array<i32>} : memref<32768xf32, #tpu.memory_space<vmem>>, vector<16xf32>,
      %add3A_2078 = arith.constant 32 : i32
      %add3A_2079 = arith.addi %mul3A_2065, %add3A_2078 : i32
      %get3A_2080 = arith.index_cast %add3A_2079 : i32 to index
      %get3A_2081 = tpu.vector_load %arg7[%get3A_2080] {strides = array<i32>} : memref<32768xf32, #tpu.memory_space<vmem>>, vector<16xf32>,
      %add3A_2082 = arith.constant 48 : i32
      %add3A_2083 = arith.addi %mul3A_2065, %add3A_2082 : i32
      %get3A_2084 = arith.index_cast %add3A_2083 : i32 to index
      %get3A_2085 = tpu.vector_load %arg7[%get3A_2084] {strides = array<i32>} : memref<32768xf32, #tpu.memory_space<vmem>>, vector<16xf32>,
      %add3A_2086 = arith.constant 64 : i32
      %add3A_2087 = arith.addi %mul3A_2065, %add3A_2086 : i32
      %get3A_2088 = arith.index_cast %add3A_2087 : i32 to index
      %get3A_2089 = tpu.vector_load %arg7[%get3A_2088] {strides = array<i32>} : memref<32768xf32, #tpu.memory_space<vmem>>, vector<16xf32>,
      %add3A_2090 = arith.constant 80 : i32
      %add3A_2091 = arith.addi %mul3A_2065, %add3A_2090 : i32
      %get3A_2092 = arith.index_cast %add3A_2091 : i32 to index
      %get3A_2093 = tpu.vector_load %arg7[%get3A_2092] {strides = array<i32>} : memref<32768xf32, #tpu.memory_space<vmem>>, vector<16xf32>,
      %add3A_2094 = arith.constant 96 : i32
      %add3A_2095 = arith.addi %mul3A_2065, %add3A_2094 : i32
      %get3A_2096 = arith.index_cast %add3A_2095 : i32 to index
      %get3A_2097 = tpu.vector_load %arg7[%get3A_2096] {strides = array<i32>} : memref<32768xf32, #tpu.memory_space<vmem>>, vector<16xf32>,
      %add3A_2098 = arith.constant 112 : i32
      %add3A_2099 = arith.addi %mul3A_2065, %add3A_2098 : i32
      %get3A_2100 = arith.index_cast %add3A_2099 : i32 to index
      %get3A_2101 = tpu.vector_load %arg7[%get3A_2100] {strides = array<i32>} : memref<32768xf32, #tpu.memory_space<vmem>>, vector<16xf32>,
      %eq3A_2102 = arith.cmpi eq, %add3A_2063, %sub3A : i32
      %eq3A_2103 = arith.cmpi eq, %add3A_2063, %sub3A_48 : i32
      %or3A_2104 = arith.ori %eq3A_2102, %eq3A_2103 : i1
      %eq3A_2105 = arith.cmpi eq, %add3A_2063, %sub3A_49 : i32
      %or3A_2106 = arith.ori %or3A_2104, %eq3A_2105 : i1
      %jit3A_2107 = arith.constant 0.000000e+00 : f32
      %jit3A_2108 = arith.constant 1.000000e+00 : f32
      %select_n3A_2109 = arith.select %or3A_2106, %jit3A_2107, %jit3A_2108 : f32
      %broadcast_in_dim3A_2110 = vector.broadcast %select_n3A_2109 : f32 to vector<16xf32>
      %mul3A_2111 = arith.mulf %add3A_1992, %broadcast_in_dim3A_2110 : vector<16xf32>
      %add3A_2112 = arith.addf %mul3A_2111, %get3A_2069 : vector<16xf32>
      %mul3A_2113 = arith.mulf %add3A_1995, %broadcast_in_dim3A_2110 : vector<16xf32>
      %mul3A_2114 = arith.mulf %get3A_2069, %get3A_2073 : vector<16xf32>
      %add3A_2115 = arith.addf %mul3A_2113, %mul3A_2114 : vector<16xf32>
      %mul3A_2116 = arith.mulf %add3A_1998, %broadcast_in_dim3A_2110 : vector<16xf32>
      %mul3A_2117 = arith.mulf %get3A_2069, %get3A_2077 : vector<16xf32>
      %add3A_2118 = arith.addf %mul3A_2116, %mul3A_2117 : vector<16xf32>
      %mul3A_2119 = arith.mulf %add3A_2001, %broadcast_in_dim3A_2110 : vector<16xf32>
      %mul3A_2120 = arith.mulf %get3A_2069, %get3A_2081 : vector<16xf32>
      %add3A_2121 = arith.addf %mul3A_2119, %mul3A_2120 : vector<16xf32>
      %mul3A_2122 = arith.mulf %add3A_2004, %broadcast_in_dim3A_2110 : vector<16xf32>
      %mul3A_2123 = arith.mulf %get3A_2069, %get3A_2085 : vector<16xf32>
      %add3A_2124 = arith.addf %mul3A_2122, %mul3A_2123 : vector<16xf32>
      %mul3A_2125 = arith.mulf %add3A_2007, %broadcast_in_dim3A_2110 : vector<16xf32>
      %mul3A_2126 = arith.mulf %get3A_2069, %get3A_2089 : vector<16xf32>
      %add3A_2127 = arith.addf %mul3A_2125, %mul3A_2126 : vector<16xf32>
      %mul3A_2128 = arith.mulf %add3A_2010, %broadcast_in_dim3A_2110 : vector<16xf32>
      %mul3A_2129 = arith.mulf %get3A_2069, %get3A_2093 : vector<16xf32>
      %add3A_2130 = arith.addf %mul3A_2128, %mul3A_2129 : vector<16xf32>
      %mul3A_2131 = arith.mulf %add3A_2013, %broadcast_in_dim3A_2110 : vector<16xf32>
      %mul3A_2132 = arith.mulf %get3A_2069, %get3A_2097 : vector<16xf32>
      %add3A_2133 = arith.addf %mul3A_2131, %mul3A_2132 : vector<16xf32>
      %mul3A_2134 = arith.mulf %add3A_2016, %broadcast_in_dim3A_2110 : vector<16xf32>
      %mul3A_2135 = arith.mulf %get3A_2069, %get3A_2101 : vector<16xf32>
      %add3A_2136 = arith.addf %mul3A_2134, %mul3A_2135 : vector<16xf32>
      %div3A_2137 = arith.constant 1.000000e+00 : f32
      %div3A_2138 = vector.broadcast %div3A_2137 : f32 to vector<16xf32>
      %div3A_2139 = arith.divf %div3A_2138, %add3A_2112 : vector<16xf32>
      %mul3A_2140 = arith.mulf %add3A_2115, %div3A_2139 : vector<16xf32>
      %add3A_2141 = arith.constant 0 : i32
      %add3A_2142 = arith.addi %mul3A_2065, %add3A_2141 : i32
      %swap3A_2143 = arith.index_cast %add3A_2142 : i32 to index
      %swap3A_2144 = tpu.vector_load %arg7[%swap3A_2143] {strides = array<i32>} : memref<32768xf32, #tpu.memory_space<vmem>>, vector<16xf32>,
      tpu.vector_store %arg7[%swap3A_2143], %mul3A_2140 {strides = array<i32>} : memref<32768xf32, #tpu.memory_space<vmem>>, vector<16xf32>,
      %mul3A_2145 = arith.mulf %add3A_2118, %div3A_2139 : vector<16xf32>
      %add3A_2146 = arith.constant 16 : i32
      %add3A_2147 = arith.addi %mul3A_2065, %add3A_2146 : i32
      %swap3A_2148 = arith.index_cast %add3A_2147 : i32 to index
      %swap3A_2149 = tpu.vector_load %arg7[%swap3A_2148] {strides = array<i32>} : memref<32768xf32, #tpu.memory_space<vmem>>, vector<16xf32>,
      tpu.vector_store %arg7[%swap3A_2148], %mul3A_2145 {strides = array<i32>} : memref<32768xf32, #tpu.memory_space<vmem>>, vector<16xf32>,
      %mul3A_2150 = arith.mulf %add3A_2121, %div3A_2139 : vector<16xf32>
      %add3A_2151 = arith.constant 32 : i32
      %add3A_2152 = arith.addi %mul3A_2065, %add3A_2151 : i32
      %swap3A_2153 = arith.index_cast %add3A_2152 : i32 to index
      %swap3A_2154 = tpu.vector_load %arg7[%swap3A_2153] {strides = array<i32>} : memref<32768xf32, #tpu.memory_space<vmem>>, vector<16xf32>,
      tpu.vector_store %arg7[%swap3A_2153], %mul3A_2150 {strides = array<i32>} : memref<32768xf32, #tpu.memory_space<vmem>>, vector<16xf32>,
      %mul3A_2155 = arith.mulf %add3A_2124, %div3A_2139 : vector<16xf32>
      %add3A_2156 = arith.constant 48 : i32
      %add3A_2157 = arith.addi %mul3A_2065, %add3A_2156 : i32
      %swap3A_2158 = arith.index_cast %add3A_2157 : i32 to index
      %swap3A_2159 = tpu.vector_load %arg7[%swap3A_2158] {strides = array<i32>} : memref<32768xf32, #tpu.memory_space<vmem>>, vector<16xf32>,
      tpu.vector_store %arg7[%swap3A_2158], %mul3A_2155 {strides = array<i32>} : memref<32768xf32, #tpu.memory_space<vmem>>, vector<16xf32>,
      %mul3A_2160 = arith.mulf %add3A_2127, %div3A_2139 : vector<16xf32>
      %add3A_2161 = arith.constant 64 : i32
      %add3A_2162 = arith.addi %mul3A_2065, %add3A_2161 : i32
      %swap3A_2163 = arith.index_cast %add3A_2162 : i32 to index
      %swap3A_2164 = tpu.vector_load %arg7[%swap3A_2163] {strides = array<i32>} : memref<32768xf32, #tpu.memory_space<vmem>>, vector<16xf32>,
      tpu.vector_store %arg7[%swap3A_2163], %mul3A_2160 {strides = array<i32>} : memref<32768xf32, #tpu.memory_space<vmem>>, vector<16xf32>,
      %mul3A_2165 = arith.mulf %add3A_2130, %div3A_2139 : vector<16xf32>
      %add3A_2166 = arith.constant 80 : i32
      %add3A_2167 = arith.addi %mul3A_2065, %add3A_2166 : i32
      %swap3A_2168 = arith.index_cast %add3A_2167 : i32 to index
      %swap3A_2169 = tpu.vector_load %arg7[%swap3A_2168] {strides = array<i32>} : memref<32768xf32, #tpu.memory_space<vmem>>, vector<16xf32>,
      tpu.vector_store %arg7[%swap3A_2168], %mul3A_2165 {strides = array<i32>} : memref<32768xf32, #tpu.memory_space<vmem>>, vector<16xf32>,
      %mul3A_2170 = arith.mulf %add3A_2133, %div3A_2139 : vector<16xf32>
      %add3A_2171 = arith.constant 96 : i32
      %add3A_2172 = arith.addi %mul3A_2065, %add3A_2171 : i32
      %swap3A_2173 = arith.index_cast %add3A_2172 : i32 to index
      %swap3A_2174 = tpu.vector_load %arg7[%swap3A_2173] {strides = array<i32>} : memref<32768xf32, #tpu.memory_space<vmem>>, vector<16xf32>,
      tpu.vector_store %arg7[%swap3A_2173], %mul3A_2170 {strides = array<i32>} : memref<32768xf32, #tpu.memory_space<vmem>>, vector<16xf32>,
      %mul3A_2175 = arith.mulf %add3A_2136, %div3A_2139 : vector<16xf32>
      %add3A_2176 = arith.constant 112 : i32
      %add3A_2177 = arith.addi %mul3A_2065, %add3A_2176 : i32
      %swap3A_2178 = arith.index_cast %add3A_2177 : i32 to index
      %swap3A_2179 = tpu.vector_load %arg7[%swap3A_2178] {strides = array<i32>} : memref<32768xf32, #tpu.memory_space<vmem>>, vector<16xf32>,
      tpu.vector_store %arg7[%swap3A_2178], %mul3A_2175 {strides = array<i32>} : memref<32768xf32, #tpu.memory_space<vmem>>, vector<16xf32>,
      %mul3A_2180 = arith.constant 16 : i32
      %mul3A_2181 = arith.muli %scan3A_852, %mul3A_2180 : i32
      %add3A_2182 = arith.constant 11 : i32
      %add3A_2183 = arith.addi %mul3A_2181, %add3A_2182 : i32
      %mul3A_2184 = arith.constant 128 : i32
      %mul3A_2185 = arith.muli %add3A_2183, %mul3A_2184 : i32
      %mul3A_2186 = arith.constant 16 : i32
      %mul3A_2187 = arith.muli %add3A_2183, %mul3A_2186 : i32
      %get3A_2188 = arith.index_cast %mul3A_2187 : i32 to index
      %get3A_2189 = tpu.vector_load %arg8[%get3A_2188] {strides = array<i32>} : memref<4096xf32, #tpu.memory_space<vmem>>, vector<16xf32>,
      %add3A_2190 = arith.constant 0 : i32
      %add3A_2191 = arith.addi %mul3A_2185, %add3A_2190 : i32
      %get3A_2192 = arith.index_cast %add3A_2191 : i32 to index
      %get3A_2193 = tpu.vector_load %arg7[%get3A_2192] {strides = array<i32>} : memref<32768xf32, #tpu.memory_space<vmem>>, vector<16xf32>,
      %add3A_2194 = arith.constant 16 : i32
      %add3A_2195 = arith.addi %mul3A_2185, %add3A_2194 : i32
      %get3A_2196 = arith.index_cast %add3A_2195 : i32 to index
      %get3A_2197 = tpu.vector_load %arg7[%get3A_2196] {strides = array<i32>} : memref<32768xf32, #tpu.memory_space<vmem>>, vector<16xf32>,
      %add3A_2198 = arith.constant 32 : i32
      %add3A_2199 = arith.addi %mul3A_2185, %add3A_2198 : i32
      %get3A_2200 = arith.index_cast %add3A_2199 : i32 to index
      %get3A_2201 = tpu.vector_load %arg7[%get3A_2200] {strides = array<i32>} : memref<32768xf32, #tpu.memory_space<vmem>>, vector<16xf32>,
      %add3A_2202 = arith.constant 48 : i32
      %add3A_2203 = arith.addi %mul3A_2185, %add3A_2202 : i32
      %get3A_2204 = arith.index_cast %add3A_2203 : i32 to index
      %get3A_2205 = tpu.vector_load %arg7[%get3A_2204] {strides = array<i32>} : memref<32768xf32, #tpu.memory_space<vmem>>, vector<16xf32>,
      %add3A_2206 = arith.constant 64 : i32
      %add3A_2207 = arith.addi %mul3A_2185, %add3A_2206 : i32
      %get3A_2208 = arith.index_cast %add3A_2207 : i32 to index
      %get3A_2209 = tpu.vector_load %arg7[%get3A_2208] {strides = array<i32>} : memref<32768xf32, #tpu.memory_space<vmem>>, vector<16xf32>,
      %add3A_2210 = arith.constant 80 : i32
      %add3A_2211 = arith.addi %mul3A_2185, %add3A_2210 : i32
      %get3A_2212 = arith.index_cast %add3A_2211 : i32 to index
      %get3A_2213 = tpu.vector_load %arg7[%get3A_2212] {strides = array<i32>} : memref<32768xf32, #tpu.memory_space<vmem>>, vector<16xf32>,
      %add3A_2214 = arith.constant 96 : i32
      %add3A_2215 = arith.addi %mul3A_2185, %add3A_2214 : i32
      %get3A_2216 = arith.index_cast %add3A_2215 : i32 to index
      %get3A_2217 = tpu.vector_load %arg7[%get3A_2216] {strides = array<i32>} : memref<32768xf32, #tpu.memory_space<vmem>>, vector<16xf32>,
      %add3A_2218 = arith.constant 112 : i32
      %add3A_2219 = arith.addi %mul3A_2185, %add3A_2218 : i32
      %get3A_2220 = arith.index_cast %add3A_2219 : i32 to index
      %get3A_2221 = tpu.vector_load %arg7[%get3A_2220] {strides = array<i32>} : memref<32768xf32, #tpu.memory_space<vmem>>, vector<16xf32>,
      %eq3A_2222 = arith.cmpi eq, %add3A_2183, %sub3A : i32
      %eq3A_2223 = arith.cmpi eq, %add3A_2183, %sub3A_48 : i32
      %or3A_2224 = arith.ori %eq3A_2222, %eq3A_2223 : i1
      %eq3A_2225 = arith.cmpi eq, %add3A_2183, %sub3A_49 : i32
      %or3A_2226 = arith.ori %or3A_2224, %eq3A_2225 : i1
      %jit3A_2227 = arith.constant 0.000000e+00 : f32
      %jit3A_2228 = arith.constant 1.000000e+00 : f32
      %select_n3A_2229 = arith.select %or3A_2226, %jit3A_2227, %jit3A_2228 : f32
      %broadcast_in_dim3A_2230 = vector.broadcast %select_n3A_2229 : f32 to vector<16xf32>
      %mul3A_2231 = arith.mulf %add3A_2112, %broadcast_in_dim3A_2230 : vector<16xf32>
      %add3A_2232 = arith.addf %mul3A_2231, %get3A_2189 : vector<16xf32>
      %mul3A_2233 = arith.mulf %add3A_2115, %broadcast_in_dim3A_2230 : vector<16xf32>
      %mul3A_2234 = arith.mulf %get3A_2189, %get3A_2193 : vector<16xf32>
      %add3A_2235 = arith.addf %mul3A_2233, %mul3A_2234 : vector<16xf32>
      %mul3A_2236 = arith.mulf %add3A_2118, %broadcast_in_dim3A_2230 : vector<16xf32>
      %mul3A_2237 = arith.mulf %get3A_2189, %get3A_2197 : vector<16xf32>
      %add3A_2238 = arith.addf %mul3A_2236, %mul3A_2237 : vector<16xf32>
      %mul3A_2239 = arith.mulf %add3A_2121, %broadcast_in_dim3A_2230 : vector<16xf32>
      %mul3A_2240 = arith.mulf %get3A_2189, %get3A_2201 : vector<16xf32>
      %add3A_2241 = arith.addf %mul3A_2239, %mul3A_2240 : vector<16xf32>
      %mul3A_2242 = arith.mulf %add3A_2124, %broadcast_in_dim3A_2230 : vector<16xf32>
      %mul3A_2243 = arith.mulf %get3A_2189, %get3A_2205 : vector<16xf32>
      %add3A_2244 = arith.addf %mul3A_2242, %mul3A_2243 : vector<16xf32>
      %mul3A_2245 = arith.mulf %add3A_2127, %broadcast_in_dim3A_2230 : vector<16xf32>
      %mul3A_2246 = arith.mulf %get3A_2189, %get3A_2209 : vector<16xf32>
      %add3A_2247 = arith.addf %mul3A_2245, %mul3A_2246 : vector<16xf32>
      %mul3A_2248 = arith.mulf %add3A_2130, %broadcast_in_dim3A_2230 : vector<16xf32>
      %mul3A_2249 = arith.mulf %get3A_2189, %get3A_2213 : vector<16xf32>
      %add3A_2250 = arith.addf %mul3A_2248, %mul3A_2249 : vector<16xf32>
      %mul3A_2251 = arith.mulf %add3A_2133, %broadcast_in_dim3A_2230 : vector<16xf32>
      %mul3A_2252 = arith.mulf %get3A_2189, %get3A_2217 : vector<16xf32>
      %add3A_2253 = arith.addf %mul3A_2251, %mul3A_2252 : vector<16xf32>
      %mul3A_2254 = arith.mulf %add3A_2136, %broadcast_in_dim3A_2230 : vector<16xf32>
      %mul3A_2255 = arith.mulf %get3A_2189, %get3A_2221 : vector<16xf32>
      %add3A_2256 = arith.addf %mul3A_2254, %mul3A_2255 : vector<16xf32>
      %div3A_2257 = arith.constant 1.000000e+00 : f32
      %div3A_2258 = vector.broadcast %div3A_2257 : f32 to vector<16xf32>
      %div3A_2259 = arith.divf %div3A_2258, %add3A_2232 : vector<16xf32>
      %mul3A_2260 = arith.mulf %add3A_2235, %div3A_2259 : vector<16xf32>
      %add3A_2261 = arith.constant 0 : i32
      %add3A_2262 = arith.addi %mul3A_2185, %add3A_2261 : i32
      %swap3A_2263 = arith.index_cast %add3A_2262 : i32 to index
      %swap3A_2264 = tpu.vector_load %arg7[%swap3A_2263] {strides = array<i32>} : memref<32768xf32, #tpu.memory_space<vmem>>, vector<16xf32>,
      tpu.vector_store %arg7[%swap3A_2263], %mul3A_2260 {strides = array<i32>} : memref<32768xf32, #tpu.memory_space<vmem>>, vector<16xf32>,
      %mul3A_2265 = arith.mulf %add3A_2238, %div3A_2259 : vector<16xf32>
      %add3A_2266 = arith.constant 16 : i32
      %add3A_2267 = arith.addi %mul3A_2185, %add3A_2266 : i32
      %swap3A_2268 = arith.index_cast %add3A_2267 : i32 to index
      %swap3A_2269 = tpu.vector_load %arg7[%swap3A_2268] {strides = array<i32>} : memref<32768xf32, #tpu.memory_space<vmem>>, vector<16xf32>,
      tpu.vector_store %arg7[%swap3A_2268], %mul3A_2265 {strides = array<i32>} : memref<32768xf32, #tpu.memory_space<vmem>>, vector<16xf32>,
      %mul3A_2270 = arith.mulf %add3A_2241, %div3A_2259 : vector<16xf32>
      %add3A_2271 = arith.constant 32 : i32
      %add3A_2272 = arith.addi %mul3A_2185, %add3A_2271 : i32
      %swap3A_2273 = arith.index_cast %add3A_2272 : i32 to index
      %swap3A_2274 = tpu.vector_load %arg7[%swap3A_2273] {strides = array<i32>} : memref<32768xf32, #tpu.memory_space<vmem>>, vector<16xf32>,
      tpu.vector_store %arg7[%swap3A_2273], %mul3A_2270 {strides = array<i32>} : memref<32768xf32, #tpu.memory_space<vmem>>, vector<16xf32>,
      %mul3A_2275 = arith.mulf %add3A_2244, %div3A_2259 : vector<16xf32>
      %add3A_2276 = arith.constant 48 : i32
      %add3A_2277 = arith.addi %mul3A_2185, %add3A_2276 : i32
      %swap3A_2278 = arith.index_cast %add3A_2277 : i32 to index
      %swap3A_2279 = tpu.vector_load %arg7[%swap3A_2278] {strides = array<i32>} : memref<32768xf32, #tpu.memory_space<vmem>>, vector<16xf32>,
      tpu.vector_store %arg7[%swap3A_2278], %mul3A_2275 {strides = array<i32>} : memref<32768xf32, #tpu.memory_space<vmem>>, vector<16xf32>,
      %mul3A_2280 = arith.mulf %add3A_2247, %div3A_2259 : vector<16xf32>
      %add3A_2281 = arith.constant 64 : i32
      %add3A_2282 = arith.addi %mul3A_2185, %add3A_2281 : i32
      %swap3A_2283 = arith.index_cast %add3A_2282 : i32 to index
      %swap3A_2284 = tpu.vector_load %arg7[%swap3A_2283] {strides = array<i32>} : memref<32768xf32, #tpu.memory_space<vmem>>, vector<16xf32>,
      tpu.vector_store %arg7[%swap3A_2283], %mul3A_2280 {strides = array<i32>} : memref<32768xf32, #tpu.memory_space<vmem>>, vector<16xf32>,
      %mul3A_2285 = arith.mulf %add3A_2250, %div3A_2259 : vector<16xf32>
      %add3A_2286 = arith.constant 80 : i32
      %add3A_2287 = arith.addi %mul3A_2185, %add3A_2286 : i32
      %swap3A_2288 = arith.index_cast %add3A_2287 : i32 to index
      %swap3A_2289 = tpu.vector_load %arg7[%swap3A_2288] {strides = array<i32>} : memref<32768xf32, #tpu.memory_space<vmem>>, vector<16xf32>,
      tpu.vector_store %arg7[%swap3A_2288], %mul3A_2285 {strides = array<i32>} : memref<32768xf32, #tpu.memory_space<vmem>>, vector<16xf32>,
      %mul3A_2290 = arith.mulf %add3A_2253, %div3A_2259 : vector<16xf32>
      %add3A_2291 = arith.constant 96 : i32
      %add3A_2292 = arith.addi %mul3A_2185, %add3A_2291 : i32
      %swap3A_2293 = arith.index_cast %add3A_2292 : i32 to index
      %swap3A_2294 = tpu.vector_load %arg7[%swap3A_2293] {strides = array<i32>} : memref<32768xf32, #tpu.memory_space<vmem>>, vector<16xf32>,
      tpu.vector_store %arg7[%swap3A_2293], %mul3A_2290 {strides = array<i32>} : memref<32768xf32, #tpu.memory_space<vmem>>, vector<16xf32>,
      %mul3A_2295 = arith.mulf %add3A_2256, %div3A_2259 : vector<16xf32>
      %add3A_2296 = arith.constant 112 : i32
      %add3A_2297 = arith.addi %mul3A_2185, %add3A_2296 : i32
      %swap3A_2298 = arith.index_cast %add3A_2297 : i32 to index
      %swap3A_2299 = tpu.vector_load %arg7[%swap3A_2298] {strides = array<i32>} : memref<32768xf32, #tpu.memory_space<vmem>>, vector<16xf32>,
      tpu.vector_store %arg7[%swap3A_2298], %mul3A_2295 {strides = array<i32>} : memref<32768xf32, #tpu.memory_space<vmem>>, vector<16xf32>,
      %mul3A_2300 = arith.constant 16 : i32
      %mul3A_2301 = arith.muli %scan3A_852, %mul3A_2300 : i32
      %add3A_2302 = arith.constant 12 : i32
      %add3A_2303 = arith.addi %mul3A_2301, %add3A_2302 : i32
      %mul3A_2304 = arith.constant 128 : i32
      %mul3A_2305 = arith.muli %add3A_2303, %mul3A_2304 : i32
      %mul3A_2306 = arith.constant 16 : i32
      %mul3A_2307 = arith.muli %add3A_2303, %mul3A_2306 : i32
      %get3A_2308 = arith.index_cast %mul3A_2307 : i32 to index
      %get3A_2309 = tpu.vector_load %arg8[%get3A_2308] {strides = array<i32>} : memref<4096xf32, #tpu.memory_space<vmem>>, vector<16xf32>,
      %add3A_2310 = arith.constant 0 : i32
      %add3A_2311 = arith.addi %mul3A_2305, %add3A_2310 : i32
      %get3A_2312 = arith.index_cast %add3A_2311 : i32 to index
      %get3A_2313 = tpu.vector_load %arg7[%get3A_2312] {strides = array<i32>} : memref<32768xf32, #tpu.memory_space<vmem>>, vector<16xf32>,
      %add3A_2314 = arith.constant 16 : i32
      %add3A_2315 = arith.addi %mul3A_2305, %add3A_2314 : i32
      %get3A_2316 = arith.index_cast %add3A_2315 : i32 to index
      %get3A_2317 = tpu.vector_load %arg7[%get3A_2316] {strides = array<i32>} : memref<32768xf32, #tpu.memory_space<vmem>>, vector<16xf32>,
      %add3A_2318 = arith.constant 32 : i32
      %add3A_2319 = arith.addi %mul3A_2305, %add3A_2318 : i32
      %get3A_2320 = arith.index_cast %add3A_2319 : i32 to index
      %get3A_2321 = tpu.vector_load %arg7[%get3A_2320] {strides = array<i32>} : memref<32768xf32, #tpu.memory_space<vmem>>, vector<16xf32>,
      %add3A_2322 = arith.constant 48 : i32
      %add3A_2323 = arith.addi %mul3A_2305, %add3A_2322 : i32
      %get3A_2324 = arith.index_cast %add3A_2323 : i32 to index
      %get3A_2325 = tpu.vector_load %arg7[%get3A_2324] {strides = array<i32>} : memref<32768xf32, #tpu.memory_space<vmem>>, vector<16xf32>,
      %add3A_2326 = arith.constant 64 : i32
      %add3A_2327 = arith.addi %mul3A_2305, %add3A_2326 : i32
      %get3A_2328 = arith.index_cast %add3A_2327 : i32 to index
      %get3A_2329 = tpu.vector_load %arg7[%get3A_2328] {strides = array<i32>} : memref<32768xf32, #tpu.memory_space<vmem>>, vector<16xf32>,
      %add3A_2330 = arith.constant 80 : i32
      %add3A_2331 = arith.addi %mul3A_2305, %add3A_2330 : i32
      %get3A_2332 = arith.index_cast %add3A_2331 : i32 to index
      %get3A_2333 = tpu.vector_load %arg7[%get3A_2332] {strides = array<i32>} : memref<32768xf32, #tpu.memory_space<vmem>>, vector<16xf32>,
      %add3A_2334 = arith.constant 96 : i32
      %add3A_2335 = arith.addi %mul3A_2305, %add3A_2334 : i32
      %get3A_2336 = arith.index_cast %add3A_2335 : i32 to index
      %get3A_2337 = tpu.vector_load %arg7[%get3A_2336] {strides = array<i32>} : memref<32768xf32, #tpu.memory_space<vmem>>, vector<16xf32>,
      %add3A_2338 = arith.constant 112 : i32
      %add3A_2339 = arith.addi %mul3A_2305, %add3A_2338 : i32
      %get3A_2340 = arith.index_cast %add3A_2339 : i32 to index
      %get3A_2341 = tpu.vector_load %arg7[%get3A_2340] {strides = array<i32>} : memref<32768xf32, #tpu.memory_space<vmem>>, vector<16xf32>,
      %eq3A_2342 = arith.cmpi eq, %add3A_2303, %sub3A : i32
      %eq3A_2343 = arith.cmpi eq, %add3A_2303, %sub3A_48 : i32
      %or3A_2344 = arith.ori %eq3A_2342, %eq3A_2343 : i1
      %eq3A_2345 = arith.cmpi eq, %add3A_2303, %sub3A_49 : i32
      %or3A_2346 = arith.ori %or3A_2344, %eq3A_2345 : i1
      %jit3A_2347 = arith.constant 0.000000e+00 : f32
      %jit3A_2348 = arith.constant 1.000000e+00 : f32
      %select_n3A_2349 = arith.select %or3A_2346, %jit3A_2347, %jit3A_2348 : f32
      %broadcast_in_dim3A_2350 = vector.broadcast %select_n3A_2349 : f32 to vector<16xf32>
      %mul3A_2351 = arith.mulf %add3A_2232, %broadcast_in_dim3A_2350 : vector<16xf32>
      %add3A_2352 = arith.addf %mul3A_2351, %get3A_2309 : vector<16xf32>
      %mul3A_2353 = arith.mulf %add3A_2235, %broadcast_in_dim3A_2350 : vector<16xf32>
      %mul3A_2354 = arith.mulf %get3A_2309, %get3A_2313 : vector<16xf32>
      %add3A_2355 = arith.addf %mul3A_2353, %mul3A_2354 : vector<16xf32>
      %mul3A_2356 = arith.mulf %add3A_2238, %broadcast_in_dim3A_2350 : vector<16xf32>
      %mul3A_2357 = arith.mulf %get3A_2309, %get3A_2317 : vector<16xf32>
      %add3A_2358 = arith.addf %mul3A_2356, %mul3A_2357 : vector<16xf32>
      %mul3A_2359 = arith.mulf %add3A_2241, %broadcast_in_dim3A_2350 : vector<16xf32>
      %mul3A_2360 = arith.mulf %get3A_2309, %get3A_2321 : vector<16xf32>
      %add3A_2361 = arith.addf %mul3A_2359, %mul3A_2360 : vector<16xf32>
      %mul3A_2362 = arith.mulf %add3A_2244, %broadcast_in_dim3A_2350 : vector<16xf32>
      %mul3A_2363 = arith.mulf %get3A_2309, %get3A_2325 : vector<16xf32>
      %add3A_2364 = arith.addf %mul3A_2362, %mul3A_2363 : vector<16xf32>
      %mul3A_2365 = arith.mulf %add3A_2247, %broadcast_in_dim3A_2350 : vector<16xf32>
      %mul3A_2366 = arith.mulf %get3A_2309, %get3A_2329 : vector<16xf32>
      %add3A_2367 = arith.addf %mul3A_2365, %mul3A_2366 : vector<16xf32>
      %mul3A_2368 = arith.mulf %add3A_2250, %broadcast_in_dim3A_2350 : vector<16xf32>
      %mul3A_2369 = arith.mulf %get3A_2309, %get3A_2333 : vector<16xf32>
      %add3A_2370 = arith.addf %mul3A_2368, %mul3A_2369 : vector<16xf32>
      %mul3A_2371 = arith.mulf %add3A_2253, %broadcast_in_dim3A_2350 : vector<16xf32>
      %mul3A_2372 = arith.mulf %get3A_2309, %get3A_2337 : vector<16xf32>
      %add3A_2373 = arith.addf %mul3A_2371, %mul3A_2372 : vector<16xf32>
      %mul3A_2374 = arith.mulf %add3A_2256, %broadcast_in_dim3A_2350 : vector<16xf32>
      %mul3A_2375 = arith.mulf %get3A_2309, %get3A_2341 : vector<16xf32>
      %add3A_2376 = arith.addf %mul3A_2374, %mul3A_2375 : vector<16xf32>
      %div3A_2377 = arith.constant 1.000000e+00 : f32
      %div3A_2378 = vector.broadcast %div3A_2377 : f32 to vector<16xf32>
      %div3A_2379 = arith.divf %div3A_2378, %add3A_2352 : vector<16xf32>
      %mul3A_2380 = arith.mulf %add3A_2355, %div3A_2379 : vector<16xf32>
      %add3A_2381 = arith.constant 0 : i32
      %add3A_2382 = arith.addi %mul3A_2305, %add3A_2381 : i32
      %swap3A_2383 = arith.index_cast %add3A_2382 : i32 to index
      %swap3A_2384 = tpu.vector_load %arg7[%swap3A_2383] {strides = array<i32>} : memref<32768xf32, #tpu.memory_space<vmem>>, vector<16xf32>,
      tpu.vector_store %arg7[%swap3A_2383], %mul3A_2380 {strides = array<i32>} : memref<32768xf32, #tpu.memory_space<vmem>>, vector<16xf32>,
      %mul3A_2385 = arith.mulf %add3A_2358, %div3A_2379 : vector<16xf32>
      %add3A_2386 = arith.constant 16 : i32
      %add3A_2387 = arith.addi %mul3A_2305, %add3A_2386 : i32
      %swap3A_2388 = arith.index_cast %add3A_2387 : i32 to index
      %swap3A_2389 = tpu.vector_load %arg7[%swap3A_2388] {strides = array<i32>} : memref<32768xf32, #tpu.memory_space<vmem>>, vector<16xf32>,
      tpu.vector_store %arg7[%swap3A_2388], %mul3A_2385 {strides = array<i32>} : memref<32768xf32, #tpu.memory_space<vmem>>, vector<16xf32>,
      %mul3A_2390 = arith.mulf %add3A_2361, %div3A_2379 : vector<16xf32>
      %add3A_2391 = arith.constant 32 : i32
      %add3A_2392 = arith.addi %mul3A_2305, %add3A_2391 : i32
      %swap3A_2393 = arith.index_cast %add3A_2392 : i32 to index
      %swap3A_2394 = tpu.vector_load %arg7[%swap3A_2393] {strides = array<i32>} : memref<32768xf32, #tpu.memory_space<vmem>>, vector<16xf32>,
      tpu.vector_store %arg7[%swap3A_2393], %mul3A_2390 {strides = array<i32>} : memref<32768xf32, #tpu.memory_space<vmem>>, vector<16xf32>,
      %mul3A_2395 = arith.mulf %add3A_2364, %div3A_2379 : vector<16xf32>
      %add3A_2396 = arith.constant 48 : i32
      %add3A_2397 = arith.addi %mul3A_2305, %add3A_2396 : i32
      %swap3A_2398 = arith.index_cast %add3A_2397 : i32 to index
      %swap3A_2399 = tpu.vector_load %arg7[%swap3A_2398] {strides = array<i32>} : memref<32768xf32, #tpu.memory_space<vmem>>, vector<16xf32>,
      tpu.vector_store %arg7[%swap3A_2398], %mul3A_2395 {strides = array<i32>} : memref<32768xf32, #tpu.memory_space<vmem>>, vector<16xf32>,
      %mul3A_2400 = arith.mulf %add3A_2367, %div3A_2379 : vector<16xf32>
      %add3A_2401 = arith.constant 64 : i32
      %add3A_2402 = arith.addi %mul3A_2305, %add3A_2401 : i32
      %swap3A_2403 = arith.index_cast %add3A_2402 : i32 to index
      %swap3A_2404 = tpu.vector_load %arg7[%swap3A_2403] {strides = array<i32>} : memref<32768xf32, #tpu.memory_space<vmem>>, vector<16xf32>,
      tpu.vector_store %arg7[%swap3A_2403], %mul3A_2400 {strides = array<i32>} : memref<32768xf32, #tpu.memory_space<vmem>>, vector<16xf32>,
      %mul3A_2405 = arith.mulf %add3A_2370, %div3A_2379 : vector<16xf32>
      %add3A_2406 = arith.constant 80 : i32
      %add3A_2407 = arith.addi %mul3A_2305, %add3A_2406 : i32
      %swap3A_2408 = arith.index_cast %add3A_2407 : i32 to index
      %swap3A_2409 = tpu.vector_load %arg7[%swap3A_2408] {strides = array<i32>} : memref<32768xf32, #tpu.memory_space<vmem>>, vector<16xf32>,
      tpu.vector_store %arg7[%swap3A_2408], %mul3A_2405 {strides = array<i32>} : memref<32768xf32, #tpu.memory_space<vmem>>, vector<16xf32>,
      %mul3A_2410 = arith.mulf %add3A_2373, %div3A_2379 : vector<16xf32>
      %add3A_2411 = arith.constant 96 : i32
      %add3A_2412 = arith.addi %mul3A_2305, %add3A_2411 : i32
      %swap3A_2413 = arith.index_cast %add3A_2412 : i32 to index
      %swap3A_2414 = tpu.vector_load %arg7[%swap3A_2413] {strides = array<i32>} : memref<32768xf32, #tpu.memory_space<vmem>>, vector<16xf32>,
      tpu.vector_store %arg7[%swap3A_2413], %mul3A_2410 {strides = array<i32>} : memref<32768xf32, #tpu.memory_space<vmem>>, vector<16xf32>,
      %mul3A_2415 = arith.mulf %add3A_2376, %div3A_2379 : vector<16xf32>
      %add3A_2416 = arith.constant 112 : i32
      %add3A_2417 = arith.addi %mul3A_2305, %add3A_2416 : i32
      %swap3A_2418 = arith.index_cast %add3A_2417 : i32 to index
      %swap3A_2419 = tpu.vector_load %arg7[%swap3A_2418] {strides = array<i32>} : memref<32768xf32, #tpu.memory_space<vmem>>, vector<16xf32>,
      tpu.vector_store %arg7[%swap3A_2418], %mul3A_2415 {strides = array<i32>} : memref<32768xf32, #tpu.memory_space<vmem>>, vector<16xf32>,
      %mul3A_2420 = arith.constant 16 : i32
      %mul3A_2421 = arith.muli %scan3A_852, %mul3A_2420 : i32
      %add3A_2422 = arith.constant 13 : i32
      %add3A_2423 = arith.addi %mul3A_2421, %add3A_2422 : i32
      %mul3A_2424 = arith.constant 128 : i32
      %mul3A_2425 = arith.muli %add3A_2423, %mul3A_2424 : i32
      %mul3A_2426 = arith.constant 16 : i32
      %mul3A_2427 = arith.muli %add3A_2423, %mul3A_2426 : i32
      %get3A_2428 = arith.index_cast %mul3A_2427 : i32 to index
      %get3A_2429 = tpu.vector_load %arg8[%get3A_2428] {strides = array<i32>} : memref<4096xf32, #tpu.memory_space<vmem>>, vector<16xf32>,
      %add3A_2430 = arith.constant 0 : i32
      %add3A_2431 = arith.addi %mul3A_2425, %add3A_2430 : i32
      %get3A_2432 = arith.index_cast %add3A_2431 : i32 to index
      %get3A_2433 = tpu.vector_load %arg7[%get3A_2432] {strides = array<i32>} : memref<32768xf32, #tpu.memory_space<vmem>>, vector<16xf32>,
      %add3A_2434 = arith.constant 16 : i32
      %add3A_2435 = arith.addi %mul3A_2425, %add3A_2434 : i32
      %get3A_2436 = arith.index_cast %add3A_2435 : i32 to index
      %get3A_2437 = tpu.vector_load %arg7[%get3A_2436] {strides = array<i32>} : memref<32768xf32, #tpu.memory_space<vmem>>, vector<16xf32>,
      %add3A_2438 = arith.constant 32 : i32
      %add3A_2439 = arith.addi %mul3A_2425, %add3A_2438 : i32
      %get3A_2440 = arith.index_cast %add3A_2439 : i32 to index
      %get3A_2441 = tpu.vector_load %arg7[%get3A_2440] {strides = array<i32>} : memref<32768xf32, #tpu.memory_space<vmem>>, vector<16xf32>,
      %add3A_2442 = arith.constant 48 : i32
      %add3A_2443 = arith.addi %mul3A_2425, %add3A_2442 : i32
      %get3A_2444 = arith.index_cast %add3A_2443 : i32 to index
      %get3A_2445 = tpu.vector_load %arg7[%get3A_2444] {strides = array<i32>} : memref<32768xf32, #tpu.memory_space<vmem>>, vector<16xf32>,
      %add3A_2446 = arith.constant 64 : i32
      %add3A_2447 = arith.addi %mul3A_2425, %add3A_2446 : i32
      %get3A_2448 = arith.index_cast %add3A_2447 : i32 to index
      %get3A_2449 = tpu.vector_load %arg7[%get3A_2448] {strides = array<i32>} : memref<32768xf32, #tpu.memory_space<vmem>>, vector<16xf32>,
      %add3A_2450 = arith.constant 80 : i32
      %add3A_2451 = arith.addi %mul3A_2425, %add3A_2450 : i32
      %get3A_2452 = arith.index_cast %add3A_2451 : i32 to index
      %get3A_2453 = tpu.vector_load %arg7[%get3A_2452] {strides = array<i32>} : memref<32768xf32, #tpu.memory_space<vmem>>, vector<16xf32>,
      %add3A_2454 = arith.constant 96 : i32
      %add3A_2455 = arith.addi %mul3A_2425, %add3A_2454 : i32
      %get3A_2456 = arith.index_cast %add3A_2455 : i32 to index
      %get3A_2457 = tpu.vector_load %arg7[%get3A_2456] {strides = array<i32>} : memref<32768xf32, #tpu.memory_space<vmem>>, vector<16xf32>,
      %add3A_2458 = arith.constant 112 : i32
      %add3A_2459 = arith.addi %mul3A_2425, %add3A_2458 : i32
      %get3A_2460 = arith.index_cast %add3A_2459 : i32 to index
      %get3A_2461 = tpu.vector_load %arg7[%get3A_2460] {strides = array<i32>} : memref<32768xf32, #tpu.memory_space<vmem>>, vector<16xf32>,
      %eq3A_2462 = arith.cmpi eq, %add3A_2423, %sub3A : i32
      %eq3A_2463 = arith.cmpi eq, %add3A_2423, %sub3A_48 : i32
      %or3A_2464 = arith.ori %eq3A_2462, %eq3A_2463 : i1
      %eq3A_2465 = arith.cmpi eq, %add3A_2423, %sub3A_49 : i32
      %or3A_2466 = arith.ori %or3A_2464, %eq3A_2465 : i1
      %jit3A_2467 = arith.constant 0.000000e+00 : f32
      %jit3A_2468 = arith.constant 1.000000e+00 : f32
      %select_n3A_2469 = arith.select %or3A_2466, %jit3A_2467, %jit3A_2468 : f32
      %broadcast_in_dim3A_2470 = vector.broadcast %select_n3A_2469 : f32 to vector<16xf32>
      %mul3A_2471 = arith.mulf %add3A_2352, %broadcast_in_dim3A_2470 : vector<16xf32>
      %add3A_2472 = arith.addf %mul3A_2471, %get3A_2429 : vector<16xf32>
      %mul3A_2473 = arith.mulf %add3A_2355, %broadcast_in_dim3A_2470 : vector<16xf32>
      %mul3A_2474 = arith.mulf %get3A_2429, %get3A_2433 : vector<16xf32>
      %add3A_2475 = arith.addf %mul3A_2473, %mul3A_2474 : vector<16xf32>
      %mul3A_2476 = arith.mulf %add3A_2358, %broadcast_in_dim3A_2470 : vector<16xf32>
      %mul3A_2477 = arith.mulf %get3A_2429, %get3A_2437 : vector<16xf32>
      %add3A_2478 = arith.addf %mul3A_2476, %mul3A_2477 : vector<16xf32>
      %mul3A_2479 = arith.mulf %add3A_2361, %broadcast_in_dim3A_2470 : vector<16xf32>
      %mul3A_2480 = arith.mulf %get3A_2429, %get3A_2441 : vector<16xf32>
      %add3A_2481 = arith.addf %mul3A_2479, %mul3A_2480 : vector<16xf32>
      %mul3A_2482 = arith.mulf %add3A_2364, %broadcast_in_dim3A_2470 : vector<16xf32>
      %mul3A_2483 = arith.mulf %get3A_2429, %get3A_2445 : vector<16xf32>
      %add3A_2484 = arith.addf %mul3A_2482, %mul3A_2483 : vector<16xf32>
      %mul3A_2485 = arith.mulf %add3A_2367, %broadcast_in_dim3A_2470 : vector<16xf32>
      %mul3A_2486 = arith.mulf %get3A_2429, %get3A_2449 : vector<16xf32>
      %add3A_2487 = arith.addf %mul3A_2485, %mul3A_2486 : vector<16xf32>
      %mul3A_2488 = arith.mulf %add3A_2370, %broadcast_in_dim3A_2470 : vector<16xf32>
      %mul3A_2489 = arith.mulf %get3A_2429, %get3A_2453 : vector<16xf32>
      %add3A_2490 = arith.addf %mul3A_2488, %mul3A_2489 : vector<16xf32>
      %mul3A_2491 = arith.mulf %add3A_2373, %broadcast_in_dim3A_2470 : vector<16xf32>
      %mul3A_2492 = arith.mulf %get3A_2429, %get3A_2457 : vector<16xf32>
      %add3A_2493 = arith.addf %mul3A_2491, %mul3A_2492 : vector<16xf32>
      %mul3A_2494 = arith.mulf %add3A_2376, %broadcast_in_dim3A_2470 : vector<16xf32>
      %mul3A_2495 = arith.mulf %get3A_2429, %get3A_2461 : vector<16xf32>
      %add3A_2496 = arith.addf %mul3A_2494, %mul3A_2495 : vector<16xf32>
      %div3A_2497 = arith.constant 1.000000e+00 : f32
      %div3A_2498 = vector.broadcast %div3A_2497 : f32 to vector<16xf32>
      %div3A_2499 = arith.divf %div3A_2498, %add3A_2472 : vector<16xf32>
      %mul3A_2500 = arith.mulf %add3A_2475, %div3A_2499 : vector<16xf32>
      %add3A_2501 = arith.constant 0 : i32
      %add3A_2502 = arith.addi %mul3A_2425, %add3A_2501 : i32
      %swap3A_2503 = arith.index_cast %add3A_2502 : i32 to index
      %swap3A_2504 = tpu.vector_load %arg7[%swap3A_2503] {strides = array<i32>} : memref<32768xf32, #tpu.memory_space<vmem>>, vector<16xf32>,
      tpu.vector_store %arg7[%swap3A_2503], %mul3A_2500 {strides = array<i32>} : memref<32768xf32, #tpu.memory_space<vmem>>, vector<16xf32>,
      %mul3A_2505 = arith.mulf %add3A_2478, %div3A_2499 : vector<16xf32>
      %add3A_2506 = arith.constant 16 : i32
      %add3A_2507 = arith.addi %mul3A_2425, %add3A_2506 : i32
      %swap3A_2508 = arith.index_cast %add3A_2507 : i32 to index
      %swap3A_2509 = tpu.vector_load %arg7[%swap3A_2508] {strides = array<i32>} : memref<32768xf32, #tpu.memory_space<vmem>>, vector<16xf32>,
      tpu.vector_store %arg7[%swap3A_2508], %mul3A_2505 {strides = array<i32>} : memref<32768xf32, #tpu.memory_space<vmem>>, vector<16xf32>,
      %mul3A_2510 = arith.mulf %add3A_2481, %div3A_2499 : vector<16xf32>
      %add3A_2511 = arith.constant 32 : i32
      %add3A_2512 = arith.addi %mul3A_2425, %add3A_2511 : i32
      %swap3A_2513 = arith.index_cast %add3A_2512 : i32 to index
      %swap3A_2514 = tpu.vector_load %arg7[%swap3A_2513] {strides = array<i32>} : memref<32768xf32, #tpu.memory_space<vmem>>, vector<16xf32>,
      tpu.vector_store %arg7[%swap3A_2513], %mul3A_2510 {strides = array<i32>} : memref<32768xf32, #tpu.memory_space<vmem>>, vector<16xf32>,
      %mul3A_2515 = arith.mulf %add3A_2484, %div3A_2499 : vector<16xf32>
      %add3A_2516 = arith.constant 48 : i32
      %add3A_2517 = arith.addi %mul3A_2425, %add3A_2516 : i32
      %swap3A_2518 = arith.index_cast %add3A_2517 : i32 to index
      %swap3A_2519 = tpu.vector_load %arg7[%swap3A_2518] {strides = array<i32>} : memref<32768xf32, #tpu.memory_space<vmem>>, vector<16xf32>,
      tpu.vector_store %arg7[%swap3A_2518], %mul3A_2515 {strides = array<i32>} : memref<32768xf32, #tpu.memory_space<vmem>>, vector<16xf32>,
      %mul3A_2520 = arith.mulf %add3A_2487, %div3A_2499 : vector<16xf32>
      %add3A_2521 = arith.constant 64 : i32
      %add3A_2522 = arith.addi %mul3A_2425, %add3A_2521 : i32
      %swap3A_2523 = arith.index_cast %add3A_2522 : i32 to index
      %swap3A_2524 = tpu.vector_load %arg7[%swap3A_2523] {strides = array<i32>} : memref<32768xf32, #tpu.memory_space<vmem>>, vector<16xf32>,
      tpu.vector_store %arg7[%swap3A_2523], %mul3A_2520 {strides = array<i32>} : memref<32768xf32, #tpu.memory_space<vmem>>, vector<16xf32>,
      %mul3A_2525 = arith.mulf %add3A_2490, %div3A_2499 : vector<16xf32>
      %add3A_2526 = arith.constant 80 : i32
      %add3A_2527 = arith.addi %mul3A_2425, %add3A_2526 : i32
      %swap3A_2528 = arith.index_cast %add3A_2527 : i32 to index
      %swap3A_2529 = tpu.vector_load %arg7[%swap3A_2528] {strides = array<i32>} : memref<32768xf32, #tpu.memory_space<vmem>>, vector<16xf32>,
      tpu.vector_store %arg7[%swap3A_2528], %mul3A_2525 {strides = array<i32>} : memref<32768xf32, #tpu.memory_space<vmem>>, vector<16xf32>,
      %mul3A_2530 = arith.mulf %add3A_2493, %div3A_2499 : vector<16xf32>
      %add3A_2531 = arith.constant 96 : i32
      %add3A_2532 = arith.addi %mul3A_2425, %add3A_2531 : i32
      %swap3A_2533 = arith.index_cast %add3A_2532 : i32 to index
      %swap3A_2534 = tpu.vector_load %arg7[%swap3A_2533] {strides = array<i32>} : memref<32768xf32, #tpu.memory_space<vmem>>, vector<16xf32>,
      tpu.vector_store %arg7[%swap3A_2533], %mul3A_2530 {strides = array<i32>} : memref<32768xf32, #tpu.memory_space<vmem>>, vector<16xf32>,
      %mul3A_2535 = arith.mulf %add3A_2496, %div3A_2499 : vector<16xf32>
      %add3A_2536 = arith.constant 112 : i32
      %add3A_2537 = arith.addi %mul3A_2425, %add3A_2536 : i32
      %swap3A_2538 = arith.index_cast %add3A_2537 : i32 to index
      %swap3A_2539 = tpu.vector_load %arg7[%swap3A_2538] {strides = array<i32>} : memref<32768xf32, #tpu.memory_space<vmem>>, vector<16xf32>,
      tpu.vector_store %arg7[%swap3A_2538], %mul3A_2535 {strides = array<i32>} : memref<32768xf32, #tpu.memory_space<vmem>>, vector<16xf32>,
      %mul3A_2540 = arith.constant 16 : i32
      %mul3A_2541 = arith.muli %scan3A_852, %mul3A_2540 : i32
      %add3A_2542 = arith.constant 14 : i32
      %add3A_2543 = arith.addi %mul3A_2541, %add3A_2542 : i32
      %mul3A_2544 = arith.constant 128 : i32
      %mul3A_2545 = arith.muli %add3A_2543, %mul3A_2544 : i32
      %mul3A_2546 = arith.constant 16 : i32
      %mul3A_2547 = arith.muli %add3A_2543, %mul3A_2546 : i32
      %get3A_2548 = arith.index_cast %mul3A_2547 : i32 to index
      %get3A_2549 = tpu.vector_load %arg8[%get3A_2548] {strides = array<i32>} : memref<4096xf32, #tpu.memory_space<vmem>>, vector<16xf32>,
      %add3A_2550 = arith.constant 0 : i32
      %add3A_2551 = arith.addi %mul3A_2545, %add3A_2550 : i32
      %get3A_2552 = arith.index_cast %add3A_2551 : i32 to index
      %get3A_2553 = tpu.vector_load %arg7[%get3A_2552] {strides = array<i32>} : memref<32768xf32, #tpu.memory_space<vmem>>, vector<16xf32>,
      %add3A_2554 = arith.constant 16 : i32
      %add3A_2555 = arith.addi %mul3A_2545, %add3A_2554 : i32
      %get3A_2556 = arith.index_cast %add3A_2555 : i32 to index
      %get3A_2557 = tpu.vector_load %arg7[%get3A_2556] {strides = array<i32>} : memref<32768xf32, #tpu.memory_space<vmem>>, vector<16xf32>,
      %add3A_2558 = arith.constant 32 : i32
      %add3A_2559 = arith.addi %mul3A_2545, %add3A_2558 : i32
      %get3A_2560 = arith.index_cast %add3A_2559 : i32 to index
      %get3A_2561 = tpu.vector_load %arg7[%get3A_2560] {strides = array<i32>} : memref<32768xf32, #tpu.memory_space<vmem>>, vector<16xf32>,
      %add3A_2562 = arith.constant 48 : i32
      %add3A_2563 = arith.addi %mul3A_2545, %add3A_2562 : i32
      %get3A_2564 = arith.index_cast %add3A_2563 : i32 to index
      %get3A_2565 = tpu.vector_load %arg7[%get3A_2564] {strides = array<i32>} : memref<32768xf32, #tpu.memory_space<vmem>>, vector<16xf32>,
      %add3A_2566 = arith.constant 64 : i32
      %add3A_2567 = arith.addi %mul3A_2545, %add3A_2566 : i32
      %get3A_2568 = arith.index_cast %add3A_2567 : i32 to index
      %get3A_2569 = tpu.vector_load %arg7[%get3A_2568] {strides = array<i32>} : memref<32768xf32, #tpu.memory_space<vmem>>, vector<16xf32>,
      %add3A_2570 = arith.constant 80 : i32
      %add3A_2571 = arith.addi %mul3A_2545, %add3A_2570 : i32
      %get3A_2572 = arith.index_cast %add3A_2571 : i32 to index
      %get3A_2573 = tpu.vector_load %arg7[%get3A_2572] {strides = array<i32>} : memref<32768xf32, #tpu.memory_space<vmem>>, vector<16xf32>,
      %add3A_2574 = arith.constant 96 : i32
      %add3A_2575 = arith.addi %mul3A_2545, %add3A_2574 : i32
      %get3A_2576 = arith.index_cast %add3A_2575 : i32 to index
      %get3A_2577 = tpu.vector_load %arg7[%get3A_2576] {strides = array<i32>} : memref<32768xf32, #tpu.memory_space<vmem>>, vector<16xf32>,
      %add3A_2578 = arith.constant 112 : i32
      %add3A_2579 = arith.addi %mul3A_2545, %add3A_2578 : i32
      %get3A_2580 = arith.index_cast %add3A_2579 : i32 to index
      %get3A_2581 = tpu.vector_load %arg7[%get3A_2580] {strides = array<i32>} : memref<32768xf32, #tpu.memory_space<vmem>>, vector<16xf32>,
      %eq3A_2582 = arith.cmpi eq, %add3A_2543, %sub3A : i32
      %eq3A_2583 = arith.cmpi eq, %add3A_2543, %sub3A_48 : i32
      %or3A_2584 = arith.ori %eq3A_2582, %eq3A_2583 : i1
      %eq3A_2585 = arith.cmpi eq, %add3A_2543, %sub3A_49 : i32
      %or3A_2586 = arith.ori %or3A_2584, %eq3A_2585 : i1
      %jit3A_2587 = arith.constant 0.000000e+00 : f32
      %jit3A_2588 = arith.constant 1.000000e+00 : f32
      %select_n3A_2589 = arith.select %or3A_2586, %jit3A_2587, %jit3A_2588 : f32
      %broadcast_in_dim3A_2590 = vector.broadcast %select_n3A_2589 : f32 to vector<16xf32>
      %mul3A_2591 = arith.mulf %add3A_2472, %broadcast_in_dim3A_2590 : vector<16xf32>
      %add3A_2592 = arith.addf %mul3A_2591, %get3A_2549 : vector<16xf32>
      %mul3A_2593 = arith.mulf %add3A_2475, %broadcast_in_dim3A_2590 : vector<16xf32>
      %mul3A_2594 = arith.mulf %get3A_2549, %get3A_2553 : vector<16xf32>
      %add3A_2595 = arith.addf %mul3A_2593, %mul3A_2594 : vector<16xf32>
      %mul3A_2596 = arith.mulf %add3A_2478, %broadcast_in_dim3A_2590 : vector<16xf32>
      %mul3A_2597 = arith.mulf %get3A_2549, %get3A_2557 : vector<16xf32>
      %add3A_2598 = arith.addf %mul3A_2596, %mul3A_2597 : vector<16xf32>
      %mul3A_2599 = arith.mulf %add3A_2481, %broadcast_in_dim3A_2590 : vector<16xf32>
      %mul3A_2600 = arith.mulf %get3A_2549, %get3A_2561 : vector<16xf32>
      %add3A_2601 = arith.addf %mul3A_2599, %mul3A_2600 : vector<16xf32>
      %mul3A_2602 = arith.mulf %add3A_2484, %broadcast_in_dim3A_2590 : vector<16xf32>
      %mul3A_2603 = arith.mulf %get3A_2549, %get3A_2565 : vector<16xf32>
      %add3A_2604 = arith.addf %mul3A_2602, %mul3A_2603 : vector<16xf32>
      %mul3A_2605 = arith.mulf %add3A_2487, %broadcast_in_dim3A_2590 : vector<16xf32>
      %mul3A_2606 = arith.mulf %get3A_2549, %get3A_2569 : vector<16xf32>
      %add3A_2607 = arith.addf %mul3A_2605, %mul3A_2606 : vector<16xf32>
      %mul3A_2608 = arith.mulf %add3A_2490, %broadcast_in_dim3A_2590 : vector<16xf32>
      %mul3A_2609 = arith.mulf %get3A_2549, %get3A_2573 : vector<16xf32>
      %add3A_2610 = arith.addf %mul3A_2608, %mul3A_2609 : vector<16xf32>
      %mul3A_2611 = arith.mulf %add3A_2493, %broadcast_in_dim3A_2590 : vector<16xf32>
      %mul3A_2612 = arith.mulf %get3A_2549, %get3A_2577 : vector<16xf32>
      %add3A_2613 = arith.addf %mul3A_2611, %mul3A_2612 : vector<16xf32>
      %mul3A_2614 = arith.mulf %add3A_2496, %broadcast_in_dim3A_2590 : vector<16xf32>
      %mul3A_2615 = arith.mulf %get3A_2549, %get3A_2581 : vector<16xf32>
      %add3A_2616 = arith.addf %mul3A_2614, %mul3A_2615 : vector<16xf32>
      %div3A_2617 = arith.constant 1.000000e+00 : f32
      %div3A_2618 = vector.broadcast %div3A_2617 : f32 to vector<16xf32>
      %div3A_2619 = arith.divf %div3A_2618, %add3A_2592 : vector<16xf32>
      %mul3A_2620 = arith.mulf %add3A_2595, %div3A_2619 : vector<16xf32>
      %add3A_2621 = arith.constant 0 : i32
      %add3A_2622 = arith.addi %mul3A_2545, %add3A_2621 : i32
      %swap3A_2623 = arith.index_cast %add3A_2622 : i32 to index
      %swap3A_2624 = tpu.vector_load %arg7[%swap3A_2623] {strides = array<i32>} : memref<32768xf32, #tpu.memory_space<vmem>>, vector<16xf32>,
      tpu.vector_store %arg7[%swap3A_2623], %mul3A_2620 {strides = array<i32>} : memref<32768xf32, #tpu.memory_space<vmem>>, vector<16xf32>,
      %mul3A_2625 = arith.mulf %add3A_2598, %div3A_2619 : vector<16xf32>
      %add3A_2626 = arith.constant 16 : i32
      %add3A_2627 = arith.addi %mul3A_2545, %add3A_2626 : i32
      %swap3A_2628 = arith.index_cast %add3A_2627 : i32 to index
      %swap3A_2629 = tpu.vector_load %arg7[%swap3A_2628] {strides = array<i32>} : memref<32768xf32, #tpu.memory_space<vmem>>, vector<16xf32>,
      tpu.vector_store %arg7[%swap3A_2628], %mul3A_2625 {strides = array<i32>} : memref<32768xf32, #tpu.memory_space<vmem>>, vector<16xf32>,
      %mul3A_2630 = arith.mulf %add3A_2601, %div3A_2619 : vector<16xf32>
      %add3A_2631 = arith.constant 32 : i32
      %add3A_2632 = arith.addi %mul3A_2545, %add3A_2631 : i32
      %swap3A_2633 = arith.index_cast %add3A_2632 : i32 to index
      %swap3A_2634 = tpu.vector_load %arg7[%swap3A_2633] {strides = array<i32>} : memref<32768xf32, #tpu.memory_space<vmem>>, vector<16xf32>,
      tpu.vector_store %arg7[%swap3A_2633], %mul3A_2630 {strides = array<i32>} : memref<32768xf32, #tpu.memory_space<vmem>>, vector<16xf32>,
      %mul3A_2635 = arith.mulf %add3A_2604, %div3A_2619 : vector<16xf32>
      %add3A_2636 = arith.constant 48 : i32
      %add3A_2637 = arith.addi %mul3A_2545, %add3A_2636 : i32
      %swap3A_2638 = arith.index_cast %add3A_2637 : i32 to index
      %swap3A_2639 = tpu.vector_load %arg7[%swap3A_2638] {strides = array<i32>} : memref<32768xf32, #tpu.memory_space<vmem>>, vector<16xf32>,
      tpu.vector_store %arg7[%swap3A_2638], %mul3A_2635 {strides = array<i32>} : memref<32768xf32, #tpu.memory_space<vmem>>, vector<16xf32>,
      %mul3A_2640 = arith.mulf %add3A_2607, %div3A_2619 : vector<16xf32>
      %add3A_2641 = arith.constant 64 : i32
      %add3A_2642 = arith.addi %mul3A_2545, %add3A_2641 : i32
      %swap3A_2643 = arith.index_cast %add3A_2642 : i32 to index
      %swap3A_2644 = tpu.vector_load %arg7[%swap3A_2643] {strides = array<i32>} : memref<32768xf32, #tpu.memory_space<vmem>>, vector<16xf32>,
      tpu.vector_store %arg7[%swap3A_2643], %mul3A_2640 {strides = array<i32>} : memref<32768xf32, #tpu.memory_space<vmem>>, vector<16xf32>,
      %mul3A_2645 = arith.mulf %add3A_2610, %div3A_2619 : vector<16xf32>
      %add3A_2646 = arith.constant 80 : i32
      %add3A_2647 = arith.addi %mul3A_2545, %add3A_2646 : i32
      %swap3A_2648 = arith.index_cast %add3A_2647 : i32 to index
      %swap3A_2649 = tpu.vector_load %arg7[%swap3A_2648] {strides = array<i32>} : memref<32768xf32, #tpu.memory_space<vmem>>, vector<16xf32>,
      tpu.vector_store %arg7[%swap3A_2648], %mul3A_2645 {strides = array<i32>} : memref<32768xf32, #tpu.memory_space<vmem>>, vector<16xf32>,
      %mul3A_2650 = arith.mulf %add3A_2613, %div3A_2619 : vector<16xf32>
      %add3A_2651 = arith.constant 96 : i32
      %add3A_2652 = arith.addi %mul3A_2545, %add3A_2651 : i32
      %swap3A_2653 = arith.index_cast %add3A_2652 : i32 to index
      %swap3A_2654 = tpu.vector_load %arg7[%swap3A_2653] {strides = array<i32>} : memref<32768xf32, #tpu.memory_space<vmem>>, vector<16xf32>,
      tpu.vector_store %arg7[%swap3A_2653], %mul3A_2650 {strides = array<i32>} : memref<32768xf32, #tpu.memory_space<vmem>>, vector<16xf32>,
      %mul3A_2655 = arith.mulf %add3A_2616, %div3A_2619 : vector<16xf32>
      %add3A_2656 = arith.constant 112 : i32
      %add3A_2657 = arith.addi %mul3A_2545, %add3A_2656 : i32
      %swap3A_2658 = arith.index_cast %add3A_2657 : i32 to index
      %swap3A_2659 = tpu.vector_load %arg7[%swap3A_2658] {strides = array<i32>} : memref<32768xf32, #tpu.memory_space<vmem>>, vector<16xf32>,
      tpu.vector_store %arg7[%swap3A_2658], %mul3A_2655 {strides = array<i32>} : memref<32768xf32, #tpu.memory_space<vmem>>, vector<16xf32>,
      %mul3A_2660 = arith.constant 16 : i32
      %mul3A_2661 = arith.muli %scan3A_852, %mul3A_2660 : i32
      %add3A_2662 = arith.constant 15 : i32
      %add3A_2663 = arith.addi %mul3A_2661, %add3A_2662 : i32
      %mul3A_2664 = arith.constant 128 : i32
      %mul3A_2665 = arith.muli %add3A_2663, %mul3A_2664 : i32
      %mul3A_2666 = arith.constant 16 : i32
      %mul3A_2667 = arith.muli %add3A_2663, %mul3A_2666 : i32
      %get3A_2668 = arith.index_cast %mul3A_2667 : i32 to index
      %get3A_2669 = tpu.vector_load %arg8[%get3A_2668] {strides = array<i32>} : memref<4096xf32, #tpu.memory_space<vmem>>, vector<16xf32>,
      %add3A_2670 = arith.constant 0 : i32
      %add3A_2671 = arith.addi %mul3A_2665, %add3A_2670 : i32
      %get3A_2672 = arith.index_cast %add3A_2671 : i32 to index
      %get3A_2673 = tpu.vector_load %arg7[%get3A_2672] {strides = array<i32>} : memref<32768xf32, #tpu.memory_space<vmem>>, vector<16xf32>,
      %add3A_2674 = arith.constant 16 : i32
      %add3A_2675 = arith.addi %mul3A_2665, %add3A_2674 : i32
      %get3A_2676 = arith.index_cast %add3A_2675 : i32 to index
      %get3A_2677 = tpu.vector_load %arg7[%get3A_2676] {strides = array<i32>} : memref<32768xf32, #tpu.memory_space<vmem>>, vector<16xf32>,
      %add3A_2678 = arith.constant 32 : i32
      %add3A_2679 = arith.addi %mul3A_2665, %add3A_2678 : i32
      %get3A_2680 = arith.index_cast %add3A_2679 : i32 to index
      %get3A_2681 = tpu.vector_load %arg7[%get3A_2680] {strides = array<i32>} : memref<32768xf32, #tpu.memory_space<vmem>>, vector<16xf32>,
      %add3A_2682 = arith.constant 48 : i32
      %add3A_2683 = arith.addi %mul3A_2665, %add3A_2682 : i32
      %get3A_2684 = arith.index_cast %add3A_2683 : i32 to index
      %get3A_2685 = tpu.vector_load %arg7[%get3A_2684] {strides = array<i32>} : memref<32768xf32, #tpu.memory_space<vmem>>, vector<16xf32>,
      %add3A_2686 = arith.constant 64 : i32
      %add3A_2687 = arith.addi %mul3A_2665, %add3A_2686 : i32
      %get3A_2688 = arith.index_cast %add3A_2687 : i32 to index
      %get3A_2689 = tpu.vector_load %arg7[%get3A_2688] {strides = array<i32>} : memref<32768xf32, #tpu.memory_space<vmem>>, vector<16xf32>,
      %add3A_2690 = arith.constant 80 : i32
      %add3A_2691 = arith.addi %mul3A_2665, %add3A_2690 : i32
      %get3A_2692 = arith.index_cast %add3A_2691 : i32 to index
      %get3A_2693 = tpu.vector_load %arg7[%get3A_2692] {strides = array<i32>} : memref<32768xf32, #tpu.memory_space<vmem>>, vector<16xf32>,
      %add3A_2694 = arith.constant 96 : i32
      %add3A_2695 = arith.addi %mul3A_2665, %add3A_2694 : i32
      %get3A_2696 = arith.index_cast %add3A_2695 : i32 to index
      %get3A_2697 = tpu.vector_load %arg7[%get3A_2696] {strides = array<i32>} : memref<32768xf32, #tpu.memory_space<vmem>>, vector<16xf32>,
      %add3A_2698 = arith.constant 112 : i32
      %add3A_2699 = arith.addi %mul3A_2665, %add3A_2698 : i32
      %get3A_2700 = arith.index_cast %add3A_2699 : i32 to index
      %get3A_2701 = tpu.vector_load %arg7[%get3A_2700] {strides = array<i32>} : memref<32768xf32, #tpu.memory_space<vmem>>, vector<16xf32>,
      %eq3A_2702 = arith.cmpi eq, %add3A_2663, %sub3A : i32
      %eq3A_2703 = arith.cmpi eq, %add3A_2663, %sub3A_48 : i32
      %or3A_2704 = arith.ori %eq3A_2702, %eq3A_2703 : i1
      %eq3A_2705 = arith.cmpi eq, %add3A_2663, %sub3A_49 : i32
      %or3A_2706 = arith.ori %or3A_2704, %eq3A_2705 : i1
      %jit3A_2707 = arith.constant 0.000000e+00 : f32
      %jit3A_2708 = arith.constant 1.000000e+00 : f32
      %select_n3A_2709 = arith.select %or3A_2706, %jit3A_2707, %jit3A_2708 : f32
      %broadcast_in_dim3A_2710 = vector.broadcast %select_n3A_2709 : f32 to vector<16xf32>
      %mul3A_2711 = arith.mulf %add3A_2592, %broadcast_in_dim3A_2710 : vector<16xf32>
      %add3A_2712 = arith.addf %mul3A_2711, %get3A_2669 : vector<16xf32>
      %mul3A_2713 = arith.mulf %add3A_2595, %broadcast_in_dim3A_2710 : vector<16xf32>
      %mul3A_2714 = arith.mulf %get3A_2669, %get3A_2673 : vector<16xf32>
      %add3A_2715 = arith.addf %mul3A_2713, %mul3A_2714 : vector<16xf32>
      %mul3A_2716 = arith.mulf %add3A_2598, %broadcast_in_dim3A_2710 : vector<16xf32>
      %mul3A_2717 = arith.mulf %get3A_2669, %get3A_2677 : vector<16xf32>
      %add3A_2718 = arith.addf %mul3A_2716, %mul3A_2717 : vector<16xf32>
      %mul3A_2719 = arith.mulf %add3A_2601, %broadcast_in_dim3A_2710 : vector<16xf32>
      %mul3A_2720 = arith.mulf %get3A_2669, %get3A_2681 : vector<16xf32>
      %add3A_2721 = arith.addf %mul3A_2719, %mul3A_2720 : vector<16xf32>
      %mul3A_2722 = arith.mulf %add3A_2604, %broadcast_in_dim3A_2710 : vector<16xf32>
      %mul3A_2723 = arith.mulf %get3A_2669, %get3A_2685 : vector<16xf32>
      %add3A_2724 = arith.addf %mul3A_2722, %mul3A_2723 : vector<16xf32>
      %mul3A_2725 = arith.mulf %add3A_2607, %broadcast_in_dim3A_2710 : vector<16xf32>
      %mul3A_2726 = arith.mulf %get3A_2669, %get3A_2689 : vector<16xf32>
      %add3A_2727 = arith.addf %mul3A_2725, %mul3A_2726 : vector<16xf32>
      %mul3A_2728 = arith.mulf %add3A_2610, %broadcast_in_dim3A_2710 : vector<16xf32>
      %mul3A_2729 = arith.mulf %get3A_2669, %get3A_2693 : vector<16xf32>
      %add3A_2730 = arith.addf %mul3A_2728, %mul3A_2729 : vector<16xf32>
      %mul3A_2731 = arith.mulf %add3A_2613, %broadcast_in_dim3A_2710 : vector<16xf32>
      %mul3A_2732 = arith.mulf %get3A_2669, %get3A_2697 : vector<16xf32>
      %add3A_2733 = arith.addf %mul3A_2731, %mul3A_2732 : vector<16xf32>
      %mul3A_2734 = arith.mulf %add3A_2616, %broadcast_in_dim3A_2710 : vector<16xf32>
      %mul3A_2735 = arith.mulf %get3A_2669, %get3A_2701 : vector<16xf32>
      %add3A_2736 = arith.addf %mul3A_2734, %mul3A_2735 : vector<16xf32>
      %div3A_2737 = arith.constant 1.000000e+00 : f32
      %div3A_2738 = vector.broadcast %div3A_2737 : f32 to vector<16xf32>
      %div3A_2739 = arith.divf %div3A_2738, %add3A_2712 : vector<16xf32>
      %mul3A_2740 = arith.mulf %add3A_2715, %div3A_2739 : vector<16xf32>
      %add3A_2741 = arith.constant 0 : i32
      %add3A_2742 = arith.addi %mul3A_2665, %add3A_2741 : i32
      %swap3A_2743 = arith.index_cast %add3A_2742 : i32 to index
      %swap3A_2744 = tpu.vector_load %arg7[%swap3A_2743] {strides = array<i32>} : memref<32768xf32, #tpu.memory_space<vmem>>, vector<16xf32>,
      tpu.vector_store %arg7[%swap3A_2743], %mul3A_2740 {strides = array<i32>} : memref<32768xf32, #tpu.memory_space<vmem>>, vector<16xf32>,
      %mul3A_2745 = arith.mulf %add3A_2718, %div3A_2739 : vector<16xf32>
      %add3A_2746 = arith.constant 16 : i32
      %add3A_2747 = arith.addi %mul3A_2665, %add3A_2746 : i32
      %swap3A_2748 = arith.index_cast %add3A_2747 : i32 to index
      %swap3A_2749 = tpu.vector_load %arg7[%swap3A_2748] {strides = array<i32>} : memref<32768xf32, #tpu.memory_space<vmem>>, vector<16xf32>,
      tpu.vector_store %arg7[%swap3A_2748], %mul3A_2745 {strides = array<i32>} : memref<32768xf32, #tpu.memory_space<vmem>>, vector<16xf32>,
      %mul3A_2750 = arith.mulf %add3A_2721, %div3A_2739 : vector<16xf32>
      %add3A_2751 = arith.constant 32 : i32
      %add3A_2752 = arith.addi %mul3A_2665, %add3A_2751 : i32
      %swap3A_2753 = arith.index_cast %add3A_2752 : i32 to index
      %swap3A_2754 = tpu.vector_load %arg7[%swap3A_2753] {strides = array<i32>} : memref<32768xf32, #tpu.memory_space<vmem>>, vector<16xf32>,
      tpu.vector_store %arg7[%swap3A_2753], %mul3A_2750 {strides = array<i32>} : memref<32768xf32, #tpu.memory_space<vmem>>, vector<16xf32>,
      %mul3A_2755 = arith.mulf %add3A_2724, %div3A_2739 : vector<16xf32>
      %add3A_2756 = arith.constant 48 : i32
      %add3A_2757 = arith.addi %mul3A_2665, %add3A_2756 : i32
      %swap3A_2758 = arith.index_cast %add3A_2757 : i32 to index
      %swap3A_2759 = tpu.vector_load %arg7[%swap3A_2758] {strides = array<i32>} : memref<32768xf32, #tpu.memory_space<vmem>>, vector<16xf32>,
      tpu.vector_store %arg7[%swap3A_2758], %mul3A_2755 {strides = array<i32>} : memref<32768xf32, #tpu.memory_space<vmem>>, vector<16xf32>,
      %mul3A_2760 = arith.mulf %add3A_2727, %div3A_2739 : vector<16xf32>
      %add3A_2761 = arith.constant 64 : i32
      %add3A_2762 = arith.addi %mul3A_2665, %add3A_2761 : i32
      %swap3A_2763 = arith.index_cast %add3A_2762 : i32 to index
      %swap3A_2764 = tpu.vector_load %arg7[%swap3A_2763] {strides = array<i32>} : memref<32768xf32, #tpu.memory_space<vmem>>, vector<16xf32>,
      tpu.vector_store %arg7[%swap3A_2763], %mul3A_2760 {strides = array<i32>} : memref<32768xf32, #tpu.memory_space<vmem>>, vector<16xf32>,
      %mul3A_2765 = arith.mulf %add3A_2730, %div3A_2739 : vector<16xf32>
      %add3A_2766 = arith.constant 80 : i32
      %add3A_2767 = arith.addi %mul3A_2665, %add3A_2766 : i32
      %swap3A_2768 = arith.index_cast %add3A_2767 : i32 to index
      %swap3A_2769 = tpu.vector_load %arg7[%swap3A_2768] {strides = array<i32>} : memref<32768xf32, #tpu.memory_space<vmem>>, vector<16xf32>,
      tpu.vector_store %arg7[%swap3A_2768], %mul3A_2765 {strides = array<i32>} : memref<32768xf32, #tpu.memory_space<vmem>>, vector<16xf32>,
      %mul3A_2770 = arith.mulf %add3A_2733, %div3A_2739 : vector<16xf32>
      %add3A_2771 = arith.constant 96 : i32
      %add3A_2772 = arith.addi %mul3A_2665, %add3A_2771 : i32
      %swap3A_2773 = arith.index_cast %add3A_2772 : i32 to index
      %swap3A_2774 = tpu.vector_load %arg7[%swap3A_2773] {strides = array<i32>} : memref<32768xf32, #tpu.memory_space<vmem>>, vector<16xf32>,
      tpu.vector_store %arg7[%swap3A_2773], %mul3A_2770 {strides = array<i32>} : memref<32768xf32, #tpu.memory_space<vmem>>, vector<16xf32>,
      %mul3A_2775 = arith.mulf %add3A_2736, %div3A_2739 : vector<16xf32>
      %add3A_2776 = arith.constant 112 : i32
      %add3A_2777 = arith.addi %mul3A_2665, %add3A_2776 : i32
      %swap3A_2778 = arith.index_cast %add3A_2777 : i32 to index
      %swap3A_2779 = tpu.vector_load %arg7[%swap3A_2778] {strides = array<i32>} : memref<32768xf32, #tpu.memory_space<vmem>>, vector<16xf32>,
      tpu.vector_store %arg7[%swap3A_2778], %mul3A_2775 {strides = array<i32>} : memref<32768xf32, #tpu.memory_space<vmem>>, vector<16xf32>,
      scf.yield %add3A_2712, %add3A_2715, %add3A_2718, %add3A_2721, %add3A_2724, %add3A_2727, %add3A_2730, %add3A_2733, %add3A_2736 : vector<16xf32>, vector<16xf32>, vector<16xf32>, vector<16xf32>, vector<16xf32>, vector<16xf32>, vector<16xf32>, vector<16xf32>, vector<16xf32>
    }
    %scan3A_849 = arith.constant 16 : i32
    %mul3A_850 = arith.constant 32768 : i32
    %mul3A_851 = arith.muli %arg1, %mul3A_850 : i32
    "tpu.region"() ({
      %run_scoped3A = tpu.sem_alloc : memref<!tpu.dma_semaphore, #tpu.memory_space<semaphore_mem>>
      %dma_start3A = tpu.memref_slice %arg5[%mul3A_851] : memref<524288xf32, #tpu.memory_space<hbm>> -> memref<32768xf32, #tpu.memory_space<hbm>>
      %dma_start3A_852 = tpu.memref_slice %arg5[%mul3A_851] : memref<524288xf32, #tpu.memory_space<hbm>> -> memref<32768xf32, #tpu.memory_space<hbm>>
      tpu.enqueue_dma source(%arg7 : memref<32768xf32, #tpu.memory_space<vmem>>) target(%dma_start3A_852 : memref<32768xf32, #tpu.memory_space<hbm>>) target_semaphore(%run_scoped3A : memref<!tpu.dma_semaphore, #tpu.memory_space<semaphore_mem>>)
      %dma_wait3A = tpu.memref_slice %arg5[%mul3A_851] : memref<524288xf32, #tpu.memory_space<hbm>> -> memref<32768xf32, #tpu.memory_space<hbm>>
      %dma_wait3A_853 = tpu.memref_slice %arg5[%mul3A_851] : memref<524288xf32, #tpu.memory_space<hbm>> -> memref<32768xf32, #tpu.memory_space<hbm>>
      tpu.wait_dma2 semaphore(%run_scoped3A : memref<!tpu.dma_semaphore, #tpu.memory_space<semaphore_mem>>) src(%arg7 : memref<32768xf32, #tpu.memory_space<vmem>>) dst(%dma_wait3A_853 : memref<32768xf32, #tpu.memory_space<hbm>>)
      tpu.yield
    }) : () -> ()
    return
  }
}

</mosaic_0001>

<sc_bundles>
// kernel: kernel.3.cloned.1.call-start
scs
__scs_entry_jumppad:
0x0: {  	(pc) =	sbr.rel $0x88, $3  }
0x1: {  	(tag) =	ssettag $0x0;
	lr =	simm.s32 $0x1  }
0x2: {  	[smem:$0x3F9E] =	sst lr;
	_ =	strace $0xD0000000  }
0x3: {  	_ = 	snop  }
0x4: {  	_ = 	snop  }
0x5: {  	_ = 	snop  }
0x6: {  	_ = 	snop  }
0x7: {  	_ = 	snop  }
__scs_overlays_trampoline_lowered:
0x8: {  	[smem:$0x3FAD] =	sst s0  }
0x9: {  	[smem:$0x3FAE] =	sst s1  }
0xa: {  	[smem:$0x3FAF] =	sst s2  }
0xb: {  	[smem:$0x3FB0] =	sst s3  }
0xc: {  	[smem:$0x3FB1] =	sst s4  }
0xd: {  	[smem:$0x3FB2] =	sst s5  }
0xe: {  	[smem:$0x3FB3] =	sst s6  }
0xf: {  	[smem:$0x3FB4] =	sst s7  }
0x10: {  	[smem:$0x3FB5] =	sst s8  }
0x11: {  	[smem:$0x3FB6] =	sst s9;
	s0 =	simm.s32 @!p0 $0x0  }
0x12: {  	s1 =	sld [smem:$0x3F9C];
	s0 =	simm.s32 @p0 $0x1  }
0x13: {  	[smem:$0x3FB7] =	sst s0;
	s0 =	simm.s32 @!p1 $0x0  }
0x14: {  	s2 =	sld [smem:$0x3F9B];
	s0 =	simm.s32 @p1 $0x1  }
0x15: {  	[smem:$0x3FB8] =	sst s0;
	s0 =	simm.s32 @!p2 $0x0  }
0x16: {  	s3 =	sld [smem:$0x3FDB];
	s0 =	simm.s32 @p2 $0x1  }
0x17: {  	s4 =	simm.s32 $0x1BF5;
	[smem:$0x3FBA] =	sst s0  }
0x18: {  	s0 =	sld [smem:$0x3F9D];
	_ =	swait.ge [sflag:s4], $0x0  }
0x19: {  	s7 =	sld [smem:$0x3F9E]  }
0x1a: {  	s8 =	sadd.s32 $0xFFFFE003, lr  }
0x1b: {  	s9 =	sadd.s32 $0xFFFFFEF7, lr;
	s5 =	simm.s32 $0xFFFFFFFF;
	p2 =	slt.u32 s8, $0xFFFFF086  }
0x1c: {  	p1 =	slt.u32 s9, $0xF7A;
	s5 =	simm.s32 @!p2 $0x0  }
0x1d: {  	s5 =	simm.s32 @p1 $0x1;
	p0 =	seq.s32 s7, s2  }
0x1e: {  	s7 =	smul.u32 @!p0 $0xF7A, s2;
	p2 =	seq.s32 @!p0 s5, $0x0  }
0x1f: {  	s9 =	smul.u32 $0xF7A, s1;
	s8 =	simm.s32 @!p0 $0x1BF5;
	p2 =	por !p2, p0  }
0x20: {  	[sflag:s8] =	ssyncset.s32 @!p0 $0xFFFFF086;
	s6 =	sadd.s32 @!p0 s3, s7;
	s7 =	simm.s32 @!p0 $0x108  }
0x21: {  	s3 =	sadd.s32 s3, s9;
	s6 =	sadd.s32 @!p0 $0x88, s6;
	s7 =	simm.s32 @p2 $0x1082  }
0x22: {  	[simem:s7], [sflag:s8] =	dma.local @!p0 [hbm:s6], $0xF7A  }
0x23: {  	s9 =	sor.u32 $0xD0000000, s2;
	s6 =	simm.s32 $0x108;
	_ =	swait.ge @!p0 [sflag:s8], $0x0  }
0x24: {  	s3 =	sadd.s32 $0x88, s3;
	s6 =	simm.s32 @!p1 $0x1082;
	[sflag:s4] =	ssyncset.s32 $0xFFFFF086  }
0x25: {  	[simem:s6], [sflag:s4] =	dma.local [hbm:s3], $0xF7A  }
0x26: {  	[smem:$0x3F9E] =	sst s1;
	(tag) =	ssettag s2;
	_ =	strace s9  }
0x27: {  	s1 =	sld [smem:$0x3FAE]  }
0x28: {  	s2 =	sld [smem:$0x3FAF]  }
0x29: {  	s4 =	sld [smem:$0x3FB1]  }
0x2a: {  	p0 =	seq.s32 s5, $0x0;
	s5 =	sld [smem:$0x3FB2]  }
0x2b: {  	s6 =	sld [smem:$0x3FB3]  }
0x2c: {  	s7 =	sld [smem:$0x3FB4]  }
0x2d: {  	s3 =	simm.s32 $0x108;
	s8 =	sld [smem:$0x3FB5]  }
0x2e: {  	s3 =	simm.s32 @!p0 $0x1082;
	s9 =	sld [smem:$0x3FB6]  }
0x2f: {  	lr =	sadd.s32 s0, s3;
	s0 =	sld [smem:$0x3FAD]  }
0x30: {  	s3 =	sld [smem:$0x3FB0]  }
0x31: {  	[smem:$0x3FB9] =	sst s10  }
0x32: {  	s10 =	sld [smem:$0x3FB7];
	_ =	sdelay $0x3  }
0x33: {  	p0 =	seq.s32 s10, $0x1;
	s10 =	sld [smem:$0x3FB9];
	_ =	sdelay $0x3  }
0x34: {  	[smem:$0x3FB9] =	sst s10  }
0x35: {  	s10 =	sld [smem:$0x3FB8];
	_ =	sdelay $0x3  }
0x36: {  	p1 =	seq.s32 s10, $0x1;
	s10 =	sld [smem:$0x3FB9];
	_ =	sdelay $0x3  }
0x37: {  	[smem:$0x3FB9] =	sst s10  }
0x38: {  	s10 =	sld [smem:$0x3FBA]  }
0x39: {  	_ = 	snop;
	(pc) =	sbr.ind lr, $3  }
0x3a: {  	_ = 	snop  }
0x3b: {  	_ = 	snop  }
0x3c: {  	p2 =	seq.s32 s10, $0x1;
	s10 =	sld [smem:$0x3FB9]  }
0x3d: {  	_ =	shalt  }
0x3e: {  	_ =	shalt  }
0x3f: {  	_ =	shalt  }
0x40: {  	_ =	shalt  }
0x41: {  	_ =	shalt  }
0x42: {  	_ =	shalt  }
0x43: {  	_ =	shalt  }
0x44: {  	_ =	shalt  }
0x45: {  	_ =	shalt  }
0x46: {  	_ =	shalt  }
0x47: {  	_ =	shalt  }
0x48: {  	_ =	shalt  }
0x49: {  	_ =	shalt  }
0x4a: {  	_ =	shalt  }
0x4b: {  	_ =	shalt  }
0x4c: {  	_ =	shalt  }
0x4d: {  	_ =	shalt  }
0x4e: {  	_ =	shalt  }
0x4f: {  	_ =	shalt  }
0x50: {  	_ =	shalt  }
0x51: {  	_ =	shalt  }
0x52: {  	_ =	shalt  }
0x53: {  	_ =	shalt  }
0x54: {  	_ =	shalt  }
0x55: {  	_ =	shalt  }
0x56: {  	_ =	shalt  }
0x57: {  	_ =	shalt  }
0x58: {  	_ =	shalt  }
0x59: {  	_ =	shalt  }
0x5a: {  	_ =	shalt  }
0x5b: {  	_ =	shalt  }
0x5c: {  	_ =	shalt  }
0x5d: {  	_ =	shalt  }
0x5e: {  	_ =	shalt  }
0x5f: {  	_ =	shalt  }
0x60: {  	_ =	shalt  }
0x61: {  	_ =	shalt  }
0x62: {  	_ =	shalt  }
0x63: {  	_ =	shalt  }
0x64: {  	_ =	shalt  }
0x65: {  	_ =	shalt  }
0x66: {  	_ =	shalt  }
0x67: {  	_ =	shalt  }
0x68: {  	_ =	shalt  }
0x69: {  	_ =	shalt  }
0x6a: {  	_ =	shalt  }
0x6b: {  	_ =	shalt  }
0x6c: {  	_ =	shalt  }
0x6d: {  	_ =	shalt  }
0x6e: {  	_ =	shalt  }
0x6f: {  	_ =	shalt  }
0x70: {  	_ =	shalt  }
0x71: {  	_ =	shalt  }
0x72: {  	_ =	shalt  }
0x73: {  	_ =	shalt  }
0x74: {  	_ =	shalt  }
0x75: {  	_ =	shalt  }
0x76: {  	_ =	shalt  }
0x77: {  	_ =	shalt  }
0x78: {  	_ =	shalt  }
0x79: {  	_ =	shalt  }
0x7a: {  	_ =	shalt  }
0x7b: {  	_ =	shalt  }
0x7c: {  	_ =	shalt  }
0x7d: {  	_ =	shalt  }
0x7e: {  	_ =	shalt  }
0x7f: {  	_ =	shalt  }
0x80: {  	_ =	shalt  }
0x81: {  	_ =	shalt  }
0x82: {  	_ =	shalt  }
0x83: {  	_ =	shalt  }
0x84: {  	_ =	shalt  }
0x85: {  	_ =	shalt  }
0x86: {  	_ =	shalt  }
0x87: {  	_ =	shalt  }
.Lfunc_end0:
.L_simem_size_0:
called_computation_lowered:
.L_overlay_start_0:
0x88: {  	s0 =	sld [smem:$0x3FD9]  }
0x89: {  	s1 =	sld [smem:$0x3FFE];
	_ =	sdelay $0x3  }
0x8a: {  	s0 =	sadd.s32 s1, s0  }
0x8b: {  	[smem:$0x3FC5] =	sst s0  }
0x8c: {  	_ = 	snop  }
0x8d: {  	s0 =	sld [smem:$0x3FC9]  }
0x8e: {  	s16 =	sld [smem:$0x3FC7]  }
0x8f: {  	s2 =	sld [smem:$0x3FD0];
	(tm) =	ssettm $0x1  }
0x90: {  	s3 =	sld [smem:$0x3FFB];
	_ =	sdelay $0x3  }
0x91: {  	_ =	strace s3  }
0x92: {  	s3 =	sld [smem:$0x3FFC];
	_ =	sdelay $0x3  }
0x93: {  	_ =	strace s3  }
0x94: {  	s3 =	sld [smem:$0x3FFD];
	_ =	sdelay $0x3  }
0x95: {  	_ =	strace s3  }
0x96: {  	_ =	strace $0x8FFFFFFF  }
0x97: {  	s17 =	sld [smem:$0x3FDB];
	_ =	sdelay $0x1  }
0x98: {  	s4 =	simm.s32 $_scs_section_size  }
0x99: {  	s5 =	simm.s32 $_size__tile_overlayer_lowered;
	s6 =	simm.s32 $_tile_overlayer_lowered  }
0x9a: {  	s20 =	simm.s32 $0x1BFF;
	s19 =	sshll.u32 s6, $0x1;
	s3 =	sadd.s32 s4, s17  }
0x9b: {  	s7 =	simm.s32 $0x0;
	s18 =	sshll.u32 s5, $0x1;
	s5 =	sadd.s32 s19, s3  }
0x9c: {  	[timem:s7], [sflag:s20] =	dma.local [hbm:s5], s18  }
0x9d: {  	_ =	swait.ge [sflag:s20], s18  }
0x9e: {  	s4 =	ssub.s32 $0x0, s18;
	[sflag:s20] =	ssyncset.done $0x0  }
0x9f: {  	[sflag:s20] =	ssyncadd.s32 s4;
	_ =	sdelay $0x1  }
0xa0: {  	s21 =	simm.s32 $0x1B8B  }
0xa1: {  	_ =	swait.ge [sflag:s21], $0x1  }
0xa2: {  	[sflag:s21] =	ssyncset.done $0x0  }
0xa3: {  	s23 =	simm.s32 $0x1B8E;
	s22 =	sld [smem:$0x3FFE];
	[sflag:s21] =	ssyncadd.s32 $0xFFFFFFFF  }
0xa4: {  	s24 =	simm.s32 $execute0_lowered;
	[smem:$0x3FD2] =	sst s23  }
0xa5: {  	s5 =	sshll.u32 s24, $0x1;
	_ =	strace $0x80000046;
	[dreg:$0x1] =	wrdreg $0xFFFFFFFF  }
0xa6: {  	s25 =	simm.s32 $_size_execute0_lowered;
	s3 =	sadd.s32 s3, s5;
	[dreg:$0x0] =	wrdreg $0x0  }
0xa7: {  	s5 =	sshll.u32 s25, $0x1;
	[dreg:$0x2] =	wrdreg s3  }
0xa8: {  	[dreg:$0x3] =	wrdreg s5  }
0xa9: {  	[dreg:$0x4] =	wrdreg $0xC0  }
0xaa: {  	_ =	task [dreg:s7], $0x5FFFF  }
0xab: {  	[dreg:$0x1] =	wrdreg $0xFFFFFFFF  }
0xac: {  	[dreg:$0x0] =	wrdreg $0x60  }
0xad: {  	[dreg:$0x2] =	wrdreg s0  }
0xae: {  	[dreg:$0x3] =	wrdreg s22  }
0xaf: {  	[dreg:$0x4] =	wrdreg s16  }
0xb0: {  	[dreg:$0x5] =	wrdreg s2  }
0xb1: {  	[dreg:$0x6] =	wrdreg $0x9  }
0xb2: {  	_ =	task.clear_ibuf [dreg:s7], $0x7FFFF;
	_ =	strace $0x90000046  }
0xb3: {  	s26 =	simm.s32 $0x9;
	_ =	strace $0x80000048  }
0xb4: {  	_ =	swait.ge [sflag:s26], $0x1  }
0xb5: {  	[sflag:s26] =	ssyncadd.s32 $0xFFFFFFFF  }
0xb6: {  	_ =	strace $0x90000048  }
0xb7: {  	_ =	sfence  }
0xb8: {  	s28 =	sld [smem:$0x0];
	_ =	sdelay $0x1  }
0xb9: {  	s29 =	srdreg.scid  }
0xba: {  	s30 =	sshll.u32 s29, $0xD;
	s31 =	sshrl.u32 s29, $0x2  }
0xbb: {  	s1 =	sand.u32 $0x1, s29;
	s2 =	sand.u32 $0x4000, s30;
	s0 =	sadd.s32 s31, s28  }
0xbc: {  	s1 =	sor.u32 s2, s1;
	s0 =	sshll.u32 s0, $0x11  }
0xbd: {  	s0 =	sor.u32 s0, s1  }
0xbe: {  	s0 =	sadd.s32 $0x8F2B, s0  }
0xbf: {  	[sflag:s0] =	ssyncadd.remote.s32 $0x1  }
0xc0: {  	_ =	sfence.sel $0xFFFF  }
0xc1: {  	[dreg:$0x0] =	wrdreg $0xFFFFFFFF;
	(pc) =	sbr.abs _section_cstart, $3  }
0xc2: {  	[dreg:$0x1] =	wrdreg $0xFFFFFFFF  }
0xc3: {  	_ =	task.clear_ibuf [dreg:s7], $0x2FFFF;
	_ =	strace $0x9FFFFFFF  }
0xc4: {  	(tm) =	ssettm $0x7FFFFFFF  }
0xc5: {  	_ =	shalt  }
tec
execute0_lowered:
.L_overlay_start_1:
0x0: {  	(tag) =	ssettag $0x1  }
0x1: {  	s3 =	rddreg [dreg:$0x0]  }
0x2: {  	s4 =	rddreg [dreg:$0x1]  }
0x3: {  	s5 =	rddreg [dreg:$0x2]  }
0x4: {  	s1 =	rddreg [dreg:$0x3]  }
0x5: {  	s0 =	rddreg [dreg:$0x4];
	s7 =	simm.s32 $0x0;
	s6 =	stileid.u32  }
0x6: {  	[smem:$0x7FF] =	sst s7;
	s2 =	sshll.u32 s6, $0xC  }
0x7: {  	s25 =	simm.s32 $0x1;
	_ =	strace $0x80000047;
	s3 =	sadd.s32 s3, s2  }
0x8: {  	[tilespmem:s7], [sflag:$0x1] =	stream.linear.gather [hbm4b:s3+s7], $0x8000, $0x38;
	[tilespmem:$0x9B00] =	vst v63  }
0x9: {  	_ =	swait.ge [sflag:s25], $0x8000  }
0xa: {  	[sflag:s25] =	ssyncset.done $0x0  }
0xb: {  	s8 =	simm.s32 $0x9000;
	[sflag:s25] =	ssyncadd.s32 $0xFFFF8000  }
0xc: {  	[tilespmem:s8], [sflag:$0x1] =	stream.linear.gather [hbm4b:s5+s7], $0x80, $0x38;
	[tilespmem:$0x9B00] =	vst v63  }
0xd: {  	_ =	swait.ge [sflag:s25], $0x80  }
0xe: {  	[sflag:s25] =	ssyncset.done $0x0  }
0xf: {  	s28 =	simm.s32 $0x9080;
	s26 =	sadd.s32 $0x800, s4;
	[sflag:s25] =	ssyncadd.s32 $0xFFFFFF80  }
0x10: {  	[tilespmem:s28], [sflag:$0x1] =	stream.linear.gather [hbm4b:s26+s7], $0x80, $0x38;
	[tilespmem:$0x9B00] =	vst v63  }
0x11: {  	_ =	swait.ge [sflag:s25], $0x80  }
0x12: {  	[sflag:s25] =	ssyncset.done $0x0  }
0x13: {  	[sflag:s25] =	ssyncadd.s32 $0xFFFFFF80  }
0x14: {  	v0 =	vld [tilespmem:$0x9080];
	_ =	sdelay $0x4  }
0x15: {  	v0 =	vcvt.s32.f32 v0  }
0x16: {  	vm0 =	vcmask $0x308  }
0x17: {  	vm14 =	vcmask $0x70C;
	v1 =	vsel vm0, $0x0, v0  }
0x18: {  	vm15 =	vcmask $0xB10;
	(xrf2) =	vadd.scan.msk.f32 $0xffff, v1;
	v1 =	vsel vm14, $0x0, v0  }
0x19: {  	v0 =	vsel vm15, $0x0, v0;
	(xrf2) =	vadd.scan.msk.f32 $0xffff, v1  }
0x1a: {  	(xrf2) =	vadd.scan.msk.f32 $0xffff, v0;
	_ =	sdelay $0x7  }
0x1b: {  	v0, _, _ =	vpop (xrf2)  }
0x1c: {  	v1, _, _ =	vpop (xrf2);
	(v2sf) =	vpush v0, $0xF  }
0x1d: {  	(v2sf) =	vpush v1, $0xF;
	v0, _, _ =	vpop (xrf2)  }
0x1e: {  	(v2sf) =	vpush v0, $0xF;
	_ =	sdelay $0xa  }
0x1f: {  	v30 =	vld [tilespmem:$0x9000]  }
0x20: {  	v2 =	vld [tilespmem:$0x9020]  }
0x21: {  	v3 =	vld [tilespmem:$0x9030];
	s29 =	spop (v2sf)  }
0x22: {  	v4 =	vld [tilespmem:$0x9040];
	s30 =	spop (v2sf)  }
0x23: {  	v5 =	vld [tilespmem:$0x9050];
	s10 =	scvt.f32.s32 s29;
	s31 =	spop (v2sf)  }
0x24: {  	v48 =	vimm.f32 $0.0e+00;
	v41 =	vimm.f32 $0.0e+00;
	v44 =	vimm.f32 $0.0e+00;
	s13 =	simm.s32 $0x400;
	v6 =	vld [tilespmem:$0x9060];
	s9 =	scvt.f32.s32 s30;
	s8 =	scvt.f32.s32 s31  }
0x25: {  	v53 =	vimm.f32 $0.0e+00;
	v56 =	vimm.f32 $0.0e+00;
	v63 =	vimm.f32 $0.0e+00;
	s14 =	simm.s32 $0x8080;
	s11 =	sshll.u32 s6, $0x8;
	s12 =	sadd.s32 $0xA00, s4;
	v7 =	vld [tilespmem:$0x9070]  }
0x26: {  	v61 =	vimm.f32 $0.0e+00;
	v23 =	vimm.f32 $0.0e+00;
	v33 =	vimm.f32 $0.0e+00;
	v1 =	vld [tilespmem:$0x9010];
	s3 =	ssub.s32 s10, s11;
	s4 =	ssub.s32 s9, s11;
	s5 =	ssub.s32 s8, s11  }
.LBB2_1:
0x27: {  	v8 =	vld [tilespmem:s13+$0xFFFFFC00]  }
0x28: {  	v9 =	vld [tilespmem:s13+$0xFFFFFC10];
	_ =	sdelay $0x1  }
0x29: {  	v10 =	vld [tilespmem:s13+$0xFFFFFC20];
	_ =	sdelay $0x1  }
0x2a: {  	v11 =	vld [tilespmem:s13+$0xFFFFFC30]  }
0x2b: {  	v0 =	vmul.f32 v8, v30;
	v13 =	vmul.f32 v9, v1  }
0x2c: {  	v12 =	vld [tilespmem:s13+$0xFFFFFC40]  }
0x2d: {  	v36 =	vmul.f32 v10, v2;
	v0 =	vadd.f32 v13, v0  }
0x2e: {  	v16 =	vld [tilespmem:s13+$0xFFFFFC50]  }
0x2f: {  	v37 =	vmul.f32 v11, v3;
	v0 =	vadd.f32 v36, v0  }
0x30: {  	v14 =	vld [tilespmem:s13+$0xFFFFFC60]  }
0x31: {  	v38 =	vmul.f32 v12, v4;
	v0 =	vadd.f32 v37, v0  }
0x32: {  	v15 =	vld [tilespmem:s13+$0xFFFFFC70]  }
0x33: {  	v39 =	vmul.f32 v16, v5;
	v0 =	vadd.f32 v38, v0;
	_ =	sdelay $0x1  }
0x34: {  	v40 =	vmul.f32 v14, v6;
	v0 =	vadd.f32 v39, v0;
	_ =	sdelay $0x1  }
0x35: {  	v42 =	vmul.f32 v15, v7;
	v0 =	vadd.f32 v40, v0;
	_ =	sdelay $0x1  }
0x36: {  	v0 =	vadd.f32 v42, v0;
	_ =	sdelay $0x1  }
0x37: {  	(xrf2) =	vadd.scan.msk.f32 $0xffff, v0;
	_ =	sdelay $0x9  }
0x38: {  	v0, _, _ =	vpop (xrf2)  }
0x39: {  	v0 =	vmul.f32 $1.442695020e+00, v0;
	_ =	sdelay $0x1  }
0x3a: {  	v0 =	vbroadcast v0, $0xF;
	_ =	sdelay $0x1  }
0x3b: {  	(erf) = vpow2.f32 v0;
	_ =	sdelay $0x8  }
0x3c: {  	v58 =	vpop (erf)  }
0x3d: {  	[tilespmem:s14+$0xFFFFFF80] =	vst v58  }
0x3e: {  	v13 =	vld [tilespmem:s13+$0xFFFFFC80]  }
0x3f: {  	v18 =	vld [tilespmem:s13+$0xFFFFFC90];
	_ =	sdelay $0x1  }
0x40: {  	v19 =	vld [tilespmem:s13+$0xFFFFFCA0];
	_ =	sdelay $0x1  }
0x41: {  	v20 =	vld [tilespmem:s13+$0xFFFFFCB0]  }
0x42: {  	v0 =	vmul.f32 v13, v30;
	v17 =	vmul.f32 v18, v1  }
0x43: {  	v22 =	vld [tilespmem:s13+$0xFFFFFCC0]  }
0x44: {  	v43 =	vmul.f32 v19, v2;
	v0 =	vadd.f32 v17, v0  }
0x45: {  	v32 =	vld [tilespmem:s13+$0xFFFFFCD0]  }
0x46: {  	v45 =	vmul.f32 v20, v3;
	v0 =	vadd.f32 v43, v0  }
0x47: {  	v27 =	vld [tilespmem:s13+$0xFFFFFCE0]  }
0x48: {  	v46 =	vmul.f32 v22, v4;
	v0 =	vadd.f32 v45, v0  }
0x49: {  	v28 =	vld [tilespmem:s13+$0xFFFFFCF0]  }
0x4a: {  	v47 =	vmul.f32 v32, v5;
	v0 =	vadd.f32 v46, v0;
	_ =	sdelay $0x1  }
0x4b: {  	v49 =	vmul.f32 v27, v6;
	v0 =	vadd.f32 v47, v0;
	_ =	sdelay $0x1  }
0x4c: {  	v50 =	vmul.f32 v28, v7;
	v0 =	vadd.f32 v49, v0;
	_ =	sdelay $0x1  }
0x4d: {  	v0 =	vadd.f32 v50, v0;
	_ =	sdelay $0x1  }
0x4e: {  	(xrf2) =	vadd.scan.msk.f32 $0xffff, v0;
	_ =	sdelay $0x9  }
0x4f: {  	v0, _, _ =	vpop (xrf2)  }
0x50: {  	v0 =	vmul.f32 $1.442695020e+00, v0;
	_ =	sdelay $0x1  }
0x51: {  	v0 =	vbroadcast v0, $0xF;
	_ =	sdelay $0x1  }
0x52: {  	(erf) = vpow2.f32 v0;
	_ =	sdelay $0x8  }
0x53: {  	v59 =	vpop (erf)  }
0x54: {  	[tilespmem:s14+$0xFFFFFF90] =	vst v59  }
0x55: {  	v25 =	vld [tilespmem:s13+$0xFFFFFD00]  }
0x56: {  	v29 =	vld [tilespmem:s13+$0xFFFFFD10];
	_ =	sdelay $0x1  }
0x57: {  	v35 =	vld [tilespmem:s13+$0xFFFFFD20];
	_ =	sdelay $0x1  }
0x58: {  	v45 =	vld [tilespmem:s13+$0xFFFFFD30]  }
0x59: {  	v0 =	vmul.f32 v25, v30;
	v51 =	vmul.f32 v29, v1  }
0x5a: {  	v36 =	vld [tilespmem:s13+$0xFFFFFD40]  }
0x5b: {  	v52 =	vmul.f32 v35, v2;
	v0 =	vadd.f32 v51, v0  }
0x5c: {  	v39 =	vld [tilespmem:s13+$0xFFFFFD50]  }
0x5d: {  	v54 =	vmul.f32 v45, v3;
	v0 =	vadd.f32 v52, v0  }
0x5e: {  	v34 =	vld [tilespmem:s13+$0xFFFFFD60]  }
0x5f: {  	v55 =	vmul.f32 v36, v4;
	v0 =	vadd.f32 v54, v0  }
0x60: {  	v37 =	vld [tilespmem:s13+$0xFFFFFD70]  }
0x61: {  	v57 =	vmul.f32 v39, v5;
	v0 =	vadd.f32 v55, v0;
	_ =	sdelay $0x1  }
0x62: {  	v60 =	vmul.f32 v34, v6;
	v0 =	vadd.f32 v57, v0;
	_ =	sdelay $0x1  }
0x63: {  	v62 =	vmul.f32 v37, v7;
	v0 =	vadd.f32 v60, v0;
	_ =	sdelay $0x1  }
0x64: {  	v0 =	vadd.f32 v62, v0;
	_ =	sdelay $0x1  }
0x65: {  	(xrf2) =	vadd.scan.msk.f32 $0xffff, v0;
	_ =	sdelay $0x9  }
0x66: {  	v0, _, _ =	vpop (xrf2)  }
0x67: {  	v0 =	vmul.f32 $1.442695020e+00, v0;
	_ =	sdelay $0x1  }
0x68: {  	v0 =	vbroadcast v0, $0xF;
	_ =	sdelay $0x1  }
0x69: {  	(erf) = vpow2.f32 v0;
	_ =	sdelay $0x8  }
0x6a: {  	v60 =	vpop (erf)  }
0x6b: {  	[tilespmem:s14+$0xFFFFFFA0] =	vst v60  }
0x6c: {  	v31 =	vld [tilespmem:s13+$0xFFFFFD80]  }
0x6d: {  	v38 =	vld [tilespmem:s13+$0xFFFFFD90];
	_ =	sdelay $0x1  }
0x6e: {  	v42 =	vld [tilespmem:s13+$0xFFFFFDA0];
	_ =	sdelay $0x1  }
0x6f: {  	v46 =	vld [tilespmem:s13+$0xFFFFFDB0]  }
0x70: {  	v0 =	vmul.f32 v31, v30;
	v24 =	vmul.f32 v38, v1  }
0x71: {  	v21 =	vld [tilespmem:s13+$0xFFFFFDC0]  }
0x72: {  	v26 =	vmul.f32 v42, v2;
	v0 =	vadd.f32 v24, v0  }
0x73: {  	v47 =	vld [tilespmem:s13+$0xFFFFFDD0]  }
0x74: {  	v40 =	vmul.f32 v46, v3;
	v0 =	vadd.f32 v26, v0  }
0x75: {  	v49 =	vld [tilespmem:s13+$0xFFFFFDE0]  }
0x76: {  	v43 =	vmul.f32 v21, v4;
	v0 =	vadd.f32 v40, v0  }
0x77: {  	[tilespmem:$0x1FB80] =	vst v21;
	v21 =	vld [tilespmem:s13+$0xFFFFFDF0]  }
0x78: {  	v50 =	vmul.f32 v47, v5;
	v0 =	vadd.f32 v43, v0;
	_ =	sdelay $0x1  }
0x79: {  	v51 =	vmul.f32 v49, v6;
	v0 =	vadd.f32 v50, v0;
	_ =	sdelay $0x1  }
0x7a: {  	v52 =	vmul.f32 v21, v7;
	v0 =	vadd.f32 v51, v0;
	_ =	sdelay $0x1  }
0x7b: {  	v0 =	vadd.f32 v52, v0;
	_ =	sdelay $0x1  }
0x7c: {  	(xrf2) =	vadd.scan.msk.f32 $0xffff, v0;
	_ =	sdelay $0x9  }
0x7d: {  	v0, _, _ =	vpop (xrf2)  }
0x7e: {  	v0 =	vmul.f32 $1.442695020e+00, v0;
	_ =	sdelay $0x1  }
0x7f: {  	v0 =	vbroadcast v0, $0xF;
	_ =	sdelay $0x1  }
0x80: {  	(erf) = vpow2.f32 v0;
	_ =	sdelay $0x8  }
0x81: {  	v62 =	vpop (erf)  }
0x82: {  	[tilespmem:s14+$0xFFFFFFB0] =	vst v62  }
0x83: {  	v0 =	vld [tilespmem:s13+$0xFFFFFE00]  }
0x84: {  	v26 =	vld [tilespmem:s13+$0xFFFFFE10];
	_ =	sdelay $0x1  }
0x85: {  	[tilespmem:$0x1FB90] =	vst v21;
	v21 =	vld [tilespmem:s13+$0xFFFFFE20];
	_ =	sdelay $0x1  }
0x86: {  	v24 =	vld [tilespmem:s13+$0xFFFFFE30]  }
0x87: {  	[tilespmem:$0x1FBA0] =	vst v0;
	v0 =	vmul.f32 v0, v30;
	v54 =	vmul.f32 v26, v1  }
0x88: {  	v55 =	vld [tilespmem:s13+$0xFFFFFE40]  }
0x89: {  	v57 =	vmul.f32 v21, v2;
	v0 =	vadd.f32 v54, v0  }
0x8a: {  	[tilespmem:$0x1FBC0] =	vst v21;
	v21 =	vld [tilespmem:s13+$0xFFFFFE50]  }
0x8b: {  	[tilespmem:$0x1FBD0] =	vst v24;
	v24 =	vmul.f32 v24, v3;
	v0 =	vadd.f32 v57, v0  }
0x8c: {  	v40 =	vld [tilespmem:s13+$0xFFFFFE60]  }
0x8d: {  	v43 =	vmul.f32 v55, v4;
	v0 =	vadd.f32 v24, v0  }
0x8e: {  	v50 =	vld [tilespmem:s13+$0xFFFFFE70]  }
0x8f: {  	v51 =	vmul.f32 v21, v5;
	v0 =	vadd.f32 v43, v0;
	_ =	sdelay $0x1  }
0x90: {  	v52 =	vmul.f32 v40, v6;
	v0 =	vadd.f32 v51, v0;
	_ =	sdelay $0x1  }
0x91: {  	v54 =	vmul.f32 v50, v7;
	v0 =	vadd.f32 v52, v0;
	_ =	sdelay $0x1  }
0x92: {  	v0 =	vadd.f32 v54, v0;
	_ =	sdelay $0x1  }
0x93: {  	(xrf2) =	vadd.scan.msk.f32 $0xffff, v0;
	_ =	sdelay $0x9  }
0x94: {  	v0, _, _ =	vpop (xrf2)  }
0x95: {  	v0 =	vmul.f32 $1.442695020e+00, v0;
	_ =	sdelay $0x1  }
0x96: {  	v0 =	vbroadcast v0, $0xF;
	_ =	sdelay $0x1  }
0x97: {  	(erf) = vpow2.f32 v0;
	_ =	sdelay $0x8  }
0x98: {  	[tilespmem:$0x1FC00] =	vst v40;
	v40 =	vpop (erf)  }
0x99: {  	[tilespmem:s14+$0xFFFFFFC0] =	vst v40  }
0x9a: {  	v0 =	vld [tilespmem:s13+$0xFFFFFE80]  }
0x9b: {  	[tilespmem:$0x1FBE0] =	vst v55;
	v55 =	vld [tilespmem:s13+$0xFFFFFE90];
	_ =	sdelay $0x1  }
0x9c: {  	v57 =	vld [tilespmem:s13+$0xFFFFFEA0]  }
0x9d: {  	[tilespmem:$0x1FBB0] =	vst v26  }
0x9e: {  	[tilespmem:$0x1FBF0] =	vst v21;
	v21 =	vld [tilespmem:s13+$0xFFFFFEB0]  }
0x9f: {  	[tilespmem:$0x1FC20] =	vst v0;
	v0 =	vmul.f32 v0, v30;
	v26 =	vmul.f32 v55, v1  }
0xa0: {  	v43 =	vld [tilespmem:s13+$0xFFFFFEC0]  }
0xa1: {  	[tilespmem:$0x1FC10] =	vst v50;
	v50 =	vmul.f32 v57, v2;
	v0 =	vadd.f32 v26, v0  }
0xa2: {  	v51 =	vld [tilespmem:s13+$0xFFFFFED0]  }
0xa3: {  	v52 =	vmul.f32 v21, v3;
	v0 =	vadd.f32 v50, v0  }
0xa4: {  	v54 =	vld [tilespmem:s13+$0xFFFFFEE0]  }
0xa5: {  	[tilespmem:$0x1FC30] =	vst v55;
	v55 =	vmul.f32 v43, v4;
	v0 =	vadd.f32 v52, v0  }
0xa6: {  	[tilespmem:$0x1FC50] =	vst v21;
	v21 =	vld [tilespmem:s13+$0xFFFFFEF0]  }
0xa7: {  	[tilespmem:$0x1FC40] =	vst v57;
	v57 =	vmul.f32 v51, v5;
	v0 =	vadd.f32 v55, v0;
	_ =	sdelay $0x1  }
0xa8: {  	v26 =	vmul.f32 v54, v6;
	v0 =	vadd.f32 v57, v0;
	_ =	sdelay $0x1  }
0xa9: {  	[tilespmem:$0x1FC60] =	vst v43;
	v43 =	vmul.f32 v21, v7;
	v0 =	vadd.f32 v26, v0;
	_ =	sdelay $0x1  }
0xaa: {  	v0 =	vadd.f32 v43, v0;
	_ =	sdelay $0x1  }
0xab: {  	(xrf2) =	vadd.scan.msk.f32 $0xffff, v0;
	_ =	sdelay $0x9  }
0xac: {  	v0, _, _ =	vpop (xrf2)  }
0xad: {  	v0 =	vmul.f32 $1.442695020e+00, v0;
	_ =	sdelay $0x1  }
0xae: {  	v0 =	vbroadcast v0, $0xF;
	_ =	sdelay $0x1  }
0xaf: {  	(erf) = vpow2.f32 v0;
	_ =	sdelay $0x8  }
0xb0: {  	v26 =	vpop (erf)  }
0xb1: {  	[tilespmem:s14+$0xFFFFFFD0] =	vst v26  }
0xb2: {  	v0 =	vld [tilespmem:s13+$0xFFFFFF00]  }
0xb3: {  	v50 =	vld [tilespmem:s13+$0xFFFFFF10];
	_ =	sdelay $0x1  }
0xb4: {  	[tilespmem:$0x1FC70] =	vst v51;
	v51 =	vld [tilespmem:s13+$0xFFFFFF20];
	_ =	sdelay $0x1  }
0xb5: {  	[tilespmem:$0x1FC90] =	vst v21;
	v21 =	vld [tilespmem:s13+$0xFFFFFF30]  }
0xb6: {  	[tilespmem:$0x1FCA0] =	vst v0;
	v0 =	vmul.f32 v0, v30;
	v52 =	vmul.f32 v50, v1  }
0xb7: {  	[tilespmem:$0x1FC80] =	vst v54;
	v54 =	vld [tilespmem:s13+$0xFFFFFF40]  }
0xb8: {  	v55 =	vmul.f32 v51, v2;
	v0 =	vadd.f32 v52, v0  }
0xb9: {  	v57 =	vld [tilespmem:s13+$0xFFFFFF50]  }
0xba: {  	[tilespmem:$0x1FCB0] =	vst v50;
	v50 =	vmul.f32 v21, v3;
	v0 =	vadd.f32 v55, v0  }
0xbb: {  	[tilespmem:$0x1FCD0] =	vst v21;
	v21 =	vld [tilespmem:s13+$0xFFFFFF60]  }
0xbc: {  	[tilespmem:$0x1FCC0] =	vst v51;
	v51 =	vmul.f32 v54, v4;
	v0 =	vadd.f32 v50, v0  }
0xbd: {  	v52 =	vld [tilespmem:s13+$0xFFFFFF70]  }
0xbe: {  	[tilespmem:$0x1FCE0] =	vst v54;
	v54 =	vmul.f32 v57, v5;
	v0 =	vadd.f32 v51, v0;
	_ =	sdelay $0x1  }
0xbf: {  	v55 =	vmul.f32 v21, v6;
	v0 =	vadd.f32 v54, v0;
	_ =	sdelay $0x1  }
0xc0: {  	[tilespmem:$0x1FCF0] =	vst v57;
	v57 =	vmul.f32 v52, v7;
	v0 =	vadd.f32 v55, v0;
	_ =	sdelay $0x1  }
0xc1: {  	v0 =	vadd.f32 v57, v0;
	_ =	sdelay $0x1  }
0xc2: {  	(xrf2) =	vadd.scan.msk.f32 $0xffff, v0;
	_ =	sdelay $0x9  }
0xc3: {  	v0, _, _ =	vpop (xrf2)  }
0xc4: {  	v0 =	vmul.f32 $1.442695020e+00, v0;
	_ =	sdelay $0x1  }
0xc5: {  	v0 =	vbroadcast v0, $0xF;
	_ =	sdelay $0x1  }
0xc6: {  	(erf) = vpow2.f32 v0;
	_ =	sdelay $0x8  }
0xc7: {  	v24 =	vpop (erf)  }
0xc8: {  	[tilespmem:s14+$0xFFFFFFE0] =	vst v24  }
0xc9: {  	v0 =	vld [tilespmem:s13+$0xFFFFFF80]  }
0xca: {  	v17 =	vld [tilespmem:s13+$0xFFFFFF90];
	_ =	sdelay $0x1  }
0xcb: {  	v50 =	vld [tilespmem:s13+$0xFFFFFFA0]  }
0xcc: {  	[tilespmem:$0x1FD00] =	vst v21  }
0xcd: {  	[tilespmem:$0x1FD10] =	vst v52;
	v21 =	vld [tilespmem:s13+$0xFFFFFFB0]  }
0xce: {  	[tilespmem:$0x1FD20] =	vst v0;
	v0 =	vmul.f32 v0, v30;
	v52 =	vmul.f32 v17, v1  }
0xcf: {  	v43 =	vld [tilespmem:s13+$0xFFFFFFC0]  }
0xd0: {  	v54 =	vmul.f32 v50, v2;
	v0 =	vadd.f32 v52, v0  }
0xd1: {  	v55 =	vld [tilespmem:s13+$0xFFFFFFD0]  }
0xd2: {  	v57 =	vmul.f32 v21, v3;
	v0 =	vadd.f32 v54, v0  }
0xd3: {  	v51 =	vld [tilespmem:s13+$0xFFFFFFE0]  }
0xd4: {  	[tilespmem:$0x1FD60] =	vst v43;
	v43 =	vmul.f32 v43, v4;
	v0 =	vadd.f32 v57, v0  }
0xd5: {  	[tilespmem:$0x1FD50] =	vst v21;
	v21 =	vld [tilespmem:s13+$0xFFFFFFF0]  }
0xd6: {  	v52 =	vmul.f32 v55, v5;
	v0 =	vadd.f32 v43, v0;
	_ =	sdelay $0x1  }
0xd7: {  	v54 =	vmul.f32 v51, v6;
	v0 =	vadd.f32 v52, v0;
	_ =	sdelay $0x1  }
0xd8: {  	[tilespmem:$0x1FD70] =	vst v55;
	v55 =	vmul.f32 v21, v7;
	v0 =	vadd.f32 v54, v0;
	_ =	sdelay $0x1  }
0xd9: {  	v0 =	vadd.f32 v55, v0;
	_ =	sdelay $0x1  }
0xda: {  	(xrf2) =	vadd.scan.msk.f32 $0xffff, v0;
	_ =	sdelay $0x9  }
0xdb: {  	v0, _, _ =	vpop (xrf2)  }
0xdc: {  	v0 =	vmul.f32 $1.442695020e+00, v0;
	_ =	sdelay $0x1  }
0xdd: {  	v0 =	vbroadcast v0, $0xF;
	_ =	sdelay $0x1  }
0xde: {  	(erf) = vpow2.f32 v0;
	_ =	sdelay $0x8  }
0xdf: {  	[tilespmem:$0x1FD30] =	vst v17;
	v17 =	vpop (erf)  }
0xe0: {  	[tilespmem:s14+$0xFFFFFFF0] =	vst v17  }
0xe1: {  	v0 =	vld [tilespmem:s13+$0x0]  }
0xe2: {  	v57 =	vld [tilespmem:s13+$0x10];
	_ =	sdelay $0x1  }
0xe3: {  	v54 =	vld [tilespmem:s13+$0x20];
	_ =	sdelay $0x1  }
0xe4: {  	[tilespmem:$0x1FD90] =	vst v21;
	v55 =	vld [tilespmem:s13+$0x30]  }
0xe5: {  	[tilespmem:$0x1FDA0] =	vst v0;
	v0 =	vmul.f32 v0, v30;
	v21 =	vmul.f32 v57, v1  }
0xe6: {  	[tilespmem:$0x1FDB0] =	vst v57;
	v57 =	vld [tilespmem:s13+$0x40]  }
0xe7: {  	v0 =	vadd.f32 v21, v0;
	v21 =	vmul.f32 v54, v2  }
0xe8: {  	[tilespmem:$0x1FD80] =	vst v51;
	v51 =	vld [tilespmem:s13+$0x50]  }
0xe9: {  	v0 =	vadd.f32 v21, v0;
	v21 =	vmul.f32 v55, v3  }
0xea: {  	v52 =	vld [tilespmem:s13+$0x60]  }
0xeb: {  	v0 =	vadd.f32 v21, v0;
	v21 =	vmul.f32 v57, v4  }
0xec: {  	[tilespmem:$0x1FDE0] =	vst v57;
	v57 =	vld [tilespmem:s13+$0x70]  }
0xed: {  	v0 =	vadd.f32 v21, v0;
	v21 =	vmul.f32 v51, v5;
	_ =	sdelay $0x1  }
0xee: {  	v0 =	vadd.f32 v21, v0;
	v21 =	vmul.f32 v52, v6;
	_ =	sdelay $0x1  }
0xef: {  	v0 =	vadd.f32 v21, v0;
	v21 =	vmul.f32 v57, v7;
	_ =	sdelay $0x1  }
0xf0: {  	v0 =	vadd.f32 v21, v0;
	_ =	sdelay $0x1  }
0xf1: {  	(xrf2) =	vadd.scan.msk.f32 $0xffff, v0;
	_ =	sdelay $0x9  }
0xf2: {  	v0, _, _ =	vpop (xrf2)  }
0xf3: {  	v0 =	vmul.f32 $1.442695020e+00, v0;
	_ =	sdelay $0x1  }
0xf4: {  	v0 =	vbroadcast v0, $0xF;
	_ =	sdelay $0x1  }
0xf5: {  	(erf) = vpow2.f32 v0;
	_ =	sdelay $0x8  }
0xf6: {  	v0 =	vpop (erf)  }
0xf7: {  	[tilespmem:s14+$0x0] =	vst v0  }
0xf8: {  	v21 =	vld [tilespmem:s13+$0x80]  }
0xf9: {  	v43 =	vld [tilespmem:s13+$0x90];
	_ =	sdelay $0x1  }
0xfa: {  	[tilespmem:$0x1FDF0] =	vst v51;
	v51 =	vld [tilespmem:s13+$0xA0]  }
0xfb: {  	[tilespmem:$0x1FD40] =	vst v50  }
0xfc: {  	v50 =	vld [tilespmem:s13+$0xB0];
	[tilespmem:$0x1FE20] =	vst v21  }
0xfd: {  	[tilespmem:$0x1FE30] =	vst v43;
	v21 =	vmul.f32 v21, v30;
	v43 =	vmul.f32 v43, v1  }
0xfe: {  	[tilespmem:$0x1FE10] =	vst v57;
	v57 =	vld [tilespmem:s13+$0xC0]  }
0xff: {  	[tilespmem:$0x1FDC0] =	vst v54;
	v54 =	vmul.f32 v51, v2;
	v21 =	vadd.f32 v43, v21  }
0x100: {  	[tilespmem:$0x1FE40] =	vst v51;
	v51 =	vld [tilespmem:s13+$0xD0]  }
0x101: {  	[tilespmem:$0x1FDD0] =	vst v55;
	v55 =	vmul.f32 v50, v3;
	v21 =	vadd.f32 v54, v21  }
0x102: {  	[tilespmem:$0x1FE50] =	vst v50;
	v50 =	vld [tilespmem:s13+$0xE0]  }
0x103: {  	v43 =	vmul.f32 v57, v4;
	v21 =	vadd.f32 v55, v21  }
0x104: {  	[tilespmem:$0x1FE60] =	vst v57;
	v57 =	vld [tilespmem:s13+$0xF0]  }
0x105: {  	v54 =	vmul.f32 v51, v5;
	v21 =	vadd.f32 v43, v21;
	_ =	sdelay $0x1  }
0x106: {  	v55 =	vmul.f32 v50, v6;
	v21 =	vadd.f32 v54, v21;
	_ =	sdelay $0x1  }
0x107: {  	[tilespmem:$0x1FE90] =	vst v57;
	v57 =	vmul.f32 v57, v7;
	v21 =	vadd.f32 v55, v21;
	_ =	sdelay $0x1  }
0x108: {  	v21 =	vadd.f32 v57, v21;
	_ =	sdelay $0x1  }
0x109: {  	(xrf2) =	vadd.scan.msk.f32 $0xffff, v21;
	_ =	sdelay $0x9  }
0x10a: {  	v21, _, _ =	vpop (xrf2)  }
0x10b: {  	v21 =	vmul.f32 $1.442695020e+00, v21;
	_ =	sdelay $0x1  }
0x10c: {  	v21 =	vbroadcast v21, $0xF;
	_ =	sdelay $0x1  }
0x10d: {  	(erf) = vpow2.f32 v21;
	_ =	sdelay $0x8  }
0x10e: {  	[tilespmem:$0x1FE80] =	vst v50;
	v50 =	vpop (erf)  }
0x10f: {  	[tilespmem:s14+$0x10] =	vst v50  }
0x110: {  	v21 =	vld [tilespmem:s13+$0x100]  }
0x111: {  	v43 =	vld [tilespmem:s13+$0x110];
	_ =	sdelay $0x1  }
0x112: {  	v54 =	vld [tilespmem:s13+$0x120];
	_ =	sdelay $0x1  }
0x113: {  	[tilespmem:$0x1FE00] =	vst v52;
	v52 =	vld [tilespmem:s13+$0x130]  }
0x114: {  	[tilespmem:$0x1FEA0] =	vst v21;
	v21 =	vmul.f32 v21, v30;
	v55 =	vmul.f32 v43, v1  }
0x115: {  	[tilespmem:$0x1FE70] =	vst v51;
	v51 =	vld [tilespmem:s13+$0x140]  }
0x116: {  	v57 =	vmul.f32 v54, v2;
	v21 =	vadd.f32 v55, v21  }
0x117: {  	[tilespmem:$0x1FEC0] =	vst v54;
	v54 =	vld [tilespmem:s13+$0x150]  }
0x118: {  	v21 =	vadd.f32 v57, v21;
	v57 =	vmul.f32 v52, v3  }
0x119: {  	[tilespmem:$0x1FED0] =	vst v52;
	v52 =	vld [tilespmem:s13+$0x160]  }
0x11a: {  	v21 =	vadd.f32 v57, v21;
	v57 =	vmul.f32 v51, v4  }
0x11b: {  	v55 =	vld [tilespmem:s13+$0x170]  }
0x11c: {  	v21 =	vadd.f32 v57, v21;
	v57 =	vmul.f32 v54, v5;
	_ =	sdelay $0x1  }
0x11d: {  	[tilespmem:$0x1FEF0] =	vst v54;
	v54 =	vmul.f32 v52, v6;
	v21 =	vadd.f32 v57, v21;
	_ =	sdelay $0x1  }
0x11e: {  	[tilespmem:$0x1FF10] =	vst v55;
	v55 =	vmul.f32 v55, v7;
	v21 =	vadd.f32 v54, v21;
	_ =	sdelay $0x1  }
0x11f: {  	v21 =	vadd.f32 v55, v21;
	_ =	sdelay $0x1  }
0x120: {  	(xrf2) =	vadd.scan.msk.f32 $0xffff, v21;
	_ =	sdelay $0x9  }
0x121: {  	v21, _, _ =	vpop (xrf2)  }
0x122: {  	v21 =	vmul.f32 $1.442695020e+00, v21;
	_ =	sdelay $0x1  }
0x123: {  	v21 =	vbroadcast v21, $0xF;
	_ =	sdelay $0x1  }
0x124: {  	(erf) = vpow2.f32 v21;
	_ =	sdelay $0x8  }
0x125: {  	[tilespmem:$0x1FEB0] =	vst v43;
	v43 =	vpop (erf)  }
0x126: {  	[tilespmem:s14+$0x20] =	vst v43  }
0x127: {  	v21 =	vld [tilespmem:s13+$0x180]  }
0x128: {  	v57 =	vld [tilespmem:s13+$0x190];
	_ =	sdelay $0x1  }
0x129: {  	[tilespmem:$0x1FEE0] =	vst v51;
	v51 =	vld [tilespmem:s13+$0x1A0]  }
0x12a: {  	[tilespmem:$0x1FF00] =	vst v52  }
0x12b: {  	v52 =	vld [tilespmem:s13+$0x1B0];
	[tilespmem:$0x1FF20] =	vst v21  }
0x12c: {  	[tilespmem:$0x1FF30] =	vst v57;
	v21 =	vmul.f32 v21, v30;
	v57 =	vmul.f32 v57, v1  }
0x12d: {  	v54 =	vld [tilespmem:s13+$0x1C0]  }
0x12e: {  	v55 =	vmul.f32 v51, v2;
	v21 =	vadd.f32 v57, v21  }
0x12f: {  	[tilespmem:$0x1FF40] =	vst v51;
	v51 =	vld [tilespmem:s13+$0x1D0]  }
0x130: {  	v57 =	vmul.f32 v52, v3;
	v21 =	vadd.f32 v55, v21  }
0x131: {  	[tilespmem:$0x1FF50] =	vst v52;
	v52 =	vld [tilespmem:s13+$0x1E0]  }
0x132: {  	v21 =	vadd.f32 v57, v21;
	v57 =	vmul.f32 v54, v4  }
0x133: {  	[tilespmem:$0x1FF60] =	vst v54;
	v54 =	vld [tilespmem:s13+$0x1F0]  }
0x134: {  	[tilespmem:$0x1FF70] =	vst v51;
	v51 =	vmul.f32 v51, v5;
	v21 =	vadd.f32 v57, v21;
	_ =	sdelay $0x1  }
0x135: {  	[tilespmem:$0x1FF80] =	vst v52;
	v52 =	vmul.f32 v52, v6;
	v21 =	vadd.f32 v51, v21;
	_ =	sdelay $0x1  }
0x136: {  	v55 =	vmul.f32 v54, v7;
	v21 =	vadd.f32 v52, v21;
	_ =	sdelay $0x1  }
0x137: {  	v21 =	vadd.f32 v55, v21;
	_ =	sdelay $0x1  }
0x138: {  	(xrf2) =	vadd.scan.msk.f32 $0xffff, v21;
	_ =	sdelay $0x9  }
0x139: {  	v21, _, _ =	vpop (xrf2)  }
0x13a: {  	v21 =	vmul.f32 $1.442695020e+00, v21;
	_ =	sdelay $0x1  }
0x13b: {  	v21 =	vbroadcast v21, $0xF;
	_ =	sdelay $0x1  }
0x13c: {  	(erf) = vpow2.f32 v21;
	_ =	sdelay $0x8  }
0x13d: {  	v21 =	vpop (erf)  }
0x13e: {  	[tilespmem:s14+$0x30] =	vst v21  }
0x13f: {  	v57 =	vld [tilespmem:s13+$0x200]  }
0x140: {  	[tilespmem:$0x1FF90] =	vst v54;
	v54 =	vld [tilespmem:s13+$0x210];
	_ =	sdelay $0x1  }
0x141: {  	v51 =	vld [tilespmem:s13+$0x220];
	_ =	sdelay $0x1  }
0x142: {  	v55 =	vld [tilespmem:s13+$0x230]  }
0x143: {  	[tilespmem:$0x1FFA0] =	vst v57;
	v57 =	vmul.f32 v57, v30;
	v52 =	vmul.f32 v54, v1  }
0x144: {  	[tilespmem:$0x1FFB0] =	vst v54;
	v54 =	vld [tilespmem:s13+$0x240]  }
0x145: {  	v52 =	vadd.f32 v52, v57;
	v57 =	vmul.f32 v51, v2  }
0x146: {  	[tilespmem:$0x1FFC0] =	vst v51;
	v51 =	vld [tilespmem:s13+$0x250]  }
0x147: {  	v52 =	vadd.f32 v57, v52;
	v57 =	vmul.f32 v55, v3  }
0x148: {  	[tilespmem:$0x1FFD0] =	vst v55;
	v55 =	vld [tilespmem:s13+$0x260]  }
0x149: {  	v52 =	vadd.f32 v57, v52;
	v57 =	vmul.f32 v54, v4  }
0x14a: {  	[tilespmem:$0x1FFE0] =	vst v54;
	v54 =	vld [tilespmem:s13+$0x270]  }
0x14b: {  	[tilespmem:$0x1FFF0] =	vst v51;
	v51 =	vmul.f32 v51, v5;
	v52 =	vadd.f32 v57, v52;
	_ =	sdelay $0x1  }
0x14c: {  	v52 =	vadd.f32 v51, v52;
	v51 =	vmul.f32 v55, v6;
	_ =	sdelay $0x1  }
0x14d: {  	v57 =	vmul.f32 v54, v7;
	v52 =	vadd.f32 v51, v52;
	_ =	sdelay $0x1  }
0x14e: {  	v52 =	vadd.f32 v57, v52;
	_ =	sdelay $0x1  }
0x14f: {  	(xrf2) =	vadd.scan.msk.f32 $0xffff, v52;
	_ =	sdelay $0x9  }
0x150: {  	v52, _, _ =	vpop (xrf2)  }
0x151: {  	v52 =	vmul.f32 $1.442695020e+00, v52;
	_ =	sdelay $0x1  }
0x152: {  	v52 =	vbroadcast v52, $0xF;
	_ =	sdelay $0x1  }
0x153: {  	s17 =	sadd.s32 s7, s4;
	(erf) = vpow2.f32 v52  }
0x154: {  	s16 =	sadd.s32 s7, s3;
	s19 =	simm.f32 $0.0e+00;
	p0 =	seq.s32 s17, $0x0  }
0x155: {  	s15 =	sadd.s32 s7, s5;
	p1 =	seq.s32 s16, $0x0;
	s19 =	simm.s32 @!p0 $0x3F800000  }
0x156: {  	p0 =	seq.s32 s15, $0x0;
	s19 =	simm.s32 @p1 $0x0  }
0x157: {  	s19 =	simm.s32 @p0 $0x0  }
0x158: {  	v56 =	vmul.f32 s19, v56;
	v33 =	vmul.f32 s19, v33  }
0x159: {  	v8 =	vmul.f32 v58, v8;
	v9 =	vmul.f32 v58, v9  }
0x15a: {  	s18 =	simm.f32 $0.0e+00;
	p0 =	seq.s32 s17, $0x1;
	v10 =	vmul.f32 v58, v10;
	v11 =	vmul.f32 v58, v11  }
0x15b: {  	p1 =	seq.s32 s16, $0x1;
	s18 =	simm.s32 @!p0 $0x3F800000;
	v12 =	vmul.f32 v58, v12;
	v16 =	vmul.f32 v58, v16  }
0x15c: {  	p0 =	seq.s32 s15, $0x1;
	s18 =	simm.s32 @p1 $0x0;
	v11 =	vadd.f32 v11, v56;
	v57 =	vmul.f32 s19, v61;
	v52 =	vmul.f32 s19, v23;
	v23 =	vpop (erf)  }
0x15d: {  	s18 =	simm.s32 @p0 $0x0;
	v14 =	vmul.f32 v58, v14;
	v15 =	vmul.f32 v58, v15;
	[tilespmem:s14+$0x40] =	vst v23  }
0x15e: {  	v11 =	vmul.f32 s18, v11;
	v20 =	vmul.f32 v59, v20;
	v9 =	vadd.f32 v9, v57;
	v61 =	vld [tilespmem:s13+$0x280]  }
0x15f: {  	v13 =	vmul.f32 v59, v13;
	v8 =	vadd.f32 v8, v52;
	v52 =	vmul.f32 s19, v63;
	v57 =	vld [tilespmem:s13+$0x290]  }
0x160: {  	v18 =	vmul.f32 v59, v18;
	v11 =	vadd.f32 v20, v11;
	v9 =	vmul.f32 s18, v9  }
0x161: {  	v20 =	vmul.f32 v59, v32;
	v10 =	vadd.f32 v10, v52;
	v52 =	vmul.f32 s19, v53;
	v56 =	vld [tilespmem:s13+$0x2A0]  }
0x162: {  	v9 =	vadd.f32 v18, v9;
	v18 =	vmul.f32 v59, v22;
	v63 =	vmul.f32 s19, v44  }
0x163: {  	v12 =	vadd.f32 v12, v52;
	v52 =	vadd.f32 v58, v33;
	v58 =	vmul.f32 s19, v41;
	v44 =	vld [tilespmem:s13+$0x2B0]  }
0x164: {  	v16 =	vadd.f32 v16, v63;
	v41 =	vmul.f32 v61, v30;
	v63 =	vmul.f32 v57, v1  }
0x165: {  	v22 =	vmul.f32 v59, v27;
	v14 =	vadd.f32 v14, v58;
	v58 =	vmul.f32 s19, v48;
	v48 =	vld [tilespmem:s13+$0x2C0]  }
0x166: {  	v27 =	vmul.f32 v60, v35;
	v53 =	vadd.f32 v63, v41;
	v63 =	vmul.f32 v56, v2  }
0x167: {  	v8 =	vmul.f32 s18, v8;
	v10 =	vmul.f32 s18, v10;
	v41 =	vld [tilespmem:s13+$0x2D0]  }
0x168: {  	v15 =	vadd.f32 v15, v58;
	v58 =	vadd.f32 v63, v53;
	v63 =	vmul.f32 v44, v3  }
0x169: {  	p0 =	seq.s32 s17, $0x2;
	v8 =	vadd.f32 v13, v8;
	v13 =	vmul.f32 v59, v19;
	v16 =	vmul.f32 s18, v16;
	s19 =	simm.f32 $0.0e+00;
	v53 =	vld [tilespmem:s13+$0x2E0]  }
0x16a: {  	p1 =	seq.s32 s16, $0x2;
	v12 =	vmul.f32 s18, v12;
	s19 =	simm.s32 @!p0 $0x3F800000;
	v58 =	vadd.f32 v63, v58;
	v63 =	vmul.f32 v48, v4  }
0x16b: {  	v10 =	vadd.f32 v13, v10;
	v52 =	vmul.f32 s18, v52;
	v16 =	vadd.f32 v20, v16;
	p0 =	seq.s32 s15, $0x2;
	s19 =	simm.s32 @p1 $0x0;
	v33 =	vld [tilespmem:s13+$0x2F0]  }
0x16c: {  	v20 =	vmul.f32 v60, v36;
	s19 =	simm.s32 @p0 $0x0;
	v58 =	vadd.f32 v63, v58;
	v63 =	vmul.f32 v41, v5  }
0x16d: {  	v12 =	vadd.f32 v18, v12;
	v14 =	vmul.f32 s18, v14;
	v10 =	vmul.f32 s19, v10  }
0x16e: {  	v51 =	vmovc v54;
	p0 =	seq.s32 s17, $0x3;
	v15 =	vmul.f32 s18, v15;
	s18 =	simm.f32 $0.0e+00;
	v54 =	vmul.f32 v53, v6;
	v13 =	vadd.f32 v63, v58  }
0x16f: {  	v18 =	vadd.f32 v59, v52;
	p1 =	seq.s32 s16, $0x3;
	v12 =	vmul.f32 s19, v12;
	s18 =	simm.s32 @!p0 $0x3F800000;
	v10 =	vadd.f32 v27, v10  }
0x170: {  	p0 =	seq.s32 s15, $0x3;
	s18 =	simm.s32 @p1 $0x0;
	v58 =	vmul.f32 v59, v28;
	v59 =	vmul.f32 v33, v7;
	v13 =	vadd.f32 v54, v13  }
0x171: {  	v12 =	vadd.f32 v20, v12;
	s18 =	simm.s32 @p0 $0x0  }
0x172: {  	v20 =	vmul.f32 v62, v42;
	v10 =	vmul.f32 s18, v10;
	v13 =	vadd.f32 v59, v13  }
0x173: {  	v32 =	vmul.f32 v60, v45  }
0x174: {  	v45 =	vmul.f32 v62, v31;
	v35 =	vmul.f32 v60, v39;
	v10 =	vadd.f32 v20, v10;
	v20 =	vld [tilespmem:$0x1FB80];
	(xrf2) =	vadd.scan.msk.f32 $0xffff, v13  }
0x175: {  	v36 =	vmul.f32 v60, v37;
	v52 =	vmul.f32 v62, v38  }
0x176: {  	v18 =	vmul.f32 s19, v18;
	v8 =	vmul.f32 s19, v8;
	v14 =	vadd.f32 v22, v14  }
0x177: {  	v9 =	vmul.f32 s19, v9;
	v11 =	vmul.f32 s19, v11  }
0x178: {  	v38 =	vld [tilespmem:$0x1FC30];
	v22 =	vmul.f32 v60, v34;
	v18 =	vadd.f32 v60, v18;
	v14 =	vmul.f32 s19, v14  }
0x179: {  	v11 =	vadd.f32 v32, v11;
	v12 =	vmul.f32 s18, v12;
	v20 =	vmul.f32 v62, v20  }
0x17a: {  	v37 =	vmul.f32 s19, v16;
	v39 =	vmul.f32 s18, v18;
	v14 =	vadd.f32 v22, v14  }
0x17b: {  	v11 =	vmul.f32 s18, v11;
	v12 =	vadd.f32 v20, v12;
	v20 =	vld [tilespmem:$0x1FC00];
	v63 =	vmul.f32 v60, v25  }
0x17c: {  	v16 =	vadd.f32 v62, v39;
	v25 =	vmul.f32 v60, v29;
	v60 =	vld [tilespmem:$0x1FB90];
	v15 =	vadd.f32 v58, v15  }
0x17d: {  	v14 =	vmul.f32 s18, v14;
	v39 =	vmul.f32 v26, v38;
	v8 =	vadd.f32 v63, v8;
	v63 =	vld [tilespmem:$0x1FBA0]  }
0x17e: {  	v9 =	vadd.f32 v25, v9;
	v54 =	vmul.f32 v62, v46;
	v15 =	vmul.f32 s19, v15;
	v22, _, _ =	vpop (xrf2)  }
0x17f: {  	p0 =	seq.s32 s17, $0x4;
	v46 =	vld [tilespmem:$0x1FC50];
	v8 =	vmul.f32 s18, v8;
	s19 =	simm.f32 $0.0e+00;
	v58 =	vmul.f32 $1.442695020e+00, v22  }
0x180: {  	p1 =	seq.s32 s16, $0x4;
	v9 =	vmul.f32 s18, v9;
	v59 =	vmul.f32 v62, v49;
	s19 =	simm.s32 @!p0 $0x3F800000  }
0x181: {  	v32 =	vld [tilespmem:$0x1FBC0];
	v20 =	vmul.f32 v40, v20;
	p0 =	seq.s32 s15, $0x4;
	v8 =	vadd.f32 v45, v8;
	s19 =	simm.s32 @p1 $0x0;
	v19 =	vbroadcast v58, $0xF  }
0x182: {  	v25 =	vmul.f32 v62, v60;
	v13 =	vadd.f32 v35, v37;
	s19 =	simm.s32 @p0 $0x0;
	v18 =	vmul.f32 v40, v63  }
0x183: {  	v15 =	vadd.f32 v36, v15;
	v8 =	vmul.f32 s19, v8;
	(erf) = vpow2.f32 v19  }
0x184: {  	v27 =	vld [tilespmem:$0x1FBB0];
	v9 =	vadd.f32 v52, v9;
	v28 =	vmul.f32 v26, v46;
	v13 =	vmul.f32 s18, v13  }
0x185: {  	v35 =	vld [tilespmem:$0x1FBE0];
	v15 =	vmul.f32 s18, v15;
	v18 =	vadd.f32 v18, v8;
	v8 =	vmul.f32 s19, v10  }
0x186: {  	v11 =	vadd.f32 v54, v11;
	v10 =	vmul.f32 v40, v32;
	v22 =	vmul.f32 v62, v47  }
0x187: {  	v34 =	vld [tilespmem:$0x1FBD0];
	v14 =	vadd.f32 v59, v14;
	p0 =	seq.s32 s17, $0x5;
	v16 =	vmul.f32 s19, v16;
	v9 =	vmul.f32 s19, v9;
	s18 =	simm.f32 $0.0e+00  }
0x188: {  	p1 =	seq.s32 s16, $0x5;
	s18 =	simm.s32 @!p0 $0x3F800000;
	v10 =	vadd.f32 v10, v8;
	v8 =	vmul.f32 s19, v12;
	v13 =	vadd.f32 v22, v13;
	v22 =	vld [tilespmem:$0x1FC10]  }
0x189: {  	v54 =	vld [tilespmem:$0x1FC80];
	v11 =	vmul.f32 s19, v11;
	v14 =	vmul.f32 s19, v14;
	p0 =	seq.s32 s15, $0x5;
	v15 =	vadd.f32 v25, v15;
	s18 =	simm.s32 @p1 $0x0  }
0x18a: {  	v36 =	vld [tilespmem:$0x1FBF0];
	s18 =	simm.s32 @p0 $0x0;
	v12 =	vmul.f32 v40, v35;
	v19 =	vmul.f32 v40, v27  }
0x18b: {  	v16 =	vadd.f32 v40, v16;
	v15 =	vmul.f32 s19, v15;
	v18 =	vmul.f32 s18, v18;
	v47 =	vld [tilespmem:$0x1FC60]  }
0x18c: {  	v37 =	vld [tilespmem:$0x1FC20];
	v12 =	vadd.f32 v12, v8;
	v9 =	vadd.f32 v19, v9;
	v19 =	vmul.f32 v40, v34;
	v8 =	vpop (erf)  }
0x18d: {  	v52 =	vld [tilespmem:$0x1FC70];
	v14 =	vadd.f32 v20, v14;
	v16 =	vmul.f32 s18, v16;
	v22 =	vmul.f32 v40, v22;
	[tilespmem:s14+$0x50] =	vst v8  }
0x18e: {  	v13 =	vmul.f32 s19, v13;
	v11 =	vadd.f32 v19, v11;
	v20 =	vmul.f32 s18, v9;
	v9 =	vld [tilespmem:s13+$0x300]  }
0x18f: {  	v19 =	vmul.f32 v40, v36;
	v15 =	vadd.f32 v22, v15;
	v22 =	vmul.f32 s18, v10;
	v10 =	vld [tilespmem:s13+$0x310]  }
0x190: {  	v59 =	vld [tilespmem:$0x1FC90];
	v12 =	vmul.f32 s18, v12;
	v49 =	vmul.f32 v26, v47  }
0x191: {  	v13 =	vadd.f32 v19, v13;
	v19 =	vmul.f32 v26, v37;
	v45 =	vmul.f32 s18, v11;
	v11 =	vld [tilespmem:s13+$0x320]  }
0x192: {  	v14 =	vmul.f32 s18, v14;
	v27 =	vmul.f32 v26, v52;
	v40 =	vld [tilespmem:$0x1FC40]  }
0x193: {  	v25 =	vadd.f32 v49, v12;
	v18 =	vadd.f32 v19, v18;
	v13 =	vmul.f32 s18, v13;
	v12 =	vld [tilespmem:s13+$0x330]  }
0x194: {  	v19 =	vadd.f32 v28, v45;
	v28 =	vmul.f32 v9, v30;
	v29 =	vmul.f32 v10, v1  }
0x195: {  	v31 =	vadd.f32 v26, v16;
	v58 =	vmul.f32 v26, v54;
	v27 =	vadd.f32 v27, v13;
	v13 =	vld [tilespmem:s13+$0x340]  }
0x196: {  	p0 =	seq.s32 s17, $0x6;
	s19 =	simm.f32 $0.0e+00;
	v15 =	vmul.f32 s18, v15;
	v28 =	vadd.f32 v29, v28;
	v29 =	vmul.f32 v11, v2  }
0x197: {  	p1 =	seq.s32 s16, $0x6;
	v60 =	vadd.f32 v58, v14;
	s19 =	simm.s32 @!p0 $0x3F800000;
	v42 =	vmul.f32 v26, v40;
	v26 =	vmul.f32 v26, v59;
	v14 =	vld [tilespmem:s13+$0x350]  }
0x198: {  	v35 =	vld [tilespmem:$0x1FCB0];
	p0 =	seq.s32 s15, $0x6;
	s19 =	simm.s32 @p1 $0x0;
	v63 =	vadd.f32 v29, v28;
	v29 =	vmul.f32 v12, v3  }
0x199: {  	s19 =	simm.s32 @p0 $0x0;
	v26 =	vadd.f32 v26, v15;
	v15 =	vld [tilespmem:s13+$0x360]  }
0x19a: {  	v62 =	vmul.f32 s19, v18;
	v16 =	vld [tilespmem:s13+$0x370];
	v18 =	vadd.f32 v29, v63;
	v29 =	vmul.f32 v13, v4  }
0x19b: {  	v28 =	vld [tilespmem:$0x1FCA0]  }
0x19c: {  	v18 =	vadd.f32 v29, v18;
	v29 =	vmul.f32 s19, v31;
	v31 =	vmul.f32 v14, v5  }
0x19d: {  	v36 =	vmul.f32 v24, v35;
	v20 =	vadd.f32 v39, v20  }
0x19e: {  	v46 =	vld [tilespmem:$0x1FD10];
	v32 =	vmul.f32 s19, v60;
	v40 =	vmul.f32 v15, v6;
	v18 =	vadd.f32 v31, v18  }
0x19f: {  	p0 =	seq.s32 s17, $0x7;
	v49 =	vld [tilespmem:$0x1FD20];
	v25 =	vmul.f32 s19, v25;
	v20 =	vmul.f32 s19, v20;
	s18 =	simm.f32 $0.0e+00;
	v22 =	vadd.f32 v42, v22  }
0x1a0: {  	p1 =	seq.s32 s16, $0x7;
	v37 =	vld [tilespmem:$0x1FCC0];
	s18 =	simm.s32 @!p0 $0x3F800000;
	v47 =	vmul.f32 v16, v7;
	v28 =	vmul.f32 v24, v28;
	v18 =	vadd.f32 v40, v18  }
0x1a1: {  	v39 =	vld [tilespmem:$0x1FCD0];
	p0 =	seq.s32 s15, $0x7;
	v19 =	vmul.f32 s19, v19;
	s18 =	simm.s32 @p1 $0x0;
	v27 =	vmul.f32 s19, v27;
	v29 =	vadd.f32 v24, v29  }
0x1a2: {  	v42 =	vld [tilespmem:$0x1FCF0];
	s18 =	simm.s32 @p0 $0x0;
	v22 =	vmul.f32 s19, v22;
	v28 =	vadd.f32 v28, v62;
	v18 =	vadd.f32 v47, v18  }
0x1a3: {  	v54 =	vld [tilespmem:$0x1FD40];
	v26 =	vmul.f32 s19, v26;
	v29 =	vmul.f32 s18, v29  }
0x1a4: {  	v45 =	vld [tilespmem:$0x1FD00];
	p0 =	seq.s32 s17, $0x8;
	s19 =	simm.f32 $0.0e+00;
	v28 =	vmul.f32 s18, v28;
	(xrf2) =	vadd.scan.msk.f32 $0xffff, v18;
	v18 =	vmul.f32 v17, v49  }
0x1a5: {  	v59 =	vld [tilespmem:$0x1FD60];
	v20 =	vadd.f32 v36, v20;
	p1 =	seq.s32 s16, $0x8;
	s19 =	simm.s32 @!p0 $0x3F800000  }
0x1a6: {  	v34 =	vmul.f32 v24, v39;
	p0 =	seq.s32 s15, $0x8;
	s19 =	simm.s32 @p1 $0x0;
	v29 =	vadd.f32 v17, v29;
	v18 =	vadd.f32 v18, v28;
	v28 =	vld [tilespmem:$0x1FD70]  }
0x1a7: {  	v38 =	vmul.f32 v24, v37;
	v36 =	vmul.f32 v24, v42;
	v31 =	vld [tilespmem:$0x1FCE0];
	s19 =	simm.s32 @p0 $0x0  }
0x1a8: {  	v20 =	vmul.f32 s18, v20;
	v19 =	vadd.f32 v34, v19;
	v63 =	vmul.f32 s19, v29;
	v29 =	vld [tilespmem:$0x1FDA0]  }
0x1a9: {  	v52 =	vld [tilespmem:$0x1FD30];
	v37 =	vmul.f32 v24, v45;
	v34 =	vmul.f32 v17, v54;
	v27 =	vadd.f32 v36, v27  }
0x1aa: {  	v60 =	vld [tilespmem:$0x1FD80];
	v35 =	vmul.f32 v17, v59;
	v22 =	vadd.f32 v38, v22;
	v19 =	vmul.f32 s18, v19  }
0x1ab: {  	v27 =	vmul.f32 s18, v27;
	v28 =	vmul.f32 v17, v28  }
0x1ac: {  	v58 =	vld [tilespmem:$0x1FD50];
	v22 =	vmul.f32 s18, v22;
	v31 =	vmul.f32 v24, v31  }
0x1ad: {  	v18 =	vmul.f32 s19, v18;
	v29 =	vmul.f32 v0, v29;
	v27 =	vadd.f32 v28, v27;
	v28 =	vld [tilespmem:$0x1FDB0]  }
0x1ae: {  	v62 =	vld [tilespmem:$0x1FD90];
	v25 =	vadd.f32 v31, v25;
	v31 =	vadd.f32 v37, v32;
	v32 =	vmul.f32 v17, v52  }
0x1af: {  	v36 =	vmul.f32 v17, v60;
	v24 =	vmul.f32 v24, v46;
	v18 =	vadd.f32 v29, v18;
	v29 =	vld [tilespmem:$0x1FDE0]  }
0x1b0: {  	v22 =	vadd.f32 v34, v22;
	v40 =	vld [tilespmem:$0x1FDF0];
	v20 =	vadd.f32 v32, v20;
	v25 =	vmul.f32 s18, v25  }
0x1b1: {  	v39 =	vld [tilespmem:$0x1FDD0];
	v24 =	vadd.f32 v24, v26;
	v26 =	vmul.f32 v17, v58;
	v31 =	vmul.f32 s18, v31  }
0x1b2: {  	v37 =	vld [tilespmem:$0x1FDC0];
	v25 =	vadd.f32 v35, v25;
	v20 =	vmul.f32 s19, v20;
	v28 =	vmul.f32 v0, v28  }
0x1b3: {  	v42 =	vld [tilespmem:$0x1FE10];
	v19 =	vadd.f32 v26, v19;
	v24 =	vmul.f32 s18, v24;
	v17 =	vmul.f32 v17, v62  }
0x1b4: {  	v25 =	vmul.f32 s19, v25;
	v29 =	vmul.f32 v0, v29;
	v20 =	vadd.f32 v28, v20;
	v28 =	vld [tilespmem:$0x1FE00]  }
0x1b5: {  	v22 =	vmul.f32 s19, v22;
	v31 =	vadd.f32 v36, v31;
	v35 =	vmul.f32 v0, v40  }
0x1b6: {  	p0 =	seq.s32 s17, $0x9;
	s18 =	simm.f32 $0.0e+00;
	v19 =	vmul.f32 s19, v19;
	v17 =	vadd.f32 v17, v24;
	v25 =	vadd.f32 v29, v25;
	v29 =	vld [tilespmem:$0x1FE20]  }
0x1b7: {  	p1 =	seq.s32 s16, $0x9;
	s18 =	simm.s32 @!p0 $0x3F800000;
	v32 =	vmul.f32 v0, v37;
	v46 =	vmul.f32 s19, v31  }
0x1b8: {  	p0 =	seq.s32 s15, $0x9;
	s18 =	simm.s32 @p1 $0x0;
	v24 =	vmul.f32 v0, v39;
	v17 =	vmul.f32 s19, v17  }
0x1b9: {  	v26 =	vadd.f32 v0, v63;
	s18 =	simm.s32 @p0 $0x0;
	v28 =	vmul.f32 v0, v28;
	v0 =	vmul.f32 v0, v42  }
0x1ba: {  	v18 =	vmul.f32 s18, v18;
	v45 =	vmul.f32 s19, v27  }
0x1bb: {  	v29 =	vmul.f32 v50, v29;
	v27 =	vadd.f32 v28, v46;
	v28 =	vld [tilespmem:$0x1FE30];
	v0 =	vadd.f32 v0, v17  }
0x1bc: {  	v26 =	vmul.f32 s18, v26;
	v22 =	vadd.f32 v32, v22;
	v19 =	vadd.f32 v24, v19  }
0x1bd: {  	v38, _, _ =	vpop (xrf2);
	v24 =	vadd.f32 v35, v45;
	v52 =	vmul.f32 s18, v0;
	v0 =	vadd.f32 v29, v18;
	v29 =	vld [tilespmem:$0x1FE60]  }
0x1be: {  	v47 =	vmul.f32 s18, v22;
	v34 =	vmul.f32 $1.442695020e+00, v38  }
0x1bf: {  	v19 =	vmul.f32 s18, v19;
	v24 =	vmul.f32 s18, v24  }
0x1c0: {  	v20 =	vmul.f32 s18, v20;
	v28 =	vmul.f32 v50, v28  }
0x1c1: {  	p0 =	seq.s32 s17, $0xA;
	v22 =	vmul.f32 s18, v25;
	v42 =	vld [tilespmem:$0x1FEE0];
	v49 =	vmul.f32 s18, v27;
	s18 =	simm.f32 $0.0e+00  }
0x1c2: {  	p1 =	seq.s32 s16, $0xA;
	s18 =	simm.s32 @!p0 $0x3F800000;
	v54 =	vadd.f32 v28, v20;
	v20 =	vld [tilespmem:$0x1FE40];
	v29 =	vmul.f32 v50, v29  }
0x1c3: {  	v31 =	vld [tilespmem:$0x1FE80];
	v34 =	vbroadcast v34, $0xF;
	p0 =	seq.s32 s15, $0xA;
	s18 =	simm.s32 @p1 $0x0  }
0x1c4: {  	s18 =	simm.s32 @p0 $0x0;
	v28 =	vld [tilespmem:$0x1FE50];
	v22 =	vadd.f32 v29, v22  }
0x1c5: {  	(erf) = vpow2.f32 v34;
	v29 =	vmul.f32 s18, v0;
	v0 =	vld [tilespmem:$0x1FEA0]  }
0x1c6: {  	v62 =	vld [tilespmem:$0x1FEC0];
	v45 =	vmul.f32 v43, v42;
	v22 =	vmul.f32 s18, v22  }
0x1c7: {  	v39 =	vld [tilespmem:$0x1FED0];
	v20 =	vmul.f32 v50, v20  }
0x1c8: {  	v32 =	vadd.f32 v45, v22;
	v22 =	vld [tilespmem:$0x1FF00]  }
0x1c9: {  	v31 =	vmul.f32 v50, v31;
	v17 =	vadd.f32 v20, v47;
	v20 =	vld [tilespmem:$0x1FE70]  }
0x1ca: {  	v28 =	vmul.f32 v50, v28;
	v58 =	vmul.f32 v43, v0;
	v0 =	vld [tilespmem:$0x1FEB0]  }
0x1cb: {  	v25 =	vadd.f32 v31, v49  }
0x1cc: {  	v57 =	vmul.f32 v8, v57;
	v63 =	vmul.f32 v43, v62;
	v19 =	vadd.f32 v28, v19;
	v28 =	vld [tilespmem:$0x1FE90]  }
0x1cd: {  	v26 =	vadd.f32 v50, v26;
	v40 =	vmul.f32 v43, v39;
	v46 =	vld [tilespmem:$0x1FEF0];
	v25 =	vmul.f32 s18, v25  }
0x1ce: {  	v45 =	vld [tilespmem:$0x1FF40];
	v22 =	vmul.f32 v43, v22;
	v20 =	vmul.f32 v50, v20  }
0x1cf: {  	v26 =	vmul.f32 s18, v26;
	v60 =	vmul.f32 v43, v0;
	v0 =	vpop (erf)  }
0x1d0: {  	v59 =	vmul.f32 s18, v54;
	[tilespmem:s14+$0x60] =	vst v0;
	v36 =	vadd.f32 v22, v25;
	v22 =	vld [tilespmem:$0x1FF20];
	v20 =	vadd.f32 v20, v24  }
0x1d1: {  	v31 =	vmul.f32 s18, v17;
	v28 =	vmul.f32 v50, v28;
	v17 =	vld [tilespmem:s13+$0x380]  }
0x1d2: {  	v47 =	vmul.f32 v43, v46;
	v18 =	vld [tilespmem:s13+$0x390];
	v20 =	vmul.f32 s18, v20  }
0x1d3: {  	v46 =	vmul.f32 v21, v45;
	v27 =	vadd.f32 v28, v52;
	v28 =	vmul.f32 s18, v19;
	v19 =	vld [tilespmem:s13+$0x3A0]  }
0x1d4: {  	v9 =	vmul.f32 v0, v9;
	v10 =	vmul.f32 v0, v10;
	v34 =	vadd.f32 v47, v20;
	v20 =	vld [tilespmem:$0x1FF10]  }
0x1d5: {  	v11 =	vmul.f32 v0, v11;
	v12 =	vmul.f32 v0, v12;
	v24 =	vadd.f32 v60, v59;
	v60 =	vld [tilespmem:$0x1FF30]  }
0x1d6: {  	v13 =	vmul.f32 v0, v13;
	v14 =	vmul.f32 v0, v14  }
0x1d7: {  	p0 =	seq.s32 s17, $0xB;
	v27 =	vmul.f32 s18, v27;
	s18 =	simm.f32 $0.0e+00;
	v54 =	vmul.f32 v21, v22;
	v22 =	vld [tilespmem:s13+$0x3C0]  }
0x1d8: {  	p1 =	seq.s32 s16, $0xB;
	v26 =	vadd.f32 v43, v26;
	v15 =	vmul.f32 v0, v15;
	s18 =	simm.s32 @!p0 $0x3F800000;
	v47 =	vld [tilespmem:$0x1FF50];
	v50 =	vmul.f32 v17, v30  }
0x1d9: {  	v29 =	vadd.f32 v58, v29;
	p0 =	seq.s32 s15, $0xB;
	s18 =	simm.s32 @p1 $0x0;
	v52 =	vmul.f32 v18, v1;
	v49 =	vmul.f32 v43, v20;
	v20 =	vld [tilespmem:s13+$0x3B0]  }
0x1da: {  	v31 =	vadd.f32 v63, v31;
	s18 =	simm.s32 @p0 $0x0;
	v58 =	vmul.f32 v19, v2;
	v62 =	vmul.f32 v21, v60;
	v60 =	vld [tilespmem:$0x1FF70]  }
0x1db: {  	v28 =	vadd.f32 v40, v28;
	v29 =	vmul.f32 s18, v29;
	v59 =	vmul.f32 s18, v24;
	v24 =	vld [tilespmem:s13+$0x3D0]  }
0x1dc: {  	v38 =	vmul.f32 s18, v26;
	v31 =	vmul.f32 s18, v31;
	v25 =	vadd.f32 v52, v50;
	v50 =	vld [tilespmem:$0x1FF60]  }
0x1dd: {  	v28 =	vmul.f32 s18, v28;
	v32 =	vmul.f32 s18, v32;
	v35 =	vadd.f32 v62, v59;
	v62 =	vld [tilespmem:$0x1FF80]  }
0x1de: {  	v34 =	vmul.f32 s18, v34;
	v26 =	vadd.f32 v58, v25;
	v25 =	vld [tilespmem:s13+$0x3E0];
	v63 =	vmul.f32 v20, v3  }
0x1df: {  	v36 =	vmul.f32 s18, v36;
	v29 =	vadd.f32 v54, v29;
	v40 =	vmul.f32 v21, v47;
	v47 =	vld [tilespmem:$0x1FFB0]  }
0x1e0: {  	v27 =	vadd.f32 v49, v27;
	v49 =	vmul.f32 v22, v4;
	v39 =	vadd.f32 v63, v26;
	v63 =	vld [tilespmem:$0x1FF90]  }
0x1e1: {  	v31 =	vadd.f32 v46, v31;
	v54 =	vmul.f32 v24, v5;
	v28 =	vadd.f32 v40, v28;
	v26 =	vld [tilespmem:s13+$0x3F0]  }
0x1e2: {  	v40 =	vmul.f32 v21, v60;
	v52 =	vmul.f32 v21, v50;
	v39 =	vadd.f32 v49, v39;
	v49 =	vld [tilespmem:$0x1FFC0]  }
0x1e3: {  	p0 =	seq.s32 s17, $0xC;
	v38 =	vadd.f32 v21, v38;
	v27 =	vmul.f32 s18, v27;
	s18 =	simm.f32 $0.0e+00;
	v42 =	vmul.f32 v21, v62  }
0x1e4: {  	p1 =	seq.s32 s16, $0xC;
	v34 =	vadd.f32 v40, v34;
	s18 =	simm.s32 @!p0 $0x3F800000;
	v59 =	vmul.f32 v25, v6;
	v58 =	vadd.f32 v54, v39  }
0x1e5: {  	v32 =	vadd.f32 v52, v32;
	p0 =	seq.s32 s15, $0xC;
	v40 =	vmul.f32 v23, v47;
	s18 =	simm.s32 @p1 $0x0;
	v21 =	vmul.f32 v21, v63  }
0x1e6: {  	v36 =	vadd.f32 v42, v36;
	s18 =	simm.s32 @p0 $0x0;
	v45 =	vmul.f32 v26, v7;
	v37 =	vadd.f32 v59, v58  }
0x1e7: {  	v46 =	vld [tilespmem:$0x1FFA0];
	v31 =	vmul.f32 s18, v31;
	v21 =	vadd.f32 v21, v27;
	v27 =	vmul.f32 v23, v49  }
0x1e8: {  	v52 =	vld [tilespmem:$0x1FFE0];
	v38 =	vmul.f32 s18, v38;
	v29 =	vmul.f32 s18, v29;
	v37 =	vadd.f32 v45, v37  }
0x1e9: {  	v35 =	vmul.f32 s18, v35;
	v28 =	vmul.f32 s18, v28;
	v27 =	vadd.f32 v27, v31;
	v31 =	vld [tilespmem:$0x1FFD0]  }
0x1ea: {  	v32 =	vmul.f32 s18, v32;
	v34 =	vmul.f32 s18, v34;
	v54 =	vld [tilespmem:$0x1FFF0];
	(xrf2) =	vadd.scan.msk.f32 $0xffff, v37  }
0x1eb: {  	p0 =	seq.s32 s17, $0xD;
	v36 =	vmul.f32 s18, v36;
	v21 =	vmul.f32 s18, v21;
	s18 =	simm.f32 $0.0e+00  }
0x1ec: {  	v62 =	vmul.f32 v8, v41;
	p1 =	seq.s32 s16, $0xD;
	v35 =	vadd.f32 v40, v35;
	v39 =	vmul.f32 v23, v46;
	s18 =	simm.s32 @!p0 $0x3F800000  }
0x1ed: {  	v50 =	vadd.f32 v23, v38;
	v38 =	vmul.f32 v23, v52;
	v63 =	vmul.f32 v8, v53;
	p0 =	seq.s32 s15, $0xD;
	s18 =	simm.s32 @p1 $0x0  }
0x1ee: {  	v29 =	vadd.f32 v39, v29;
	v58 =	vmul.f32 v8, v44;
	s18 =	simm.s32 @p0 $0x0;
	v31 =	vmul.f32 v23, v31  }
0x1ef: {  	v32 =	vadd.f32 v38, v32;
	v39 =	vmul.f32 v23, v54;
	v37 =	vmul.f32 s18, v50  }
0x1f0: {  	v29 =	vmul.f32 s18, v29;
	v28 =	vadd.f32 v31, v28;
	v31 =	vmul.f32 v23, v55  }
0x1f1: {  	v34 =	vadd.f32 v39, v34;
	v35 =	vmul.f32 s18, v35;
	v23 =	vmul.f32 v23, v51  }
0x1f2: {  	v27 =	vmul.f32 s18, v27;
	v32 =	vmul.f32 s18, v32;
	v31 =	vadd.f32 v31, v36  }
0x1f3: {  	v34 =	vmul.f32 s18, v34;
	v55 =	vmul.f32 v8, v61;
	v21 =	vadd.f32 v23, v21  }
0x1f4: {  	v28 =	vmul.f32 s18, v28;
	v59, _, _ =	vpop (xrf2);
	v61 =	vmul.f32 s18, v31  }
0x1f5: {  	p0 =	seq.s32 s17, $0xE;
	v35 =	vadd.f32 v57, v35;
	v21 =	vmul.f32 s18, v21;
	s18 =	simm.f32 $0.0e+00;
	v60 =	vmul.f32 $1.442695020e+00, v59  }
0x1f6: {  	p1 =	seq.s32 s16, $0xE;
	v37 =	vadd.f32 v8, v37;
	v41 =	vadd.f32 v62, v34;
	v23 =	vmul.f32 v8, v56;
	s18 =	simm.s32 @!p0 $0x3F800000  }
0x1f7: {  	v29 =	vadd.f32 v55, v29;
	v31 =	vmul.f32 v8, v48;
	p0 =	seq.s32 s15, $0xE;
	s18 =	simm.s32 @p1 $0x0;
	v36 =	vbroadcast v60, $0xF  }
0x1f8: {  	v23 =	vadd.f32 v23, v27;
	v28 =	vadd.f32 v58, v28;
	v8 =	vmul.f32 v8, v33;
	s18 =	simm.s32 @p0 $0x0  }
0x1f9: {  	v31 =	vadd.f32 v31, v32;
	v42 =	vmul.f32 s18, v37;
	(erf) = vpow2.f32 v36  }
0x1fa: {  	v27 =	vadd.f32 v63, v61;
	v29 =	vmul.f32 s18, v29;
	v43 =	vmul.f32 s18, v35  }
0x1fb: {  	v8 =	vadd.f32 v8, v21;
	p0 =	seq.s32 s17, $0xF;
	s17 =	simm.f32 $0.0e+00;
	v21 =	vmul.f32 s18, v23;
	v23 =	vmul.f32 s18, v28  }
0x1fc: {  	p1 =	seq.s32 s16, $0xF;
	v28 =	vmul.f32 s18, v31;
	s17 =	simm.s32 @!p0 $0x3F800000;
	v27 =	vmul.f32 s18, v27;
	v9 =	vadd.f32 v9, v29  }
0x1fd: {  	p0 =	seq.s32 s15, $0xF;
	v8 =	vmul.f32 s18, v8;
	s17 =	simm.s32 @p1 $0x0;
	v10 =	vadd.f32 v10, v43;
	v29 =	vadd.f32 v0, v42  }
0x1fe: {  	v11 =	vadd.f32 v11, v21;
	v21 =	vmul.f32 s18, v41;
	v12 =	vadd.f32 v12, v23;
	s17 =	simm.s32 @p0 $0x0  }
0x1ff: {  	v13 =	vadd.f32 v13, v28;
	v0 =	vmul.f32 v0, v16;
	v23 =	vmul.f32 s17, v29  }
0x200: {  	v14 =	vadd.f32 v14, v21;
	v9 =	vmul.f32 s17, v9;
	v10 =	vmul.f32 s17, v10  }
0x201: {  	v0 =	vadd.f32 v0, v8;
	v8 =	vmul.f32 s17, v11;
	v12 =	vmul.f32 s17, v12  }
0x202: {  	v47 =	vmul.f32 s17, v13;
	v49 =	vmul.f32 s17, v14;
	v44 =	vpop (erf)  }
0x203: {  	v0 =	vmul.f32 s17, v0;
	v17 =	vmul.f32 v44, v17  }
0x204: {  	v18 =	vmul.f32 v44, v18;
	v45 =	vmul.f32 v44, v19  }
0x205: {  	v15 =	vadd.f32 v15, v27;
	p0 =	sne.s32 s7, $0xFFFFFF10;
	v46 =	vmul.f32 v44, v20;
	v48 =	vmul.f32 v44, v22  }
.Ltmp0:
0x206: {  	v33 =	vadd.f32 v44, v23;
	v50 =	vmul.f32 v44, v24;
	v60 =	vmul.f32 v44, v25;
	(pc) =	sbr.rel @p0 .LBB2_1-.Ltmp0, $4  }
0x207: {  	v62 =	vmul.f32 v44, v26;
	v23 =	vadd.f32 v17, v9;
	v61 =	vadd.f32 v18, v10  }
0x208: {  	v63 =	vadd.f32 v45, v8;
	v8 =	vmul.f32 s17, v15;
	v56 =	vadd.f32 v46, v12  }
0x209: {  	[tilespmem:s14+$0x70] =	vst v44;
	v53 =	vadd.f32 v48, v47;
	v44 =	vadd.f32 v50, v49  }
0x20a: {  	s13 =	sadd.s32 $0x800, s13;
	s7 =	sadd.s32 $0xFFFFFFF0, s7;
	s14 =	sadd.s32 $0x100, s14;
	v48 =	vadd.f32 v62, v0;
	v41 =	vadd.f32 v60, v8  }
0x20b: {  	[tilespmem:$0x9100] =	vst v23  }
0x20c: {  	[tilespmem:$0x9110] =	vst v61  }
0x20d: {  	[tilespmem:$0x9120] =	vst v63  }
0x20e: {  	[tilespmem:$0x9130] =	vst v56  }
0x20f: {  	[tilespmem:$0x9140] =	vst v53  }
0x210: {  	[tilespmem:$0x9150] =	vst v44  }
0x211: {  	s7 =	smul.u32 $0x12, s6;
	[tilespmem:$0x9180] =	vst v33  }
0x212: {  	[tilespmem:$0x9160] =	vst v41  }
0x213: {  	s14 =	simm.s32 $0x9100;
	[tilespmem:$0x9170] =	vst v48;
	s13 =	sadd.s32 s12, s7;
	s7 =	simm.s32 $0x0  }
0x214: {  	[hbm4b:s13+s7] =	stream.linear.scatter [tilespmem:s14], [sflag:$0x1], $0x90, $0x38;
	[tilespmem:$0x9B00] =	vst v63  }
0x215: {  	s13 =	simm.s32 $0x1  }
0x216: {  	_ =	swait.ge [sflag:s13], $0x90  }
0x217: {  	[sflag:s13] =	ssyncset.done $0x0  }
0x218: {  	[sflag:s13] =	ssyncadd.s32 $0xFFFFFF70  }
0x219: {  	s29 =	simm.s32 $0x9200;
	[bflag:$0x0] =	sbarrier.arrive $0xFFFF  }
0x21a: {  	[tilespmem:s29], [sflag:$0x1] =	stream.linear.gather [hbm4b:s12+s7], $0x900, $0x38;
	[tilespmem:$0x9B00] =	vst v63  }
0x21b: {  	_ =	swait.ge [sflag:s13], $0x900  }
0x21c: {  	[sflag:s13] =	ssyncset.done $0x0  }
0x21d: {  	[sflag:s13] =	ssyncadd.s32 $0xFFFFF700  }
0x21e: {  	v3 =	vld [tilespmem:$0x9200]  }
0x21f: {  	v5 =	vld [tilespmem:$0x9210]  }
0x220: {  	v14 =	vld [tilespmem:$0x9220]  }
0x221: {  	v15 =	vld [tilespmem:$0x9230]  }
0x222: {  	v17 =	vld [tilespmem:$0x9240]  }
0x223: {  	v20 =	vld [tilespmem:$0x9250]  }
0x224: {  	v21 =	vld [tilespmem:$0x9260]  }
0x225: {  	v22 =	vld [tilespmem:$0x9270]  }
0x226: {  	v25 =	vld [tilespmem:$0x9280]  }
0x227: {  	v45 =	vld [tilespmem:$0x9290]  }
0x228: {  	v46 =	vld [tilespmem:$0x92A0]  }
0x229: {  	v47 =	vld [tilespmem:$0x92B0]  }
0x22a: {  	v48 =	vld [tilespmem:$0x92C0]  }
0x22b: {  	v49 =	vld [tilespmem:$0x92D0]  }
0x22c: {  	v26 =	vld [tilespmem:$0x92E0]  }
0x22d: {  	v28 =	vld [tilespmem:$0x92F0]  }
0x22e: {  	v44 =	vld [tilespmem:$0x9300]  }
0x22f: {  	v33 =	vld [tilespmem:$0x9310]  }
0x230: {  	v29 =	vld [tilespmem:$0x9320]  }
0x231: {  	v43 =	vld [tilespmem:$0x9330]  }
0x232: {  	v30 =	vld [tilespmem:$0x9340]  }
0x233: {  	v35 =	vld [tilespmem:$0x9350]  }
0x234: {  	v42 =	vld [tilespmem:$0x9360]  }
0x235: {  	v36 =	vld [tilespmem:$0x9370]  }
0x236: {  	v39 =	vld [tilespmem:$0x9380]  }
0x237: {  	v41 =	vld [tilespmem:$0x9390]  }
0x238: {  	v40 =	vld [tilespmem:$0x93A0]  }
0x239: {  	v37 =	vld [tilespmem:$0x93B0]  }
0x23a: {  	v38 =	vld [tilespmem:$0x93C0]  }
0x23b: {  	v34 =	vld [tilespmem:$0x93D0]  }
0x23c: {  	v31 =	vld [tilespmem:$0x93E0]  }
0x23d: {  	v32 =	vld [tilespmem:$0x93F0]  }
0x23e: {  	v27 =	vld [tilespmem:$0x9400]  }
0x23f: {  	v23 =	vld [tilespmem:$0x9410]  }
0x240: {  	v24 =	vld [tilespmem:$0x9420]  }
0x241: {  	v19 =	vld [tilespmem:$0x9430]  }
0x242: {  	v11 =	vld [tilespmem:$0x9440]  }
0x243: {  	v18 =	vld [tilespmem:$0x9450]  }
0x244: {  	v12 =	vld [tilespmem:$0x9460]  }
0x245: {  	p0 =	sle.s32 s10, s11;
	p1 =	sle.s32 s9, s11;
	v9 =	vld [tilespmem:$0x9470]  }
0x246: {  	s15 =	simm.s32 $0x1;
	s16 =	simm.s32 $0x1;
	s14 =	simm.s32 $0x1;
	v16 =	vld [tilespmem:$0x9480]  }
0x247: {  	p2 =	slt.s32 s8, $0x200;
	s14 =	simm.s32 @!p1 $0x0;
	s12 =	simm.s32 $0x1;
	v10 =	vld [tilespmem:$0x9490]  }
0x248: {  	p1 =	slt.s32 s10, $0x100;
	s12 =	simm.s32 @!p0 $0x0;
	p0 =	sle.s32 s8, s11;
	v6 =	vld [tilespmem:$0x94A0]  }
0x249: {  	s11 =	simm.s32 $0x1;
	s12 =	sadd.s32 s14, s12;
	s14 =	simm.s32 $0x1;
	v13 =	vld [tilespmem:$0x94B0]  }
0x24a: {  	s11 =	simm.s32 @!p0 $0x0;
	p0 =	slt.s32 s10, $0x200;
	s14 =	simm.s32 @!p1 $0x0;
	v4 =	vld [tilespmem:$0x94C0]  }
0x24b: {  	p1 =	slt.s32 s9, $0x100;
	s11 =	sadd.s32 s11, s12;
	s12 =	simm.s32 $0x1;
	v0 =	vld [tilespmem:$0x94D0]  }
0x24c: {  	s15 =	simm.s32 @!p1 $0x0;
	p1 =	slt.s32 s8, $0x100;
	s12 =	simm.s32 @!p0 $0x0;
	v7 =	vld [tilespmem:$0x94E0]  }
0x24d: {  	p0 =	slt.s32 s9, $0x200;
	v1 =	vld [tilespmem:$0x94F0];
	s14 =	sadd.s32 s15, s14;
	s16 =	simm.s32 @!p1 $0x0  }
0x24e: {  	v2 =	vld [tilespmem:$0x9500];
	s15 =	simm.s32 $0x1;
	s30 =	sadd.s32 s16, s14;
	s14 =	simm.s32 $0x1;
	v3 =	vadd.f32 $0.0e+00, v3  }
0x24f: {  	v8 =	vld [tilespmem:$0x9510];
	p4 =	seq.s32 s30, s11;
	s14 =	simm.s32 @!p0 $0x0;
	p0 =	sne.s32 s6, $0x0;
	v50 =	vadd.f32 $0.0e+00, v5;
	v52 =	vadd.f32 $0.0e+00, v14  }
0x250: {  	s15 =	simm.s32 @!p2 $0x0;
	s12 =	sadd.s32 s14, s12;
	p1 =	por !p0, !p4;
	v5 =	vld [tilespmem:$0x9520];
	v15 =	vadd.f32 $0.0e+00, v15;
	v17 =	vadd.f32 $0.0e+00, v17  }
0x251: {  	s12 =	sadd.s32 s15, s12;
	p5 =	por !p1, !p1;
	v20 =	vadd.f32 $0.0e+00, v20;
	v14 =	vld [tilespmem:$0x9540];
	v21 =	vadd.f32 $0.0e+00, v21  }
0x252: {  	p3 =	sgt.u32 s6, $0x1;
	s14 =	simm.s32 $0x1;
	v63 =	vadd.f32 $0.0e+00, v22;
	v59 =	vadd.f32 $0.0e+00, v25;
	v22 =	vld [tilespmem:$0x9590];
	p6 =	seq.s32 s12, s11;
	v51 =	vpsel !p5, $0x0, v3  }
0x253: {  	v25 =	vld [tilespmem:$0x95A0];
	s12 =	simm.s32 $0x1;
	p1 =	por !p3, !p6;
	v50 =	vpsel !p5, $0x0, v50;
	p3 =	slt.s32 s10, $0x300;
	v52 =	vpsel !p5, $0x0, v52;
	v53 =	vpsel !p5, $0x0, v15  }
0x254: {  	v3 =	vld [tilespmem:$0x9530];
	v54 =	vpsel !p5, $0x0, v17;
	v55 =	vpsel !p5, $0x0, v20;
	v56 =	vpsel !p5, $0x0, v21;
	p1 =	por !p1, !p1;
	s12 =	simm.s32 @!p3 $0x0;
	p3 =	slt.s32 s9, $0x300  }
0x255: {  	s15 =	simm.s32 $0x1;
	v15 =	vld [tilespmem:$0x9550];
	v61 =	vpsel !p5, $0x0, v63;
	v63 =	vpsel !p5, $0x0, v59;
	s14 =	simm.s32 @!p3 $0x0;
	p3 =	slt.s32 s8, $0x300;
	v60 =	vpsel !p1, $0x0, v45  }
0x256: {  	v17 =	vld [tilespmem:$0x9560];
	v62 =	vpsel !p1, $0x0, v46;
	v57 =	vpsel !p1, $0x0, v47;
	v48 =	vpsel !p1, $0x0, v48;
	s12 =	sadd.s32 s14, s12;
	s15 =	simm.s32 @!p3 $0x0  }
0x257: {  	v21 =	vld [tilespmem:$0x9570];
	v49 =	vpsel !p1, $0x0, v49;
	v58 =	vpsel !p1, $0x0, v26;
	v51 =	vadd.f32 v60, v51;
	s12 =	sadd.s32 s15, s12  }
0x258: {  	p4 =	sgt.u32 s6, $0x2;
	v20 =	vld [tilespmem:$0x9580];
	v59 =	vpsel !p1, $0x0, v28;
	v50 =	vadd.f32 v62, v50;
	v47 =	vadd.f32 v57, v52;
	p3 =	slt.s32 s10, $0x400;
	p5 =	seq.s32 s12, s11  }
0x259: {  	v26 =	vld [tilespmem:$0x95B0];
	v44 =	vpsel !p1, $0x0, v44;
	v48 =	vadd.f32 v48, v53;
	v49 =	vadd.f32 v49, v54;
	s14 =	simm.s32 $0x1;
	s12 =	simm.s32 $0x1;
	p2 =	por !p4, !p5  }
0x25a: {  	v28 =	vld [tilespmem:$0x95C0];
	v52 =	vadd.f32 v58, v55;
	v53 =	vadd.f32 v59, v56;
	v60 =	vpsel !p1, $0x0, v33;
	s12 =	simm.s32 @!p3 $0x0;
	p3 =	slt.s32 s9, $0x400;
	p6 =	por !p2, !p2  }
0x25b: {  	v44 =	vadd.f32 v44, v61;
	v33 =	vld [tilespmem:$0x95D0];
	s15 =	simm.s32 $0x1;
	v45 =	vadd.f32 v60, v63;
	s14 =	simm.s32 @!p3 $0x0;
	p3 =	slt.s32 s8, $0x400;
	v61 =	vpsel !p6, $0x0, v29  }
0x25c: {  	s12 =	sadd.s32 s14, s12;
	s15 =	simm.s32 @!p3 $0x0;
	v43 =	vpsel !p6, $0x0, v43;
	v29 =	vld [tilespmem:$0x95E0];
	v62 =	vpsel !p6, $0x0, v30;
	v63 =	vpsel !p6, $0x0, v35  }
0x25d: {  	v30 =	vld [tilespmem:$0x95F0];
	v42 =	vpsel !p6, $0x0, v42;
	v54 =	vpsel !p6, $0x0, v36;
	s12 =	sadd.s32 s15, s12;
	v46 =	vadd.f32 v61, v51  }
0x25e: {  	p4 =	sgt.u32 s6, $0x3;
	v35 =	vld [tilespmem:$0x9600];
	v55 =	vpsel !p6, $0x0, v39;
	v43 =	vadd.f32 v43, v50;
	v47 =	vadd.f32 v62, v47;
	p5 =	seq.s32 s12, s11  }
0x25f: {  	v36 =	vld [tilespmem:$0x9610];
	v41 =	vpsel !p6, $0x0, v41;
	v48 =	vadd.f32 v63, v48;
	v42 =	vadd.f32 v42, v49;
	p2 =	por !p4, !p5  }
0x260: {  	p3 =	slt.s32 s10, $0x500;
	v39 =	vld [tilespmem:$0x9620];
	v56 =	vpsel !p6, $0x0, v40;
	v49 =	vadd.f32 v54, v52;
	v50 =	vadd.f32 v55, v53;
	s12 =	simm.s32 $0x1;
	p6 =	por !p2, !p2  }
0x261: {  	s14 =	simm.s32 $0x1;
	v40 =	vld [tilespmem:$0x9630];
	v41 =	vadd.f32 v41, v44;
	v44 =	vadd.f32 v56, v45;
	s12 =	simm.s32 @!p3 $0x0;
	p3 =	slt.s32 s9, $0x500;
	v57 =	vpsel !p6, $0x0, v37  }
0x262: {  	s15 =	simm.s32 $0x1;
	s14 =	simm.s32 @!p3 $0x0;
	p3 =	slt.s32 s8, $0x500;
	v38 =	vpsel !p6, $0x0, v38;
	v37 =	vld [tilespmem:$0x9640];
	v58 =	vpsel !p6, $0x0, v34;
	v59 =	vpsel !p6, $0x0, v31  }
0x263: {  	s12 =	sadd.s32 s14, s12;
	s15 =	simm.s32 @!p3 $0x0;
	v34 =	vld [tilespmem:$0x9650];
	v32 =	vpsel !p6, $0x0, v32;
	v60 =	vpsel !p6, $0x0, v27;
	v45 =	vadd.f32 v57, v46  }
0x264: {  	v31 =	vld [tilespmem:$0x9660];
	v61 =	vpsel !p6, $0x0, v23;
	s12 =	sadd.s32 s15, s12;
	v38 =	vadd.f32 v38, v43;
	v43 =	vadd.f32 v58, v47  }
0x265: {  	p4 =	sgt.u32 s6, $0x4;
	p3 =	slt.s32 s10, $0x600;
	v27 =	vld [tilespmem:$0x9670];
	v24 =	vpsel !p6, $0x0, v24;
	v46 =	vadd.f32 v59, v48;
	v32 =	vadd.f32 v32, v42;
	p5 =	seq.s32 s12, s11  }
0x266: {  	s14 =	simm.s32 $0x1;
	v23 =	vld [tilespmem:$0x9680];
	v62 =	vpsel !p6, $0x0, v19;
	v42 =	vadd.f32 v60, v49;
	v47 =	vadd.f32 v61, v50;
	s12 =	simm.s32 $0x1;
	p2 =	por !p4, !p5  }
0x267: {  	v19 =	vld [tilespmem:$0x9690];
	v24 =	vadd.f32 v24, v41;
	v41 =	vadd.f32 v62, v44;
	s12 =	simm.s32 @!p3 $0x0;
	p3 =	slt.s32 s9, $0x600;
	p6 =	por !p2, !p2  }
0x268: {  	s15 =	simm.s32 $0x1;
	s14 =	simm.s32 @!p3 $0x0;
	p3 =	slt.s32 s8, $0x600;
	v63 =	vpsel !p6, $0x0, v11;
	v18 =	vpsel !p6, $0x0, v18;
	v11 =	vld [tilespmem:$0x96A0];
	v48 =	vpsel !p6, $0x0, v9  }
0x269: {  	s12 =	sadd.s32 s14, s12;
	s15 =	simm.s32 @!p3 $0x0;
	v16 =	vpsel !p6, $0x0, v16;
	v9 =	vld [tilespmem:$0x96C0];
	v49 =	vpsel !p6, $0x0, v10;
	v50 =	vpsel !p6, $0x0, v6  }
0x26a: {  	v10 =	vld [tilespmem:$0x96D0];
	v13 =	vpsel !p6, $0x0, v13;
	s12 =	sadd.s32 s15, s12;
	v44 =	vadd.f32 v63, v45;
	v18 =	vadd.f32 v18, v38  }
0x26b: {  	p4 =	sgt.u32 s6, $0x5;
	p3 =	slt.s32 s10, $0x700;
	v6 =	vld [tilespmem:$0x96E0];
	v51 =	vpsel !p6, $0x0, v4;
	v16 =	vadd.f32 v16, v32;
	v32 =	vadd.f32 v49, v42;
	p5 =	seq.s32 s12, s11  }
0x26c: {  	s14 =	simm.s32 $0x1;
	v4 =	vld [tilespmem:$0x96F0];
	v45 =	vpsel !p6, $0x0, v12;
	v42 =	vadd.f32 v50, v47;
	v13 =	vadd.f32 v13, v24;
	s12 =	simm.s32 $0x1;
	p2 =	por !p4, !p5  }
0x26d: {  	v12 =	vld [tilespmem:$0x96B0];
	v24 =	vadd.f32 v51, v41;
	v38 =	vadd.f32 v45, v43;
	s12 =	simm.s32 @!p3 $0x0;
	p3 =	slt.s32 s9, $0x700;
	p6 =	por !p2, !p2  }
0x26e: {  	s15 =	simm.s32 $0x1;
	v49 =	vld [tilespmem:$0x97E0];
	v43 =	vadd.f32 v48, v46;
	s14 =	simm.s32 @!p3 $0x0;
	p3 =	slt.s32 s8, $0x700;
	v52 =	vpsel !p6, $0x0, v0;
	v7 =	vpsel !p6, $0x0, v7  }
0x26f: {  	v51 =	vld [tilespmem:$0x97F0];
	s12 =	sadd.s32 s14, s12;
	s15 =	simm.s32 @!p3 $0x0;
	v8 =	vpsel !p6, $0x0, v8;
	v18 =	vadd.f32 v7, v18;
	v7 =	vpsel !p6, $0x0, v1  }
0x270: {  	v46 =	vld [tilespmem:$0x97D0];
	s12 =	sadd.s32 s15, s12;
	v41 =	vadd.f32 v52, v44;
	v38 =	vadd.f32 v7, v38;
	v7 =	vpsel !p6, $0x0, v2  }
0x271: {  	p4 =	sgt.u32 s6, $0x6;
	v0 =	vld [tilespmem:$0x9700];
	p3 =	slt.s32 s10, $0x800;
	v16 =	vadd.f32 v8, v16;
	p5 =	seq.s32 s12, s11;
	v43 =	vadd.f32 v7, v43;
	v7 =	vpsel !p6, $0x0, v5  }
0x272: {  	s14 =	simm.s32 $0x1;
	v1 =	vld [tilespmem:$0x9710];
	v8 =	vpsel !p6, $0x0, v14;
	s12 =	simm.s32 $0x1;
	p2 =	por !p4, !p5;
	v32 =	vadd.f32 v7, v32;
	v7 =	vpsel !p6, $0x0, v3  }
0x273: {  	v44 =	vld [tilespmem:$0x97C0];
	v54 =	vadd.f32 v8, v13;
	s12 =	simm.s32 @!p3 $0x0;
	p3 =	slt.s32 s9, $0x800;
	v53 =	vadd.f32 v7, v42;
	v7 =	vpsel !p6, $0x0, v15;
	p6 =	por !p2, !p2  }
0x274: {  	s15 =	simm.s32 $0x1;
	v2 =	vld [tilespmem:$0x9720];
	s14 =	simm.s32 @!p3 $0x0;
	p3 =	slt.s32 s8, $0x800;
	v15 =	vadd.f32 v7, v24;
	v8 =	vpsel !p6, $0x0, v17;
	v55 =	vpsel !p6, $0x0, v21  }
0x275: {  	v13 =	vld [tilespmem:$0x9750];
	s12 =	sadd.s32 s14, s12;
	s15 =	simm.s32 @!p3 $0x0;
	v57 =	vpsel !p6, $0x0, v20;
	v58 =	vpsel !p6, $0x0, v22;
	v59 =	vpsel !p6, $0x0, v25  }
0x276: {  	v5 =	vld [tilespmem:$0x9730];
	s12 =	sadd.s32 s15, s12;
	v60 =	vpsel !p6, $0x0, v26;
	v56 =	vadd.f32 v8, v41;
	v17 =	vadd.f32 v55, v18  }
0x277: {  	p4 =	sgt.u32 s6, $0x7;
	v3 =	vld [tilespmem:$0x9740];
	p3 =	slt.s32 s10, $0x900;
	v61 =	vpsel !p6, $0x0, v28;
	p5 =	seq.s32 s12, s11;
	v18 =	vadd.f32 v57, v38;
	v20 =	vadd.f32 v58, v43  }
0x278: {  	s14 =	simm.s32 $0x1;
	v7 =	vld [tilespmem:$0x9760];
	v62 =	vpsel !p6, $0x0, v33;
	s12 =	simm.s32 $0x1;
	v16 =	vadd.f32 v59, v16;
	v22 =	vadd.f32 v60, v32;
	p2 =	por !p4, !p5  }
0x279: {  	v24 =	vld [tilespmem:$0x9780];
	v14 =	vadd.f32 v61, v53;
	v63 =	vadd.f32 v62, v54;
	v38 =	vpsel !p6, $0x0, v29;
	s12 =	simm.s32 @!p3 $0x0;
	p3 =	slt.s32 s9, $0x900;
	p6 =	por !p2, !p2  }
0x27a: {  	v25 =	vld [tilespmem:$0x9790];
	s15 =	simm.s32 $0x1;
	v15 =	vadd.f32 v38, v15;
	s14 =	simm.s32 @!p3 $0x0;
	p3 =	slt.s32 s8, $0x900;
	v42 =	vpsel !p6, $0x0, v30;
	v43 =	vpsel !p6, $0x0, v35  }
0x27b: {  	v8 =	vld [tilespmem:$0x9770];
	s12 =	sadd.s32 s14, s12;
	s15 =	simm.s32 @!p3 $0x0;
	v45 =	vpsel !p6, $0x0, v36;
	v47 =	vpsel !p6, $0x0, v39;
	v48 =	vpsel !p6, $0x0, v40  }
0x27c: {  	v32 =	vld [tilespmem:$0x97A0];
	v50 =	vpsel !p6, $0x0, v37;
	s12 =	sadd.s32 s15, s12;
	v21 =	vadd.f32 v42, v56;
	v17 =	vadd.f32 v43, v17  }
0x27d: {  	v41 =	vld [tilespmem:$0x97B0];
	p4 =	sgt.u32 s6, $0x8;
	p3 =	slt.s32 s10, $0xA00;
	v52 =	vpsel !p6, $0x0, v34;
	v18 =	vadd.f32 v45, v18;
	v20 =	vadd.f32 v47, v20;
	p5 =	seq.s32 s12, s11  }
0x27e: {  	v53 =	vld [tilespmem:$0x9800];
	s14 =	simm.s32 $0x1;
	v31 =	vpsel !p6, $0x0, v31;
	v16 =	vadd.f32 v48, v16;
	v22 =	vadd.f32 v50, v22;
	s12 =	simm.s32 $0x1;
	p2 =	por !p4, !p5  }
0x27f: {  	v54 =	vld [tilespmem:$0x9810];
	v27 =	vpsel !p6, $0x0, v27;
	v14 =	vadd.f32 v52, v14;
	v26 =	vadd.f32 v31, v63;
	s12 =	simm.s32 @!p3 $0x0;
	p3 =	slt.s32 s9, $0xA00;
	p6 =	por !p2, !p2  }
0x280: {  	v55 =	vld [tilespmem:$0x9820];
	s15 =	simm.s32 $0x1;
	v15 =	vadd.f32 v27, v15;
	s14 =	simm.s32 @!p3 $0x0;
	p3 =	slt.s32 s8, $0xA00;
	v23 =	vpsel !p6, $0x0, v23;
	v19 =	vpsel !p6, $0x0, v19  }
0x281: {  	v57 =	vld [tilespmem:$0x9840];
	s12 =	sadd.s32 s14, s12;
	s15 =	simm.s32 @!p3 $0x0;
	v11 =	vpsel !p6, $0x0, v11;
	v12 =	vpsel !p6, $0x0, v12;
	v9 =	vpsel !p6, $0x0, v9  }
0x282: {  	v58 =	vld [tilespmem:$0x9850];
	v10 =	vpsel !p6, $0x0, v10;
	s12 =	sadd.s32 s15, s12;
	v21 =	vadd.f32 v23, v21;
	v17 =	vadd.f32 v19, v17  }
0x283: {  	v59 =	vld [tilespmem:$0x9860];
	p4 =	sgt.u32 s6, $0x9;
	p3 =	slt.s32 s10, $0xB00;
	v6 =	vpsel !p6, $0x0, v6;
	v11 =	vadd.f32 v11, v18;
	v12 =	vadd.f32 v12, v20;
	p5 =	seq.s32 s12, s11  }
0x284: {  	v60 =	vld [tilespmem:$0x9870];
	s14 =	simm.s32 $0x1;
	v4 =	vpsel !p6, $0x0, v4;
	v9 =	vadd.f32 v9, v16;
	v10 =	vadd.f32 v10, v22;
	s12 =	simm.s32 $0x1;
	p2 =	por !p4, !p5  }
0x285: {  	v61 =	vld [tilespmem:$0x9880];
	v0 =	vpsel !p6, $0x0, v0;
	v6 =	vadd.f32 v6, v14;
	v4 =	vadd.f32 v4, v26;
	s12 =	simm.s32 @!p3 $0x0;
	p3 =	slt.s32 s9, $0xB00;
	p6 =	por !p2, !p2  }
0x286: {  	v62 =	vld [tilespmem:$0x9890];
	s15 =	simm.s32 $0x1;
	v0 =	vadd.f32 v0, v15;
	s14 =	simm.s32 @!p3 $0x0;
	p3 =	slt.s32 s8, $0xB00;
	v1 =	vpsel !p6, $0x0, v1;
	v2 =	vpsel !p6, $0x0, v2  }
0x287: {  	v38 =	vld [tilespmem:$0x98F0];
	s12 =	sadd.s32 s14, s12;
	s15 =	simm.s32 @!p3 $0x0;
	v5 =	vpsel !p6, $0x0, v5;
	v3 =	vpsel !p6, $0x0, v3;
	v7 =	vpsel !p6, $0x0, v7  }
0x288: {  	v37 =	vld [tilespmem:$0x98E0];
	v8 =	vpsel !p6, $0x0, v8;
	s12 =	sadd.s32 s15, s12;
	v1 =	vadd.f32 v1, v21;
	v2 =	vadd.f32 v2, v17  }
0x289: {  	v40 =	vld [tilespmem:$0x9900];
	p4 =	sgt.u32 s6, $0xA;
	p3 =	slt.s32 s10, $0xC00;
	v5 =	vadd.f32 v5, v11;
	v11 =	vpsel !p6, $0x0, v13;
	v3 =	vadd.f32 v3, v12;
	p5 =	seq.s32 s12, s11  }
0x28a: {  	v56 =	vld [tilespmem:$0x9830];
	s14 =	simm.s32 $0x1;
	v7 =	vadd.f32 v7, v10;
	v10 =	vpsel !p6, $0x0, v24;
	v6 =	vadd.f32 v8, v6;
	s12 =	simm.s32 $0x1;
	p2 =	por !p4, !p5  }
0x28b: {  	v63 =	vld [tilespmem:$0x98A0];
	v8 =	vpsel !p6, $0x0, v25;
	v9 =	vadd.f32 v11, v9;
	v4 =	vadd.f32 v10, v4;
	s12 =	simm.s32 @!p3 $0x0;
	p3 =	slt.s32 s9, $0xC00;
	p6 =	por !p2, !p2  }
0x28c: {  	v31 =	vld [tilespmem:$0x98C0];
	s15 =	simm.s32 $0x1;
	v0 =	vadd.f32 v8, v0;
	s14 =	simm.s32 @!p3 $0x0;
	p3 =	slt.s32 s8, $0xC00;
	v8 =	vpsel !p6, $0x0, v32;
	v32 =	vpsel !p6, $0x0, v41  }
0x28d: {  	v43 =	vld [tilespmem:$0x9920];
	s12 =	sadd.s32 s14, s12;
	s15 =	simm.s32 @!p3 $0x0;
	v39 =	vpsel !p6, $0x0, v49;
	v1 =	vadd.f32 v8, v1;
	v8 =	vpsel !p6, $0x0, v44  }
0x28e: {  	v45 =	vld [tilespmem:$0x9940];
	v42 =	vpsel !p6, $0x0, v54;
	s12 =	sadd.s32 s15, s12;
	v5 =	vadd.f32 v8, v5;
	v8 =	vpsel !p6, $0x0, v46  }
0x28f: {  	v47 =	vld [tilespmem:$0x9960];
	p3 =	sgt.u32 s6, $0xB;
	s14 =	simm.s32 $0x1;
	p4 =	seq.s32 s12, s11;
	v3 =	vadd.f32 v8, v3;
	v8 =	vadd.f32 v39, v9;
	v9 =	vpsel !p6, $0x0, v51  }
0x290: {  	v48 =	vld [tilespmem:$0x9970];
	v2 =	vadd.f32 v32, v2;
	s12 =	simm.s32 $0x1;
	p2 =	por !p3, !p4;
	p3 =	slt.s32 s10, $0xD00;
	v7 =	vadd.f32 v9, v7;
	v9 =	vpsel !p6, $0x0, v53  }
0x291: {  	v50 =	vld [tilespmem:$0x99A0];
	v4 =	vadd.f32 v42, v4;
	s12 =	simm.s32 @!p3 $0x0;
	p3 =	slt.s32 s9, $0xD00;
	p2 =	por !p2, !p2;
	v6 =	vadd.f32 v9, v6;
	v9 =	vpsel !p6, $0x0, v55  }
0x292: {  	v11 =	vld [tilespmem:$0x98B0];
	s15 =	simm.s32 $0x1;
	s14 =	simm.s32 @!p3 $0x0;
	p3 =	slt.s32 s8, $0xD00;
	v18 =	vpsel !p2, $0x0, v57;
	v0 =	vadd.f32 v9, v0;
	v9 =	vpsel !p2, $0x0, v56  }
0x293: {  	v10 =	vld [tilespmem:$0x98D0];
	v14 =	vpsel !p2, $0x0, v60;
	s12 =	sadd.s32 s14, s12;
	s15 =	simm.s32 @!p3 $0x0;
	v1 =	vadd.f32 v9, v1;
	v9 =	vpsel !p2, $0x0, v58  }
0x294: {  	v52 =	vld [tilespmem:$0x99C0];
	v13 =	vpsel !p2, $0x0, v63;
	s12 =	sadd.s32 s15, s12;
	v5 =	vadd.f32 v9, v5;
	v9 =	vpsel !p2, $0x0, v59  }
0x295: {  	p5 =	sgt.u32 s6, $0xC;
	v44 =	vld [tilespmem:$0x9930];
	v2 =	vadd.f32 v18, v2;
	p3 =	slt.s32 s10, $0xE00;
	p6 =	seq.s32 s12, s11;
	v3 =	vadd.f32 v9, v3;
	v9 =	vpsel !p2, $0x0, v61  }
0x296: {  	v41 =	vld [tilespmem:$0x9910];
	v8 =	vadd.f32 v14, v8;
	s14 =	simm.s32 $0x1;
	s12 =	simm.s32 $0x1;
	p1 =	por !p5, !p6;
	v7 =	vadd.f32 v9, v7;
	v9 =	vpsel !p2, $0x0, v62  }
0x297: {  	v49 =	vld [tilespmem:$0x9980];
	v4 =	vadd.f32 v13, v4;
	s12 =	simm.s32 @!p3 $0x0;
	p3 =	slt.s32 s9, $0xE00;
	p1 =	por !p1, !p1;
	v6 =	vadd.f32 v9, v6;
	v9 =	vpsel !p2, $0x0, v11  }
0x298: {  	v46 =	vld [tilespmem:$0x9950];
	s15 =	simm.s32 $0x1;
	s14 =	simm.s32 @!p3 $0x0;
	p2 =	slt.s32 s8, $0xE00;
	v10 =	vpsel !p1, $0x0, v10;
	v0 =	vadd.f32 v9, v0;
	v9 =	vpsel !p1, $0x0, v31  }
0x299: {  	v53 =	vld [tilespmem:$0x99D0];
	s12 =	sadd.s32 s14, s12;
	v51 =	vpsel !p1, $0x0, v40;
	s15 =	simm.s32 @!p2 $0x0;
	v1 =	vadd.f32 v9, v1;
	v9 =	vpsel !p1, $0x0, v37  }
0x29a: {  	v11 =	vld [tilespmem:$0x9990];
	v54 =	vpsel !p1, $0x0, v44;
	s12 =	sadd.s32 s15, s12;
	v5 =	vadd.f32 v9, v5;
	v9 =	vpsel !p1, $0x0, v38  }
0x29b: {  	v55 =	vld [tilespmem:$0x99E0];
	p3 =	sgt.u32 s6, $0xD;
	v2 =	vadd.f32 v10, v2;
	p4 =	seq.s32 s12, s11;
	v3 =	vadd.f32 v9, v3;
	v9 =	vpsel !p1, $0x0, v41  }
0x29c: {  	v60 =	vld [tilespmem:$0x9A20];
	v8 =	vadd.f32 v51, v8;
	p2 =	por !p3, !p4;
	p3 =	slt.s32 s10, $0xF00;
	s10 =	simm.s32 $0x1;
	v7 =	vadd.f32 v9, v7;
	v9 =	vpsel !p1, $0x0, v43  }
0x29d: {  	v10 =	vld [tilespmem:$0x99B0];
	v4 =	vadd.f32 v54, v4;
	p2 =	por !p2, !p2;
	v6 =	vadd.f32 v9, v6;
	v9 =	vpsel !p1, $0x0, v45;
	p1 =	slt.s32 s9, $0xF00;
	s9 =	simm.s32 $0x1  }
0x29e: {  	v56 =	vld [tilespmem:$0x99F0];
	s10 =	simm.s32 @!p3 $0x0;
	v57 =	vpsel !p2, $0x0, v47;
	v0 =	vadd.f32 v9, v0;
	v9 =	vpsel !p2, $0x0, v46;
	s9 =	simm.s32 @!p1 $0x0;
	p1 =	slt.s32 s8, $0xF00  }
0x29f: {  	v58 =	vld [tilespmem:$0x9A00];
	v11 =	vpsel !p2, $0x0, v11;
	v1 =	vadd.f32 v9, v1;
	v9 =	vpsel !p2, $0x0, v48;
	s31 =	sadd.s32 s9, s10;
	s13 =	simm.s32 @!p1 $0x0  }
0x2a0: {  	v59 =	vld [tilespmem:$0x9A10];
	v13 =	vpsel !p2, $0x0, v53;
	v5 =	vadd.f32 v9, v5;
	v9 =	vpsel !p2, $0x0, v49;
	s8 =	sadd.s32 s13, s31  }
0x2a1: {  	p5 =	seq.s32 s6, $0xF;
	v61 =	vld [tilespmem:$0x9A40];
	v2 =	vadd.f32 v57, v2;
	v3 =	vadd.f32 v9, v3;
	v9 =	vpsel !p2, $0x0, v50;
	p6 =	seq.s32 s8, s11  }
0x2a2: {  	v62 =	vld [tilespmem:$0x9A60];
	v8 =	vadd.f32 v11, v8;
	p1 =	por !p5, !p6;
	v7 =	vadd.f32 v9, v7;
	v9 =	vpsel !p2, $0x0, v10  }
0x2a3: {  	v11 =	vld [tilespmem:$0x9A30];
	v13 =	vadd.f32 v13, v0;
	v10 =	vpsel !p2, $0x0, v52;
	v6 =	vadd.f32 v9, v6;
	p1 =	por !p1, !p1  }
0x2a4: {  	v9 =	vadd.f32 v10, v4;
	v10 =	vld [tilespmem:$0x9A50];
	v0 =	vpsel !p1, $0x0, v55;
	v4 =	vpsel !p1, $0x0, v56  }
0x2a5: {  	v0 =	vadd.f32 v0, v1;
	v1 =	vadd.f32 v4, v2;
	v2 =	vpsel !p1, $0x0, v58  }
0x2a6: {  	v63 =	vpsel !p1, $0x0, v60;
	v4 =	vpsel !p1, $0x0, v59;
	v2 =	vadd.f32 v2, v5  }
0x2a7: {  	v5 =	vadd.f32 v4, v3;
	v4 =	vadd.f32 v63, v8  }
0x2a8: {  	v3 =	vpsel !p1, $0x0, v11;
	v8 =	vpsel !p1, $0x0, v61;
	v11 =	vpsel !p1, $0x0, v62  }
0x2a9: {  	v7 =	vadd.f32 v3, v7;
	v8 =	vadd.f32 v8, v6;
	v10 =	vpsel !p1, $0x0, v10  }
0x2aa: {  	v3 =	vadd.f32 v11, v13;
	v6 =	vadd.f32 v10, v9  }
.LBB2_3:
0x2ab: {  	s6 =	sshll.u32 s7, $0x4;
	s8 =	sshll.u32 s7, $0x8  }
0x2ac: {  	s9 =	simm.f32 $0.0e+00;
	s8 =	sand.u32 $0x3FFFFF00, s8;
	p1 =	seq.s32 s6, s4  }
0x2ad: {  	p2 =	seq.s32 s6, s3;
	v9 =	vld [tilespmem:s8+$0x8000];
	s9 =	simm.s32 @!p1 $0x3F800000  }
0x2ae: {  	p1 =	seq.s32 s6, s5;
	s9 =	simm.s32 @p2 $0x0  }
0x2af: {  	s9 =	simm.s32 @p1 $0x0  }
0x2b0: {  	v3 =	vmul.f32 s9, v3  }
0x2b1: {  	s10 =	sshll.u32 s7, $0xB  }
0x2b2: {  	s10 =	sand.u32 $0x3FFFF800, s10;
	v3 =	vadd.f32 v9, v3  }
0x2b3: {  	v10 =	vld [tilespmem:s10+$0x0]  }
0x2b4: {  	v11 =	vld [tilespmem:s10+$0x10];
	(erf) = vrcp.f32 v3  }
0x2b5: {  	v12 =	vld [tilespmem:s10+$0x20]  }
0x2b6: {  	v13 =	vld [tilespmem:s10+$0x30]  }
0x2b7: {  	v14 =	vld [tilespmem:s10+$0x40];
	v0 =	vmul.f32 s9, v0  }
0x2b8: {  	v16 =	vld [tilespmem:s10+$0x60];
	v1 =	vmul.f32 s9, v1;
	v2 =	vmul.f32 s9, v2  }
0x2b9: {  	v15 =	vld [tilespmem:s10+$0x50];
	v5 =	vmul.f32 s9, v5;
	v4 =	vmul.f32 s9, v4  }
0x2ba: {  	v17 =	vld [tilespmem:s10+$0x70];
	v7 =	vmul.f32 s9, v7;
	v10 =	vmul.f32 v10, v9  }
0x2bb: {  	v6 =	vmul.f32 s9, v6;
	v11 =	vmul.f32 v11, v9  }
0x2bc: {  	v12 =	vmul.f32 v12, v9;
	v13 =	vmul.f32 v13, v9;
	v0 =	vadd.f32 v10, v0  }
0x2bd: {  	v32 =	vmul.f32 v16, v9;
	v10 =	vmul.f32 v14, v9;
	v1 =	vadd.f32 v11, v1;
	v30 =	vpop (erf)  }
0x2be: {  	v11 =	vmul.f32 v15, v9;
	v2 =	vadd.f32 v12, v2;
	v31 =	vmul.f32 v0, v30  }
0x2bf: {  	v5 =	vadd.f32 v13, v5;
	v9 =	vmul.f32 v17, v9;
	v33 =	vmul.f32 v1, v30  }
0x2c0: {  	v4 =	vadd.f32 v10, v4;
	v7 =	vadd.f32 v11, v7;
	v10 =	vmul.f32 v2, v30;
	[tilespmem:s10+$0x0] =	vst v31  }
0x2c1: {  	v8 =	vmul.f32 s9, v8;
	v11 =	vmul.f32 v5, v30;
	[tilespmem:s10+$0x10] =	vst v33  }
0x2c2: {  	v6 =	vadd.f32 v9, v6;
	v9 =	vmul.f32 v7, v30;
	[tilespmem:s10+$0x20] =	vst v10  }
0x2c3: {  	v8 =	vadd.f32 v32, v8;
	v10 =	vmul.f32 v4, v30;
	[tilespmem:s10+$0x30] =	vst v11  }
0x2c4: {  	[tilespmem:s10+$0x50] =	vst v9;
	v9 =	vmul.f32 v6, v30  }
0x2c5: {  	[tilespmem:s10+$0x40] =	vst v10;
	v10 =	vmul.f32 v8, v30  }
0x2c6: {  	s13 =	sor.u32 $0x1, s6;
	[tilespmem:s10+$0x70] =	vst v9  }
0x2c7: {  	p1 =	seq.s32 s13, s4;
	[tilespmem:s10+$0x60] =	vst v10;
	s10 =	simm.f32 $0.0e+00  }
0x2c8: {  	p2 =	seq.s32 s13, s3;
	v9 =	vld [tilespmem:s8+$0x8010];
	s10 =	simm.s32 @!p1 $0x3F800000  }
0x2c9: {  	p1 =	seq.s32 s13, s5;
	s10 =	simm.s32 @p2 $0x0  }
0x2ca: {  	s10 =	simm.s32 @p1 $0x0  }
0x2cb: {  	v3 =	vmul.f32 s10, v3  }
0x2cc: {  	s9 =	sshll.u32 s13, $0x7  }
0x2cd: {  	s9 =	sand.u32 $0x3FFFF880, s9;
	v3 =	vadd.f32 v9, v3  }
0x2ce: {  	v10 =	vld [tilespmem:s9+$0x0]  }
0x2cf: {  	v11 =	vld [tilespmem:s9+$0x10];
	(erf) = vrcp.f32 v3  }
0x2d0: {  	v12 =	vld [tilespmem:s9+$0x20]  }
0x2d1: {  	v34 =	vld [tilespmem:s9+$0x30]  }
0x2d2: {  	v35 =	vld [tilespmem:s9+$0x40];
	v0 =	vmul.f32 s10, v0  }
0x2d3: {  	v36 =	vld [tilespmem:s9+$0x60];
	v1 =	vmul.f32 s10, v1;
	v2 =	vmul.f32 s10, v2  }
0x2d4: {  	v15 =	vld [tilespmem:s9+$0x50];
	v5 =	vmul.f32 s10, v5;
	v4 =	vmul.f32 s10, v4  }
0x2d5: {  	v37 =	vld [tilespmem:s9+$0x70];
	v7 =	vmul.f32 s10, v7;
	v10 =	vmul.f32 v10, v9  }
0x2d6: {  	v6 =	vmul.f32 s10, v6;
	v11 =	vmul.f32 v11, v9  }
0x2d7: {  	v12 =	vmul.f32 v12, v9;
	v13 =	vmul.f32 v34, v9;
	v0 =	vadd.f32 v10, v0  }
0x2d8: {  	v40 =	vmul.f32 v36, v9;
	v10 =	vmul.f32 v35, v9;
	v1 =	vadd.f32 v11, v1;
	v38 =	vpop (erf)  }
0x2d9: {  	v11 =	vmul.f32 v15, v9;
	v2 =	vadd.f32 v12, v2;
	v39 =	vmul.f32 v0, v38  }
0x2da: {  	v5 =	vadd.f32 v13, v5;
	v9 =	vmul.f32 v37, v9;
	v41 =	vmul.f32 v1, v38  }
0x2db: {  	v4 =	vadd.f32 v10, v4;
	v7 =	vadd.f32 v11, v7;
	v10 =	vmul.f32 v2, v38;
	[tilespmem:s9+$0x0] =	vst v39  }
0x2dc: {  	v8 =	vmul.f32 s10, v8;
	v11 =	vmul.f32 v5, v38;
	[tilespmem:s9+$0x10] =	vst v41  }
0x2dd: {  	v6 =	vadd.f32 v9, v6;
	v9 =	vmul.f32 v7, v38;
	[tilespmem:s9+$0x20] =	vst v10  }
0x2de: {  	v8 =	vadd.f32 v40, v8;
	v10 =	vmul.f32 v4, v38;
	[tilespmem:s9+$0x30] =	vst v11  }
0x2df: {  	[tilespmem:s9+$0x50] =	vst v9;
	v9 =	vmul.f32 v6, v38  }
0x2e0: {  	[tilespmem:s9+$0x40] =	vst v10;
	v10 =	vmul.f32 v8, v38  }
0x2e1: {  	s14 =	sor.u32 $0x2, s6;
	[tilespmem:s9+$0x70] =	vst v9  }
0x2e2: {  	p1 =	seq.s32 s14, s4;
	[tilespmem:s9+$0x60] =	vst v10;
	s9 =	simm.f32 $0.0e+00  }
0x2e3: {  	p2 =	seq.s32 s14, s3;
	v9 =	vld [tilespmem:s8+$0x8020];
	s9 =	simm.s32 @!p1 $0x3F800000  }
0x2e4: {  	p1 =	seq.s32 s14, s5;
	s9 =	simm.s32 @p2 $0x0  }
0x2e5: {  	s9 =	simm.s32 @p1 $0x0  }
0x2e6: {  	v3 =	vmul.f32 s9, v3  }
0x2e7: {  	s10 =	sshll.u32 s14, $0x7  }
0x2e8: {  	s10 =	sand.u32 $0x3FFFF900, s10;
	v3 =	vadd.f32 v9, v3  }
0x2e9: {  	v10 =	vld [tilespmem:s10+$0x0]  }
0x2ea: {  	v11 =	vld [tilespmem:s10+$0x10];
	(erf) = vrcp.f32 v3  }
0x2eb: {  	v12 =	vld [tilespmem:s10+$0x20]  }
0x2ec: {  	v42 =	vld [tilespmem:s10+$0x30]  }
0x2ed: {  	v43 =	vld [tilespmem:s10+$0x40];
	v0 =	vmul.f32 s9, v0  }
0x2ee: {  	v44 =	vld [tilespmem:s10+$0x60];
	v1 =	vmul.f32 s9, v1;
	v2 =	vmul.f32 s9, v2  }
0x2ef: {  	v15 =	vld [tilespmem:s10+$0x50];
	v5 =	vmul.f32 s9, v5;
	v4 =	vmul.f32 s9, v4  }
0x2f0: {  	v45 =	vld [tilespmem:s10+$0x70];
	v7 =	vmul.f32 s9, v7;
	v10 =	vmul.f32 v10, v9  }
0x2f1: {  	v6 =	vmul.f32 s9, v6;
	v11 =	vmul.f32 v11, v9  }
0x2f2: {  	v12 =	vmul.f32 v12, v9;
	v13 =	vmul.f32 v42, v9;
	v0 =	vadd.f32 v10, v0  }
0x2f3: {  	v48 =	vmul.f32 v44, v9;
	v10 =	vmul.f32 v43, v9;
	v1 =	vadd.f32 v11, v1;
	v46 =	vpop (erf)  }
0x2f4: {  	v11 =	vmul.f32 v15, v9;
	v2 =	vadd.f32 v12, v2;
	v47 =	vmul.f32 v0, v46  }
0x2f5: {  	v5 =	vadd.f32 v13, v5;
	v9 =	vmul.f32 v45, v9;
	v49 =	vmul.f32 v1, v46  }
0x2f6: {  	v4 =	vadd.f32 v10, v4;
	v7 =	vadd.f32 v11, v7;
	v10 =	vmul.f32 v2, v46;
	[tilespmem:s10+$0x0] =	vst v47  }
0x2f7: {  	v8 =	vmul.f32 s9, v8;
	v11 =	vmul.f32 v5, v46;
	[tilespmem:s10+$0x10] =	vst v49  }
0x2f8: {  	v6 =	vadd.f32 v9, v6;
	v9 =	vmul.f32 v7, v46;
	[tilespmem:s10+$0x20] =	vst v10  }
0x2f9: {  	v8 =	vadd.f32 v48, v8;
	v10 =	vmul.f32 v4, v46;
	[tilespmem:s10+$0x30] =	vst v11  }
0x2fa: {  	[tilespmem:s10+$0x50] =	vst v9;
	v9 =	vmul.f32 v6, v46  }
0x2fb: {  	[tilespmem:s10+$0x40] =	vst v10;
	v10 =	vmul.f32 v8, v46  }
0x2fc: {  	s15 =	sor.u32 $0x3, s6;
	[tilespmem:s10+$0x70] =	vst v9  }
0x2fd: {  	p1 =	seq.s32 s15, s4;
	[tilespmem:s10+$0x60] =	vst v10;
	s10 =	simm.f32 $0.0e+00  }
0x2fe: {  	p2 =	seq.s32 s15, s3;
	v9 =	vld [tilespmem:s8+$0x8030];
	s10 =	simm.s32 @!p1 $0x3F800000  }
0x2ff: {  	p1 =	seq.s32 s15, s5;
	s10 =	simm.s32 @p2 $0x0  }
0x300: {  	s10 =	simm.s32 @p1 $0x0  }
0x301: {  	v3 =	vmul.f32 s10, v3  }
0x302: {  	s9 =	sshll.u32 s15, $0x7  }
0x303: {  	s9 =	sand.u32 $0x3FFFF980, s9;
	v3 =	vadd.f32 v9, v3  }
0x304: {  	v10 =	vld [tilespmem:s9+$0x0]  }
0x305: {  	v11 =	vld [tilespmem:s9+$0x10];
	(erf) = vrcp.f32 v3  }
0x306: {  	v12 =	vld [tilespmem:s9+$0x20]  }
0x307: {  	v50 =	vld [tilespmem:s9+$0x30]  }
0x308: {  	v51 =	vld [tilespmem:s9+$0x40];
	v0 =	vmul.f32 s10, v0  }
0x309: {  	v52 =	vld [tilespmem:s9+$0x60];
	v1 =	vmul.f32 s10, v1;
	v2 =	vmul.f32 s10, v2  }
0x30a: {  	v15 =	vld [tilespmem:s9+$0x50];
	v5 =	vmul.f32 s10, v5;
	v4 =	vmul.f32 s10, v4  }
0x30b: {  	v53 =	vld [tilespmem:s9+$0x70];
	v7 =	vmul.f32 s10, v7;
	v10 =	vmul.f32 v10, v9  }
0x30c: {  	v6 =	vmul.f32 s10, v6;
	v11 =	vmul.f32 v11, v9  }
0x30d: {  	v12 =	vmul.f32 v12, v9;
	v13 =	vmul.f32 v50, v9;
	v0 =	vadd.f32 v10, v0  }
0x30e: {  	v56 =	vmul.f32 v52, v9;
	v10 =	vmul.f32 v51, v9;
	v1 =	vadd.f32 v11, v1;
	v54 =	vpop (erf)  }
0x30f: {  	v11 =	vmul.f32 v15, v9;
	v2 =	vadd.f32 v12, v2;
	v55 =	vmul.f32 v0, v54  }
0x310: {  	v5 =	vadd.f32 v13, v5;
	v9 =	vmul.f32 v53, v9;
	v57 =	vmul.f32 v1, v54  }
0x311: {  	v4 =	vadd.f32 v10, v4;
	v7 =	vadd.f32 v11, v7;
	v10 =	vmul.f32 v2, v54;
	[tilespmem:s9+$0x0] =	vst v55  }
0x312: {  	v8 =	vmul.f32 s10, v8;
	v11 =	vmul.f32 v5, v54;
	[tilespmem:s9+$0x10] =	vst v57  }
0x313: {  	v6 =	vadd.f32 v9, v6;
	v9 =	vmul.f32 v7, v54;
	[tilespmem:s9+$0x20] =	vst v10  }
0x314: {  	v8 =	vadd.f32 v56, v8;
	v10 =	vmul.f32 v4, v54;
	[tilespmem:s9+$0x30] =	vst v11  }
0x315: {  	[tilespmem:s9+$0x50] =	vst v9;
	v9 =	vmul.f32 v6, v54  }
0x316: {  	[tilespmem:s9+$0x40] =	vst v10;
	v10 =	vmul.f32 v8, v54  }
0x317: {  	s16 =	sor.u32 $0x4, s6;
	[tilespmem:s9+$0x70] =	vst v9  }
0x318: {  	p1 =	seq.s32 s16, s4;
	[tilespmem:s9+$0x60] =	vst v10;
	s9 =	simm.f32 $0.0e+00  }
0x319: {  	p2 =	seq.s32 s16, s3;
	v9 =	vld [tilespmem:s8+$0x8040];
	s9 =	simm.s32 @!p1 $0x3F800000  }
0x31a: {  	p1 =	seq.s32 s16, s5;
	s9 =	simm.s32 @p2 $0x0  }
0x31b: {  	s9 =	simm.s32 @p1 $0x0  }
0x31c: {  	v3 =	vmul.f32 s9, v3  }
0x31d: {  	s10 =	sshll.u32 s16, $0x7  }
0x31e: {  	s10 =	sand.u32 $0x3FFFFA00, s10;
	v3 =	vadd.f32 v9, v3  }
0x31f: {  	v10 =	vld [tilespmem:s10+$0x0]  }
0x320: {  	v11 =	vld [tilespmem:s10+$0x10];
	(erf) = vrcp.f32 v3  }
0x321: {  	v12 =	vld [tilespmem:s10+$0x20]  }
0x322: {  	v58 =	vld [tilespmem:s10+$0x30]  }
0x323: {  	v59 =	vld [tilespmem:s10+$0x40];
	v0 =	vmul.f32 s9, v0  }
0x324: {  	v60 =	vld [tilespmem:s10+$0x60];
	v1 =	vmul.f32 s9, v1;
	v2 =	vmul.f32 s9, v2  }
0x325: {  	v15 =	vld [tilespmem:s10+$0x50];
	v5 =	vmul.f32 s9, v5;
	v4 =	vmul.f32 s9, v4  }
0x326: {  	v61 =	vld [tilespmem:s10+$0x70];
	v7 =	vmul.f32 s9, v7;
	v10 =	vmul.f32 v10, v9  }
0x327: {  	v6 =	vmul.f32 s9, v6;
	v11 =	vmul.f32 v11, v9  }
0x328: {  	v12 =	vmul.f32 v12, v9;
	v13 =	vmul.f32 v58, v9;
	v0 =	vadd.f32 v10, v0  }
0x329: {  	v18 =	vmul.f32 v60, v9;
	v10 =	vmul.f32 v59, v9;
	v1 =	vadd.f32 v11, v1;
	v62 =	vpop (erf)  }
0x32a: {  	v11 =	vmul.f32 v15, v9;
	v2 =	vadd.f32 v12, v2;
	v63 =	vmul.f32 v0, v62  }
0x32b: {  	v5 =	vadd.f32 v13, v5;
	v9 =	vmul.f32 v61, v9;
	v19 =	vmul.f32 v1, v62  }
0x32c: {  	v4 =	vadd.f32 v10, v4;
	v7 =	vadd.f32 v11, v7;
	v10 =	vmul.f32 v2, v62;
	[tilespmem:s10+$0x0] =	vst v63  }
0x32d: {  	v8 =	vmul.f32 s9, v8;
	v11 =	vmul.f32 v5, v62;
	[tilespmem:s10+$0x10] =	vst v19  }
0x32e: {  	v6 =	vadd.f32 v9, v6;
	v9 =	vmul.f32 v7, v62;
	[tilespmem:s10+$0x20] =	vst v10  }
0x32f: {  	v8 =	vadd.f32 v18, v8;
	v10 =	vmul.f32 v4, v62;
	[tilespmem:s10+$0x30] =	vst v11  }
0x330: {  	[tilespmem:s10+$0x50] =	vst v9;
	v9 =	vmul.f32 v6, v62  }
0x331: {  	[tilespmem:s10+$0x40] =	vst v10;
	v10 =	vmul.f32 v8, v62  }
0x332: {  	s17 =	sor.u32 $0x5, s6;
	[tilespmem:s10+$0x70] =	vst v9  }
0x333: {  	p1 =	seq.s32 s17, s4;
	[tilespmem:s10+$0x60] =	vst v10;
	s10 =	simm.f32 $0.0e+00  }
0x334: {  	p2 =	seq.s32 s17, s3;
	v9 =	vld [tilespmem:s8+$0x8050];
	s10 =	simm.s32 @!p1 $0x3F800000  }
0x335: {  	p1 =	seq.s32 s17, s5;
	s10 =	simm.s32 @p2 $0x0  }
0x336: {  	s10 =	simm.s32 @p1 $0x0  }
0x337: {  	v3 =	vmul.f32 s10, v3  }
0x338: {  	s9 =	sshll.u32 s17, $0x7  }
0x339: {  	s9 =	sand.u32 $0x3FFFFA80, s9;
	v3 =	vadd.f32 v9, v3  }
0x33a: {  	v10 =	vld [tilespmem:s9+$0x0]  }
0x33b: {  	v11 =	vld [tilespmem:s9+$0x10];
	(erf) = vrcp.f32 v3  }
0x33c: {  	v12 =	vld [tilespmem:s9+$0x20]  }
0x33d: {  	v20 =	vld [tilespmem:s9+$0x30]  }
0x33e: {  	v21 =	vld [tilespmem:s9+$0x40];
	v0 =	vmul.f32 s10, v0  }
0x33f: {  	v22 =	vld [tilespmem:s9+$0x60];
	v1 =	vmul.f32 s10, v1;
	v2 =	vmul.f32 s10, v2  }
0x340: {  	v15 =	vld [tilespmem:s9+$0x50];
	v5 =	vmul.f32 s10, v5;
	v4 =	vmul.f32 s10, v4  }
0x341: {  	v23 =	vld [tilespmem:s9+$0x70];
	v7 =	vmul.f32 s10, v7;
	v10 =	vmul.f32 v10, v9  }
0x342: {  	v6 =	vmul.f32 s10, v6;
	v11 =	vmul.f32 v11, v9  }
0x343: {  	v12 =	vmul.f32 v12, v9;
	v13 =	vmul.f32 v20, v9;
	v0 =	vadd.f32 v10, v0  }
0x344: {  	v26 =	vmul.f32 v22, v9;
	v10 =	vmul.f32 v21, v9;
	v1 =	vadd.f32 v11, v1;
	v24 =	vpop (erf)  }
0x345: {  	v11 =	vmul.f32 v15, v9;
	v2 =	vadd.f32 v12, v2;
	v25 =	vmul.f32 v0, v24  }
0x346: {  	v5 =	vadd.f32 v13, v5;
	v9 =	vmul.f32 v23, v9;
	v27 =	vmul.f32 v1, v24  }
0x347: {  	v4 =	vadd.f32 v10, v4;
	v7 =	vadd.f32 v11, v7;
	v10 =	vmul.f32 v2, v24;
	[tilespmem:s9+$0x0] =	vst v25  }
0x348: {  	v8 =	vmul.f32 s10, v8;
	v11 =	vmul.f32 v5, v24;
	[tilespmem:s9+$0x10] =	vst v27  }
0x349: {  	v6 =	vadd.f32 v9, v6;
	v9 =	vmul.f32 v7, v24;
	[tilespmem:s9+$0x20] =	vst v10  }
0x34a: {  	v8 =	vadd.f32 v26, v8;
	v10 =	vmul.f32 v4, v24;
	[tilespmem:s9+$0x30] =	vst v11  }
0x34b: {  	[tilespmem:s9+$0x50] =	vst v9;
	v9 =	vmul.f32 v6, v24  }
0x34c: {  	[tilespmem:s9+$0x40] =	vst v10;
	v10 =	vmul.f32 v8, v24  }
0x34d: {  	s18 =	sor.u32 $0x6, s6;
	[tilespmem:s9+$0x70] =	vst v9  }
0x34e: {  	p1 =	seq.s32 s18, s4;
	[tilespmem:s9+$0x60] =	vst v10;
	s9 =	simm.f32 $0.0e+00  }
0x34f: {  	p2 =	seq.s32 s18, s3;
	v9 =	vld [tilespmem:s8+$0x8060];
	s9 =	simm.s32 @!p1 $0x3F800000  }
0x350: {  	p1 =	seq.s32 s18, s5;
	s9 =	simm.s32 @p2 $0x0  }
0x351: {  	s9 =	simm.s32 @p1 $0x0  }
0x352: {  	v3 =	vmul.f32 s9, v3  }
0x353: {  	s10 =	sshll.u32 s18, $0x7  }
0x354: {  	s10 =	sand.u32 $0x3FFFFB00, s10;
	v3 =	vadd.f32 v9, v3  }
0x355: {  	v10 =	vld [tilespmem:s10+$0x0]  }
0x356: {  	v11 =	vld [tilespmem:s10+$0x10];
	(erf) = vrcp.f32 v3  }
0x357: {  	v12 =	vld [tilespmem:s10+$0x20]  }
0x358: {  	v28 =	vld [tilespmem:s10+$0x30]  }
0x359: {  	v29 =	vld [tilespmem:s10+$0x40];
	v0 =	vmul.f32 s9, v0  }
0x35a: {  	v30 =	vld [tilespmem:s10+$0x60];
	v1 =	vmul.f32 s9, v1;
	v2 =	vmul.f32 s9, v2  }
0x35b: {  	v15 =	vld [tilespmem:s10+$0x50];
	v5 =	vmul.f32 s9, v5;
	v4 =	vmul.f32 s9, v4  }
0x35c: {  	v31 =	vld [tilespmem:s10+$0x70];
	v7 =	vmul.f32 s9, v7;
	v10 =	vmul.f32 v10, v9  }
0x35d: {  	v6 =	vmul.f32 s9, v6;
	v11 =	vmul.f32 v11, v9  }
0x35e: {  	v12 =	vmul.f32 v12, v9;
	v13 =	vmul.f32 v28, v9;
	v0 =	vadd.f32 v10, v0  }
0x35f: {  	v34 =	vmul.f32 v30, v9;
	v10 =	vmul.f32 v29, v9;
	v1 =	vadd.f32 v11, v1;
	v32 =	vpop (erf)  }
0x360: {  	v11 =	vmul.f32 v15, v9;
	v2 =	vadd.f32 v12, v2;
	v33 =	vmul.f32 v0, v32  }
0x361: {  	v5 =	vadd.f32 v13, v5;
	v9 =	vmul.f32 v31, v9;
	v35 =	vmul.f32 v1, v32  }
0x362: {  	v4 =	vadd.f32 v10, v4;
	v7 =	vadd.f32 v11, v7;
	v10 =	vmul.f32 v2, v32;
	[tilespmem:s10+$0x0] =	vst v33  }
0x363: {  	v8 =	vmul.f32 s9, v8;
	v11 =	vmul.f32 v5, v32;
	[tilespmem:s10+$0x10] =	vst v35  }
0x364: {  	v6 =	vadd.f32 v9, v6;
	v9 =	vmul.f32 v7, v32;
	[tilespmem:s10+$0x20] =	vst v10  }
0x365: {  	v8 =	vadd.f32 v34, v8;
	v10 =	vmul.f32 v4, v32;
	[tilespmem:s10+$0x30] =	vst v11  }
0x366: {  	[tilespmem:s10+$0x50] =	vst v9;
	v9 =	vmul.f32 v6, v32  }
0x367: {  	[tilespmem:s10+$0x40] =	vst v10;
	v10 =	vmul.f32 v8, v32  }
0x368: {  	s19 =	sor.u32 $0x7, s6;
	[tilespmem:s10+$0x70] =	vst v9  }
0x369: {  	p1 =	seq.s32 s19, s4;
	[tilespmem:s10+$0x60] =	vst v10;
	s10 =	simm.f32 $0.0e+00  }
0x36a: {  	p2 =	seq.s32 s19, s3;
	v9 =	vld [tilespmem:s8+$0x8070];
	s10 =	simm.s32 @!p1 $0x3F800000  }
0x36b: {  	p1 =	seq.s32 s19, s5;
	s10 =	simm.s32 @p2 $0x0  }
0x36c: {  	s10 =	simm.s32 @p1 $0x0  }
0x36d: {  	v3 =	vmul.f32 s10, v3  }
0x36e: {  	s20 =	sshll.u32 s19, $0x7  }
0x36f: {  	s8 =	sand.u32 $0x3FFFFB80, s20;
	v3 =	vadd.f32 v9, v3  }
0x370: {  	v10 =	vld [tilespmem:s8+$0x0]  }
0x371: {  	v11 =	vld [tilespmem:s8+$0x10];
	(erf) = vrcp.f32 v3  }
0x372: {  	v12 =	vld [tilespmem:s8+$0x20]  }
0x373: {  	v36 =	vld [tilespmem:s8+$0x30]  }
0x374: {  	v37 =	vld [tilespmem:s8+$0x40];
	v0 =	vmul.f32 s10, v0  }
0x375: {  	v38 =	vld [tilespmem:s8+$0x60];
	v1 =	vmul.f32 s10, v1;
	v2 =	vmul.f32 s10, v2  }
0x376: {  	v15 =	vld [tilespmem:s8+$0x50];
	v5 =	vmul.f32 s10, v5;
	v4 =	vmul.f32 s10, v4  }
0x377: {  	v39 =	vld [tilespmem:s8+$0x70];
	v7 =	vmul.f32 s10, v7;
	v10 =	vmul.f32 v10, v9  }
0x378: {  	v6 =	vmul.f32 s10, v6;
	v11 =	vmul.f32 v11, v9  }
0x379: {  	v12 =	vmul.f32 v12, v9;
	v13 =	vmul.f32 v36, v9;
	v0 =	vadd.f32 v10, v0  }
0x37a: {  	v42 =	vmul.f32 v38, v9;
	v10 =	vmul.f32 v37, v9;
	v1 =	vadd.f32 v11, v1;
	v40 =	vpop (erf)  }
0x37b: {  	v11 =	vmul.f32 v15, v9;
	v2 =	vadd.f32 v12, v2;
	v41 =	vmul.f32 v0, v40  }
0x37c: {  	v5 =	vadd.f32 v13, v5;
	v9 =	vmul.f32 v39, v9;
	v43 =	vmul.f32 v1, v40  }
0x37d: {  	v4 =	vadd.f32 v10, v4;
	v7 =	vadd.f32 v11, v7;
	v10 =	vmul.f32 v2, v40;
	[tilespmem:s8+$0x0] =	vst v41  }
0x37e: {  	v8 =	vmul.f32 s10, v8;
	v11 =	vmul.f32 v5, v40;
	[tilespmem:s8+$0x10] =	vst v43  }
0x37f: {  	v6 =	vadd.f32 v9, v6;
	v9 =	vmul.f32 v7, v40;
	[tilespmem:s8+$0x20] =	vst v10  }
0x380: {  	v8 =	vadd.f32 v42, v8;
	v10 =	vmul.f32 v4, v40;
	[tilespmem:s8+$0x30] =	vst v11  }
0x381: {  	[tilespmem:s8+$0x50] =	vst v9;
	v9 =	vmul.f32 v6, v40  }
0x382: {  	s21 =	sor.u32 $0x8, s6;
	[tilespmem:s8+$0x40] =	vst v10;
	v10 =	vmul.f32 v8, v40  }
0x383: {  	s22 =	sshll.u32 s21, $0x4;
	[tilespmem:s8+$0x70] =	vst v9  }
0x384: {  	s23 =	sand.u32 $0x3FFFFF80, s22;
	p1 =	seq.s32 s21, s4;
	s10 =	simm.f32 $0.0e+00;
	[tilespmem:s8+$0x60] =	vst v10  }
0x385: {  	p2 =	seq.s32 s21, s3;
	s10 =	simm.s32 @!p1 $0x3F800000;
	v9 =	vld [tilespmem:s23+$0x8000]  }
0x386: {  	p1 =	seq.s32 s21, s5;
	s10 =	simm.s32 @p2 $0x0  }
0x387: {  	s10 =	simm.s32 @p1 $0x0  }
0x388: {  	v3 =	vmul.f32 s10, v3  }
0x389: {  	s24 =	sshll.u32 s21, $0x7  }
0x38a: {  	s8 =	sand.u32 $0x3FFFFC00, s24;
	v3 =	vadd.f32 v9, v3  }
0x38b: {  	v10 =	vld [tilespmem:s8+$0x0]  }
0x38c: {  	v11 =	vld [tilespmem:s8+$0x10];
	(erf) = vrcp.f32 v3  }
0x38d: {  	v12 =	vld [tilespmem:s8+$0x20]  }
0x38e: {  	v44 =	vld [tilespmem:s8+$0x30]  }
0x38f: {  	v0 =	vmul.f32 s10, v0;
	v45 =	vld [tilespmem:s8+$0x40]  }
0x390: {  	v1 =	vmul.f32 s10, v1;
	v2 =	vmul.f32 s10, v2;
	v46 =	vld [tilespmem:s8+$0x60]  }
0x391: {  	v5 =	vmul.f32 s10, v5;
	v7 =	vmul.f32 s10, v7;
	v15 =	vld [tilespmem:s8+$0x50]  }
0x392: {  	v4 =	vmul.f32 s10, v4;
	v47 =	vld [tilespmem:s8+$0x70];
	v10 =	vmul.f32 v10, v9  }
0x393: {  	v6 =	vmul.f32 s10, v6;
	v11 =	vmul.f32 v11, v9  }
0x394: {  	v12 =	vmul.f32 v12, v9;
	v13 =	vmul.f32 v44, v9;
	v0 =	vadd.f32 v10, v0  }
0x395: {  	v50 =	vmul.f32 v46, v9;
	v10 =	vmul.f32 v45, v9;
	v1 =	vadd.f32 v11, v1;
	v48 =	vpop (erf)  }
0x396: {  	v11 =	vmul.f32 v15, v9;
	v2 =	vadd.f32 v12, v2;
	v49 =	vmul.f32 v0, v48  }
0x397: {  	v5 =	vadd.f32 v13, v5;
	v9 =	vmul.f32 v47, v9;
	v51 =	vmul.f32 v1, v48  }
0x398: {  	v4 =	vadd.f32 v10, v4;
	v7 =	vadd.f32 v11, v7;
	v10 =	vmul.f32 v2, v48;
	[tilespmem:s8+$0x0] =	vst v49  }
0x399: {  	v8 =	vmul.f32 s10, v8;
	v11 =	vmul.f32 v5, v48;
	[tilespmem:s8+$0x10] =	vst v51  }
0x39a: {  	v6 =	vadd.f32 v9, v6;
	v9 =	vmul.f32 v7, v48;
	[tilespmem:s8+$0x20] =	vst v10  }
0x39b: {  	v8 =	vadd.f32 v50, v8;
	v10 =	vmul.f32 v4, v48;
	[tilespmem:s8+$0x30] =	vst v11  }
0x39c: {  	[tilespmem:s8+$0x50] =	vst v9;
	v9 =	vmul.f32 v6, v48  }
0x39d: {  	s25 =	sor.u32 $0x9, s6;
	[tilespmem:s8+$0x40] =	vst v10;
	v10 =	vmul.f32 v8, v48  }
0x39e: {  	s26 =	sshll.u32 s25, $0x4;
	[tilespmem:s8+$0x70] =	vst v9  }
0x39f: {  	s28 =	sand.u32 $0x3FFFFF90, s26;
	p1 =	seq.s32 s25, s4;
	s10 =	simm.f32 $0.0e+00;
	[tilespmem:s8+$0x60] =	vst v10  }
0x3a0: {  	p2 =	seq.s32 s25, s3;
	s10 =	simm.s32 @!p1 $0x3F800000;
	v9 =	vld [tilespmem:s28+$0x8000]  }
0x3a1: {  	p1 =	seq.s32 s25, s5;
	s10 =	simm.s32 @p2 $0x0  }
0x3a2: {  	s10 =	simm.s32 @p1 $0x0  }
0x3a3: {  	v3 =	vmul.f32 s10, v3  }
0x3a4: {  	s29 =	sshll.u32 s25, $0x7  }
0x3a5: {  	s8 =	sand.u32 $0x3FFFFC80, s29;
	v3 =	vadd.f32 v9, v3  }
0x3a6: {  	v10 =	vld [tilespmem:s8+$0x0]  }
0x3a7: {  	v11 =	vld [tilespmem:s8+$0x10];
	(erf) = vrcp.f32 v3  }
0x3a8: {  	v12 =	vld [tilespmem:s8+$0x20]  }
0x3a9: {  	v52 =	vld [tilespmem:s8+$0x30]  }
0x3aa: {  	v0 =	vmul.f32 s10, v0;
	v53 =	vld [tilespmem:s8+$0x40]  }
0x3ab: {  	v1 =	vmul.f32 s10, v1;
	v2 =	vmul.f32 s10, v2;
	v54 =	vld [tilespmem:s8+$0x60]  }
0x3ac: {  	v5 =	vmul.f32 s10, v5;
	v7 =	vmul.f32 s10, v7;
	v15 =	vld [tilespmem:s8+$0x50]  }
0x3ad: {  	v4 =	vmul.f32 s10, v4;
	v55 =	vld [tilespmem:s8+$0x70];
	v10 =	vmul.f32 v10, v9  }
0x3ae: {  	v6 =	vmul.f32 s10, v6;
	v11 =	vmul.f32 v11, v9  }
0x3af: {  	v12 =	vmul.f32 v12, v9;
	v13 =	vmul.f32 v52, v9;
	v0 =	vadd.f32 v10, v0  }
0x3b0: {  	v58 =	vmul.f32 v54, v9;
	v10 =	vmul.f32 v53, v9;
	v1 =	vadd.f32 v11, v1;
	v56 =	vpop (erf)  }
0x3b1: {  	v11 =	vmul.f32 v15, v9;
	v2 =	vadd.f32 v12, v2;
	v57 =	vmul.f32 v0, v56  }
0x3b2: {  	v5 =	vadd.f32 v13, v5;
	v9 =	vmul.f32 v55, v9;
	v59 =	vmul.f32 v1, v56  }
0x3b3: {  	v4 =	vadd.f32 v10, v4;
	v7 =	vadd.f32 v11, v7;
	v10 =	vmul.f32 v2, v56;
	[tilespmem:s8+$0x0] =	vst v57  }
0x3b4: {  	v8 =	vmul.f32 s10, v8;
	v11 =	vmul.f32 v5, v56;
	[tilespmem:s8+$0x10] =	vst v59  }
0x3b5: {  	v6 =	vadd.f32 v9, v6;
	v9 =	vmul.f32 v7, v56;
	[tilespmem:s8+$0x20] =	vst v10  }
0x3b6: {  	v8 =	vadd.f32 v58, v8;
	v10 =	vmul.f32 v4, v56;
	[tilespmem:s8+$0x30] =	vst v11  }
0x3b7: {  	[tilespmem:s8+$0x50] =	vst v9;
	v9 =	vmul.f32 v6, v56  }
0x3b8: {  	s30 =	sor.u32 $0xA, s6;
	[tilespmem:s8+$0x40] =	vst v10;
	v10 =	vmul.f32 v8, v56  }
0x3b9: {  	s31 =	sshll.u32 s30, $0x4;
	[tilespmem:s8+$0x70] =	vst v9  }
0x3ba: {  	s11 =	sand.u32 $0x3FFFFFA0, s31;
	p1 =	seq.s32 s30, s4;
	s10 =	simm.f32 $0.0e+00;
	[tilespmem:s8+$0x60] =	vst v10  }
0x3bb: {  	p2 =	seq.s32 s30, s3;
	s10 =	simm.s32 @!p1 $0x3F800000;
	v9 =	vld [tilespmem:s11+$0x8000]  }
0x3bc: {  	p1 =	seq.s32 s30, s5;
	s10 =	simm.s32 @p2 $0x0  }
0x3bd: {  	s10 =	simm.s32 @p1 $0x0  }
0x3be: {  	v3 =	vmul.f32 s10, v3  }
0x3bf: {  	s12 =	sshll.u32 s30, $0x7  }
0x3c0: {  	s8 =	sand.u32 $0x3FFFFD00, s12;
	v3 =	vadd.f32 v9, v3  }
0x3c1: {  	v10 =	vld [tilespmem:s8+$0x0]  }
0x3c2: {  	v11 =	vld [tilespmem:s8+$0x10];
	(erf) = vrcp.f32 v3  }
0x3c3: {  	v12 =	vld [tilespmem:s8+$0x20]  }
0x3c4: {  	v60 =	vld [tilespmem:s8+$0x30]  }
0x3c5: {  	v0 =	vmul.f32 s10, v0;
	v61 =	vld [tilespmem:s8+$0x40]  }
0x3c6: {  	v1 =	vmul.f32 s10, v1;
	v2 =	vmul.f32 s10, v2;
	v62 =	vld [tilespmem:s8+$0x60]  }
0x3c7: {  	v5 =	vmul.f32 s10, v5;
	v7 =	vmul.f32 s10, v7;
	v15 =	vld [tilespmem:s8+$0x50]  }
0x3c8: {  	v4 =	vmul.f32 s10, v4;
	v63 =	vld [tilespmem:s8+$0x70];
	v10 =	vmul.f32 v10, v9  }
0x3c9: {  	v6 =	vmul.f32 s10, v6;
	v11 =	vmul.f32 v11, v9  }
0x3ca: {  	v12 =	vmul.f32 v12, v9;
	v13 =	vmul.f32 v60, v9;
	v0 =	vadd.f32 v10, v0  }
0x3cb: {  	v22 =	vmul.f32 v62, v9;
	v10 =	vmul.f32 v61, v9;
	v1 =	vadd.f32 v11, v1;
	v20 =	vpop (erf)  }
0x3cc: {  	v11 =	vmul.f32 v15, v9;
	v2 =	vadd.f32 v12, v2;
	v21 =	vmul.f32 v0, v20  }
0x3cd: {  	v5 =	vadd.f32 v13, v5;
	v9 =	vmul.f32 v63, v9;
	v23 =	vmul.f32 v1, v20  }
0x3ce: {  	v4 =	vadd.f32 v10, v4;
	v7 =	vadd.f32 v11, v7;
	v10 =	vmul.f32 v2, v20;
	[tilespmem:s8+$0x0] =	vst v21  }
0x3cf: {  	v8 =	vmul.f32 s10, v8;
	v11 =	vmul.f32 v5, v20;
	[tilespmem:s8+$0x10] =	vst v23  }
0x3d0: {  	v6 =	vadd.f32 v9, v6;
	v9 =	vmul.f32 v7, v20;
	[tilespmem:s8+$0x20] =	vst v10  }
0x3d1: {  	v8 =	vadd.f32 v22, v8;
	v10 =	vmul.f32 v4, v20;
	[tilespmem:s8+$0x30] =	vst v11  }
0x3d2: {  	[tilespmem:s8+$0x50] =	vst v9;
	v9 =	vmul.f32 v6, v20  }
0x3d3: {  	s13 =	sor.u32 $0xB, s6;
	[tilespmem:s8+$0x40] =	vst v10;
	v10 =	vmul.f32 v8, v20  }
0x3d4: {  	s14 =	sshll.u32 s13, $0x4;
	[tilespmem:s8+$0x70] =	vst v9  }
0x3d5: {  	s15 =	sand.u32 $0x3FFFFFB0, s14;
	p1 =	seq.s32 s13, s4;
	s10 =	simm.f32 $0.0e+00;
	[tilespmem:s8+$0x60] =	vst v10  }
0x3d6: {  	p2 =	seq.s32 s13, s3;
	s10 =	simm.s32 @!p1 $0x3F800000;
	v9 =	vld [tilespmem:s15+$0x8000]  }
0x3d7: {  	p1 =	seq.s32 s13, s5;
	s10 =	simm.s32 @p2 $0x0  }
0x3d8: {  	s10 =	simm.s32 @p1 $0x0  }
0x3d9: {  	v3 =	vmul.f32 s10, v3  }
0x3da: {  	s16 =	sshll.u32 s13, $0x7  }
0x3db: {  	s8 =	sand.u32 $0x3FFFFD80, s16;
	v3 =	vadd.f32 v9, v3  }
0x3dc: {  	v10 =	vld [tilespmem:s8+$0x0]  }
0x3dd: {  	v11 =	vld [tilespmem:s8+$0x10];
	(erf) = vrcp.f32 v3  }
0x3de: {  	v12 =	vld [tilespmem:s8+$0x20]  }
0x3df: {  	v24 =	vld [tilespmem:s8+$0x30]  }
0x3e0: {  	v0 =	vmul.f32 s10, v0;
	v25 =	vld [tilespmem:s8+$0x40]  }
0x3e1: {  	v1 =	vmul.f32 s10, v1;
	v2 =	vmul.f32 s10, v2;
	v26 =	vld [tilespmem:s8+$0x60]  }
0x3e2: {  	v5 =	vmul.f32 s10, v5;
	v7 =	vmul.f32 s10, v7;
	v15 =	vld [tilespmem:s8+$0x50]  }
0x3e3: {  	v4 =	vmul.f32 s10, v4;
	v27 =	vld [tilespmem:s8+$0x70];
	v10 =	vmul.f32 v10, v9  }
0x3e4: {  	v6 =	vmul.f32 s10, v6;
	v11 =	vmul.f32 v11, v9  }
0x3e5: {  	v12 =	vmul.f32 v12, v9;
	v13 =	vmul.f32 v24, v9;
	v0 =	vadd.f32 v10, v0  }
0x3e6: {  	v30 =	vmul.f32 v26, v9;
	v10 =	vmul.f32 v25, v9;
	v1 =	vadd.f32 v11, v1;
	v28 =	vpop (erf)  }
0x3e7: {  	v11 =	vmul.f32 v15, v9;
	v2 =	vadd.f32 v12, v2;
	v29 =	vmul.f32 v0, v28  }
0x3e8: {  	v5 =	vadd.f32 v13, v5;
	v9 =	vmul.f32 v27, v9;
	v31 =	vmul.f32 v1, v28  }
0x3e9: {  	v4 =	vadd.f32 v10, v4;
	v7 =	vadd.f32 v11, v7;
	v10 =	vmul.f32 v2, v28;
	[tilespmem:s8+$0x0] =	vst v29  }
0x3ea: {  	v8 =	vmul.f32 s10, v8;
	v11 =	vmul.f32 v5, v28;
	[tilespmem:s8+$0x10] =	vst v31  }
0x3eb: {  	v6 =	vadd.f32 v9, v6;
	v9 =	vmul.f32 v7, v28;
	[tilespmem:s8+$0x20] =	vst v10  }
0x3ec: {  	v8 =	vadd.f32 v30, v8;
	v10 =	vmul.f32 v4, v28;
	[tilespmem:s8+$0x30] =	vst v11  }
0x3ed: {  	[tilespmem:s8+$0x50] =	vst v9;
	v9 =	vmul.f32 v6, v28  }
0x3ee: {  	s17 =	sor.u32 $0xC, s6;
	[tilespmem:s8+$0x40] =	vst v10;
	v10 =	vmul.f32 v8, v28  }
0x3ef: {  	s18 =	sshll.u32 s17, $0x4;
	[tilespmem:s8+$0x70] =	vst v9  }
0x3f0: {  	s19 =	sand.u32 $0x3FFFFFC0, s18;
	p1 =	seq.s32 s17, s4;
	s10 =	simm.f32 $0.0e+00;
	[tilespmem:s8+$0x60] =	vst v10  }
0x3f1: {  	p2 =	seq.s32 s17, s3;
	s10 =	simm.s32 @!p1 $0x3F800000;
	v9 =	vld [tilespmem:s19+$0x8000]  }
0x3f2: {  	p1 =	seq.s32 s17, s5;
	s10 =	simm.s32 @p2 $0x0  }
0x3f3: {  	s10 =	simm.s32 @p1 $0x0  }
0x3f4: {  	v3 =	vmul.f32 s10, v3  }
0x3f5: {  	s20 =	sshll.u32 s17, $0x7  }
0x3f6: {  	s8 =	sand.u32 $0x3FFFFE00, s20;
	v3 =	vadd.f32 v9, v3  }
0x3f7: {  	v10 =	vld [tilespmem:s8+$0x0]  }
0x3f8: {  	v11 =	vld [tilespmem:s8+$0x10];
	(erf) = vrcp.f32 v3  }
0x3f9: {  	v12 =	vld [tilespmem:s8+$0x20]  }
0x3fa: {  	v32 =	vld [tilespmem:s8+$0x30]  }
0x3fb: {  	v0 =	vmul.f32 s10, v0;
	v33 =	vld [tilespmem:s8+$0x40]  }
0x3fc: {  	v1 =	vmul.f32 s10, v1;
	v2 =	vmul.f32 s10, v2;
	v34 =	vld [tilespmem:s8+$0x60]  }
0x3fd: {  	v5 =	vmul.f32 s10, v5;
	v7 =	vmul.f32 s10, v7;
	v15 =	vld [tilespmem:s8+$0x50]  }
0x3fe: {  	v4 =	vmul.f32 s10, v4;
	v35 =	vld [tilespmem:s8+$0x70];
	v10 =	vmul.f32 v10, v9  }
0x3ff: {  	v6 =	vmul.f32 s10, v6;
	v11 =	vmul.f32 v11, v9  }
0x400: {  	v12 =	vmul.f32 v12, v9;
	v13 =	vmul.f32 v32, v9;
	v0 =	vadd.f32 v10, v0  }
0x401: {  	v38 =	vmul.f32 v34, v9;
	v10 =	vmul.f32 v33, v9;
	v1 =	vadd.f32 v11, v1;
	v36 =	vpop (erf)  }
0x402: {  	v11 =	vmul.f32 v15, v9;
	v2 =	vadd.f32 v12, v2;
	v37 =	vmul.f32 v0, v36  }
0x403: {  	v5 =	vadd.f32 v13, v5;
	v9 =	vmul.f32 v35, v9;
	v39 =	vmul.f32 v1, v36  }
0x404: {  	v4 =	vadd.f32 v10, v4;
	v7 =	vadd.f32 v11, v7;
	v10 =	vmul.f32 v2, v36;
	[tilespmem:s8+$0x0] =	vst v37  }
0x405: {  	v8 =	vmul.f32 s10, v8;
	v11 =	vmul.f32 v5, v36;
	[tilespmem:s8+$0x10] =	vst v39  }
0x406: {  	v6 =	vadd.f32 v9, v6;
	v9 =	vmul.f32 v7, v36;
	[tilespmem:s8+$0x20] =	vst v10  }
0x407: {  	v8 =	vadd.f32 v38, v8;
	v10 =	vmul.f32 v4, v36;
	[tilespmem:s8+$0x30] =	vst v11  }
0x408: {  	[tilespmem:s8+$0x50] =	vst v9;
	v9 =	vmul.f32 v6, v36  }
0x409: {  	s21 =	sor.u32 $0xD, s6;
	[tilespmem:s8+$0x40] =	vst v10;
	v10 =	vmul.f32 v8, v36  }
0x40a: {  	s22 =	sshll.u32 s21, $0x4;
	[tilespmem:s8+$0x70] =	vst v9  }
0x40b: {  	s23 =	sand.u32 $0x3FFFFFD0, s22;
	p1 =	seq.s32 s21, s4;
	s10 =	simm.f32 $0.0e+00;
	[tilespmem:s8+$0x60] =	vst v10  }
0x40c: {  	p2 =	seq.s32 s21, s3;
	s10 =	simm.s32 @!p1 $0x3F800000;
	v9 =	vld [tilespmem:s23+$0x8000]  }
0x40d: {  	p1 =	seq.s32 s21, s5;
	s10 =	simm.s32 @p2 $0x0  }
0x40e: {  	s10 =	simm.s32 @p1 $0x0  }
0x40f: {  	v3 =	vmul.f32 s10, v3  }
0x410: {  	s24 =	sshll.u32 s21, $0x7  }
0x411: {  	s8 =	sand.u32 $0x3FFFFE80, s24;
	v3 =	vadd.f32 v9, v3  }
0x412: {  	v10 =	vld [tilespmem:s8+$0x0]  }
0x413: {  	v11 =	vld [tilespmem:s8+$0x10];
	(erf) = vrcp.f32 v3  }
0x414: {  	v12 =	vld [tilespmem:s8+$0x20]  }
0x415: {  	v40 =	vld [tilespmem:s8+$0x30]  }
0x416: {  	v0 =	vmul.f32 s10, v0;
	v41 =	vld [tilespmem:s8+$0x40]  }
0x417: {  	v1 =	vmul.f32 s10, v1;
	v2 =	vmul.f32 s10, v2;
	v42 =	vld [tilespmem:s8+$0x60]  }
0x418: {  	v5 =	vmul.f32 s10, v5;
	v7 =	vmul.f32 s10, v7;
	v15 =	vld [tilespmem:s8+$0x50]  }
0x419: {  	v4 =	vmul.f32 s10, v4;
	v43 =	vld [tilespmem:s8+$0x70];
	v10 =	vmul.f32 v10, v9  }
0x41a: {  	v6 =	vmul.f32 s10, v6;
	v11 =	vmul.f32 v11, v9  }
0x41b: {  	v12 =	vmul.f32 v12, v9;
	v13 =	vmul.f32 v40, v9;
	v0 =	vadd.f32 v10, v0  }
0x41c: {  	v46 =	vmul.f32 v42, v9;
	v10 =	vmul.f32 v41, v9;
	v1 =	vadd.f32 v11, v1;
	v44 =	vpop (erf)  }
0x41d: {  	v11 =	vmul.f32 v15, v9;
	v2 =	vadd.f32 v12, v2;
	v45 =	vmul.f32 v0, v44  }
0x41e: {  	v5 =	vadd.f32 v13, v5;
	v9 =	vmul.f32 v43, v9;
	v47 =	vmul.f32 v1, v44  }
0x41f: {  	v4 =	vadd.f32 v10, v4;
	v7 =	vadd.f32 v11, v7;
	v10 =	vmul.f32 v2, v44;
	[tilespmem:s8+$0x0] =	vst v45  }
0x420: {  	v8 =	vmul.f32 s10, v8;
	v11 =	vmul.f32 v5, v44;
	[tilespmem:s8+$0x10] =	vst v47  }
0x421: {  	v6 =	vadd.f32 v9, v6;
	v9 =	vmul.f32 v7, v44;
	[tilespmem:s8+$0x20] =	vst v10  }
0x422: {  	v8 =	vadd.f32 v46, v8;
	v10 =	vmul.f32 v4, v44;
	[tilespmem:s8+$0x30] =	vst v11  }
0x423: {  	[tilespmem:s8+$0x50] =	vst v9;
	v9 =	vmul.f32 v6, v44  }
0x424: {  	s6 =	sor.u32 $0xE, s6;
	[tilespmem:s8+$0x40] =	vst v10;
	v10 =	vmul.f32 v8, v44  }
0x425: {  	s25 =	sshll.u32 s6, $0x4;
	[tilespmem:s8+$0x70] =	vst v9  }
0x426: {  	s9 =	simm.f32 $0.0e+00;
	s26 =	sand.u32 $0x3FFFFFE0, s25;
	p1 =	seq.s32 s6, s4;
	[tilespmem:s8+$0x60] =	vst v10  }
0x427: {  	p2 =	seq.s32 s6, s3;
	s9 =	simm.s32 @!p1 $0x3F800000;
	v9 =	vld [tilespmem:s26+$0x8000]  }
0x428: {  	p1 =	seq.s32 s6, s5;
	s9 =	simm.s32 @p2 $0x0  }
0x429: {  	s9 =	simm.s32 @p1 $0x0  }
0x42a: {  	v3 =	vmul.f32 s9, v3  }
0x42b: {  	s6 =	sshll.u32 s6, $0x7  }
0x42c: {  	s6 =	sand.u32 $0x3FFFFF00, s6;
	v3 =	vadd.f32 v9, v3  }
0x42d: {  	v10 =	vld [tilespmem:s6+$0x0]  }
0x42e: {  	v11 =	vld [tilespmem:s6+$0x10];
	(erf) = vrcp.f32 v3  }
0x42f: {  	v12 =	vld [tilespmem:s6+$0x20]  }
0x430: {  	v48 =	vld [tilespmem:s6+$0x30]  }
0x431: {  	v0 =	vmul.f32 s9, v0;
	v49 =	vld [tilespmem:s6+$0x40]  }
0x432: {  	v1 =	vmul.f32 s9, v1;
	v2 =	vmul.f32 s9, v2;
	v50 =	vld [tilespmem:s6+$0x60]  }
0x433: {  	v5 =	vmul.f32 s9, v5;
	v7 =	vmul.f32 s9, v7;
	v15 =	vld [tilespmem:s6+$0x50]  }
0x434: {  	v4 =	vmul.f32 s9, v4;
	v51 =	vld [tilespmem:s6+$0x70];
	v10 =	vmul.f32 v10, v9  }
0x435: {  	v6 =	vmul.f32 s9, v6;
	v11 =	vmul.f32 v11, v9  }
0x436: {  	v12 =	vmul.f32 v12, v9;
	v13 =	vmul.f32 v48, v9;
	v0 =	vadd.f32 v10, v0  }
0x437: {  	v54 =	vmul.f32 v50, v9;
	v10 =	vmul.f32 v49, v9;
	v1 =	vadd.f32 v11, v1;
	v52 =	vpop (erf)  }
0x438: {  	v11 =	vmul.f32 v15, v9;
	v2 =	vadd.f32 v12, v2;
	v53 =	vmul.f32 v0, v52  }
0x439: {  	v5 =	vadd.f32 v13, v5;
	v9 =	vmul.f32 v51, v9;
	v55 =	vmul.f32 v1, v52  }
0x43a: {  	v4 =	vadd.f32 v10, v4;
	v7 =	vadd.f32 v11, v7;
	v10 =	vmul.f32 v2, v52;
	[tilespmem:s6+$0x0] =	vst v53  }
0x43b: {  	v8 =	vmul.f32 s9, v8;
	v11 =	vmul.f32 v5, v52;
	[tilespmem:s6+$0x10] =	vst v55  }
0x43c: {  	v6 =	vadd.f32 v9, v6;
	v9 =	vmul.f32 v7, v52;
	[tilespmem:s6+$0x20] =	vst v10  }
0x43d: {  	v8 =	vadd.f32 v54, v8;
	v10 =	vmul.f32 v4, v52;
	[tilespmem:s6+$0x30] =	vst v11  }
0x43e: {  	[tilespmem:s6+$0x50] =	vst v9;
	v9 =	vmul.f32 v6, v52  }
0x43f: {  	s28 =	sshllo.u32 s7, $0x4;
	[tilespmem:s6+$0x40] =	vst v10;
	v10 =	vmul.f32 v8, v52  }
0x440: {  	s29 =	sshll.u32 s28, $0x4;
	[tilespmem:s6+$0x70] =	vst v9  }
0x441: {  	s30 =	sand.u32 $0x3FFFFFF0, s29;
	p1 =	seq.s32 s28, s4;
	s9 =	simm.f32 $0.0e+00;
	[tilespmem:s6+$0x60] =	vst v10  }
0x442: {  	p2 =	seq.s32 s28, s3;
	s9 =	simm.s32 @!p1 $0x3F800000;
	v9 =	vld [tilespmem:s30+$0x8000]  }
0x443: {  	p1 =	seq.s32 s28, s5;
	s9 =	simm.s32 @p2 $0x0  }
0x444: {  	s9 =	simm.s32 @p1 $0x0  }
0x445: {  	v3 =	vmul.f32 s9, v3  }
0x446: {  	s31 =	sshll.u32 s28, $0x7  }
0x447: {  	s6 =	sand.u32 $0x3FFFFF80, s31;
	v3 =	vadd.f32 v9, v3  }
0x448: {  	v10 =	vld [tilespmem:s6+$0x0]  }
0x449: {  	v11 =	vld [tilespmem:s6+$0x10];
	(erf) = vrcp.f32 v3  }
0x44a: {  	v12 =	vld [tilespmem:s6+$0x20]  }
0x44b: {  	v56 =	vld [tilespmem:s6+$0x30]  }
0x44c: {  	v0 =	vmul.f32 s9, v0;
	v57 =	vld [tilespmem:s6+$0x40]  }
0x44d: {  	v1 =	vmul.f32 s9, v1;
	v2 =	vmul.f32 s9, v2;
	v58 =	vld [tilespmem:s6+$0x60]  }
0x44e: {  	v5 =	vmul.f32 s9, v5;
	v7 =	vmul.f32 s9, v7;
	v15 =	vld [tilespmem:s6+$0x50]  }
0x44f: {  	v4 =	vmul.f32 s9, v4;
	v59 =	vld [tilespmem:s6+$0x70];
	v10 =	vmul.f32 v10, v9  }
0x450: {  	v6 =	vmul.f32 s9, v6;
	v11 =	vmul.f32 v11, v9  }
0x451: {  	v12 =	vmul.f32 v12, v9;
	v13 =	vmul.f32 v56, v9;
	v0 =	vadd.f32 v10, v0  }
0x452: {  	v62 =	vmul.f32 v58, v9;
	v10 =	vmul.f32 v57, v9;
	v1 =	vadd.f32 v11, v1;
	v60 =	vpop (erf)  }
0x453: {  	v11 =	vmul.f32 v15, v9;
	v2 =	vadd.f32 v12, v2;
	v61 =	vmul.f32 v0, v60  }
0x454: {  	v5 =	vadd.f32 v13, v5;
	v9 =	vmul.f32 v59, v9;
	v63 =	vmul.f32 v1, v60  }
0x455: {  	v4 =	vadd.f32 v10, v4;
	v7 =	vadd.f32 v11, v7;
	v10 =	vmul.f32 v2, v60;
	[tilespmem:s6+$0x0] =	vst v61  }
0x456: {  	v8 =	vmul.f32 s9, v8;
	v11 =	vmul.f32 v5, v60;
	[tilespmem:s6+$0x10] =	vst v63  }
0x457: {  	p1 =	sne.s32 s7, $0xF;
	v6 =	vadd.f32 v9, v6;
	v9 =	vmul.f32 v7, v60;
	[tilespmem:s6+$0x20] =	vst v10  }
.Ltmp1:
0x458: {  	v8 =	vadd.f32 v62, v8;
	v10 =	vmul.f32 v4, v60;
	[tilespmem:s6+$0x30] =	vst v11;
	(pc) =	sbr.rel @p1 .LBB2_3-.Ltmp1, $4  }
0x459: {  	[tilespmem:s6+$0x50] =	vst v9;
	v9 =	vmul.f32 v6, v60  }
0x45a: {  	[tilespmem:s6+$0x40] =	vst v10;
	v10 =	vmul.f32 v8, v60  }
0x45b: {  	[tilespmem:s6+$0x70] =	vst v9  }
0x45c: {  	s7 =	sadd.s32 $0x1, s7;
	[tilespmem:s6+$0x60] =	vst v10  }
0x45d: {  	s1 =	sadd.s32 s1, s2;
	s30 =	simm.s32 $0x0;
	s31 =	simm.s32 $0x1  }
0x45e: {  	[hbm4b:s1+s30] =	stream.linear.scatter [tilespmem:s30], [sflag:$0x1], $0x8000, $0x38;
	[tilespmem:$0x9B00] =	vst v63  }
0x45f: {  	_ =	swait.ge [sflag:s31], $0x8000  }
0x460: {  	[sflag:s31] =	ssyncset.done $0x0  }
0x461: {  	[sflag:s31] =	ssyncadd.s32 $0xFFFF8000  }
0x462: {  	_ =	sfence.sel $0x180000  }
0x463: {  	[bflag:$0x0] =	sbarrier.arrive $0xFFFF  }
0x464: {  	_ =	strace $0x90000047  }
0x465: {  	s0 =	sadd.s32 @!p0 $0x100000, s0;
	[bflag:$0x2] =	sbarrier.arrive $0xFFFF  }
0x466: {  	[sflag:s0] =	ssyncadd.tile.s32 @!p0 $0x1;
	_ =	shalt  }
.Lfunc_end2:
_tile_overlayer_lowered:
.L_overlay_start_2:
0x467: {  	(tag) =	ssettag $0x2  }
0x468: {  	s0 =	rddreg [dreg:$0x0];
	s2 =	stileid.u32  }
0x469: {  	s1 =	rddreg [dreg:$0x1];
	p0 =	sne.s32 s2, $0x0  }
0x46a: {  	s3 =	rddreg [dreg:$0x2];
	[bflag:$0x3] =	sbarrier.arrive $0xFFFF;
	s2 =	simm.s32 @!p0 $0x1C01  }
0x46b: {  	[timem:s3], [sflag:s2] =	dma.local @!p0 [hbm:s0], s1  }
0x46c: {  	s0 =	simm.s32 @!p0 $0x1  }
0x46d: {  	_ =	swait.ge @!p0 [sflag:s0], s1  }
0x46e: {  	s1 =	ssub.s32 @!p0 $0x0, s1;
	[sflag:s0] =	ssyncset.done @!p0 $0x0  }
0x46f: {  	[sflag:s0] =	ssyncadd.s32 @!p0 s1  }
0x470: {  	[bflag:$0x3] =	sbarrier.arrive $0xFFFF  }
0x471: {  	_ =	shalt  }

</sc_bundles>
